<compile_context>
chip_gen: v7x
topology: tpu7x:2x2x1
jax: 0.10.2.dev20260603
libtpu: 0.0.44.dev20260713+nightly
codegen_flags: <defaults>
</compile_context>

<pallas_src>
import functools

import jax
import jax.numpy as jnp
from jax import lax
from jax.experimental import pallas as pl
from jax.experimental.pallas import tpu as pltpu
from jax.experimental.pallas import tpu_sc as plsc

DIM = 32
B = 16384
L = 50

NC = 2
NS = 16
NW = NC * NS
E_W = B // NW
CHUNK_E = 32
N_CHUNK = E_W // CHUNK_E
ROWS_C = CHUNK_E * L


VOCAB = 1000000
CW = 512
K_W = 61
EXTRA_CID = K_W * NW
TAIL_SRC0 = VOCAB - 128
SKEW = 34
HDIM = DIM // 2


def _format_body(tabt_hbm, tail_hbm, flat_hbm, src_v, tail_v, dst_v, tmp_v,
                 lsem, osem):
    wid = lax.axis_index("s") * NC + lax.axis_index("c")
    d_lo = lax.iota(jnp.int32, 16)
    d_hi = d_lo + 16

    def col0_of(k):
        return pl.multiple_of((wid + k * NW) * CW, CW)

    def src_slice(slot):
        return src_v.at[pl.ds(pl.multiple_of(slot * DIM, DIM), DIM), :]

    def dst_slice(slot):
        return dst_v.at[pl.ds(pl.multiple_of(slot * (CW * HDIM), 8),
                              CW * HDIM)]

    def start_load(k, slot):
        pltpu.async_copy(tabt_hbm.at[:, pl.ds(col0_of(k), CW)],
                         src_slice(slot), lsem.at[slot])

    def wait_load(k, slot):
        pltpu.make_async_copy(tabt_hbm.at[:, pl.ds(col0_of(k), CW)],
                              src_slice(slot), lsem.at[slot]).wait()

    lane = lax.iota(jnp.int32, 16)
    sc_base = lane * SKEW

    def transpose_rows(src, d_base, dst_base, n16):
        G = 4

        def blk(r16, carry):
            c0 = r16 * 16
            prev = None
            for g0 in range(0, 16 + G, G):
                cur = None
                if g0 < 16:
                    cur = []
                    for d in range(g0, g0 + G):
                        a = src[d_base + d, pl.ds(c0, 16)]
                        b = src[d_base + d + 16, pl.ds(c0, 16)]
                        pw = plsc.bitcast(
                            plsc.pack(a, b,
                                      format=plsc.PackFormat.INTERLEAVED),
                            jnp.int32)
                        cur.append((d, pw))
                if prev is not None:
                    for d, pw in prev:
                        plsc.store_scatter(tmp_v, [sc_base + d], pw)
                prev = cur
            prevw = None
            for t0 in range(0, 16 + G, G):
                curw = None
                if t0 < 16:
                    curw = [(t, plsc.load_gather(tmp_v, [lane + t * SKEW]))
                            for t in range(t0, t0 + G)]
                if prevw is not None:
                    for t, w in prevw:
                        dst_v[pl.ds(dst_base + (c0 + t) * HDIM, 16)] = w
                prevw = curw
            return carry

        lax.fori_loop(0, n16, blk, 0)

    def start_out(k, slot):
        pltpu.async_copy(dst_slice(slot),
                         flat_hbm.at[pl.ds(col0_of(k) * HDIM, CW * HDIM)],
                         osem.at[slot])

    def wait_out(k, slot):
        pltpu.make_async_copy(dst_slice(slot),
                              flat_hbm.at[pl.ds(col0_of(k) * HDIM, CW * HDIM)],
                              osem.at[slot]).wait()

    start_load(0, 0)

    def body(k, carry):
        slot = k % 2
        wait_load(k, slot)

        @pl.when(k + 1 < K_W)
        def _():
            start_load(k + 1, (k + 1) % 2)

        @pl.when(k >= 2)
        def _():
            wait_out(k - 2, slot)

        transpose_rows(src_v, slot * DIM, slot * (CW * HDIM), CW // 16)
        start_out(k, slot)
        return carry

    lax.fori_loop(0, K_W, body, 0)
    wait_out(K_W - 2, (K_W - 2) % 2)
    wait_out(K_W - 1, (K_W - 1) % 2)

    @pl.when(wid == 16)
    def _():
        c0 = EXTRA_CID * CW
        pltpu.sync_copy(tabt_hbm.at[:, pl.ds(c0, CW)], src_slice(0))
        transpose_rows(src_v, 0, 0, CW // 16)
        pltpu.sync_copy(dst_slice(0),
                        flat_hbm.at[pl.ds(c0 * HDIM, CW * HDIM)])
        pltpu.sync_copy(tail_hbm, tail_v)
        transpose_rows(tail_v, 0, 0, 128 // 16)
        pltpu.sync_copy(dst_v.at[pl.ds(0, 128 * HDIM)],
                        flat_hbm.at[pl.ds(TAIL_SRC0 * HDIM, 128 * HDIM)])


_format = functools.partial(
    pl.kernel,
    mesh=plsc.VectorSubcoreMesh(core_axis_name="c", subcore_axis_name="s"),
    out_type=jax.ShapeDtypeStruct((VOCAB * HDIM,), jnp.int32),
    scratch_types=[
        pltpu.VMEM((2 * DIM, CW), jnp.float32),
        pltpu.VMEM((DIM, 128), jnp.float32),
        pltpu.VMEM((2 * CW * HDIM,), jnp.int32),
        pltpu.VMEM((16 * SKEW,), jnp.int32),
        pltpu.SemaphoreType.DMA((2,)),
        pltpu.SemaphoreType.DMA((2,)),
    ],
    compiler_params=pltpu.CompilerParams(use_tc_tiling_on_sc=True,
                                         needs_layout_passes=False),
)(_format_body)


def _pool_body(x_hbm, table_hbm, out_hbm, idx_v, rows_v, pooled_v, gsem):
    wid = lax.axis_index("s") * NC + lax.axis_index("c")
    ebase = wid * E_W

    def stage(c, slot):
        e0 = ebase + c * CHUNK_E
        ib = pl.multiple_of(slot * CHUNK_E, CHUNK_E)
        pltpu.sync_copy(x_hbm.at[pl.ds(e0, CHUNK_E), :],
                        idx_v.at[pl.ds(ib, CHUNK_E), :])
        for j in range(CHUNK_E):
            pltpu.async_copy(
                table_hbm.at[idx_v.at[ib + j]],
                rows_v.at[pl.ds(pl.multiple_of(slot * ROWS_C, 8) + j * L, L)],
                gsem.at[slot])

    def drain(slot):
        pltpu.make_async_copy(
            table_hbm.at[pl.ds(0, ROWS_C)],
            rows_v.at[pl.ds(pl.multiple_of(slot * ROWS_C, 8), ROWS_C)],
            gsem.at[slot]).wait()

    stage(0, 0)

    def chunk_body(c, carry):
        slot = c % 2
        e0 = ebase + c * CHUNK_E

        @pl.when(c + 1 < N_CHUNK)
        def _():
            stage(c + 1, (c + 1) % 2)

        drain(slot)
        rbase = slot * ROWS_C

        def elem_body(e, carry2):
            base = rbase + e * L
            acc0, acc1 = plsc.unpack(
                plsc.bitcast(rows_v[base, :], jnp.bfloat16),
                format=plsc.PackFormat.INTERLEAVED)
            for r in range(1, L):
                a, b = plsc.unpack(
                    plsc.bitcast(rows_v[base + r, :], jnp.bfloat16),
                    format=plsc.PackFormat.INTERLEAVED)
                acc0 = acc0 + a
                acc1 = acc1 + b
            pooled_v[e, pl.ds(0, 16)] = acc0 * (1.0 / L)
            pooled_v[e, pl.ds(16, 16)] = acc1 * (1.0 / L)
            return carry2

        lax.fori_loop(0, CHUNK_E, elem_body, 0)
        pltpu.sync_copy(pooled_v, out_hbm.at[pl.ds(e0, CHUNK_E)])
        return carry

    lax.fori_loop(0, N_CHUNK, chunk_body, 0)


_pool = functools.partial(
    pl.kernel,
    mesh=plsc.VectorSubcoreMesh(core_axis_name="c", subcore_axis_name="s"),
    out_type=jax.ShapeDtypeStruct((B, DIM), jnp.float32),
    scratch_types=[
        pltpu.VMEM((2 * CHUNK_E, L), jnp.int32),
        pltpu.VMEM((2 * ROWS_C, HDIM), jnp.int32),
        pltpu.VMEM((CHUNK_E, DIM), jnp.float32),
        pltpu.SemaphoreType.DMA((2,)),
    ],
    compiler_params=pltpu.CompilerParams(use_tc_tiling_on_sc=False,
                                         needs_layout_passes=False),
)(_pool_body)


def _tail_body(pooled_ref, w_ref, b_ref, gamma_ref, beta_ref, mean_ref,
               var_ref, out_ref):
    p = pooled_ref[...]
    h = jnp.dot(p, w_ref[...], preferred_element_type=jnp.float32) + b_ref[...]
    scale = gamma_ref[...] * lax.rsqrt(var_ref[...] + 1e-3)
    h = (h - mean_ref[...]) * scale + beta_ref[...]
    nrm = lax.rsqrt(jnp.maximum(jnp.sum(h * h, axis=1, keepdims=True), 1e-12))
    out_ref[...] = h * nrm


def _tail(pooled, w, b, gamma, beta, mean, var):
    blk = 2048
    vec = pl.BlockSpec((1, DIM), lambda i: (0, 0))
    return pl.pallas_call(
        _tail_body,
        grid=(B // blk,),
        in_specs=[
            pl.BlockSpec((blk, DIM), lambda i: (i, 0)),
            pl.BlockSpec((DIM, DIM), lambda i: (0, 0)),
            vec, vec, vec, vec, vec,
        ],
        out_specs=pl.BlockSpec((blk, DIM), lambda i: (i, 0)),
        out_shape=jax.ShapeDtypeStruct((B, DIM), jnp.float32),
    )(pooled, w, b, gamma, beta, mean, var)


def kernel(x, table, W, b, gamma, beta, moving_mean, moving_var):
    tabt = jnp.swapaxes(table, 0, 1)
    flat = _format(tabt, lax.slice(tabt, (0, TAIL_SRC0), (DIM, VOCAB)))
    pooled = _pool(x.astype(jnp.int32), flat.reshape(VOCAB, HDIM))
    r = lambda v: v.reshape(1, DIM)
    return _tail(pooled, W, r(b), r(gamma), r(beta), r(moving_mean),
                 r(moving_var))

# --- scband reference (transcript-rebuilt; emitter-appended) ---
"""Pipeline reference for scband-embedding-model-50354196578790 (READ-ONLY COPY).

The authoritative reference and input builder live on the scoring server;
editing this copy changes nothing except your own understanding.
"""

import jax, jax.numpy as jnp
import numpy as np

VOCAB = 1000000
DIM = 32
B = 16384
L = 50

def setup_inputs(seed: int = 0) -> dict:
    key = jax.random.key(seed)
    k1, k2, k3, k4, k5, k6 = jax.random.split(key, 6)
    x = jax.random.randint(k1, (B, L), 0, VOCAB, dtype=jnp.int64 if jax.config.jax_enable_x64 else jnp.int32)
    table = jax.random.normal(k2, (VOCAB, DIM), dtype=jnp.float32) * 0.05
    W = jax.random.normal(k3, (DIM, DIM), dtype=jnp.float32) * (1.0 / np.sqrt(DIM))
    b = jnp.zeros((DIM,), dtype=jnp.float32)
    gamma = jnp.ones((DIM,), dtype=jnp.float32)
    beta = jnp.zeros((DIM,), dtype=jnp.float32)
    moving_mean = jnp.zeros((DIM,), dtype=jnp.float32)
    moving_var = jnp.ones((DIM,), dtype=jnp.float32)
    return {"x": x, "table": table, "W": W, "b": b, "gamma": gamma, "beta": beta, "moving_mean": moving_mean, "moving_var": moving_var}

def reference(x, table, W, b, gamma, beta, moving_mean, moving_var):
    # Embedding lookup: [B, L] -> [B, L, DIM]
    emb = jnp.take(table, x, axis=0)
    # Reshape((-1, num_features)) is a no-op here shape-wise
    emb = emb.reshape(emb.shape[0], -1, emb.shape[-1])
    # GlobalAveragePooling1D over the sequence axis
    pooled = jnp.mean(emb, axis=1)
    # Dense(num_features)
    h = pooled @ W + b
    # BatchNormalization in inference mode (Keras default epsilon=1e-3)
    h = gamma * (h - moving_mean) / jnp.sqrt(moving_var + 1e-3) + beta
    # L2 normalize along last axis (tf.math.l2_normalize epsilon=1e-12)
    out = h / jnp.sqrt(jnp.maximum(jnp.sum(h * h, axis=-1, keepdims=True), 1e-12))
    return out

if __name__ == "__main__":
    import jax
    _d = setup_inputs()
    print(jax.jit(kernel)(*tuple(_d.values())))

</pallas_src>

<mosaic_0001>
#map = affine_map<(d0, d1) -> (0, 0)>
#map1 = affine_map<(d0, d1) -> (0)>
module attributes {stable_mosaic.version = 14 : i64} {
  func.func @_format_body(%arg0: i32, %arg1: i32, %arg2: memref<32x1000000xf32, #tpu.memory_space<hbm>>, %arg3: memref<32x128xf32, #tpu.memory_space<hbm>>, %arg4: memref<16000000xi32, #tpu.memory_space<hbm>>, %arg5: memref<64x512xf32, #tpu.memory_space<vmem>>, %arg6: memref<32x128xf32, #tpu.memory_space<vmem>>, %arg7: memref<16384xi32, #tpu.memory_space<vmem>>, %arg8: memref<544xi32, #tpu.memory_space<vmem>>, %arg9: memref<2x!tpu.dma_semaphore, #tpu.memory_space<semaphore_mem>>, %arg10: memref<2x!tpu.dma_semaphore, #tpu.memory_space<semaphore_mem>>) attributes {dimension_semantics = [#tpu.dimension_semantics<core_parallel>, #tpu.dimension_semantics<subcore_parallel>], iteration_bounds = array<i64: 2, 16>, scalar_prefetch = 0 : i64, scratch_operands = 6 : i64, tpu.core_type = #tpu.core_type<sc_vector_subcore>, window_params = [{transform_indices = #map}, {transform_indices = #map}, {transform_indices = #map1}]} {
    %mul3A = arith.constant 2 : i32
    %mul3A_0 = arith.muli %arg1, %mul3A : i32
    %add3A = arith.addi %mul3A_0, %arg0 : i32
    %iota3A = tpu.iota {dimensions = array<i32: 0>} : vector<16xi32>
    %add3A_1 = arith.constant 16 : i32
    %add3A_2 = vector.broadcast %add3A_1 : i32 to vector<16xi32>
    %add3A_3 = arith.addi %iota3A, %add3A_2 : vector<16xi32>
    %iota3A_4 = tpu.iota {dimensions = array<i32: 0>} : vector<16xi32>
    %mul3A_5 = arith.constant 34 : i32
    %mul3A_6 = vector.broadcast %mul3A_5 : i32 to vector<16xi32>
    %mul3A_7 = arith.muli %iota3A_4, %mul3A_6 : vector<16xi32>
    %add3A_8 = arith.constant 0 : i32
    %add3A_9 = arith.addi %add3A, %add3A_8 : i32
    %mul3A_10 = arith.constant 512 : i32
    %mul3A_11 = arith.muli %add3A_9, %mul3A_10 : i32
    %multiple_of3A = tpu.assume_multiple %mul3A_11, 512 : i32
    %multiple_of3A_12 = arith.constant 0 : i32
    %multiple_of3A_13 = tpu.assume_multiple %multiple_of3A_12, 32 : i32
    %dma_start3A = arith.constant 0 : i32
    %dma_start3A_14 = arith.constant 0 : i32
    %dma_start3A_15 = tpu.memref_slice %arg5[%multiple_of3A_13, %dma_start3A_14] : memref<64x512xf32, #tpu.memory_space<vmem>> -> memref<32x512xf32, #tpu.memory_space<vmem>>
    %dma_start3A_16 = arith.constant 0 : i32
    %dma_start3A_17 = tpu.memref_slice %arg2[%dma_start3A_16, %multiple_of3A] : memref<32x1000000xf32, #tpu.memory_space<hbm>> -> memref<32x512xf32, #tpu.memory_space<hbm>>
    %dma_start3A_18 = tpu.memref_slice %arg9[%dma_start3A] : memref<2x!tpu.dma_semaphore, #tpu.memory_space<semaphore_mem>> -> memref<1x!tpu.dma_semaphore, #tpu.memory_space<semaphore_mem>>
    %dma_start3A_19 = tpu.memref_squeeze %dma_start3A_18 : memref<1x!tpu.dma_semaphore, #tpu.memory_space<semaphore_mem>> -> memref<!tpu.dma_semaphore, #tpu.memory_space<semaphore_mem>>
    %dma_start3A_20 = arith.constant 0 : i32
    %dma_start3A_21 = tpu.memref_slice %arg5[%multiple_of3A_13, %dma_start3A_20] : memref<64x512xf32, #tpu.memory_space<vmem>> -> memref<32x512xf32, #tpu.memory_space<vmem>>
    %dma_start3A_22 = arith.constant 0 : i32
    %dma_start3A_23 = tpu.memref_slice %arg2[%dma_start3A_22, %multiple_of3A] : memref<32x1000000xf32, #tpu.memory_space<hbm>> -> memref<32x512xf32, #tpu.memory_space<hbm>>
    tpu.enqueue_dma source(%dma_start3A_23 : memref<32x512xf32, #tpu.memory_space<hbm>>) target(%dma_start3A_21 : memref<32x512xf32, #tpu.memory_space<vmem>>) target_semaphore(%dma_start3A_19 : memref<!tpu.dma_semaphore, #tpu.memory_space<semaphore_mem>>)
    %scan3A = arith.constant 0 : i32
    %scan3A_24 = arith.constant 0 : i32
    %scan3A_25 = arith.constant 61 : i32
    %scan3A_26 = arith.addi %scan3A_24, %scan3A_25 : i32
    %scan3A_27 = arith.constant 1 : i32
    scf.for %scan3A_62 = %scan3A_24 to %scan3A_26 step %scan3A_27  : i32 {
      %jit3A = arith.constant 2 : i32
      %eq3A_63 = arith.constant 0 : i32
      %eq3A_64 = arith.cmpi eq, %jit3A, %eq3A_63 : i32
      %jit3A_65 = arith.constant 1 : i32
      %select_n3A = arith.select %eq3A_64, %jit3A_65, %jit3A : i32
      %rem3A = arith.remsi %scan3A_62, %select_n3A : i32
      %ne3A = arith.constant 0 : i32
      %ne3A_66 = arith.cmpi ne, %rem3A, %ne3A : i32
      %lt3A = arith.constant 0 : i32
      %lt3A_67 = arith.cmpi slt, %rem3A, %lt3A : i32
      %lt3A_68 = arith.constant 0 : i32
      %lt3A_69 = arith.cmpi slt, %select_n3A, %lt3A_68 : i32
      %ne3A_70 = arith.xori %lt3A_67, %lt3A_69 : i1
      %and3A = arith.andi %ne3A_70, %ne3A_66 : i1
      %add3A_71 = arith.addi %rem3A, %select_n3A : i32
      %select_n3A_72 = arith.select %and3A, %add3A_71, %rem3A : i32
      %mul3A_73 = arith.constant 32 : i32
      %mul3A_74 = arith.muli %scan3A_62, %mul3A_73 : i32
      %add3A_75 = arith.addi %add3A, %mul3A_74 : i32
      %mul3A_76 = arith.constant 512 : i32
      %mul3A_77 = arith.muli %add3A_75, %mul3A_76 : i32
      %multiple_of3A_78 = tpu.assume_multiple %mul3A_77, 512 : i32
      %mul3A_79 = arith.constant 32 : i32
      %mul3A_80 = arith.muli %select_n3A_72, %mul3A_79 : i32
      %multiple_of3A_81 = tpu.assume_multiple %mul3A_80, 32 : i32
      %dma_wait3A_82 = arith.constant 0 : i32
      %dma_wait3A_83 = tpu.memref_slice %arg5[%multiple_of3A_81, %dma_wait3A_82] : memref<64x512xf32, #tpu.memory_space<vmem>> -> memref<32x512xf32, #tpu.memory_space<vmem>>
      %dma_wait3A_84 = arith.constant 0 : i32
      %dma_wait3A_85 = tpu.memref_slice %arg2[%dma_wait3A_84, %multiple_of3A_78] : memref<32x1000000xf32, #tpu.memory_space<hbm>> -> memref<32x512xf32, #tpu.memory_space<hbm>>
      %dma_wait3A_86 = tpu.memref_slice %arg9[%select_n3A_72] : memref<2x!tpu.dma_semaphore, #tpu.memory_space<semaphore_mem>> -> memref<1x!tpu.dma_semaphore, #tpu.memory_space<semaphore_mem>>
      %dma_wait3A_87 = tpu.memref_squeeze %dma_wait3A_86 : memref<1x!tpu.dma_semaphore, #tpu.memory_space<semaphore_mem>> -> memref<!tpu.dma_semaphore, #tpu.memory_space<semaphore_mem>>
      %dma_wait3A_88 = arith.constant 0 : i32
      %dma_wait3A_89 = tpu.memref_slice %arg5[%multiple_of3A_81, %dma_wait3A_88] : memref<64x512xf32, #tpu.memory_space<vmem>> -> memref<32x512xf32, #tpu.memory_space<vmem>>
      %dma_wait3A_90 = arith.constant 0 : i32
      %dma_wait3A_91 = tpu.memref_slice %arg2[%dma_wait3A_90, %multiple_of3A_78] : memref<32x1000000xf32, #tpu.memory_space<hbm>> -> memref<32x512xf32, #tpu.memory_space<hbm>>
      tpu.wait_dma2 semaphore(%dma_wait3A_87 : memref<!tpu.dma_semaphore, #tpu.memory_space<semaphore_mem>>) src(%dma_wait3A_91 : memref<32x512xf32, #tpu.memory_space<hbm>>) dst(%dma_wait3A_89 : memref<32x512xf32, #tpu.memory_space<vmem>>)
      %add3A_92 = arith.constant 1 : i32
      %add3A_93 = arith.addi %scan3A_62, %add3A_92 : i32
      %lt3A_94 = arith.constant 61 : i32
      %lt3A_95 = arith.cmpi slt, %add3A_93, %lt3A_94 : i32
      %convert_element_type3A_96 = arith.extui %lt3A_95 : i1 to i32
      %cond3A_97 = arith.constant 0 : i32
      %cond3A_98 = arith.cmpi ne, %convert_element_type3A_96, %cond3A_97 : i32
      scf.if %cond3A_98 {
        %add3A_130 = arith.constant 1 : i32
        %add3A_131 = arith.addi %scan3A_62, %add3A_130 : i32
        %add3A_132 = arith.constant 1 : i32
        %add3A_133 = arith.addi %scan3A_62, %add3A_132 : i32
        %jit3A_134 = arith.constant 2 : i32
        %eq3A_135 = arith.constant 0 : i32
        %eq3A_136 = arith.cmpi eq, %jit3A_134, %eq3A_135 : i32
        %jit3A_137 = arith.constant 1 : i32
        %select_n3A_138 = arith.select %eq3A_136, %jit3A_137, %jit3A_134 : i32
        %rem3A_139 = arith.remsi %add3A_133, %select_n3A_138 : i32
        %ne3A_140 = arith.constant 0 : i32
        %ne3A_141 = arith.cmpi ne, %rem3A_139, %ne3A_140 : i32
        %lt3A_142 = arith.constant 0 : i32
        %lt3A_143 = arith.cmpi slt, %rem3A_139, %lt3A_142 : i32
        %lt3A_144 = arith.constant 0 : i32
        %lt3A_145 = arith.cmpi slt, %select_n3A_138, %lt3A_144 : i32
        %ne3A_146 = arith.xori %lt3A_143, %lt3A_145 : i1
        %and3A_147 = arith.andi %ne3A_146, %ne3A_141 : i1
        %add3A_148 = arith.addi %rem3A_139, %select_n3A_138 : i32
        %select_n3A_149 = arith.select %and3A_147, %add3A_148, %rem3A_139 : i32
        %mul3A_150 = arith.constant 32 : i32
        %mul3A_151 = arith.muli %add3A_131, %mul3A_150 : i32
        %add3A_152 = arith.addi %add3A, %mul3A_151 : i32
        %mul3A_153 = arith.constant 512 : i32
        %mul3A_154 = arith.muli %add3A_152, %mul3A_153 : i32
        %multiple_of3A_155 = tpu.assume_multiple %mul3A_154, 512 : i32
        %mul3A_156 = arith.constant 32 : i32
        %mul3A_157 = arith.muli %select_n3A_149, %mul3A_156 : i32
        %multiple_of3A_158 = tpu.assume_multiple %mul3A_157, 32 : i32
        %dma_start3A_159 = arith.constant 0 : i32
        %dma_start3A_160 = tpu.memref_slice %arg5[%multiple_of3A_158, %dma_start3A_159] : memref<64x512xf32, #tpu.memory_space<vmem>> -> memref<32x512xf32, #tpu.memory_space<vmem>>
        %dma_start3A_161 = arith.constant 0 : i32
        %dma_start3A_162 = tpu.memref_slice %arg2[%dma_start3A_161, %multiple_of3A_155] : memref<32x1000000xf32, #tpu.memory_space<hbm>> -> memref<32x512xf32, #tpu.memory_space<hbm>>
        %dma_start3A_163 = tpu.memref_slice %arg9[%select_n3A_149] : memref<2x!tpu.dma_semaphore, #tpu.memory_space<semaphore_mem>> -> memref<1x!tpu.dma_semaphore, #tpu.memory_space<semaphore_mem>>
        %dma_start3A_164 = tpu.memref_squeeze %dma_start3A_163 : memref<1x!tpu.dma_semaphore, #tpu.memory_space<semaphore_mem>> -> memref<!tpu.dma_semaphore, #tpu.memory_space<semaphore_mem>>
        %dma_start3A_165 = arith.constant 0 : i32
        %dma_start3A_166 = tpu.memref_slice %arg5[%multiple_of3A_158, %dma_start3A_165] : memref<64x512xf32, #tpu.memory_space<vmem>> -> memref<32x512xf32, #tpu.memory_space<vmem>>
        %dma_start3A_167 = arith.constant 0 : i32
        %dma_start3A_168 = tpu.memref_slice %arg2[%dma_start3A_167, %multiple_of3A_155] : memref<32x1000000xf32, #tpu.memory_space<hbm>> -> memref<32x512xf32, #tpu.memory_space<hbm>>
        tpu.enqueue_dma source(%dma_start3A_168 : memref<32x512xf32, #tpu.memory_space<hbm>>) target(%dma_start3A_166 : memref<32x512xf32, #tpu.memory_space<vmem>>) target_semaphore(%dma_start3A_164 : memref<!tpu.dma_semaphore, #tpu.memory_space<semaphore_mem>>)
      } else {
      }
      %ge3A = arith.constant 2 : i32
      %ge3A_99 = arith.cmpi sge, %scan3A_62, %ge3A : i32
      %convert_element_type3A_100 = arith.extui %ge3A_99 : i1 to i32
      %cond3A_101 = arith.constant 0 : i32
      %cond3A_102 = arith.cmpi ne, %convert_element_type3A_100, %cond3A_101 : i32
      scf.if %cond3A_102 {
        %sub3A = arith.constant 2 : i32
        %sub3A_130 = arith.subi %scan3A_62, %sub3A : i32
        %mul3A_131 = arith.constant 8192 : i32
        %mul3A_132 = arith.muli %select_n3A_72, %mul3A_131 : i32
        %multiple_of3A_133 = tpu.assume_multiple %mul3A_132, 8 : i32
        %mul3A_134 = arith.constant 32 : i32
        %mul3A_135 = arith.muli %sub3A_130, %mul3A_134 : i32
        %add3A_136 = arith.addi %add3A, %mul3A_135 : i32
        %mul3A_137 = arith.constant 512 : i32
        %mul3A_138 = arith.muli %add3A_136, %mul3A_137 : i32
        %multiple_of3A_139 = tpu.assume_multiple %mul3A_138, 512 : i32
        %mul3A_140 = arith.constant 16 : i32
        %mul3A_141 = arith.muli %multiple_of3A_139, %mul3A_140 : i32
        %dma_wait3A_142 = tpu.memref_slice %arg7[%multiple_of3A_133] : memref<16384xi32, #tpu.memory_space<vmem>> -> memref<8192xi32, #tpu.memory_space<vmem>>
        %dma_wait3A_143 = tpu.memref_slice %arg4[%mul3A_141] : memref<16000000xi32, #tpu.memory_space<hbm>> -> memref<8192xi32, #tpu.memory_space<hbm>>
        %dma_wait3A_144 = tpu.memref_slice %arg10[%select_n3A_72] : memref<2x!tpu.dma_semaphore, #tpu.memory_space<semaphore_mem>> -> memref<1x!tpu.dma_semaphore, #tpu.memory_space<semaphore_mem>>
        %dma_wait3A_145 = tpu.memref_squeeze %dma_wait3A_144 : memref<1x!tpu.dma_semaphore, #tpu.memory_space<semaphore_mem>> -> memref<!tpu.dma_semaphore, #tpu.memory_space<semaphore_mem>>
        %dma_wait3A_146 = tpu.memref_slice %arg4[%mul3A_141] : memref<16000000xi32, #tpu.memory_space<hbm>> -> memref<8192xi32, #tpu.memory_space<hbm>>
        %dma_wait3A_147 = tpu.memref_slice %arg7[%multiple_of3A_133] : memref<16384xi32, #tpu.memory_space<vmem>> -> memref<8192xi32, #tpu.memory_space<vmem>>
        tpu.wait_dma2 semaphore(%dma_wait3A_145 : memref<!tpu.dma_semaphore, #tpu.memory_space<semaphore_mem>>) src(%dma_wait3A_147 : memref<8192xi32, #tpu.memory_space<vmem>>) dst(%dma_wait3A_146 : memref<8192xi32, #tpu.memory_space<hbm>>)
      } else {
      }
      %mul3A_103 = arith.constant 32 : i32
      %mul3A_104 = arith.muli %select_n3A_72, %mul3A_103 : i32
      %mul3A_105 = arith.constant 8192 : i32
      %mul3A_106 = arith.muli %select_n3A_72, %mul3A_105 : i32
      %scan3A_107 = arith.constant 0 : i32
      %scan3A_108 = arith.constant 0 : i32
      %scan3A_109 = arith.constant 32 : i32
      %scan3A_110 = arith.addi %scan3A_108, %scan3A_109 : i32
      %scan3A_111 = arith.constant 1 : i32
      scf.for %scan3A_130 = %scan3A_108 to %scan3A_110 step %scan3A_111  : i32 {
        %mul3A_131 = arith.constant 16 : i32
        %mul3A_132 = arith.muli %scan3A_130, %mul3A_131 : i32
        %add3A_133 = arith.constant 0 : i32
        %add3A_134 = arith.addi %mul3A_104, %add3A_133 : i32
        %get3A = arith.index_cast %add3A_134 : i32 to index
        %get3A_135 = arith.index_cast %mul3A_132 : i32 to index
        %get3A_136 = tpu.vector_load %arg5[%get3A, %get3A_135] {strides = array<i32>} : memref<64x512xf32, #tpu.memory_space<vmem>>, vector<16xf32>,
        %add3A_137 = arith.constant 0 : i32
        %add3A_138 = arith.addi %mul3A_104, %add3A_137 : i32
        %add3A_139 = arith.constant 16 : i32
        %add3A_140 = arith.addi %add3A_138, %add3A_139 : i32
        %get3A_141 = arith.index_cast %add3A_140 : i32 to index
        %get3A_142 = arith.index_cast %mul3A_132 : i32 to index
        %get3A_143 = tpu.vector_load %arg5[%get3A_141, %get3A_142] {strides = array<i32>} : memref<64x512xf32, #tpu.memory_space<vmem>>, vector<16xf32>,
        %pack3A = tpu.pack_subelements %get3A_136, %get3A_143 {pack_format = #tpu.pack_format<interleaved>, positions = array<i32: 0, 1>} : vector<16xf32>, vector<16xf32> -> vector<32xbf16>
        %bitcast3A = vector.bitcast %pack3A : vector<32xbf16> to vector<16xi32>
        %add3A_144 = arith.constant 1 : i32
        %add3A_145 = arith.addi %mul3A_104, %add3A_144 : i32
        %get3A_146 = arith.index_cast %add3A_145 : i32 to index
        %get3A_147 = arith.index_cast %mul3A_132 : i32 to index
        %get3A_148 = tpu.vector_load %arg5[%get3A_146, %get3A_147] {strides = array<i32>} : memref<64x512xf32, #tpu.memory_space<vmem>>, vector<16xf32>,
        %add3A_149 = arith.constant 1 : i32
        %add3A_150 = arith.addi %mul3A_104, %add3A_149 : i32
        %add3A_151 = arith.constant 16 : i32
        %add3A_152 = arith.addi %add3A_150, %add3A_151 : i32
        %get3A_153 = arith.index_cast %add3A_152 : i32 to index
        %get3A_154 = arith.index_cast %mul3A_132 : i32 to index
        %get3A_155 = tpu.vector_load %arg5[%get3A_153, %get3A_154] {strides = array<i32>} : memref<64x512xf32, #tpu.memory_space<vmem>>, vector<16xf32>,
        %pack3A_156 = tpu.pack_subelements %get3A_148, %get3A_155 {pack_format = #tpu.pack_format<interleaved>, positions = array<i32: 0, 1>} : vector<16xf32>, vector<16xf32> -> vector<32xbf16>
        %bitcast3A_157 = vector.bitcast %pack3A_156 : vector<32xbf16> to vector<16xi32>
        %add3A_158 = arith.constant 2 : i32
        %add3A_159 = arith.addi %mul3A_104, %add3A_158 : i32
        %get3A_160 = arith.index_cast %add3A_159 : i32 to index
        %get3A_161 = arith.index_cast %mul3A_132 : i32 to index
        %get3A_162 = tpu.vector_load %arg5[%get3A_160, %get3A_161] {strides = array<i32>} : memref<64x512xf32, #tpu.memory_space<vmem>>, vector<16xf32>,
        %add3A_163 = arith.constant 2 : i32
        %add3A_164 = arith.addi %mul3A_104, %add3A_163 : i32
        %add3A_165 = arith.constant 16 : i32
        %add3A_166 = arith.addi %add3A_164, %add3A_165 : i32
        %get3A_167 = arith.index_cast %add3A_166 : i32 to index
        %get3A_168 = arith.index_cast %mul3A_132 : i32 to index
        %get3A_169 = tpu.vector_load %arg5[%get3A_167, %get3A_168] {strides = array<i32>} : memref<64x512xf32, #tpu.memory_space<vmem>>, vector<16xf32>,
        %pack3A_170 = tpu.pack_subelements %get3A_162, %get3A_169 {pack_format = #tpu.pack_format<interleaved>, positions = array<i32: 0, 1>} : vector<16xf32>, vector<16xf32> -> vector<32xbf16>
        %bitcast3A_171 = vector.bitcast %pack3A_170 : vector<32xbf16> to vector<16xi32>
        %add3A_172 = arith.constant 3 : i32
        %add3A_173 = arith.addi %mul3A_104, %add3A_172 : i32
        %get3A_174 = arith.index_cast %add3A_173 : i32 to index
        %get3A_175 = arith.index_cast %mul3A_132 : i32 to index
        %get3A_176 = tpu.vector_load %arg5[%get3A_174, %get3A_175] {strides = array<i32>} : memref<64x512xf32, #tpu.memory_space<vmem>>, vector<16xf32>,
        %add3A_177 = arith.constant 3 : i32
        %add3A_178 = arith.addi %mul3A_104, %add3A_177 : i32
        %add3A_179 = arith.constant 16 : i32
        %add3A_180 = arith.addi %add3A_178, %add3A_179 : i32
        %get3A_181 = arith.index_cast %add3A_180 : i32 to index
        %get3A_182 = arith.index_cast %mul3A_132 : i32 to index
        %get3A_183 = tpu.vector_load %arg5[%get3A_181, %get3A_182] {strides = array<i32>} : memref<64x512xf32, #tpu.memory_space<vmem>>, vector<16xf32>,
        %pack3A_184 = tpu.pack_subelements %get3A_176, %get3A_183 {pack_format = #tpu.pack_format<interleaved>, positions = array<i32: 0, 1>} : vector<16xf32>, vector<16xf32> -> vector<32xbf16>
        %bitcast3A_185 = vector.bitcast %pack3A_184 : vector<32xbf16> to vector<16xi32>
        %add3A_186 = arith.constant 4 : i32
        %add3A_187 = arith.addi %mul3A_104, %add3A_186 : i32
        %get3A_188 = arith.index_cast %add3A_187 : i32 to index
        %get3A_189 = arith.index_cast %mul3A_132 : i32 to index
        %get3A_190 = tpu.vector_load %arg5[%get3A_188, %get3A_189] {strides = array<i32>} : memref<64x512xf32, #tpu.memory_space<vmem>>, vector<16xf32>,
        %add3A_191 = arith.constant 4 : i32
        %add3A_192 = arith.addi %mul3A_104, %add3A_191 : i32
        %add3A_193 = arith.constant 16 : i32
        %add3A_194 = arith.addi %add3A_192, %add3A_193 : i32
        %get3A_195 = arith.index_cast %add3A_194 : i32 to index
        %get3A_196 = arith.index_cast %mul3A_132 : i32 to index
        %get3A_197 = tpu.vector_load %arg5[%get3A_195, %get3A_196] {strides = array<i32>} : memref<64x512xf32, #tpu.memory_space<vmem>>, vector<16xf32>,
        %pack3A_198 = tpu.pack_subelements %get3A_190, %get3A_197 {pack_format = #tpu.pack_format<interleaved>, positions = array<i32: 0, 1>} : vector<16xf32>, vector<16xf32> -> vector<32xbf16>
        %bitcast3A_199 = vector.bitcast %pack3A_198 : vector<32xbf16> to vector<16xi32>
        %add3A_200 = arith.constant 5 : i32
        %add3A_201 = arith.addi %mul3A_104, %add3A_200 : i32
        %get3A_202 = arith.index_cast %add3A_201 : i32 to index
        %get3A_203 = arith.index_cast %mul3A_132 : i32 to index
        %get3A_204 = tpu.vector_load %arg5[%get3A_202, %get3A_203] {strides = array<i32>} : memref<64x512xf32, #tpu.memory_space<vmem>>, vector<16xf32>,
        %add3A_205 = arith.constant 5 : i32
        %add3A_206 = arith.addi %mul3A_104, %add3A_205 : i32
        %add3A_207 = arith.constant 16 : i32
        %add3A_208 = arith.addi %add3A_206, %add3A_207 : i32
        %get3A_209 = arith.index_cast %add3A_208 : i32 to index
        %get3A_210 = arith.index_cast %mul3A_132 : i32 to index
        %get3A_211 = tpu.vector_load %arg5[%get3A_209, %get3A_210] {strides = array<i32>} : memref<64x512xf32, #tpu.memory_space<vmem>>, vector<16xf32>,
        %pack3A_212 = tpu.pack_subelements %get3A_204, %get3A_211 {pack_format = #tpu.pack_format<interleaved>, positions = array<i32: 0, 1>} : vector<16xf32>, vector<16xf32> -> vector<32xbf16>
        %bitcast3A_213 = vector.bitcast %pack3A_212 : vector<32xbf16> to vector<16xi32>
        %add3A_214 = arith.constant 6 : i32
        %add3A_215 = arith.addi %mul3A_104, %add3A_214 : i32
        %get3A_216 = arith.index_cast %add3A_215 : i32 to index
        %get3A_217 = arith.index_cast %mul3A_132 : i32 to index
        %get3A_218 = tpu.vector_load %arg5[%get3A_216, %get3A_217] {strides = array<i32>} : memref<64x512xf32, #tpu.memory_space<vmem>>, vector<16xf32>,
        %add3A_219 = arith.constant 6 : i32
        %add3A_220 = arith.addi %mul3A_104, %add3A_219 : i32
        %add3A_221 = arith.constant 16 : i32
        %add3A_222 = arith.addi %add3A_220, %add3A_221 : i32
        %get3A_223 = arith.index_cast %add3A_222 : i32 to index
        %get3A_224 = arith.index_cast %mul3A_132 : i32 to index
        %get3A_225 = tpu.vector_load %arg5[%get3A_223, %get3A_224] {strides = array<i32>} : memref<64x512xf32, #tpu.memory_space<vmem>>, vector<16xf32>,
        %pack3A_226 = tpu.pack_subelements %get3A_218, %get3A_225 {pack_format = #tpu.pack_format<interleaved>, positions = array<i32: 0, 1>} : vector<16xf32>, vector<16xf32> -> vector<32xbf16>
        %bitcast3A_227 = vector.bitcast %pack3A_226 : vector<32xbf16> to vector<16xi32>
        %add3A_228 = arith.constant 7 : i32
        %add3A_229 = arith.addi %mul3A_104, %add3A_228 : i32
        %get3A_230 = arith.index_cast %add3A_229 : i32 to index
        %get3A_231 = arith.index_cast %mul3A_132 : i32 to index
        %get3A_232 = tpu.vector_load %arg5[%get3A_230, %get3A_231] {strides = array<i32>} : memref<64x512xf32, #tpu.memory_space<vmem>>, vector<16xf32>,
        %add3A_233 = arith.constant 7 : i32
        %add3A_234 = arith.addi %mul3A_104, %add3A_233 : i32
        %add3A_235 = arith.constant 16 : i32
        %add3A_236 = arith.addi %add3A_234, %add3A_235 : i32
        %get3A_237 = arith.index_cast %add3A_236 : i32 to index
        %get3A_238 = arith.index_cast %mul3A_132 : i32 to index
        %get3A_239 = tpu.vector_load %arg5[%get3A_237, %get3A_238] {strides = array<i32>} : memref<64x512xf32, #tpu.memory_space<vmem>>, vector<16xf32>,
        %pack3A_240 = tpu.pack_subelements %get3A_232, %get3A_239 {pack_format = #tpu.pack_format<interleaved>, positions = array<i32: 0, 1>} : vector<16xf32>, vector<16xf32> -> vector<32xbf16>
        %bitcast3A_241 = vector.bitcast %pack3A_240 : vector<32xbf16> to vector<16xi32>
        %add3A_242 = arith.constant 0 : i32
        %add3A_243 = vector.broadcast %add3A_242 : i32 to vector<16xi32>
        %add3A_244 = arith.addi %mul3A_7, %add3A_243 : vector<16xi32>
        tpu.vector_store_idx %arg8[%add3A_244], %bitcast3A : memref<544xi32, #tpu.memory_space<vmem>>[vector<16xi32>], vector<16xi32>,
        %add3A_245 = arith.constant 1 : i32
        %add3A_246 = vector.broadcast %add3A_245 : i32 to vector<16xi32>
        %add3A_247 = arith.addi %mul3A_7, %add3A_246 : vector<16xi32>
        tpu.vector_store_idx %arg8[%add3A_247], %bitcast3A_157 : memref<544xi32, #tpu.memory_space<vmem>>[vector<16xi32>], vector<16xi32>,
        %add3A_248 = arith.constant 2 : i32
        %add3A_249 = vector.broadcast %add3A_248 : i32 to vector<16xi32>
        %add3A_250 = arith.addi %mul3A_7, %add3A_249 : vector<16xi32>
        tpu.vector_store_idx %arg8[%add3A_250], %bitcast3A_171 : memref<544xi32, #tpu.memory_space<vmem>>[vector<16xi32>], vector<16xi32>,
        %add3A_251 = arith.constant 3 : i32
        %add3A_252 = vector.broadcast %add3A_251 : i32 to vector<16xi32>
        %add3A_253 = arith.addi %mul3A_7, %add3A_252 : vector<16xi32>
        tpu.vector_store_idx %arg8[%add3A_253], %bitcast3A_185 : memref<544xi32, #tpu.memory_space<vmem>>[vector<16xi32>], vector<16xi32>,
        %add3A_254 = arith.constant 8 : i32
        %add3A_255 = arith.addi %mul3A_104, %add3A_254 : i32
        %get3A_256 = arith.index_cast %add3A_255 : i32 to index
        %get3A_257 = arith.index_cast %mul3A_132 : i32 to index
        %get3A_258 = tpu.vector_load %arg5[%get3A_256, %get3A_257] {strides = array<i32>} : memref<64x512xf32, #tpu.memory_space<vmem>>, vector<16xf32>,
        %add3A_259 = arith.constant 8 : i32
        %add3A_260 = arith.addi %mul3A_104, %add3A_259 : i32
        %add3A_261 = arith.constant 16 : i32
        %add3A_262 = arith.addi %add3A_260, %add3A_261 : i32
        %get3A_263 = arith.index_cast %add3A_262 : i32 to index
        %get3A_264 = arith.index_cast %mul3A_132 : i32 to index
        %get3A_265 = tpu.vector_load %arg5[%get3A_263, %get3A_264] {strides = array<i32>} : memref<64x512xf32, #tpu.memory_space<vmem>>, vector<16xf32>,
        %pack3A_266 = tpu.pack_subelements %get3A_258, %get3A_265 {pack_format = #tpu.pack_format<interleaved>, positions = array<i32: 0, 1>} : vector<16xf32>, vector<16xf32> -> vector<32xbf16>
        %bitcast3A_267 = vector.bitcast %pack3A_266 : vector<32xbf16> to vector<16xi32>
        %add3A_268 = arith.constant 9 : i32
        %add3A_269 = arith.addi %mul3A_104, %add3A_268 : i32
        %get3A_270 = arith.index_cast %add3A_269 : i32 to index
        %get3A_271 = arith.index_cast %mul3A_132 : i32 to index
        %get3A_272 = tpu.vector_load %arg5[%get3A_270, %get3A_271] {strides = array<i32>} : memref<64x512xf32, #tpu.memory_space<vmem>>, vector<16xf32>,
        %add3A_273 = arith.constant 9 : i32
        %add3A_274 = arith.addi %mul3A_104, %add3A_273 : i32
        %add3A_275 = arith.constant 16 : i32
        %add3A_276 = arith.addi %add3A_274, %add3A_275 : i32
        %get3A_277 = arith.index_cast %add3A_276 : i32 to index
        %get3A_278 = arith.index_cast %mul3A_132 : i32 to index
        %get3A_279 = tpu.vector_load %arg5[%get3A_277, %get3A_278] {strides = array<i32>} : memref<64x512xf32, #tpu.memory_space<vmem>>, vector<16xf32>,
        %pack3A_280 = tpu.pack_subelements %get3A_272, %get3A_279 {pack_format = #tpu.pack_format<interleaved>, positions = array<i32: 0, 1>} : vector<16xf32>, vector<16xf32> -> vector<32xbf16>
        %bitcast3A_281 = vector.bitcast %pack3A_280 : vector<32xbf16> to vector<16xi32>
        %add3A_282 = arith.constant 10 : i32
        %add3A_283 = arith.addi %mul3A_104, %add3A_282 : i32
        %get3A_284 = arith.index_cast %add3A_283 : i32 to index
        %get3A_285 = arith.index_cast %mul3A_132 : i32 to index
        %get3A_286 = tpu.vector_load %arg5[%get3A_284, %get3A_285] {strides = array<i32>} : memref<64x512xf32, #tpu.memory_space<vmem>>, vector<16xf32>,
        %add3A_287 = arith.constant 10 : i32
        %add3A_288 = arith.addi %mul3A_104, %add3A_287 : i32
        %add3A_289 = arith.constant 16 : i32
        %add3A_290 = arith.addi %add3A_288, %add3A_289 : i32
        %get3A_291 = arith.index_cast %add3A_290 : i32 to index
        %get3A_292 = arith.index_cast %mul3A_132 : i32 to index
        %get3A_293 = tpu.vector_load %arg5[%get3A_291, %get3A_292] {strides = array<i32>} : memref<64x512xf32, #tpu.memory_space<vmem>>, vector<16xf32>,
        %pack3A_294 = tpu.pack_subelements %get3A_286, %get3A_293 {pack_format = #tpu.pack_format<interleaved>, positions = array<i32: 0, 1>} : vector<16xf32>, vector<16xf32> -> vector<32xbf16>
        %bitcast3A_295 = vector.bitcast %pack3A_294 : vector<32xbf16> to vector<16xi32>
        %add3A_296 = arith.constant 11 : i32
        %add3A_297 = arith.addi %mul3A_104, %add3A_296 : i32
        %get3A_298 = arith.index_cast %add3A_297 : i32 to index
        %get3A_299 = arith.index_cast %mul3A_132 : i32 to index
        %get3A_300 = tpu.vector_load %arg5[%get3A_298, %get3A_299] {strides = array<i32>} : memref<64x512xf32, #tpu.memory_space<vmem>>, vector<16xf32>,
        %add3A_301 = arith.constant 11 : i32
        %add3A_302 = arith.addi %mul3A_104, %add3A_301 : i32
        %add3A_303 = arith.constant 16 : i32
        %add3A_304 = arith.addi %add3A_302, %add3A_303 : i32
        %get3A_305 = arith.index_cast %add3A_304 : i32 to index
        %get3A_306 = arith.index_cast %mul3A_132 : i32 to index
        %get3A_307 = tpu.vector_load %arg5[%get3A_305, %get3A_306] {strides = array<i32>} : memref<64x512xf32, #tpu.memory_space<vmem>>, vector<16xf32>,
        %pack3A_308 = tpu.pack_subelements %get3A_300, %get3A_307 {pack_format = #tpu.pack_format<interleaved>, positions = array<i32: 0, 1>} : vector<16xf32>, vector<16xf32> -> vector<32xbf16>
        %bitcast3A_309 = vector.bitcast %pack3A_308 : vector<32xbf16> to vector<16xi32>
        %add3A_310 = arith.constant 4 : i32
        %add3A_311 = vector.broadcast %add3A_310 : i32 to vector<16xi32>
        %add3A_312 = arith.addi %mul3A_7, %add3A_311 : vector<16xi32>
        tpu.vector_store_idx %arg8[%add3A_312], %bitcast3A_199 : memref<544xi32, #tpu.memory_space<vmem>>[vector<16xi32>], vector<16xi32>,
        %add3A_313 = arith.constant 5 : i32
        %add3A_314 = vector.broadcast %add3A_313 : i32 to vector<16xi32>
        %add3A_315 = arith.addi %mul3A_7, %add3A_314 : vector<16xi32>
        tpu.vector_store_idx %arg8[%add3A_315], %bitcast3A_213 : memref<544xi32, #tpu.memory_space<vmem>>[vector<16xi32>], vector<16xi32>,
        %add3A_316 = arith.constant 6 : i32
        %add3A_317 = vector.broadcast %add3A_316 : i32 to vector<16xi32>
        %add3A_318 = arith.addi %mul3A_7, %add3A_317 : vector<16xi32>
        tpu.vector_store_idx %arg8[%add3A_318], %bitcast3A_227 : memref<544xi32, #tpu.memory_space<vmem>>[vector<16xi32>], vector<16xi32>,
        %add3A_319 = arith.constant 7 : i32
        %add3A_320 = vector.broadcast %add3A_319 : i32 to vector<16xi32>
        %add3A_321 = arith.addi %mul3A_7, %add3A_320 : vector<16xi32>
        tpu.vector_store_idx %arg8[%add3A_321], %bitcast3A_241 : memref<544xi32, #tpu.memory_space<vmem>>[vector<16xi32>], vector<16xi32>,
        %add3A_322 = arith.constant 12 : i32
        %add3A_323 = arith.addi %mul3A_104, %add3A_322 : i32
        %get3A_324 = arith.index_cast %add3A_323 : i32 to index
        %get3A_325 = arith.index_cast %mul3A_132 : i32 to index
        %get3A_326 = tpu.vector_load %arg5[%get3A_324, %get3A_325] {strides = array<i32>} : memref<64x512xf32, #tpu.memory_space<vmem>>, vector<16xf32>,
        %add3A_327 = arith.constant 12 : i32
        %add3A_328 = arith.addi %mul3A_104, %add3A_327 : i32
        %add3A_329 = arith.constant 16 : i32
        %add3A_330 = arith.addi %add3A_328, %add3A_329 : i32
        %get3A_331 = arith.index_cast %add3A_330 : i32 to index
        %get3A_332 = arith.index_cast %mul3A_132 : i32 to index
        %get3A_333 = tpu.vector_load %arg5[%get3A_331, %get3A_332] {strides = array<i32>} : memref<64x512xf32, #tpu.memory_space<vmem>>, vector<16xf32>,
        %pack3A_334 = tpu.pack_subelements %get3A_326, %get3A_333 {pack_format = #tpu.pack_format<interleaved>, positions = array<i32: 0, 1>} : vector<16xf32>, vector<16xf32> -> vector<32xbf16>
        %bitcast3A_335 = vector.bitcast %pack3A_334 : vector<32xbf16> to vector<16xi32>
        %add3A_336 = arith.constant 13 : i32
        %add3A_337 = arith.addi %mul3A_104, %add3A_336 : i32
        %get3A_338 = arith.index_cast %add3A_337 : i32 to index
        %get3A_339 = arith.index_cast %mul3A_132 : i32 to index
        %get3A_340 = tpu.vector_load %arg5[%get3A_338, %get3A_339] {strides = array<i32>} : memref<64x512xf32, #tpu.memory_space<vmem>>, vector<16xf32>,
        %add3A_341 = arith.constant 13 : i32
        %add3A_342 = arith.addi %mul3A_104, %add3A_341 : i32
        %add3A_343 = arith.constant 16 : i32
        %add3A_344 = arith.addi %add3A_342, %add3A_343 : i32
        %get3A_345 = arith.index_cast %add3A_344 : i32 to index
        %get3A_346 = arith.index_cast %mul3A_132 : i32 to index
        %get3A_347 = tpu.vector_load %arg5[%get3A_345, %get3A_346] {strides = array<i32>} : memref<64x512xf32, #tpu.memory_space<vmem>>, vector<16xf32>,
        %pack3A_348 = tpu.pack_subelements %get3A_340, %get3A_347 {pack_format = #tpu.pack_format<interleaved>, positions = array<i32: 0, 1>} : vector<16xf32>, vector<16xf32> -> vector<32xbf16>
        %bitcast3A_349 = vector.bitcast %pack3A_348 : vector<32xbf16> to vector<16xi32>
        %add3A_350 = arith.constant 14 : i32
        %add3A_351 = arith.addi %mul3A_104, %add3A_350 : i32
        %get3A_352 = arith.index_cast %add3A_351 : i32 to index
        %get3A_353 = arith.index_cast %mul3A_132 : i32 to index
        %get3A_354 = tpu.vector_load %arg5[%get3A_352, %get3A_353] {strides = array<i32>} : memref<64x512xf32, #tpu.memory_space<vmem>>, vector<16xf32>,
        %add3A_355 = arith.constant 14 : i32
        %add3A_356 = arith.addi %mul3A_104, %add3A_355 : i32
        %add3A_357 = arith.constant 16 : i32
        %add3A_358 = arith.addi %add3A_356, %add3A_357 : i32
        %get3A_359 = arith.index_cast %add3A_358 : i32 to index
        %get3A_360 = arith.index_cast %mul3A_132 : i32 to index
        %get3A_361 = tpu.vector_load %arg5[%get3A_359, %get3A_360] {strides = array<i32>} : memref<64x512xf32, #tpu.memory_space<vmem>>, vector<16xf32>,
        %pack3A_362 = tpu.pack_subelements %get3A_354, %get3A_361 {pack_format = #tpu.pack_format<interleaved>, positions = array<i32: 0, 1>} : vector<16xf32>, vector<16xf32> -> vector<32xbf16>
        %bitcast3A_363 = vector.bitcast %pack3A_362 : vector<32xbf16> to vector<16xi32>
        %add3A_364 = arith.constant 15 : i32
        %add3A_365 = arith.addi %mul3A_104, %add3A_364 : i32
        %get3A_366 = arith.index_cast %add3A_365 : i32 to index
        %get3A_367 = arith.index_cast %mul3A_132 : i32 to index
        %get3A_368 = tpu.vector_load %arg5[%get3A_366, %get3A_367] {strides = array<i32>} : memref<64x512xf32, #tpu.memory_space<vmem>>, vector<16xf32>,
        %add3A_369 = arith.constant 15 : i32
        %add3A_370 = arith.addi %mul3A_104, %add3A_369 : i32
        %add3A_371 = arith.constant 16 : i32
        %add3A_372 = arith.addi %add3A_370, %add3A_371 : i32
        %get3A_373 = arith.index_cast %add3A_372 : i32 to index
        %get3A_374 = arith.index_cast %mul3A_132 : i32 to index
        %get3A_375 = tpu.vector_load %arg5[%get3A_373, %get3A_374] {strides = array<i32>} : memref<64x512xf32, #tpu.memory_space<vmem>>, vector<16xf32>,
        %pack3A_376 = tpu.pack_subelements %get3A_368, %get3A_375 {pack_format = #tpu.pack_format<interleaved>, positions = array<i32: 0, 1>} : vector<16xf32>, vector<16xf32> -> vector<32xbf16>
        %bitcast3A_377 = vector.bitcast %pack3A_376 : vector<32xbf16> to vector<16xi32>
        %add3A_378 = arith.constant 8 : i32
        %add3A_379 = vector.broadcast %add3A_378 : i32 to vector<16xi32>
        %add3A_380 = arith.addi %mul3A_7, %add3A_379 : vector<16xi32>
        tpu.vector_store_idx %arg8[%add3A_380], %bitcast3A_267 : memref<544xi32, #tpu.memory_space<vmem>>[vector<16xi32>], vector<16xi32>,
        %add3A_381 = arith.constant 9 : i32
        %add3A_382 = vector.broadcast %add3A_381 : i32 to vector<16xi32>
        %add3A_383 = arith.addi %mul3A_7, %add3A_382 : vector<16xi32>
        tpu.vector_store_idx %arg8[%add3A_383], %bitcast3A_281 : memref<544xi32, #tpu.memory_space<vmem>>[vector<16xi32>], vector<16xi32>,
        %add3A_384 = arith.constant 10 : i32
        %add3A_385 = vector.broadcast %add3A_384 : i32 to vector<16xi32>
        %add3A_386 = arith.addi %mul3A_7, %add3A_385 : vector<16xi32>
        tpu.vector_store_idx %arg8[%add3A_386], %bitcast3A_295 : memref<544xi32, #tpu.memory_space<vmem>>[vector<16xi32>], vector<16xi32>,
        %add3A_387 = arith.constant 11 : i32
        %add3A_388 = vector.broadcast %add3A_387 : i32 to vector<16xi32>
        %add3A_389 = arith.addi %mul3A_7, %add3A_388 : vector<16xi32>
        tpu.vector_store_idx %arg8[%add3A_389], %bitcast3A_309 : memref<544xi32, #tpu.memory_space<vmem>>[vector<16xi32>], vector<16xi32>,
        %add3A_390 = arith.constant 12 : i32
        %add3A_391 = vector.broadcast %add3A_390 : i32 to vector<16xi32>
        %add3A_392 = arith.addi %mul3A_7, %add3A_391 : vector<16xi32>
        tpu.vector_store_idx %arg8[%add3A_392], %bitcast3A_335 : memref<544xi32, #tpu.memory_space<vmem>>[vector<16xi32>], vector<16xi32>,
        %add3A_393 = arith.constant 13 : i32
        %add3A_394 = vector.broadcast %add3A_393 : i32 to vector<16xi32>
        %add3A_395 = arith.addi %mul3A_7, %add3A_394 : vector<16xi32>
        tpu.vector_store_idx %arg8[%add3A_395], %bitcast3A_349 : memref<544xi32, #tpu.memory_space<vmem>>[vector<16xi32>], vector<16xi32>,
        %add3A_396 = arith.constant 14 : i32
        %add3A_397 = vector.broadcast %add3A_396 : i32 to vector<16xi32>
        %add3A_398 = arith.addi %mul3A_7, %add3A_397 : vector<16xi32>
        tpu.vector_store_idx %arg8[%add3A_398], %bitcast3A_363 : memref<544xi32, #tpu.memory_space<vmem>>[vector<16xi32>], vector<16xi32>,
        %add3A_399 = arith.constant 15 : i32
        %add3A_400 = vector.broadcast %add3A_399 : i32 to vector<16xi32>
        %add3A_401 = arith.addi %mul3A_7, %add3A_400 : vector<16xi32>
        tpu.vector_store_idx %arg8[%add3A_401], %bitcast3A_377 : memref<544xi32, #tpu.memory_space<vmem>>[vector<16xi32>], vector<16xi32>,
        %add3A_402 = arith.constant 0 : i32
        %add3A_403 = vector.broadcast %add3A_402 : i32 to vector<16xi32>
        %add3A_404 = arith.addi %iota3A_4, %add3A_403 : vector<16xi32>
        %gather3A = tpu.vector_load_idx %arg8[%add3A_404] : memref<544xi32, #tpu.memory_space<vmem>>[vector<16xi32>], vector<16xi32>,
        %add3A_405 = arith.constant 34 : i32
        %add3A_406 = vector.broadcast %add3A_405 : i32 to vector<16xi32>
        %add3A_407 = arith.addi %iota3A_4, %add3A_406 : vector<16xi32>
        %gather3A_408 = tpu.vector_load_idx %arg8[%add3A_407] : memref<544xi32, #tpu.memory_space<vmem>>[vector<16xi32>], vector<16xi32>,
        %add3A_409 = arith.constant 68 : i32
        %add3A_410 = vector.broadcast %add3A_409 : i32 to vector<16xi32>
        %add3A_411 = arith.addi %iota3A_4, %add3A_410 : vector<16xi32>
        %gather3A_412 = tpu.vector_load_idx %arg8[%add3A_411] : memref<544xi32, #tpu.memory_space<vmem>>[vector<16xi32>], vector<16xi32>,
        %add3A_413 = arith.constant 102 : i32
        %add3A_414 = vector.broadcast %add3A_413 : i32 to vector<16xi32>
        %add3A_415 = arith.addi %iota3A_4, %add3A_414 : vector<16xi32>
        %gather3A_416 = tpu.vector_load_idx %arg8[%add3A_415] : memref<544xi32, #tpu.memory_space<vmem>>[vector<16xi32>], vector<16xi32>,
        %add3A_417 = arith.constant 136 : i32
        %add3A_418 = vector.broadcast %add3A_417 : i32 to vector<16xi32>
        %add3A_419 = arith.addi %iota3A_4, %add3A_418 : vector<16xi32>
        %gather3A_420 = tpu.vector_load_idx %arg8[%add3A_419] : memref<544xi32, #tpu.memory_space<vmem>>[vector<16xi32>], vector<16xi32>,
        %add3A_421 = arith.constant 170 : i32
        %add3A_422 = vector.broadcast %add3A_421 : i32 to vector<16xi32>
        %add3A_423 = arith.addi %iota3A_4, %add3A_422 : vector<16xi32>
        %gather3A_424 = tpu.vector_load_idx %arg8[%add3A_423] : memref<544xi32, #tpu.memory_space<vmem>>[vector<16xi32>], vector<16xi32>,
        %add3A_425 = arith.constant 204 : i32
        %add3A_426 = vector.broadcast %add3A_425 : i32 to vector<16xi32>
        %add3A_427 = arith.addi %iota3A_4, %add3A_426 : vector<16xi32>
        %gather3A_428 = tpu.vector_load_idx %arg8[%add3A_427] : memref<544xi32, #tpu.memory_space<vmem>>[vector<16xi32>], vector<16xi32>,
        %add3A_429 = arith.constant 238 : i32
        %add3A_430 = vector.broadcast %add3A_429 : i32 to vector<16xi32>
        %add3A_431 = arith.addi %iota3A_4, %add3A_430 : vector<16xi32>
        %gather3A_432 = tpu.vector_load_idx %arg8[%add3A_431] : memref<544xi32, #tpu.memory_space<vmem>>[vector<16xi32>], vector<16xi32>,
        %add3A_433 = arith.constant 0 : i32
        %add3A_434 = arith.addi %mul3A_132, %add3A_433 : i32
        %mul3A_435 = arith.constant 16 : i32
        %mul3A_436 = arith.muli %add3A_434, %mul3A_435 : i32
        %add3A_437 = arith.addi %mul3A_106, %mul3A_436 : i32
        %swap3A = arith.index_cast %add3A_437 : i32 to index
        %swap3A_438 = tpu.vector_load %arg7[%swap3A] {strides = array<i32>} : memref<16384xi32, #tpu.memory_space<vmem>>, vector<16xi32>,
        tpu.vector_store %arg7[%swap3A], %gather3A {strides = array<i32>} : memref<16384xi32, #tpu.memory_space<vmem>>, vector<16xi32>,
        %add3A_439 = arith.constant 1 : i32
        %add3A_440 = arith.addi %mul3A_132, %add3A_439 : i32
        %mul3A_441 = arith.constant 16 : i32
        %mul3A_442 = arith.muli %add3A_440, %mul3A_441 : i32
        %add3A_443 = arith.addi %mul3A_106, %mul3A_442 : i32
        %swap3A_444 = arith.index_cast %add3A_443 : i32 to index
        %swap3A_445 = tpu.vector_load %arg7[%swap3A_444] {strides = array<i32>} : memref<16384xi32, #tpu.memory_space<vmem>>, vector<16xi32>,
        tpu.vector_store %arg7[%swap3A_444], %gather3A_408 {strides = array<i32>} : memref<16384xi32, #tpu.memory_space<vmem>>, vector<16xi32>,
        %add3A_446 = arith.constant 2 : i32
        %add3A_447 = arith.addi %mul3A_132, %add3A_446 : i32
        %mul3A_448 = arith.constant 16 : i32
        %mul3A_449 = arith.muli %add3A_447, %mul3A_448 : i32
        %add3A_450 = arith.addi %mul3A_106, %mul3A_449 : i32
        %swap3A_451 = arith.index_cast %add3A_450 : i32 to index
        %swap3A_452 = tpu.vector_load %arg7[%swap3A_451] {strides = array<i32>} : memref<16384xi32, #tpu.memory_space<vmem>>, vector<16xi32>,
        tpu.vector_store %arg7[%swap3A_451], %gather3A_412 {strides = array<i32>} : memref<16384xi32, #tpu.memory_space<vmem>>, vector<16xi32>,
        %add3A_453 = arith.constant 3 : i32
        %add3A_454 = arith.addi %mul3A_132, %add3A_453 : i32
        %mul3A_455 = arith.constant 16 : i32
        %mul3A_456 = arith.muli %add3A_454, %mul3A_455 : i32
        %add3A_457 = arith.addi %mul3A_106, %mul3A_456 : i32
        %swap3A_458 = arith.index_cast %add3A_457 : i32 to index
        %swap3A_459 = tpu.vector_load %arg7[%swap3A_458] {strides = array<i32>} : memref<16384xi32, #tpu.memory_space<vmem>>, vector<16xi32>,
        tpu.vector_store %arg7[%swap3A_458], %gather3A_416 {strides = array<i32>} : memref<16384xi32, #tpu.memory_space<vmem>>, vector<16xi32>,
        %add3A_460 = arith.constant 272 : i32
        %add3A_461 = vector.broadcast %add3A_460 : i32 to vector<16xi32>
        %add3A_462 = arith.addi %iota3A_4, %add3A_461 : vector<16xi32>
        %gather3A_463 = tpu.vector_load_idx %arg8[%add3A_462] : memref<544xi32, #tpu.memory_space<vmem>>[vector<16xi32>], vector<16xi32>,
        %add3A_464 = arith.constant 306 : i32
        %add3A_465 = vector.broadcast %add3A_464 : i32 to vector<16xi32>
        %add3A_466 = arith.addi %iota3A_4, %add3A_465 : vector<16xi32>
        %gather3A_467 = tpu.vector_load_idx %arg8[%add3A_466] : memref<544xi32, #tpu.memory_space<vmem>>[vector<16xi32>], vector<16xi32>,
        %add3A_468 = arith.constant 340 : i32
        %add3A_469 = vector.broadcast %add3A_468 : i32 to vector<16xi32>
        %add3A_470 = arith.addi %iota3A_4, %add3A_469 : vector<16xi32>
        %gather3A_471 = tpu.vector_load_idx %arg8[%add3A_470] : memref<544xi32, #tpu.memory_space<vmem>>[vector<16xi32>], vector<16xi32>,
        %add3A_472 = arith.constant 374 : i32
        %add3A_473 = vector.broadcast %add3A_472 : i32 to vector<16xi32>
        %add3A_474 = arith.addi %iota3A_4, %add3A_473 : vector<16xi32>
        %gather3A_475 = tpu.vector_load_idx %arg8[%add3A_474] : memref<544xi32, #tpu.memory_space<vmem>>[vector<16xi32>], vector<16xi32>,
        %add3A_476 = arith.constant 4 : i32
        %add3A_477 = arith.addi %mul3A_132, %add3A_476 : i32
        %mul3A_478 = arith.constant 16 : i32
        %mul3A_479 = arith.muli %add3A_477, %mul3A_478 : i32
        %add3A_480 = arith.addi %mul3A_106, %mul3A_479 : i32
        %swap3A_481 = arith.index_cast %add3A_480 : i32 to index
        %swap3A_482 = tpu.vector_load %arg7[%swap3A_481] {strides = array<i32>} : memref<16384xi32, #tpu.memory_space<vmem>>, vector<16xi32>,
        tpu.vector_store %arg7[%swap3A_481], %gather3A_420 {strides = array<i32>} : memref<16384xi32, #tpu.memory_space<vmem>>, vector<16xi32>,
        %add3A_483 = arith.constant 5 : i32
        %add3A_484 = arith.addi %mul3A_132, %add3A_483 : i32
        %mul3A_485 = arith.constant 16 : i32
        %mul3A_486 = arith.muli %add3A_484, %mul3A_485 : i32
        %add3A_487 = arith.addi %mul3A_106, %mul3A_486 : i32
        %swap3A_488 = arith.index_cast %add3A_487 : i32 to index
        %swap3A_489 = tpu.vector_load %arg7[%swap3A_488] {strides = array<i32>} : memref<16384xi32, #tpu.memory_space<vmem>>, vector<16xi32>,
        tpu.vector_store %arg7[%swap3A_488], %gather3A_424 {strides = array<i32>} : memref<16384xi32, #tpu.memory_space<vmem>>, vector<16xi32>,
        %add3A_490 = arith.constant 6 : i32
        %add3A_491 = arith.addi %mul3A_132, %add3A_490 : i32
        %mul3A_492 = arith.constant 16 : i32
        %mul3A_493 = arith.muli %add3A_491, %mul3A_492 : i32
        %add3A_494 = arith.addi %mul3A_106, %mul3A_493 : i32
        %swap3A_495 = arith.index_cast %add3A_494 : i32 to index
        %swap3A_496 = tpu.vector_load %arg7[%swap3A_495] {strides = array<i32>} : memref<16384xi32, #tpu.memory_space<vmem>>, vector<16xi32>,
        tpu.vector_store %arg7[%swap3A_495], %gather3A_428 {strides = array<i32>} : memref<16384xi32, #tpu.memory_space<vmem>>, vector<16xi32>,
        %add3A_497 = arith.constant 7 : i32
        %add3A_498 = arith.addi %mul3A_132, %add3A_497 : i32
        %mul3A_499 = arith.constant 16 : i32
        %mul3A_500 = arith.muli %add3A_498, %mul3A_499 : i32
        %add3A_501 = arith.addi %mul3A_106, %mul3A_500 : i32
        %swap3A_502 = arith.index_cast %add3A_501 : i32 to index
        %swap3A_503 = tpu.vector_load %arg7[%swap3A_502] {strides = array<i32>} : memref<16384xi32, #tpu.memory_space<vmem>>, vector<16xi32>,
        tpu.vector_store %arg7[%swap3A_502], %gather3A_432 {strides = array<i32>} : memref<16384xi32, #tpu.memory_space<vmem>>, vector<16xi32>,
        %add3A_504 = arith.constant 408 : i32
        %add3A_505 = vector.broadcast %add3A_504 : i32 to vector<16xi32>
        %add3A_506 = arith.addi %iota3A_4, %add3A_505 : vector<16xi32>
        %gather3A_507 = tpu.vector_load_idx %arg8[%add3A_506] : memref<544xi32, #tpu.memory_space<vmem>>[vector<16xi32>], vector<16xi32>,
        %add3A_508 = arith.constant 442 : i32
        %add3A_509 = vector.broadcast %add3A_508 : i32 to vector<16xi32>
        %add3A_510 = arith.addi %iota3A_4, %add3A_509 : vector<16xi32>
        %gather3A_511 = tpu.vector_load_idx %arg8[%add3A_510] : memref<544xi32, #tpu.memory_space<vmem>>[vector<16xi32>], vector<16xi32>,
        %add3A_512 = arith.constant 476 : i32
        %add3A_513 = vector.broadcast %add3A_512 : i32 to vector<16xi32>
        %add3A_514 = arith.addi %iota3A_4, %add3A_513 : vector<16xi32>
        %gather3A_515 = tpu.vector_load_idx %arg8[%add3A_514] : memref<544xi32, #tpu.memory_space<vmem>>[vector<16xi32>], vector<16xi32>,
        %add3A_516 = arith.constant 510 : i32
        %add3A_517 = vector.broadcast %add3A_516 : i32 to vector<16xi32>
        %add3A_518 = arith.addi %iota3A_4, %add3A_517 : vector<16xi32>
        %gather3A_519 = tpu.vector_load_idx %arg8[%add3A_518] : memref<544xi32, #tpu.memory_space<vmem>>[vector<16xi32>], vector<16xi32>,
        %add3A_520 = arith.constant 8 : i32
        %add3A_521 = arith.addi %mul3A_132, %add3A_520 : i32
        %mul3A_522 = arith.constant 16 : i32
        %mul3A_523 = arith.muli %add3A_521, %mul3A_522 : i32
        %add3A_524 = arith.addi %mul3A_106, %mul3A_523 : i32
        %swap3A_525 = arith.index_cast %add3A_524 : i32 to index
        %swap3A_526 = tpu.vector_load %arg7[%swap3A_525] {strides = array<i32>} : memref<16384xi32, #tpu.memory_space<vmem>>, vector<16xi32>,
        tpu.vector_store %arg7[%swap3A_525], %gather3A_463 {strides = array<i32>} : memref<16384xi32, #tpu.memory_space<vmem>>, vector<16xi32>,
        %add3A_527 = arith.constant 9 : i32
        %add3A_528 = arith.addi %mul3A_132, %add3A_527 : i32
        %mul3A_529 = arith.constant 16 : i32
        %mul3A_530 = arith.muli %add3A_528, %mul3A_529 : i32
        %add3A_531 = arith.addi %mul3A_106, %mul3A_530 : i32
        %swap3A_532 = arith.index_cast %add3A_531 : i32 to index
        %swap3A_533 = tpu.vector_load %arg7[%swap3A_532] {strides = array<i32>} : memref<16384xi32, #tpu.memory_space<vmem>>, vector<16xi32>,
        tpu.vector_store %arg7[%swap3A_532], %gather3A_467 {strides = array<i32>} : memref<16384xi32, #tpu.memory_space<vmem>>, vector<16xi32>,
        %add3A_534 = arith.constant 10 : i32
        %add3A_535 = arith.addi %mul3A_132, %add3A_534 : i32
        %mul3A_536 = arith.constant 16 : i32
        %mul3A_537 = arith.muli %add3A_535, %mul3A_536 : i32
        %add3A_538 = arith.addi %mul3A_106, %mul3A_537 : i32
        %swap3A_539 = arith.index_cast %add3A_538 : i32 to index
        %swap3A_540 = tpu.vector_load %arg7[%swap3A_539] {strides = array<i32>} : memref<16384xi32, #tpu.memory_space<vmem>>, vector<16xi32>,
        tpu.vector_store %arg7[%swap3A_539], %gather3A_471 {strides = array<i32>} : memref<16384xi32, #tpu.memory_space<vmem>>, vector<16xi32>,
        %add3A_541 = arith.constant 11 : i32
        %add3A_542 = arith.addi %mul3A_132, %add3A_541 : i32
        %mul3A_543 = arith.constant 16 : i32
        %mul3A_544 = arith.muli %add3A_542, %mul3A_543 : i32
        %add3A_545 = arith.addi %mul3A_106, %mul3A_544 : i32
        %swap3A_546 = arith.index_cast %add3A_545 : i32 to index
        %swap3A_547 = tpu.vector_load %arg7[%swap3A_546] {strides = array<i32>} : memref<16384xi32, #tpu.memory_space<vmem>>, vector<16xi32>,
        tpu.vector_store %arg7[%swap3A_546], %gather3A_475 {strides = array<i32>} : memref<16384xi32, #tpu.memory_space<vmem>>, vector<16xi32>,
        %add3A_548 = arith.constant 12 : i32
        %add3A_549 = arith.addi %mul3A_132, %add3A_548 : i32
        %mul3A_550 = arith.constant 16 : i32
        %mul3A_551 = arith.muli %add3A_549, %mul3A_550 : i32
        %add3A_552 = arith.addi %mul3A_106, %mul3A_551 : i32
        %swap3A_553 = arith.index_cast %add3A_552 : i32 to index
        %swap3A_554 = tpu.vector_load %arg7[%swap3A_553] {strides = array<i32>} : memref<16384xi32, #tpu.memory_space<vmem>>, vector<16xi32>,
        tpu.vector_store %arg7[%swap3A_553], %gather3A_507 {strides = array<i32>} : memref<16384xi32, #tpu.memory_space<vmem>>, vector<16xi32>,
        %add3A_555 = arith.constant 13 : i32
        %add3A_556 = arith.addi %mul3A_132, %add3A_555 : i32
        %mul3A_557 = arith.constant 16 : i32
        %mul3A_558 = arith.muli %add3A_556, %mul3A_557 : i32
        %add3A_559 = arith.addi %mul3A_106, %mul3A_558 : i32
        %swap3A_560 = arith.index_cast %add3A_559 : i32 to index
        %swap3A_561 = tpu.vector_load %arg7[%swap3A_560] {strides = array<i32>} : memref<16384xi32, #tpu.memory_space<vmem>>, vector<16xi32>,
        tpu.vector_store %arg7[%swap3A_560], %gather3A_511 {strides = array<i32>} : memref<16384xi32, #tpu.memory_space<vmem>>, vector<16xi32>,
        %add3A_562 = arith.constant 14 : i32
        %add3A_563 = arith.addi %mul3A_132, %add3A_562 : i32
        %mul3A_564 = arith.constant 16 : i32
        %mul3A_565 = arith.muli %add3A_563, %mul3A_564 : i32
        %add3A_566 = arith.addi %mul3A_106, %mul3A_565 : i32
        %swap3A_567 = arith.index_cast %add3A_566 : i32 to index
        %swap3A_568 = tpu.vector_load %arg7[%swap3A_567] {strides = array<i32>} : memref<16384xi32, #tpu.memory_space<vmem>>, vector<16xi32>,
        tpu.vector_store %arg7[%swap3A_567], %gather3A_515 {strides = array<i32>} : memref<16384xi32, #tpu.memory_space<vmem>>, vector<16xi32>,
        %add3A_569 = arith.constant 15 : i32
        %add3A_570 = arith.addi %mul3A_132, %add3A_569 : i32
        %mul3A_571 = arith.constant 16 : i32
        %mul3A_572 = arith.muli %add3A_570, %mul3A_571 : i32
        %add3A_573 = arith.addi %mul3A_106, %mul3A_572 : i32
        %swap3A_574 = arith.index_cast %add3A_573 : i32 to index
        %swap3A_575 = tpu.vector_load %arg7[%swap3A_574] {strides = array<i32>} : memref<16384xi32, #tpu.memory_space<vmem>>, vector<16xi32>,
        tpu.vector_store %arg7[%swap3A_574], %gather3A_519 {strides = array<i32>} : memref<16384xi32, #tpu.memory_space<vmem>>, vector<16xi32>,
      }
      %scan3A_112 = arith.constant 32 : i32
      %mul3A_113 = arith.constant 8192 : i32
      %mul3A_114 = arith.muli %select_n3A_72, %mul3A_113 : i32
      %multiple_of3A_115 = tpu.assume_multiple %mul3A_114, 8 : i32
      %mul3A_116 = arith.constant 32 : i32
      %mul3A_117 = arith.muli %scan3A_62, %mul3A_116 : i32
      %add3A_118 = arith.addi %add3A, %mul3A_117 : i32
      %mul3A_119 = arith.constant 512 : i32
      %mul3A_120 = arith.muli %add3A_118, %mul3A_119 : i32
      %multiple_of3A_121 = tpu.assume_multiple %mul3A_120, 512 : i32
      %mul3A_122 = arith.constant 16 : i32
      %mul3A_123 = arith.muli %multiple_of3A_121, %mul3A_122 : i32
      %dma_start3A_124 = tpu.memref_slice %arg7[%multiple_of3A_115] : memref<16384xi32, #tpu.memory_space<vmem>> -> memref<8192xi32, #tpu.memory_space<vmem>>
      %dma_start3A_125 = tpu.memref_slice %arg4[%mul3A_123] : memref<16000000xi32, #tpu.memory_space<hbm>> -> memref<8192xi32, #tpu.memory_space<hbm>>
      %dma_start3A_126 = tpu.memref_slice %arg10[%select_n3A_72] : memref<2x!tpu.dma_semaphore, #tpu.memory_space<semaphore_mem>> -> memref<1x!tpu.dma_semaphore, #tpu.memory_space<semaphore_mem>>
      %dma_start3A_127 = tpu.memref_squeeze %dma_start3A_126 : memref<1x!tpu.dma_semaphore, #tpu.memory_space<semaphore_mem>> -> memref<!tpu.dma_semaphore, #tpu.memory_space<semaphore_mem>>
      %dma_start3A_128 = tpu.memref_slice %arg4[%mul3A_123] : memref<16000000xi32, #tpu.memory_space<hbm>> -> memref<8192xi32, #tpu.memory_space<hbm>>
      %dma_start3A_129 = tpu.memref_slice %arg7[%multiple_of3A_115] : memref<16384xi32, #tpu.memory_space<vmem>> -> memref<8192xi32, #tpu.memory_space<vmem>>
      tpu.enqueue_dma source(%dma_start3A_129 : memref<8192xi32, #tpu.memory_space<vmem>>) target(%dma_start3A_128 : memref<8192xi32, #tpu.memory_space<hbm>>) target_semaphore(%dma_start3A_127 : memref<!tpu.dma_semaphore, #tpu.memory_space<semaphore_mem>>)
    }
    %scan3A_28 = arith.constant 61 : i32
    %multiple_of3A_29 = arith.constant 8192 : i32
    %multiple_of3A_30 = tpu.assume_multiple %multiple_of3A_29, 8 : i32
    %add3A_31 = arith.constant 1888 : i32
    %add3A_32 = arith.addi %add3A, %add3A_31 : i32
    %mul3A_33 = arith.constant 512 : i32
    %mul3A_34 = arith.muli %add3A_32, %mul3A_33 : i32
    %multiple_of3A_35 = tpu.assume_multiple %mul3A_34, 512 : i32
    %mul3A_36 = arith.constant 16 : i32
    %mul3A_37 = arith.muli %multiple_of3A_35, %mul3A_36 : i32
    %dma_wait3A = arith.constant 1 : i32
    %dma_wait3A_38 = tpu.memref_slice %arg7[%multiple_of3A_30] : memref<16384xi32, #tpu.memory_space<vmem>> -> memref<8192xi32, #tpu.memory_space<vmem>>
    %dma_wait3A_39 = tpu.memref_slice %arg4[%mul3A_37] : memref<16000000xi32, #tpu.memory_space<hbm>> -> memref<8192xi32, #tpu.memory_space<hbm>>
    %dma_wait3A_40 = tpu.memref_slice %arg10[%dma_wait3A] : memref<2x!tpu.dma_semaphore, #tpu.memory_space<semaphore_mem>> -> memref<1x!tpu.dma_semaphore, #tpu.memory_space<semaphore_mem>>
    %dma_wait3A_41 = tpu.memref_squeeze %dma_wait3A_40 : memref<1x!tpu.dma_semaphore, #tpu.memory_space<semaphore_mem>> -> memref<!tpu.dma_semaphore, #tpu.memory_space<semaphore_mem>>
    %dma_wait3A_42 = tpu.memref_slice %arg4[%mul3A_37] : memref<16000000xi32, #tpu.memory_space<hbm>> -> memref<8192xi32, #tpu.memory_space<hbm>>
    %dma_wait3A_43 = tpu.memref_slice %arg7[%multiple_of3A_30] : memref<16384xi32, #tpu.memory_space<vmem>> -> memref<8192xi32, #tpu.memory_space<vmem>>
    tpu.wait_dma2 semaphore(%dma_wait3A_41 : memref<!tpu.dma_semaphore, #tpu.memory_space<semaphore_mem>>) src(%dma_wait3A_43 : memref<8192xi32, #tpu.memory_space<vmem>>) dst(%dma_wait3A_42 : memref<8192xi32, #tpu.memory_space<hbm>>)
    %multiple_of3A_44 = arith.constant 0 : i32
    %multiple_of3A_45 = tpu.assume_multiple %multiple_of3A_44, 8 : i32
    %add3A_46 = arith.constant 1920 : i32
    %add3A_47 = arith.addi %add3A, %add3A_46 : i32
    %mul3A_48 = arith.constant 512 : i32
    %mul3A_49 = arith.muli %add3A_47, %mul3A_48 : i32
    %multiple_of3A_50 = tpu.assume_multiple %mul3A_49, 512 : i32
    %mul3A_51 = arith.constant 16 : i32
    %mul3A_52 = arith.muli %multiple_of3A_50, %mul3A_51 : i32
    %dma_wait3A_53 = arith.constant 0 : i32
    %dma_wait3A_54 = tpu.memref_slice %arg7[%multiple_of3A_45] : memref<16384xi32, #tpu.memory_space<vmem>> -> memref<8192xi32, #tpu.memory_space<vmem>>
    %dma_wait3A_55 = tpu.memref_slice %arg4[%mul3A_52] : memref<16000000xi32, #tpu.memory_space<hbm>> -> memref<8192xi32, #tpu.memory_space<hbm>>
    %dma_wait3A_56 = tpu.memref_slice %arg10[%dma_wait3A_53] : memref<2x!tpu.dma_semaphore, #tpu.memory_space<semaphore_mem>> -> memref<1x!tpu.dma_semaphore, #tpu.memory_space<semaphore_mem>>
    %dma_wait3A_57 = tpu.memref_squeeze %dma_wait3A_56 : memref<1x!tpu.dma_semaphore, #tpu.memory_space<semaphore_mem>> -> memref<!tpu.dma_semaphore, #tpu.memory_space<semaphore_mem>>
    %dma_wait3A_58 = tpu.memref_slice %arg4[%mul3A_52] : memref<16000000xi32, #tpu.memory_space<hbm>> -> memref<8192xi32, #tpu.memory_space<hbm>>
    %dma_wait3A_59 = tpu.memref_slice %arg7[%multiple_of3A_45] : memref<16384xi32, #tpu.memory_space<vmem>> -> memref<8192xi32, #tpu.memory_space<vmem>>
    tpu.wait_dma2 semaphore(%dma_wait3A_57 : memref<!tpu.dma_semaphore, #tpu.memory_space<semaphore_mem>>) src(%dma_wait3A_59 : memref<8192xi32, #tpu.memory_space<vmem>>) dst(%dma_wait3A_58 : memref<8192xi32, #tpu.memory_space<hbm>>)
    %eq3A = arith.constant 16 : i32
    %eq3A_60 = arith.cmpi eq, %add3A, %eq3A : i32
    %convert_element_type3A = arith.extui %eq3A_60 : i1 to i32
    %cond3A = arith.constant 0 : i32
    %cond3A_61 = arith.cmpi ne, %convert_element_type3A, %cond3A : i32
    scf.if %cond3A_61 {
      %multiple_of3A_62 = arith.constant 0 : i32
      %multiple_of3A_63 = tpu.assume_multiple %multiple_of3A_62, 32 : i32
      "tpu.region"() ({
        %run_scoped3A = tpu.sem_alloc : memref<!tpu.dma_semaphore, #tpu.memory_space<semaphore_mem>>
        %dma_start3A_78 = arith.constant 0 : i32
        %dma_start3A_79 = tpu.memref_slice %arg5[%multiple_of3A_63, %dma_start3A_78] : memref<64x512xf32, #tpu.memory_space<vmem>> -> memref<32x512xf32, #tpu.memory_space<vmem>>
        %dma_start3A_80 = arith.constant 0 : i32
        %dma_start3A_81 = arith.constant 999424 : i32
        %dma_start3A_82 = tpu.memref_slice %arg2[%dma_start3A_80, %dma_start3A_81] : memref<32x1000000xf32, #tpu.memory_space<hbm>> -> memref<32x512xf32, #tpu.memory_space<hbm>>
        %dma_start3A_83 = arith.constant 0 : i32
        %dma_start3A_84 = tpu.memref_slice %arg5[%multiple_of3A_63, %dma_start3A_83] : memref<64x512xf32, #tpu.memory_space<vmem>> -> memref<32x512xf32, #tpu.memory_space<vmem>>
        %dma_start3A_85 = arith.constant 0 : i32
        %dma_start3A_86 = arith.constant 999424 : i32
        %dma_start3A_87 = tpu.memref_slice %arg2[%dma_start3A_85, %dma_start3A_86] : memref<32x1000000xf32, #tpu.memory_space<hbm>> -> memref<32x512xf32, #tpu.memory_space<hbm>>
        tpu.enqueue_dma source(%dma_start3A_87 : memref<32x512xf32, #tpu.memory_space<hbm>>) target(%dma_start3A_84 : memref<32x512xf32, #tpu.memory_space<vmem>>) target_semaphore(%run_scoped3A : memref<!tpu.dma_semaphore, #tpu.memory_space<semaphore_mem>>)
        %dma_wait3A_88 = arith.constant 0 : i32
        %dma_wait3A_89 = tpu.memref_slice %arg5[%multiple_of3A_63, %dma_wait3A_88] : memref<64x512xf32, #tpu.memory_space<vmem>> -> memref<32x512xf32, #tpu.memory_space<vmem>>
        %dma_wait3A_90 = arith.constant 0 : i32
        %dma_wait3A_91 = arith.constant 999424 : i32
        %dma_wait3A_92 = tpu.memref_slice %arg2[%dma_wait3A_90, %dma_wait3A_91] : memref<32x1000000xf32, #tpu.memory_space<hbm>> -> memref<32x512xf32, #tpu.memory_space<hbm>>
        %dma_wait3A_93 = arith.constant 0 : i32
        %dma_wait3A_94 = tpu.memref_slice %arg5[%multiple_of3A_63, %dma_wait3A_93] : memref<64x512xf32, #tpu.memory_space<vmem>> -> memref<32x512xf32, #tpu.memory_space<vmem>>
        %dma_wait3A_95 = arith.constant 0 : i32
        %dma_wait3A_96 = arith.constant 999424 : i32
        %dma_wait3A_97 = tpu.memref_slice %arg2[%dma_wait3A_95, %dma_wait3A_96] : memref<32x1000000xf32, #tpu.memory_space<hbm>> -> memref<32x512xf32, #tpu.memory_space<hbm>>
        tpu.wait_dma2 semaphore(%run_scoped3A : memref<!tpu.dma_semaphore, #tpu.memory_space<semaphore_mem>>) src(%dma_wait3A_97 : memref<32x512xf32, #tpu.memory_space<hbm>>) dst(%dma_wait3A_94 : memref<32x512xf32, #tpu.memory_space<vmem>>)
        tpu.yield
      }) : () -> ()
      %scan3A_64 = arith.constant 0 : i32
      %scan3A_65 = arith.constant 0 : i32
      %scan3A_66 = arith.constant 32 : i32
      %scan3A_67 = arith.addi %scan3A_65, %scan3A_66 : i32
      %scan3A_68 = arith.constant 1 : i32
      scf.for %scan3A_78 = %scan3A_65 to %scan3A_67 step %scan3A_68  : i32 {
        %mul3A_79 = arith.constant 16 : i32
        %mul3A_80 = arith.muli %scan3A_78, %mul3A_79 : i32
        %get3A = arith.constant 0 : i32
        %get3A_81 = arith.index_cast %get3A : i32 to index
        %get3A_82 = arith.index_cast %mul3A_80 : i32 to index
        %get3A_83 = tpu.vector_load %arg5[%get3A_81, %get3A_82] {strides = array<i32>} : memref<64x512xf32, #tpu.memory_space<vmem>>, vector<16xf32>,
        %get3A_84 = arith.constant 16 : i32
        %get3A_85 = arith.index_cast %get3A_84 : i32 to index
        %get3A_86 = arith.index_cast %mul3A_80 : i32 to index
        %get3A_87 = tpu.vector_load %arg5[%get3A_85, %get3A_86] {strides = array<i32>} : memref<64x512xf32, #tpu.memory_space<vmem>>, vector<16xf32>,
        %pack3A = tpu.pack_subelements %get3A_83, %get3A_87 {pack_format = #tpu.pack_format<interleaved>, positions = array<i32: 0, 1>} : vector<16xf32>, vector<16xf32> -> vector<32xbf16>
        %bitcast3A = vector.bitcast %pack3A : vector<32xbf16> to vector<16xi32>
        %get3A_88 = arith.constant 1 : i32
        %get3A_89 = arith.index_cast %get3A_88 : i32 to index
        %get3A_90 = arith.index_cast %mul3A_80 : i32 to index
        %get3A_91 = tpu.vector_load %arg5[%get3A_89, %get3A_90] {strides = array<i32>} : memref<64x512xf32, #tpu.memory_space<vmem>>, vector<16xf32>,
        %get3A_92 = arith.constant 17 : i32
        %get3A_93 = arith.index_cast %get3A_92 : i32 to index
        %get3A_94 = arith.index_cast %mul3A_80 : i32 to index
        %get3A_95 = tpu.vector_load %arg5[%get3A_93, %get3A_94] {strides = array<i32>} : memref<64x512xf32, #tpu.memory_space<vmem>>, vector<16xf32>,
        %pack3A_96 = tpu.pack_subelements %get3A_91, %get3A_95 {pack_format = #tpu.pack_format<interleaved>, positions = array<i32: 0, 1>} : vector<16xf32>, vector<16xf32> -> vector<32xbf16>
        %bitcast3A_97 = vector.bitcast %pack3A_96 : vector<32xbf16> to vector<16xi32>
        %get3A_98 = arith.constant 2 : i32
        %get3A_99 = arith.index_cast %get3A_98 : i32 to index
        %get3A_100 = arith.index_cast %mul3A_80 : i32 to index
        %get3A_101 = tpu.vector_load %arg5[%get3A_99, %get3A_100] {strides = array<i32>} : memref<64x512xf32, #tpu.memory_space<vmem>>, vector<16xf32>,
        %get3A_102 = arith.constant 18 : i32
        %get3A_103 = arith.index_cast %get3A_102 : i32 to index
        %get3A_104 = arith.index_cast %mul3A_80 : i32 to index
        %get3A_105 = tpu.vector_load %arg5[%get3A_103, %get3A_104] {strides = array<i32>} : memref<64x512xf32, #tpu.memory_space<vmem>>, vector<16xf32>,
        %pack3A_106 = tpu.pack_subelements %get3A_101, %get3A_105 {pack_format = #tpu.pack_format<interleaved>, positions = array<i32: 0, 1>} : vector<16xf32>, vector<16xf32> -> vector<32xbf16>
        %bitcast3A_107 = vector.bitcast %pack3A_106 : vector<32xbf16> to vector<16xi32>
        %get3A_108 = arith.constant 3 : i32
        %get3A_109 = arith.index_cast %get3A_108 : i32 to index
        %get3A_110 = arith.index_cast %mul3A_80 : i32 to index
        %get3A_111 = tpu.vector_load %arg5[%get3A_109, %get3A_110] {strides = array<i32>} : memref<64x512xf32, #tpu.memory_space<vmem>>, vector<16xf32>,
        %get3A_112 = arith.constant 19 : i32
        %get3A_113 = arith.index_cast %get3A_112 : i32 to index
        %get3A_114 = arith.index_cast %mul3A_80 : i32 to index
        %get3A_115 = tpu.vector_load %arg5[%get3A_113, %get3A_114] {strides = array<i32>} : memref<64x512xf32, #tpu.memory_space<vmem>>, vector<16xf32>,
        %pack3A_116 = tpu.pack_subelements %get3A_111, %get3A_115 {pack_format = #tpu.pack_format<interleaved>, positions = array<i32: 0, 1>} : vector<16xf32>, vector<16xf32> -> vector<32xbf16>
        %bitcast3A_117 = vector.bitcast %pack3A_116 : vector<32xbf16> to vector<16xi32>
        %get3A_118 = arith.constant 4 : i32
        %get3A_119 = arith.index_cast %get3A_118 : i32 to index
        %get3A_120 = arith.index_cast %mul3A_80 : i32 to index
        %get3A_121 = tpu.vector_load %arg5[%get3A_119, %get3A_120] {strides = array<i32>} : memref<64x512xf32, #tpu.memory_space<vmem>>, vector<16xf32>,
        %get3A_122 = arith.constant 20 : i32
        %get3A_123 = arith.index_cast %get3A_122 : i32 to index
        %get3A_124 = arith.index_cast %mul3A_80 : i32 to index
        %get3A_125 = tpu.vector_load %arg5[%get3A_123, %get3A_124] {strides = array<i32>} : memref<64x512xf32, #tpu.memory_space<vmem>>, vector<16xf32>,
        %pack3A_126 = tpu.pack_subelements %get3A_121, %get3A_125 {pack_format = #tpu.pack_format<interleaved>, positions = array<i32: 0, 1>} : vector<16xf32>, vector<16xf32> -> vector<32xbf16>
        %bitcast3A_127 = vector.bitcast %pack3A_126 : vector<32xbf16> to vector<16xi32>
        %get3A_128 = arith.constant 5 : i32
        %get3A_129 = arith.index_cast %get3A_128 : i32 to index
        %get3A_130 = arith.index_cast %mul3A_80 : i32 to index
        %get3A_131 = tpu.vector_load %arg5[%get3A_129, %get3A_130] {strides = array<i32>} : memref<64x512xf32, #tpu.memory_space<vmem>>, vector<16xf32>,
        %get3A_132 = arith.constant 21 : i32
        %get3A_133 = arith.index_cast %get3A_132 : i32 to index
        %get3A_134 = arith.index_cast %mul3A_80 : i32 to index
        %get3A_135 = tpu.vector_load %arg5[%get3A_133, %get3A_134] {strides = array<i32>} : memref<64x512xf32, #tpu.memory_space<vmem>>, vector<16xf32>,
        %pack3A_136 = tpu.pack_subelements %get3A_131, %get3A_135 {pack_format = #tpu.pack_format<interleaved>, positions = array<i32: 0, 1>} : vector<16xf32>, vector<16xf32> -> vector<32xbf16>
        %bitcast3A_137 = vector.bitcast %pack3A_136 : vector<32xbf16> to vector<16xi32>
        %get3A_138 = arith.constant 6 : i32
        %get3A_139 = arith.index_cast %get3A_138 : i32 to index
        %get3A_140 = arith.index_cast %mul3A_80 : i32 to index
        %get3A_141 = tpu.vector_load %arg5[%get3A_139, %get3A_140] {strides = array<i32>} : memref<64x512xf32, #tpu.memory_space<vmem>>, vector<16xf32>,
        %get3A_142 = arith.constant 22 : i32
        %get3A_143 = arith.index_cast %get3A_142 : i32 to index
        %get3A_144 = arith.index_cast %mul3A_80 : i32 to index
        %get3A_145 = tpu.vector_load %arg5[%get3A_143, %get3A_144] {strides = array<i32>} : memref<64x512xf32, #tpu.memory_space<vmem>>, vector<16xf32>,
        %pack3A_146 = tpu.pack_subelements %get3A_141, %get3A_145 {pack_format = #tpu.pack_format<interleaved>, positions = array<i32: 0, 1>} : vector<16xf32>, vector<16xf32> -> vector<32xbf16>
        %bitcast3A_147 = vector.bitcast %pack3A_146 : vector<32xbf16> to vector<16xi32>
        %get3A_148 = arith.constant 7 : i32
        %get3A_149 = arith.index_cast %get3A_148 : i32 to index
        %get3A_150 = arith.index_cast %mul3A_80 : i32 to index
        %get3A_151 = tpu.vector_load %arg5[%get3A_149, %get3A_150] {strides = array<i32>} : memref<64x512xf32, #tpu.memory_space<vmem>>, vector<16xf32>,
        %get3A_152 = arith.constant 23 : i32
        %get3A_153 = arith.index_cast %get3A_152 : i32 to index
        %get3A_154 = arith.index_cast %mul3A_80 : i32 to index
        %get3A_155 = tpu.vector_load %arg5[%get3A_153, %get3A_154] {strides = array<i32>} : memref<64x512xf32, #tpu.memory_space<vmem>>, vector<16xf32>,
        %pack3A_156 = tpu.pack_subelements %get3A_151, %get3A_155 {pack_format = #tpu.pack_format<interleaved>, positions = array<i32: 0, 1>} : vector<16xf32>, vector<16xf32> -> vector<32xbf16>
        %bitcast3A_157 = vector.bitcast %pack3A_156 : vector<32xbf16> to vector<16xi32>
        %add3A_158 = arith.constant 0 : i32
        %add3A_159 = vector.broadcast %add3A_158 : i32 to vector<16xi32>
        %add3A_160 = arith.addi %mul3A_7, %add3A_159 : vector<16xi32>
        tpu.vector_store_idx %arg8[%add3A_160], %bitcast3A : memref<544xi32, #tpu.memory_space<vmem>>[vector<16xi32>], vector<16xi32>,
        %add3A_161 = arith.constant 1 : i32
        %add3A_162 = vector.broadcast %add3A_161 : i32 to vector<16xi32>
        %add3A_163 = arith.addi %mul3A_7, %add3A_162 : vector<16xi32>
        tpu.vector_store_idx %arg8[%add3A_163], %bitcast3A_97 : memref<544xi32, #tpu.memory_space<vmem>>[vector<16xi32>], vector<16xi32>,
        %add3A_164 = arith.constant 2 : i32
        %add3A_165 = vector.broadcast %add3A_164 : i32 to vector<16xi32>
        %add3A_166 = arith.addi %mul3A_7, %add3A_165 : vector<16xi32>
        tpu.vector_store_idx %arg8[%add3A_166], %bitcast3A_107 : memref<544xi32, #tpu.memory_space<vmem>>[vector<16xi32>], vector<16xi32>,
        %add3A_167 = arith.constant 3 : i32
        %add3A_168 = vector.broadcast %add3A_167 : i32 to vector<16xi32>
        %add3A_169 = arith.addi %mul3A_7, %add3A_168 : vector<16xi32>
        tpu.vector_store_idx %arg8[%add3A_169], %bitcast3A_117 : memref<544xi32, #tpu.memory_space<vmem>>[vector<16xi32>], vector<16xi32>,
        %get3A_170 = arith.constant 8 : i32
        %get3A_171 = arith.index_cast %get3A_170 : i32 to index
        %get3A_172 = arith.index_cast %mul3A_80 : i32 to index
        %get3A_173 = tpu.vector_load %arg5[%get3A_171, %get3A_172] {strides = array<i32>} : memref<64x512xf32, #tpu.memory_space<vmem>>, vector<16xf32>,
        %get3A_174 = arith.constant 24 : i32
        %get3A_175 = arith.index_cast %get3A_174 : i32 to index
        %get3A_176 = arith.index_cast %mul3A_80 : i32 to index
        %get3A_177 = tpu.vector_load %arg5[%get3A_175, %get3A_176] {strides = array<i32>} : memref<64x512xf32, #tpu.memory_space<vmem>>, vector<16xf32>,
        %pack3A_178 = tpu.pack_subelements %get3A_173, %get3A_177 {pack_format = #tpu.pack_format<interleaved>, positions = array<i32: 0, 1>} : vector<16xf32>, vector<16xf32> -> vector<32xbf16>
        %bitcast3A_179 = vector.bitcast %pack3A_178 : vector<32xbf16> to vector<16xi32>
        %get3A_180 = arith.constant 9 : i32
        %get3A_181 = arith.index_cast %get3A_180 : i32 to index
        %get3A_182 = arith.index_cast %mul3A_80 : i32 to index
        %get3A_183 = tpu.vector_load %arg5[%get3A_181, %get3A_182] {strides = array<i32>} : memref<64x512xf32, #tpu.memory_space<vmem>>, vector<16xf32>,
        %get3A_184 = arith.constant 25 : i32
        %get3A_185 = arith.index_cast %get3A_184 : i32 to index
        %get3A_186 = arith.index_cast %mul3A_80 : i32 to index
        %get3A_187 = tpu.vector_load %arg5[%get3A_185, %get3A_186] {strides = array<i32>} : memref<64x512xf32, #tpu.memory_space<vmem>>, vector<16xf32>,
        %pack3A_188 = tpu.pack_subelements %get3A_183, %get3A_187 {pack_format = #tpu.pack_format<interleaved>, positions = array<i32: 0, 1>} : vector<16xf32>, vector<16xf32> -> vector<32xbf16>
        %bitcast3A_189 = vector.bitcast %pack3A_188 : vector<32xbf16> to vector<16xi32>
        %get3A_190 = arith.constant 10 : i32
        %get3A_191 = arith.index_cast %get3A_190 : i32 to index
        %get3A_192 = arith.index_cast %mul3A_80 : i32 to index
        %get3A_193 = tpu.vector_load %arg5[%get3A_191, %get3A_192] {strides = array<i32>} : memref<64x512xf32, #tpu.memory_space<vmem>>, vector<16xf32>,
        %get3A_194 = arith.constant 26 : i32
        %get3A_195 = arith.index_cast %get3A_194 : i32 to index
        %get3A_196 = arith.index_cast %mul3A_80 : i32 to index
        %get3A_197 = tpu.vector_load %arg5[%get3A_195, %get3A_196] {strides = array<i32>} : memref<64x512xf32, #tpu.memory_space<vmem>>, vector<16xf32>,
        %pack3A_198 = tpu.pack_subelements %get3A_193, %get3A_197 {pack_format = #tpu.pack_format<interleaved>, positions = array<i32: 0, 1>} : vector<16xf32>, vector<16xf32> -> vector<32xbf16>
        %bitcast3A_199 = vector.bitcast %pack3A_198 : vector<32xbf16> to vector<16xi32>
        %get3A_200 = arith.constant 11 : i32
        %get3A_201 = arith.index_cast %get3A_200 : i32 to index
        %get3A_202 = arith.index_cast %mul3A_80 : i32 to index
        %get3A_203 = tpu.vector_load %arg5[%get3A_201, %get3A_202] {strides = array<i32>} : memref<64x512xf32, #tpu.memory_space<vmem>>, vector<16xf32>,
        %get3A_204 = arith.constant 27 : i32
        %get3A_205 = arith.index_cast %get3A_204 : i32 to index
        %get3A_206 = arith.index_cast %mul3A_80 : i32 to index
        %get3A_207 = tpu.vector_load %arg5[%get3A_205, %get3A_206] {strides = array<i32>} : memref<64x512xf32, #tpu.memory_space<vmem>>, vector<16xf32>,
        %pack3A_208 = tpu.pack_subelements %get3A_203, %get3A_207 {pack_format = #tpu.pack_format<interleaved>, positions = array<i32: 0, 1>} : vector<16xf32>, vector<16xf32> -> vector<32xbf16>
        %bitcast3A_209 = vector.bitcast %pack3A_208 : vector<32xbf16> to vector<16xi32>
        %add3A_210 = arith.constant 4 : i32
        %add3A_211 = vector.broadcast %add3A_210 : i32 to vector<16xi32>
        %add3A_212 = arith.addi %mul3A_7, %add3A_211 : vector<16xi32>
        tpu.vector_store_idx %arg8[%add3A_212], %bitcast3A_127 : memref<544xi32, #tpu.memory_space<vmem>>[vector<16xi32>], vector<16xi32>,
        %add3A_213 = arith.constant 5 : i32
        %add3A_214 = vector.broadcast %add3A_213 : i32 to vector<16xi32>
        %add3A_215 = arith.addi %mul3A_7, %add3A_214 : vector<16xi32>
        tpu.vector_store_idx %arg8[%add3A_215], %bitcast3A_137 : memref<544xi32, #tpu.memory_space<vmem>>[vector<16xi32>], vector<16xi32>,
        %add3A_216 = arith.constant 6 : i32
        %add3A_217 = vector.broadcast %add3A_216 : i32 to vector<16xi32>
        %add3A_218 = arith.addi %mul3A_7, %add3A_217 : vector<16xi32>
        tpu.vector_store_idx %arg8[%add3A_218], %bitcast3A_147 : memref<544xi32, #tpu.memory_space<vmem>>[vector<16xi32>], vector<16xi32>,
        %add3A_219 = arith.constant 7 : i32
        %add3A_220 = vector.broadcast %add3A_219 : i32 to vector<16xi32>
        %add3A_221 = arith.addi %mul3A_7, %add3A_220 : vector<16xi32>
        tpu.vector_store_idx %arg8[%add3A_221], %bitcast3A_157 : memref<544xi32, #tpu.memory_space<vmem>>[vector<16xi32>], vector<16xi32>,
        %get3A_222 = arith.constant 12 : i32
        %get3A_223 = arith.index_cast %get3A_222 : i32 to index
        %get3A_224 = arith.index_cast %mul3A_80 : i32 to index
        %get3A_225 = tpu.vector_load %arg5[%get3A_223, %get3A_224] {strides = array<i32>} : memref<64x512xf32, #tpu.memory_space<vmem>>, vector<16xf32>,
        %get3A_226 = arith.constant 28 : i32
        %get3A_227 = arith.index_cast %get3A_226 : i32 to index
        %get3A_228 = arith.index_cast %mul3A_80 : i32 to index
        %get3A_229 = tpu.vector_load %arg5[%get3A_227, %get3A_228] {strides = array<i32>} : memref<64x512xf32, #tpu.memory_space<vmem>>, vector<16xf32>,
        %pack3A_230 = tpu.pack_subelements %get3A_225, %get3A_229 {pack_format = #tpu.pack_format<interleaved>, positions = array<i32: 0, 1>} : vector<16xf32>, vector<16xf32> -> vector<32xbf16>
        %bitcast3A_231 = vector.bitcast %pack3A_230 : vector<32xbf16> to vector<16xi32>
        %get3A_232 = arith.constant 13 : i32
        %get3A_233 = arith.index_cast %get3A_232 : i32 to index
        %get3A_234 = arith.index_cast %mul3A_80 : i32 to index
        %get3A_235 = tpu.vector_load %arg5[%get3A_233, %get3A_234] {strides = array<i32>} : memref<64x512xf32, #tpu.memory_space<vmem>>, vector<16xf32>,
        %get3A_236 = arith.constant 29 : i32
        %get3A_237 = arith.index_cast %get3A_236 : i32 to index
        %get3A_238 = arith.index_cast %mul3A_80 : i32 to index
        %get3A_239 = tpu.vector_load %arg5[%get3A_237, %get3A_238] {strides = array<i32>} : memref<64x512xf32, #tpu.memory_space<vmem>>, vector<16xf32>,
        %pack3A_240 = tpu.pack_subelements %get3A_235, %get3A_239 {pack_format = #tpu.pack_format<interleaved>, positions = array<i32: 0, 1>} : vector<16xf32>, vector<16xf32> -> vector<32xbf16>
        %bitcast3A_241 = vector.bitcast %pack3A_240 : vector<32xbf16> to vector<16xi32>
        %get3A_242 = arith.constant 14 : i32
        %get3A_243 = arith.index_cast %get3A_242 : i32 to index
        %get3A_244 = arith.index_cast %mul3A_80 : i32 to index
        %get3A_245 = tpu.vector_load %arg5[%get3A_243, %get3A_244] {strides = array<i32>} : memref<64x512xf32, #tpu.memory_space<vmem>>, vector<16xf32>,
        %get3A_246 = arith.constant 30 : i32
        %get3A_247 = arith.index_cast %get3A_246 : i32 to index
        %get3A_248 = arith.index_cast %mul3A_80 : i32 to index
        %get3A_249 = tpu.vector_load %arg5[%get3A_247, %get3A_248] {strides = array<i32>} : memref<64x512xf32, #tpu.memory_space<vmem>>, vector<16xf32>,
        %pack3A_250 = tpu.pack_subelements %get3A_245, %get3A_249 {pack_format = #tpu.pack_format<interleaved>, positions = array<i32: 0, 1>} : vector<16xf32>, vector<16xf32> -> vector<32xbf16>
        %bitcast3A_251 = vector.bitcast %pack3A_250 : vector<32xbf16> to vector<16xi32>
        %get3A_252 = arith.constant 15 : i32
        %get3A_253 = arith.index_cast %get3A_252 : i32 to index
        %get3A_254 = arith.index_cast %mul3A_80 : i32 to index
        %get3A_255 = tpu.vector_load %arg5[%get3A_253, %get3A_254] {strides = array<i32>} : memref<64x512xf32, #tpu.memory_space<vmem>>, vector<16xf32>,
        %get3A_256 = arith.constant 31 : i32
        %get3A_257 = arith.index_cast %get3A_256 : i32 to index
        %get3A_258 = arith.index_cast %mul3A_80 : i32 to index
        %get3A_259 = tpu.vector_load %arg5[%get3A_257, %get3A_258] {strides = array<i32>} : memref<64x512xf32, #tpu.memory_space<vmem>>, vector<16xf32>,
        %pack3A_260 = tpu.pack_subelements %get3A_255, %get3A_259 {pack_format = #tpu.pack_format<interleaved>, positions = array<i32: 0, 1>} : vector<16xf32>, vector<16xf32> -> vector<32xbf16>
        %bitcast3A_261 = vector.bitcast %pack3A_260 : vector<32xbf16> to vector<16xi32>
        %add3A_262 = arith.constant 8 : i32
        %add3A_263 = vector.broadcast %add3A_262 : i32 to vector<16xi32>
        %add3A_264 = arith.addi %mul3A_7, %add3A_263 : vector<16xi32>
        tpu.vector_store_idx %arg8[%add3A_264], %bitcast3A_179 : memref<544xi32, #tpu.memory_space<vmem>>[vector<16xi32>], vector<16xi32>,
        %add3A_265 = arith.constant 9 : i32
        %add3A_266 = vector.broadcast %add3A_265 : i32 to vector<16xi32>
        %add3A_267 = arith.addi %mul3A_7, %add3A_266 : vector<16xi32>
        tpu.vector_store_idx %arg8[%add3A_267], %bitcast3A_189 : memref<544xi32, #tpu.memory_space<vmem>>[vector<16xi32>], vector<16xi32>,
        %add3A_268 = arith.constant 10 : i32
        %add3A_269 = vector.broadcast %add3A_268 : i32 to vector<16xi32>
        %add3A_270 = arith.addi %mul3A_7, %add3A_269 : vector<16xi32>
        tpu.vector_store_idx %arg8[%add3A_270], %bitcast3A_199 : memref<544xi32, #tpu.memory_space<vmem>>[vector<16xi32>], vector<16xi32>,
        %add3A_271 = arith.constant 11 : i32
        %add3A_272 = vector.broadcast %add3A_271 : i32 to vector<16xi32>
        %add3A_273 = arith.addi %mul3A_7, %add3A_272 : vector<16xi32>
        tpu.vector_store_idx %arg8[%add3A_273], %bitcast3A_209 : memref<544xi32, #tpu.memory_space<vmem>>[vector<16xi32>], vector<16xi32>,
        %add3A_274 = arith.constant 12 : i32
        %add3A_275 = vector.broadcast %add3A_274 : i32 to vector<16xi32>
        %add3A_276 = arith.addi %mul3A_7, %add3A_275 : vector<16xi32>
        tpu.vector_store_idx %arg8[%add3A_276], %bitcast3A_231 : memref<544xi32, #tpu.memory_space<vmem>>[vector<16xi32>], vector<16xi32>,
        %add3A_277 = arith.constant 13 : i32
        %add3A_278 = vector.broadcast %add3A_277 : i32 to vector<16xi32>
        %add3A_279 = arith.addi %mul3A_7, %add3A_278 : vector<16xi32>
        tpu.vector_store_idx %arg8[%add3A_279], %bitcast3A_241 : memref<544xi32, #tpu.memory_space<vmem>>[vector<16xi32>], vector<16xi32>,
        %add3A_280 = arith.constant 14 : i32
        %add3A_281 = vector.broadcast %add3A_280 : i32 to vector<16xi32>
        %add3A_282 = arith.addi %mul3A_7, %add3A_281 : vector<16xi32>
        tpu.vector_store_idx %arg8[%add3A_282], %bitcast3A_251 : memref<544xi32, #tpu.memory_space<vmem>>[vector<16xi32>], vector<16xi32>,
        %add3A_283 = arith.constant 15 : i32
        %add3A_284 = vector.broadcast %add3A_283 : i32 to vector<16xi32>
        %add3A_285 = arith.addi %mul3A_7, %add3A_284 : vector<16xi32>
        tpu.vector_store_idx %arg8[%add3A_285], %bitcast3A_261 : memref<544xi32, #tpu.memory_space<vmem>>[vector<16xi32>], vector<16xi32>,
        %add3A_286 = arith.constant 0 : i32
        %add3A_287 = vector.broadcast %add3A_286 : i32 to vector<16xi32>
        %add3A_288 = arith.addi %iota3A_4, %add3A_287 : vector<16xi32>
        %gather3A = tpu.vector_load_idx %arg8[%add3A_288] : memref<544xi32, #tpu.memory_space<vmem>>[vector<16xi32>], vector<16xi32>,
        %add3A_289 = arith.constant 34 : i32
        %add3A_290 = vector.broadcast %add3A_289 : i32 to vector<16xi32>
        %add3A_291 = arith.addi %iota3A_4, %add3A_290 : vector<16xi32>
        %gather3A_292 = tpu.vector_load_idx %arg8[%add3A_291] : memref<544xi32, #tpu.memory_space<vmem>>[vector<16xi32>], vector<16xi32>,
        %add3A_293 = arith.constant 68 : i32
        %add3A_294 = vector.broadcast %add3A_293 : i32 to vector<16xi32>
        %add3A_295 = arith.addi %iota3A_4, %add3A_294 : vector<16xi32>
        %gather3A_296 = tpu.vector_load_idx %arg8[%add3A_295] : memref<544xi32, #tpu.memory_space<vmem>>[vector<16xi32>], vector<16xi32>,
        %add3A_297 = arith.constant 102 : i32
        %add3A_298 = vector.broadcast %add3A_297 : i32 to vector<16xi32>
        %add3A_299 = arith.addi %iota3A_4, %add3A_298 : vector<16xi32>
        %gather3A_300 = tpu.vector_load_idx %arg8[%add3A_299] : memref<544xi32, #tpu.memory_space<vmem>>[vector<16xi32>], vector<16xi32>,
        %add3A_301 = arith.constant 136 : i32
        %add3A_302 = vector.broadcast %add3A_301 : i32 to vector<16xi32>
        %add3A_303 = arith.addi %iota3A_4, %add3A_302 : vector<16xi32>
        %gather3A_304 = tpu.vector_load_idx %arg8[%add3A_303] : memref<544xi32, #tpu.memory_space<vmem>>[vector<16xi32>], vector<16xi32>,
        %add3A_305 = arith.constant 170 : i32
        %add3A_306 = vector.broadcast %add3A_305 : i32 to vector<16xi32>
        %add3A_307 = arith.addi %iota3A_4, %add3A_306 : vector<16xi32>
        %gather3A_308 = tpu.vector_load_idx %arg8[%add3A_307] : memref<544xi32, #tpu.memory_space<vmem>>[vector<16xi32>], vector<16xi32>,
        %add3A_309 = arith.constant 204 : i32
        %add3A_310 = vector.broadcast %add3A_309 : i32 to vector<16xi32>
        %add3A_311 = arith.addi %iota3A_4, %add3A_310 : vector<16xi32>
        %gather3A_312 = tpu.vector_load_idx %arg8[%add3A_311] : memref<544xi32, #tpu.memory_space<vmem>>[vector<16xi32>], vector<16xi32>,
        %add3A_313 = arith.constant 238 : i32
        %add3A_314 = vector.broadcast %add3A_313 : i32 to vector<16xi32>
        %add3A_315 = arith.addi %iota3A_4, %add3A_314 : vector<16xi32>
        %gather3A_316 = tpu.vector_load_idx %arg8[%add3A_315] : memref<544xi32, #tpu.memory_space<vmem>>[vector<16xi32>], vector<16xi32>,
        %add3A_317 = arith.constant 0 : i32
        %add3A_318 = arith.addi %mul3A_80, %add3A_317 : i32
        %mul3A_319 = arith.constant 16 : i32
        %mul3A_320 = arith.muli %add3A_318, %mul3A_319 : i32
        %add3A_321 = arith.constant 0 : i32
        %add3A_322 = arith.addi %add3A_321, %mul3A_320 : i32
        %swap3A = arith.index_cast %add3A_322 : i32 to index
        %swap3A_323 = tpu.vector_load %arg7[%swap3A] {strides = array<i32>} : memref<16384xi32, #tpu.memory_space<vmem>>, vector<16xi32>,
        tpu.vector_store %arg7[%swap3A], %gather3A {strides = array<i32>} : memref<16384xi32, #tpu.memory_space<vmem>>, vector<16xi32>,
        %add3A_324 = arith.constant 1 : i32
        %add3A_325 = arith.addi %mul3A_80, %add3A_324 : i32
        %mul3A_326 = arith.constant 16 : i32
        %mul3A_327 = arith.muli %add3A_325, %mul3A_326 : i32
        %add3A_328 = arith.constant 0 : i32
        %add3A_329 = arith.addi %add3A_328, %mul3A_327 : i32
        %swap3A_330 = arith.index_cast %add3A_329 : i32 to index
        %swap3A_331 = tpu.vector_load %arg7[%swap3A_330] {strides = array<i32>} : memref<16384xi32, #tpu.memory_space<vmem>>, vector<16xi32>,
        tpu.vector_store %arg7[%swap3A_330], %gather3A_292 {strides = array<i32>} : memref<16384xi32, #tpu.memory_space<vmem>>, vector<16xi32>,
        %add3A_332 = arith.constant 2 : i32
        %add3A_333 = arith.addi %mul3A_80, %add3A_332 : i32
        %mul3A_334 = arith.constant 16 : i32
        %mul3A_335 = arith.muli %add3A_333, %mul3A_334 : i32
        %add3A_336 = arith.constant 0 : i32
        %add3A_337 = arith.addi %add3A_336, %mul3A_335 : i32
        %swap3A_338 = arith.index_cast %add3A_337 : i32 to index
        %swap3A_339 = tpu.vector_load %arg7[%swap3A_338] {strides = array<i32>} : memref<16384xi32, #tpu.memory_space<vmem>>, vector<16xi32>,
        tpu.vector_store %arg7[%swap3A_338], %gather3A_296 {strides = array<i32>} : memref<16384xi32, #tpu.memory_space<vmem>>, vector<16xi32>,
        %add3A_340 = arith.constant 3 : i32
        %add3A_341 = arith.addi %mul3A_80, %add3A_340 : i32
        %mul3A_342 = arith.constant 16 : i32
        %mul3A_343 = arith.muli %add3A_341, %mul3A_342 : i32
        %add3A_344 = arith.constant 0 : i32
        %add3A_345 = arith.addi %add3A_344, %mul3A_343 : i32
        %swap3A_346 = arith.index_cast %add3A_345 : i32 to index
        %swap3A_347 = tpu.vector_load %arg7[%swap3A_346] {strides = array<i32>} : memref<16384xi32, #tpu.memory_space<vmem>>, vector<16xi32>,
        tpu.vector_store %arg7[%swap3A_346], %gather3A_300 {strides = array<i32>} : memref<16384xi32, #tpu.memory_space<vmem>>, vector<16xi32>,
        %add3A_348 = arith.constant 272 : i32
        %add3A_349 = vector.broadcast %add3A_348 : i32 to vector<16xi32>
        %add3A_350 = arith.addi %iota3A_4, %add3A_349 : vector<16xi32>
        %gather3A_351 = tpu.vector_load_idx %arg8[%add3A_350] : memref<544xi32, #tpu.memory_space<vmem>>[vector<16xi32>], vector<16xi32>,
        %add3A_352 = arith.constant 306 : i32
        %add3A_353 = vector.broadcast %add3A_352 : i32 to vector<16xi32>
        %add3A_354 = arith.addi %iota3A_4, %add3A_353 : vector<16xi32>
        %gather3A_355 = tpu.vector_load_idx %arg8[%add3A_354] : memref<544xi32, #tpu.memory_space<vmem>>[vector<16xi32>], vector<16xi32>,
        %add3A_356 = arith.constant 340 : i32
        %add3A_357 = vector.broadcast %add3A_356 : i32 to vector<16xi32>
        %add3A_358 = arith.addi %iota3A_4, %add3A_357 : vector<16xi32>
        %gather3A_359 = tpu.vector_load_idx %arg8[%add3A_358] : memref<544xi32, #tpu.memory_space<vmem>>[vector<16xi32>], vector<16xi32>,
        %add3A_360 = arith.constant 374 : i32
        %add3A_361 = vector.broadcast %add3A_360 : i32 to vector<16xi32>
        %add3A_362 = arith.addi %iota3A_4, %add3A_361 : vector<16xi32>
        %gather3A_363 = tpu.vector_load_idx %arg8[%add3A_362] : memref<544xi32, #tpu.memory_space<vmem>>[vector<16xi32>], vector<16xi32>,
        %add3A_364 = arith.constant 4 : i32
        %add3A_365 = arith.addi %mul3A_80, %add3A_364 : i32
        %mul3A_366 = arith.constant 16 : i32
        %mul3A_367 = arith.muli %add3A_365, %mul3A_366 : i32
        %add3A_368 = arith.constant 0 : i32
        %add3A_369 = arith.addi %add3A_368, %mul3A_367 : i32
        %swap3A_370 = arith.index_cast %add3A_369 : i32 to index
        %swap3A_371 = tpu.vector_load %arg7[%swap3A_370] {strides = array<i32>} : memref<16384xi32, #tpu.memory_space<vmem>>, vector<16xi32>,
        tpu.vector_store %arg7[%swap3A_370], %gather3A_304 {strides = array<i32>} : memref<16384xi32, #tpu.memory_space<vmem>>, vector<16xi32>,
        %add3A_372 = arith.constant 5 : i32
        %add3A_373 = arith.addi %mul3A_80, %add3A_372 : i32
        %mul3A_374 = arith.constant 16 : i32
        %mul3A_375 = arith.muli %add3A_373, %mul3A_374 : i32
        %add3A_376 = arith.constant 0 : i32
        %add3A_377 = arith.addi %add3A_376, %mul3A_375 : i32
        %swap3A_378 = arith.index_cast %add3A_377 : i32 to index
        %swap3A_379 = tpu.vector_load %arg7[%swap3A_378] {strides = array<i32>} : memref<16384xi32, #tpu.memory_space<vmem>>, vector<16xi32>,
        tpu.vector_store %arg7[%swap3A_378], %gather3A_308 {strides = array<i32>} : memref<16384xi32, #tpu.memory_space<vmem>>, vector<16xi32>,
        %add3A_380 = arith.constant 6 : i32
        %add3A_381 = arith.addi %mul3A_80, %add3A_380 : i32
        %mul3A_382 = arith.constant 16 : i32
        %mul3A_383 = arith.muli %add3A_381, %mul3A_382 : i32
        %add3A_384 = arith.constant 0 : i32
        %add3A_385 = arith.addi %add3A_384, %mul3A_383 : i32
        %swap3A_386 = arith.index_cast %add3A_385 : i32 to index
        %swap3A_387 = tpu.vector_load %arg7[%swap3A_386] {strides = array<i32>} : memref<16384xi32, #tpu.memory_space<vmem>>, vector<16xi32>,
        tpu.vector_store %arg7[%swap3A_386], %gather3A_312 {strides = array<i32>} : memref<16384xi32, #tpu.memory_space<vmem>>, vector<16xi32>,
        %add3A_388 = arith.constant 7 : i32
        %add3A_389 = arith.addi %mul3A_80, %add3A_388 : i32
        %mul3A_390 = arith.constant 16 : i32
        %mul3A_391 = arith.muli %add3A_389, %mul3A_390 : i32
        %add3A_392 = arith.constant 0 : i32
        %add3A_393 = arith.addi %add3A_392, %mul3A_391 : i32
        %swap3A_394 = arith.index_cast %add3A_393 : i32 to index
        %swap3A_395 = tpu.vector_load %arg7[%swap3A_394] {strides = array<i32>} : memref<16384xi32, #tpu.memory_space<vmem>>, vector<16xi32>,
        tpu.vector_store %arg7[%swap3A_394], %gather3A_316 {strides = array<i32>} : memref<16384xi32, #tpu.memory_space<vmem>>, vector<16xi32>,
        %add3A_396 = arith.constant 408 : i32
        %add3A_397 = vector.broadcast %add3A_396 : i32 to vector<16xi32>
        %add3A_398 = arith.addi %iota3A_4, %add3A_397 : vector<16xi32>
        %gather3A_399 = tpu.vector_load_idx %arg8[%add3A_398] : memref<544xi32, #tpu.memory_space<vmem>>[vector<16xi32>], vector<16xi32>,
        %add3A_400 = arith.constant 442 : i32
        %add3A_401 = vector.broadcast %add3A_400 : i32 to vector<16xi32>
        %add3A_402 = arith.addi %iota3A_4, %add3A_401 : vector<16xi32>
        %gather3A_403 = tpu.vector_load_idx %arg8[%add3A_402] : memref<544xi32, #tpu.memory_space<vmem>>[vector<16xi32>], vector<16xi32>,
        %add3A_404 = arith.constant 476 : i32
        %add3A_405 = vector.broadcast %add3A_404 : i32 to vector<16xi32>
        %add3A_406 = arith.addi %iota3A_4, %add3A_405 : vector<16xi32>
        %gather3A_407 = tpu.vector_load_idx %arg8[%add3A_406] : memref<544xi32, #tpu.memory_space<vmem>>[vector<16xi32>], vector<16xi32>,
        %add3A_408 = arith.constant 510 : i32
        %add3A_409 = vector.broadcast %add3A_408 : i32 to vector<16xi32>
        %add3A_410 = arith.addi %iota3A_4, %add3A_409 : vector<16xi32>
        %gather3A_411 = tpu.vector_load_idx %arg8[%add3A_410] : memref<544xi32, #tpu.memory_space<vmem>>[vector<16xi32>], vector<16xi32>,
        %add3A_412 = arith.constant 8 : i32
        %add3A_413 = arith.addi %mul3A_80, %add3A_412 : i32
        %mul3A_414 = arith.constant 16 : i32
        %mul3A_415 = arith.muli %add3A_413, %mul3A_414 : i32
        %add3A_416 = arith.constant 0 : i32
        %add3A_417 = arith.addi %add3A_416, %mul3A_415 : i32
        %swap3A_418 = arith.index_cast %add3A_417 : i32 to index
        %swap3A_419 = tpu.vector_load %arg7[%swap3A_418] {strides = array<i32>} : memref<16384xi32, #tpu.memory_space<vmem>>, vector<16xi32>,
        tpu.vector_store %arg7[%swap3A_418], %gather3A_351 {strides = array<i32>} : memref<16384xi32, #tpu.memory_space<vmem>>, vector<16xi32>,
        %add3A_420 = arith.constant 9 : i32
        %add3A_421 = arith.addi %mul3A_80, %add3A_420 : i32
        %mul3A_422 = arith.constant 16 : i32
        %mul3A_423 = arith.muli %add3A_421, %mul3A_422 : i32
        %add3A_424 = arith.constant 0 : i32
        %add3A_425 = arith.addi %add3A_424, %mul3A_423 : i32
        %swap3A_426 = arith.index_cast %add3A_425 : i32 to index
        %swap3A_427 = tpu.vector_load %arg7[%swap3A_426] {strides = array<i32>} : memref<16384xi32, #tpu.memory_space<vmem>>, vector<16xi32>,
        tpu.vector_store %arg7[%swap3A_426], %gather3A_355 {strides = array<i32>} : memref<16384xi32, #tpu.memory_space<vmem>>, vector<16xi32>,
        %add3A_428 = arith.constant 10 : i32
        %add3A_429 = arith.addi %mul3A_80, %add3A_428 : i32
        %mul3A_430 = arith.constant 16 : i32
        %mul3A_431 = arith.muli %add3A_429, %mul3A_430 : i32
        %add3A_432 = arith.constant 0 : i32
        %add3A_433 = arith.addi %add3A_432, %mul3A_431 : i32
        %swap3A_434 = arith.index_cast %add3A_433 : i32 to index
        %swap3A_435 = tpu.vector_load %arg7[%swap3A_434] {strides = array<i32>} : memref<16384xi32, #tpu.memory_space<vmem>>, vector<16xi32>,
        tpu.vector_store %arg7[%swap3A_434], %gather3A_359 {strides = array<i32>} : memref<16384xi32, #tpu.memory_space<vmem>>, vector<16xi32>,
        %add3A_436 = arith.constant 11 : i32
        %add3A_437 = arith.addi %mul3A_80, %add3A_436 : i32
        %mul3A_438 = arith.constant 16 : i32
        %mul3A_439 = arith.muli %add3A_437, %mul3A_438 : i32
        %add3A_440 = arith.constant 0 : i32
        %add3A_441 = arith.addi %add3A_440, %mul3A_439 : i32
        %swap3A_442 = arith.index_cast %add3A_441 : i32 to index
        %swap3A_443 = tpu.vector_load %arg7[%swap3A_442] {strides = array<i32>} : memref<16384xi32, #tpu.memory_space<vmem>>, vector<16xi32>,
        tpu.vector_store %arg7[%swap3A_442], %gather3A_363 {strides = array<i32>} : memref<16384xi32, #tpu.memory_space<vmem>>, vector<16xi32>,
        %add3A_444 = arith.constant 12 : i32
        %add3A_445 = arith.addi %mul3A_80, %add3A_444 : i32
        %mul3A_446 = arith.constant 16 : i32
        %mul3A_447 = arith.muli %add3A_445, %mul3A_446 : i32
        %add3A_448 = arith.constant 0 : i32
        %add3A_449 = arith.addi %add3A_448, %mul3A_447 : i32
        %swap3A_450 = arith.index_cast %add3A_449 : i32 to index
        %swap3A_451 = tpu.vector_load %arg7[%swap3A_450] {strides = array<i32>} : memref<16384xi32, #tpu.memory_space<vmem>>, vector<16xi32>,
        tpu.vector_store %arg7[%swap3A_450], %gather3A_399 {strides = array<i32>} : memref<16384xi32, #tpu.memory_space<vmem>>, vector<16xi32>,
        %add3A_452 = arith.constant 13 : i32
        %add3A_453 = arith.addi %mul3A_80, %add3A_452 : i32
        %mul3A_454 = arith.constant 16 : i32
        %mul3A_455 = arith.muli %add3A_453, %mul3A_454 : i32
        %add3A_456 = arith.constant 0 : i32
        %add3A_457 = arith.addi %add3A_456, %mul3A_455 : i32
        %swap3A_458 = arith.index_cast %add3A_457 : i32 to index
        %swap3A_459 = tpu.vector_load %arg7[%swap3A_458] {strides = array<i32>} : memref<16384xi32, #tpu.memory_space<vmem>>, vector<16xi32>,
        tpu.vector_store %arg7[%swap3A_458], %gather3A_403 {strides = array<i32>} : memref<16384xi32, #tpu.memory_space<vmem>>, vector<16xi32>,
        %add3A_460 = arith.constant 14 : i32
        %add3A_461 = arith.addi %mul3A_80, %add3A_460 : i32
        %mul3A_462 = arith.constant 16 : i32
        %mul3A_463 = arith.muli %add3A_461, %mul3A_462 : i32
        %add3A_464 = arith.constant 0 : i32
        %add3A_465 = arith.addi %add3A_464, %mul3A_463 : i32
        %swap3A_466 = arith.index_cast %add3A_465 : i32 to index
        %swap3A_467 = tpu.vector_load %arg7[%swap3A_466] {strides = array<i32>} : memref<16384xi32, #tpu.memory_space<vmem>>, vector<16xi32>,
        tpu.vector_store %arg7[%swap3A_466], %gather3A_407 {strides = array<i32>} : memref<16384xi32, #tpu.memory_space<vmem>>, vector<16xi32>,
        %add3A_468 = arith.constant 15 : i32
        %add3A_469 = arith.addi %mul3A_80, %add3A_468 : i32
        %mul3A_470 = arith.constant 16 : i32
        %mul3A_471 = arith.muli %add3A_469, %mul3A_470 : i32
        %add3A_472 = arith.constant 0 : i32
        %add3A_473 = arith.addi %add3A_472, %mul3A_471 : i32
        %swap3A_474 = arith.index_cast %add3A_473 : i32 to index
        %swap3A_475 = tpu.vector_load %arg7[%swap3A_474] {strides = array<i32>} : memref<16384xi32, #tpu.memory_space<vmem>>, vector<16xi32>,
        tpu.vector_store %arg7[%swap3A_474], %gather3A_411 {strides = array<i32>} : memref<16384xi32, #tpu.memory_space<vmem>>, vector<16xi32>,
      }
      %scan3A_69 = arith.constant 32 : i32
      %multiple_of3A_70 = arith.constant 0 : i32
      %multiple_of3A_71 = tpu.assume_multiple %multiple_of3A_70, 8 : i32
      "tpu.region"() ({
        %run_scoped3A = tpu.sem_alloc : memref<!tpu.dma_semaphore, #tpu.memory_space<semaphore_mem>>
        %dma_start3A_78 = tpu.memref_slice %arg7[%multiple_of3A_71] : memref<16384xi32, #tpu.memory_space<vmem>> -> memref<8192xi32, #tpu.memory_space<vmem>>
        %dma_start3A_79 = arith.constant 15990784 : i32
        %dma_start3A_80 = tpu.memref_slice %arg4[%dma_start3A_79] : memref<16000000xi32, #tpu.memory_space<hbm>> -> memref<8192xi32, #tpu.memory_space<hbm>>
        %dma_start3A_81 = arith.constant 15990784 : i32
        %dma_start3A_82 = tpu.memref_slice %arg4[%dma_start3A_81] : memref<16000000xi32, #tpu.memory_space<hbm>> -> memref<8192xi32, #tpu.memory_space<hbm>>
        %dma_start3A_83 = tpu.memref_slice %arg7[%multiple_of3A_71] : memref<16384xi32, #tpu.memory_space<vmem>> -> memref<8192xi32, #tpu.memory_space<vmem>>
        tpu.enqueue_dma source(%dma_start3A_83 : memref<8192xi32, #tpu.memory_space<vmem>>) target(%dma_start3A_82 : memref<8192xi32, #tpu.memory_space<hbm>>) target_semaphore(%run_scoped3A : memref<!tpu.dma_semaphore, #tpu.memory_space<semaphore_mem>>)
        %dma_wait3A_84 = tpu.memref_slice %arg7[%multiple_of3A_71] : memref<16384xi32, #tpu.memory_space<vmem>> -> memref<8192xi32, #tpu.memory_space<vmem>>
        %dma_wait3A_85 = arith.constant 15990784 : i32
        %dma_wait3A_86 = tpu.memref_slice %arg4[%dma_wait3A_85] : memref<16000000xi32, #tpu.memory_space<hbm>> -> memref<8192xi32, #tpu.memory_space<hbm>>
        %dma_wait3A_87 = arith.constant 15990784 : i32
        %dma_wait3A_88 = tpu.memref_slice %arg4[%dma_wait3A_87] : memref<16000000xi32, #tpu.memory_space<hbm>> -> memref<8192xi32, #tpu.memory_space<hbm>>
        %dma_wait3A_89 = tpu.memref_slice %arg7[%multiple_of3A_71] : memref<16384xi32, #tpu.memory_space<vmem>> -> memref<8192xi32, #tpu.memory_space<vmem>>
        tpu.wait_dma2 semaphore(%run_scoped3A : memref<!tpu.dma_semaphore, #tpu.memory_space<semaphore_mem>>) src(%dma_wait3A_89 : memref<8192xi32, #tpu.memory_space<vmem>>) dst(%dma_wait3A_88 : memref<8192xi32, #tpu.memory_space<hbm>>)
        tpu.yield
      }) : () -> ()
      "tpu.region"() ({
        %run_scoped3A = tpu.sem_alloc : memref<!tpu.dma_semaphore, #tpu.memory_space<semaphore_mem>>
        tpu.enqueue_dma source(%arg3 : memref<32x128xf32, #tpu.memory_space<hbm>>) target(%arg6 : memref<32x128xf32, #tpu.memory_space<vmem>>) target_semaphore(%run_scoped3A : memref<!tpu.dma_semaphore, #tpu.memory_space<semaphore_mem>>)
        tpu.wait_dma2 semaphore(%run_scoped3A : memref<!tpu.dma_semaphore, #tpu.memory_space<semaphore_mem>>) src(%arg3 : memref<32x128xf32, #tpu.memory_space<hbm>>) dst(%arg6 : memref<32x128xf32, #tpu.memory_space<vmem>>)
        tpu.yield
      }) : () -> ()
      %scan3A_72 = arith.constant 0 : i32
      %scan3A_73 = arith.constant 0 : i32
      %scan3A_74 = arith.constant 8 : i32
      %scan3A_75 = arith.addi %scan3A_73, %scan3A_74 : i32
      %scan3A_76 = arith.constant 1 : i32
      scf.for %scan3A_78 = %scan3A_73 to %scan3A_75 step %scan3A_76  : i32 {
        %mul3A_79 = arith.constant 16 : i32
        %mul3A_80 = arith.muli %scan3A_78, %mul3A_79 : i32
        %get3A = arith.constant 0 : i32
        %get3A_81 = arith.index_cast %get3A : i32 to index
        %get3A_82 = arith.index_cast %mul3A_80 : i32 to index
        %get3A_83 = tpu.vector_load %arg6[%get3A_81, %get3A_82] {strides = array<i32>} : memref<32x128xf32, #tpu.memory_space<vmem>>, vector<16xf32>,
        %get3A_84 = arith.constant 16 : i32
        %get3A_85 = arith.index_cast %get3A_84 : i32 to index
        %get3A_86 = arith.index_cast %mul3A_80 : i32 to index
        %get3A_87 = tpu.vector_load %arg6[%get3A_85, %get3A_86] {strides = array<i32>} : memref<32x128xf32, #tpu.memory_space<vmem>>, vector<16xf32>,
        %pack3A = tpu.pack_subelements %get3A_83, %get3A_87 {pack_format = #tpu.pack_format<interleaved>, positions = array<i32: 0, 1>} : vector<16xf32>, vector<16xf32> -> vector<32xbf16>
        %bitcast3A = vector.bitcast %pack3A : vector<32xbf16> to vector<16xi32>
        %get3A_88 = arith.constant 1 : i32
        %get3A_89 = arith.index_cast %get3A_88 : i32 to index
        %get3A_90 = arith.index_cast %mul3A_80 : i32 to index
        %get3A_91 = tpu.vector_load %arg6[%get3A_89, %get3A_90] {strides = array<i32>} : memref<32x128xf32, #tpu.memory_space<vmem>>, vector<16xf32>,
        %get3A_92 = arith.constant 17 : i32
        %get3A_93 = arith.index_cast %get3A_92 : i32 to index
        %get3A_94 = arith.index_cast %mul3A_80 : i32 to index
        %get3A_95 = tpu.vector_load %arg6[%get3A_93, %get3A_94] {strides = array<i32>} : memref<32x128xf32, #tpu.memory_space<vmem>>, vector<16xf32>,
        %pack3A_96 = tpu.pack_subelements %get3A_91, %get3A_95 {pack_format = #tpu.pack_format<interleaved>, positions = array<i32: 0, 1>} : vector<16xf32>, vector<16xf32> -> vector<32xbf16>
        %bitcast3A_97 = vector.bitcast %pack3A_96 : vector<32xbf16> to vector<16xi32>
        %get3A_98 = arith.constant 2 : i32
        %get3A_99 = arith.index_cast %get3A_98 : i32 to index
        %get3A_100 = arith.index_cast %mul3A_80 : i32 to index
        %get3A_101 = tpu.vector_load %arg6[%get3A_99, %get3A_100] {strides = array<i32>} : memref<32x128xf32, #tpu.memory_space<vmem>>, vector<16xf32>,
        %get3A_102 = arith.constant 18 : i32
        %get3A_103 = arith.index_cast %get3A_102 : i32 to index
        %get3A_104 = arith.index_cast %mul3A_80 : i32 to index
        %get3A_105 = tpu.vector_load %arg6[%get3A_103, %get3A_104] {strides = array<i32>} : memref<32x128xf32, #tpu.memory_space<vmem>>, vector<16xf32>,
        %pack3A_106 = tpu.pack_subelements %get3A_101, %get3A_105 {pack_format = #tpu.pack_format<interleaved>, positions = array<i32: 0, 1>} : vector<16xf32>, vector<16xf32> -> vector<32xbf16>
        %bitcast3A_107 = vector.bitcast %pack3A_106 : vector<32xbf16> to vector<16xi32>
        %get3A_108 = arith.constant 3 : i32
        %get3A_109 = arith.index_cast %get3A_108 : i32 to index
        %get3A_110 = arith.index_cast %mul3A_80 : i32 to index
        %get3A_111 = tpu.vector_load %arg6[%get3A_109, %get3A_110] {strides = array<i32>} : memref<32x128xf32, #tpu.memory_space<vmem>>, vector<16xf32>,
        %get3A_112 = arith.constant 19 : i32
        %get3A_113 = arith.index_cast %get3A_112 : i32 to index
        %get3A_114 = arith.index_cast %mul3A_80 : i32 to index
        %get3A_115 = tpu.vector_load %arg6[%get3A_113, %get3A_114] {strides = array<i32>} : memref<32x128xf32, #tpu.memory_space<vmem>>, vector<16xf32>,
        %pack3A_116 = tpu.pack_subelements %get3A_111, %get3A_115 {pack_format = #tpu.pack_format<interleaved>, positions = array<i32: 0, 1>} : vector<16xf32>, vector<16xf32> -> vector<32xbf16>
        %bitcast3A_117 = vector.bitcast %pack3A_116 : vector<32xbf16> to vector<16xi32>
        %get3A_118 = arith.constant 4 : i32
        %get3A_119 = arith.index_cast %get3A_118 : i32 to index
        %get3A_120 = arith.index_cast %mul3A_80 : i32 to index
        %get3A_121 = tpu.vector_load %arg6[%get3A_119, %get3A_120] {strides = array<i32>} : memref<32x128xf32, #tpu.memory_space<vmem>>, vector<16xf32>,
        %get3A_122 = arith.constant 20 : i32
        %get3A_123 = arith.index_cast %get3A_122 : i32 to index
        %get3A_124 = arith.index_cast %mul3A_80 : i32 to index
        %get3A_125 = tpu.vector_load %arg6[%get3A_123, %get3A_124] {strides = array<i32>} : memref<32x128xf32, #tpu.memory_space<vmem>>, vector<16xf32>,
        %pack3A_126 = tpu.pack_subelements %get3A_121, %get3A_125 {pack_format = #tpu.pack_format<interleaved>, positions = array<i32: 0, 1>} : vector<16xf32>, vector<16xf32> -> vector<32xbf16>
        %bitcast3A_127 = vector.bitcast %pack3A_126 : vector<32xbf16> to vector<16xi32>
        %get3A_128 = arith.constant 5 : i32
        %get3A_129 = arith.index_cast %get3A_128 : i32 to index
        %get3A_130 = arith.index_cast %mul3A_80 : i32 to index
        %get3A_131 = tpu.vector_load %arg6[%get3A_129, %get3A_130] {strides = array<i32>} : memref<32x128xf32, #tpu.memory_space<vmem>>, vector<16xf32>,
        %get3A_132 = arith.constant 21 : i32
        %get3A_133 = arith.index_cast %get3A_132 : i32 to index
        %get3A_134 = arith.index_cast %mul3A_80 : i32 to index
        %get3A_135 = tpu.vector_load %arg6[%get3A_133, %get3A_134] {strides = array<i32>} : memref<32x128xf32, #tpu.memory_space<vmem>>, vector<16xf32>,
        %pack3A_136 = tpu.pack_subelements %get3A_131, %get3A_135 {pack_format = #tpu.pack_format<interleaved>, positions = array<i32: 0, 1>} : vector<16xf32>, vector<16xf32> -> vector<32xbf16>
        %bitcast3A_137 = vector.bitcast %pack3A_136 : vector<32xbf16> to vector<16xi32>
        %get3A_138 = arith.constant 6 : i32
        %get3A_139 = arith.index_cast %get3A_138 : i32 to index
        %get3A_140 = arith.index_cast %mul3A_80 : i32 to index
        %get3A_141 = tpu.vector_load %arg6[%get3A_139, %get3A_140] {strides = array<i32>} : memref<32x128xf32, #tpu.memory_space<vmem>>, vector<16xf32>,
        %get3A_142 = arith.constant 22 : i32
        %get3A_143 = arith.index_cast %get3A_142 : i32 to index
        %get3A_144 = arith.index_cast %mul3A_80 : i32 to index
        %get3A_145 = tpu.vector_load %arg6[%get3A_143, %get3A_144] {strides = array<i32>} : memref<32x128xf32, #tpu.memory_space<vmem>>, vector<16xf32>,
        %pack3A_146 = tpu.pack_subelements %get3A_141, %get3A_145 {pack_format = #tpu.pack_format<interleaved>, positions = array<i32: 0, 1>} : vector<16xf32>, vector<16xf32> -> vector<32xbf16>
        %bitcast3A_147 = vector.bitcast %pack3A_146 : vector<32xbf16> to vector<16xi32>
        %get3A_148 = arith.constant 7 : i32
        %get3A_149 = arith.index_cast %get3A_148 : i32 to index
        %get3A_150 = arith.index_cast %mul3A_80 : i32 to index
        %get3A_151 = tpu.vector_load %arg6[%get3A_149, %get3A_150] {strides = array<i32>} : memref<32x128xf32, #tpu.memory_space<vmem>>, vector<16xf32>,
        %get3A_152 = arith.constant 23 : i32
        %get3A_153 = arith.index_cast %get3A_152 : i32 to index
        %get3A_154 = arith.index_cast %mul3A_80 : i32 to index
        %get3A_155 = tpu.vector_load %arg6[%get3A_153, %get3A_154] {strides = array<i32>} : memref<32x128xf32, #tpu.memory_space<vmem>>, vector<16xf32>,
        %pack3A_156 = tpu.pack_subelements %get3A_151, %get3A_155 {pack_format = #tpu.pack_format<interleaved>, positions = array<i32: 0, 1>} : vector<16xf32>, vector<16xf32> -> vector<32xbf16>
        %bitcast3A_157 = vector.bitcast %pack3A_156 : vector<32xbf16> to vector<16xi32>
        %add3A_158 = arith.constant 0 : i32
        %add3A_159 = vector.broadcast %add3A_158 : i32 to vector<16xi32>
        %add3A_160 = arith.addi %mul3A_7, %add3A_159 : vector<16xi32>
        tpu.vector_store_idx %arg8[%add3A_160], %bitcast3A : memref<544xi32, #tpu.memory_space<vmem>>[vector<16xi32>], vector<16xi32>,
        %add3A_161 = arith.constant 1 : i32
        %add3A_162 = vector.broadcast %add3A_161 : i32 to vector<16xi32>
        %add3A_163 = arith.addi %mul3A_7, %add3A_162 : vector<16xi32>
        tpu.vector_store_idx %arg8[%add3A_163], %bitcast3A_97 : memref<544xi32, #tpu.memory_space<vmem>>[vector<16xi32>], vector<16xi32>,
        %add3A_164 = arith.constant 2 : i32
        %add3A_165 = vector.broadcast %add3A_164 : i32 to vector<16xi32>
        %add3A_166 = arith.addi %mul3A_7, %add3A_165 : vector<16xi32>
        tpu.vector_store_idx %arg8[%add3A_166], %bitcast3A_107 : memref<544xi32, #tpu.memory_space<vmem>>[vector<16xi32>], vector<16xi32>,
        %add3A_167 = arith.constant 3 : i32
        %add3A_168 = vector.broadcast %add3A_167 : i32 to vector<16xi32>
        %add3A_169 = arith.addi %mul3A_7, %add3A_168 : vector<16xi32>
        tpu.vector_store_idx %arg8[%add3A_169], %bitcast3A_117 : memref<544xi32, #tpu.memory_space<vmem>>[vector<16xi32>], vector<16xi32>,
        %get3A_170 = arith.constant 8 : i32
        %get3A_171 = arith.index_cast %get3A_170 : i32 to index
        %get3A_172 = arith.index_cast %mul3A_80 : i32 to index
        %get3A_173 = tpu.vector_load %arg6[%get3A_171, %get3A_172] {strides = array<i32>} : memref<32x128xf32, #tpu.memory_space<vmem>>, vector<16xf32>,
        %get3A_174 = arith.constant 24 : i32
        %get3A_175 = arith.index_cast %get3A_174 : i32 to index
        %get3A_176 = arith.index_cast %mul3A_80 : i32 to index
        %get3A_177 = tpu.vector_load %arg6[%get3A_175, %get3A_176] {strides = array<i32>} : memref<32x128xf32, #tpu.memory_space<vmem>>, vector<16xf32>,
        %pack3A_178 = tpu.pack_subelements %get3A_173, %get3A_177 {pack_format = #tpu.pack_format<interleaved>, positions = array<i32: 0, 1>} : vector<16xf32>, vector<16xf32> -> vector<32xbf16>
        %bitcast3A_179 = vector.bitcast %pack3A_178 : vector<32xbf16> to vector<16xi32>
        %get3A_180 = arith.constant 9 : i32
        %get3A_181 = arith.index_cast %get3A_180 : i32 to index
        %get3A_182 = arith.index_cast %mul3A_80 : i32 to index
        %get3A_183 = tpu.vector_load %arg6[%get3A_181, %get3A_182] {strides = array<i32>} : memref<32x128xf32, #tpu.memory_space<vmem>>, vector<16xf32>,
        %get3A_184 = arith.constant 25 : i32
        %get3A_185 = arith.index_cast %get3A_184 : i32 to index
        %get3A_186 = arith.index_cast %mul3A_80 : i32 to index
        %get3A_187 = tpu.vector_load %arg6[%get3A_185, %get3A_186] {strides = array<i32>} : memref<32x128xf32, #tpu.memory_space<vmem>>, vector<16xf32>,
        %pack3A_188 = tpu.pack_subelements %get3A_183, %get3A_187 {pack_format = #tpu.pack_format<interleaved>, positions = array<i32: 0, 1>} : vector<16xf32>, vector<16xf32> -> vector<32xbf16>
        %bitcast3A_189 = vector.bitcast %pack3A_188 : vector<32xbf16> to vector<16xi32>
        %get3A_190 = arith.constant 10 : i32
        %get3A_191 = arith.index_cast %get3A_190 : i32 to index
        %get3A_192 = arith.index_cast %mul3A_80 : i32 to index
        %get3A_193 = tpu.vector_load %arg6[%get3A_191, %get3A_192] {strides = array<i32>} : memref<32x128xf32, #tpu.memory_space<vmem>>, vector<16xf32>,
        %get3A_194 = arith.constant 26 : i32
        %get3A_195 = arith.index_cast %get3A_194 : i32 to index
        %get3A_196 = arith.index_cast %mul3A_80 : i32 to index
        %get3A_197 = tpu.vector_load %arg6[%get3A_195, %get3A_196] {strides = array<i32>} : memref<32x128xf32, #tpu.memory_space<vmem>>, vector<16xf32>,
        %pack3A_198 = tpu.pack_subelements %get3A_193, %get3A_197 {pack_format = #tpu.pack_format<interleaved>, positions = array<i32: 0, 1>} : vector<16xf32>, vector<16xf32> -> vector<32xbf16>
        %bitcast3A_199 = vector.bitcast %pack3A_198 : vector<32xbf16> to vector<16xi32>
        %get3A_200 = arith.constant 11 : i32
        %get3A_201 = arith.index_cast %get3A_200 : i32 to index
        %get3A_202 = arith.index_cast %mul3A_80 : i32 to index
        %get3A_203 = tpu.vector_load %arg6[%get3A_201, %get3A_202] {strides = array<i32>} : memref<32x128xf32, #tpu.memory_space<vmem>>, vector<16xf32>,
        %get3A_204 = arith.constant 27 : i32
        %get3A_205 = arith.index_cast %get3A_204 : i32 to index
        %get3A_206 = arith.index_cast %mul3A_80 : i32 to index
        %get3A_207 = tpu.vector_load %arg6[%get3A_205, %get3A_206] {strides = array<i32>} : memref<32x128xf32, #tpu.memory_space<vmem>>, vector<16xf32>,
        %pack3A_208 = tpu.pack_subelements %get3A_203, %get3A_207 {pack_format = #tpu.pack_format<interleaved>, positions = array<i32: 0, 1>} : vector<16xf32>, vector<16xf32> -> vector<32xbf16>
        %bitcast3A_209 = vector.bitcast %pack3A_208 : vector<32xbf16> to vector<16xi32>
        %add3A_210 = arith.constant 4 : i32
        %add3A_211 = vector.broadcast %add3A_210 : i32 to vector<16xi32>
        %add3A_212 = arith.addi %mul3A_7, %add3A_211 : vector<16xi32>
        tpu.vector_store_idx %arg8[%add3A_212], %bitcast3A_127 : memref<544xi32, #tpu.memory_space<vmem>>[vector<16xi32>], vector<16xi32>,
        %add3A_213 = arith.constant 5 : i32
        %add3A_214 = vector.broadcast %add3A_213 : i32 to vector<16xi32>
        %add3A_215 = arith.addi %mul3A_7, %add3A_214 : vector<16xi32>
        tpu.vector_store_idx %arg8[%add3A_215], %bitcast3A_137 : memref<544xi32, #tpu.memory_space<vmem>>[vector<16xi32>], vector<16xi32>,
        %add3A_216 = arith.constant 6 : i32
        %add3A_217 = vector.broadcast %add3A_216 : i32 to vector<16xi32>
        %add3A_218 = arith.addi %mul3A_7, %add3A_217 : vector<16xi32>
        tpu.vector_store_idx %arg8[%add3A_218], %bitcast3A_147 : memref<544xi32, #tpu.memory_space<vmem>>[vector<16xi32>], vector<16xi32>,
        %add3A_219 = arith.constant 7 : i32
        %add3A_220 = vector.broadcast %add3A_219 : i32 to vector<16xi32>
        %add3A_221 = arith.addi %mul3A_7, %add3A_220 : vector<16xi32>
        tpu.vector_store_idx %arg8[%add3A_221], %bitcast3A_157 : memref<544xi32, #tpu.memory_space<vmem>>[vector<16xi32>], vector<16xi32>,
        %get3A_222 = arith.constant 12 : i32
        %get3A_223 = arith.index_cast %get3A_222 : i32 to index
        %get3A_224 = arith.index_cast %mul3A_80 : i32 to index
        %get3A_225 = tpu.vector_load %arg6[%get3A_223, %get3A_224] {strides = array<i32>} : memref<32x128xf32, #tpu.memory_space<vmem>>, vector<16xf32>,
        %get3A_226 = arith.constant 28 : i32
        %get3A_227 = arith.index_cast %get3A_226 : i32 to index
        %get3A_228 = arith.index_cast %mul3A_80 : i32 to index
        %get3A_229 = tpu.vector_load %arg6[%get3A_227, %get3A_228] {strides = array<i32>} : memref<32x128xf32, #tpu.memory_space<vmem>>, vector<16xf32>,
        %pack3A_230 = tpu.pack_subelements %get3A_225, %get3A_229 {pack_format = #tpu.pack_format<interleaved>, positions = array<i32: 0, 1>} : vector<16xf32>, vector<16xf32> -> vector<32xbf16>
        %bitcast3A_231 = vector.bitcast %pack3A_230 : vector<32xbf16> to vector<16xi32>
        %get3A_232 = arith.constant 13 : i32
        %get3A_233 = arith.index_cast %get3A_232 : i32 to index
        %get3A_234 = arith.index_cast %mul3A_80 : i32 to index
        %get3A_235 = tpu.vector_load %arg6[%get3A_233, %get3A_234] {strides = array<i32>} : memref<32x128xf32, #tpu.memory_space<vmem>>, vector<16xf32>,
        %get3A_236 = arith.constant 29 : i32
        %get3A_237 = arith.index_cast %get3A_236 : i32 to index
        %get3A_238 = arith.index_cast %mul3A_80 : i32 to index
        %get3A_239 = tpu.vector_load %arg6[%get3A_237, %get3A_238] {strides = array<i32>} : memref<32x128xf32, #tpu.memory_space<vmem>>, vector<16xf32>,
        %pack3A_240 = tpu.pack_subelements %get3A_235, %get3A_239 {pack_format = #tpu.pack_format<interleaved>, positions = array<i32: 0, 1>} : vector<16xf32>, vector<16xf32> -> vector<32xbf16>
        %bitcast3A_241 = vector.bitcast %pack3A_240 : vector<32xbf16> to vector<16xi32>
        %get3A_242 = arith.constant 14 : i32
        %get3A_243 = arith.index_cast %get3A_242 : i32 to index
        %get3A_244 = arith.index_cast %mul3A_80 : i32 to index
        %get3A_245 = tpu.vector_load %arg6[%get3A_243, %get3A_244] {strides = array<i32>} : memref<32x128xf32, #tpu.memory_space<vmem>>, vector<16xf32>,
        %get3A_246 = arith.constant 30 : i32
        %get3A_247 = arith.index_cast %get3A_246 : i32 to index
        %get3A_248 = arith.index_cast %mul3A_80 : i32 to index
        %get3A_249 = tpu.vector_load %arg6[%get3A_247, %get3A_248] {strides = array<i32>} : memref<32x128xf32, #tpu.memory_space<vmem>>, vector<16xf32>,
        %pack3A_250 = tpu.pack_subelements %get3A_245, %get3A_249 {pack_format = #tpu.pack_format<interleaved>, positions = array<i32: 0, 1>} : vector<16xf32>, vector<16xf32> -> vector<32xbf16>
        %bitcast3A_251 = vector.bitcast %pack3A_250 : vector<32xbf16> to vector<16xi32>
        %get3A_252 = arith.constant 15 : i32
        %get3A_253 = arith.index_cast %get3A_252 : i32 to index
        %get3A_254 = arith.index_cast %mul3A_80 : i32 to index
        %get3A_255 = tpu.vector_load %arg6[%get3A_253, %get3A_254] {strides = array<i32>} : memref<32x128xf32, #tpu.memory_space<vmem>>, vector<16xf32>,
        %get3A_256 = arith.constant 31 : i32
        %get3A_257 = arith.index_cast %get3A_256 : i32 to index
        %get3A_258 = arith.index_cast %mul3A_80 : i32 to index
        %get3A_259 = tpu.vector_load %arg6[%get3A_257, %get3A_258] {strides = array<i32>} : memref<32x128xf32, #tpu.memory_space<vmem>>, vector<16xf32>,
        %pack3A_260 = tpu.pack_subelements %get3A_255, %get3A_259 {pack_format = #tpu.pack_format<interleaved>, positions = array<i32: 0, 1>} : vector<16xf32>, vector<16xf32> -> vector<32xbf16>
        %bitcast3A_261 = vector.bitcast %pack3A_260 : vector<32xbf16> to vector<16xi32>
        %add3A_262 = arith.constant 8 : i32
        %add3A_263 = vector.broadcast %add3A_262 : i32 to vector<16xi32>
        %add3A_264 = arith.addi %mul3A_7, %add3A_263 : vector<16xi32>
        tpu.vector_store_idx %arg8[%add3A_264], %bitcast3A_179 : memref<544xi32, #tpu.memory_space<vmem>>[vector<16xi32>], vector<16xi32>,
        %add3A_265 = arith.constant 9 : i32
        %add3A_266 = vector.broadcast %add3A_265 : i32 to vector<16xi32>
        %add3A_267 = arith.addi %mul3A_7, %add3A_266 : vector<16xi32>
        tpu.vector_store_idx %arg8[%add3A_267], %bitcast3A_189 : memref<544xi32, #tpu.memory_space<vmem>>[vector<16xi32>], vector<16xi32>,
        %add3A_268 = arith.constant 10 : i32
        %add3A_269 = vector.broadcast %add3A_268 : i32 to vector<16xi32>
        %add3A_270 = arith.addi %mul3A_7, %add3A_269 : vector<16xi32>
        tpu.vector_store_idx %arg8[%add3A_270], %bitcast3A_199 : memref<544xi32, #tpu.memory_space<vmem>>[vector<16xi32>], vector<16xi32>,
        %add3A_271 = arith.constant 11 : i32
        %add3A_272 = vector.broadcast %add3A_271 : i32 to vector<16xi32>
        %add3A_273 = arith.addi %mul3A_7, %add3A_272 : vector<16xi32>
        tpu.vector_store_idx %arg8[%add3A_273], %bitcast3A_209 : memref<544xi32, #tpu.memory_space<vmem>>[vector<16xi32>], vector<16xi32>,
        %add3A_274 = arith.constant 12 : i32
        %add3A_275 = vector.broadcast %add3A_274 : i32 to vector<16xi32>
        %add3A_276 = arith.addi %mul3A_7, %add3A_275 : vector<16xi32>
        tpu.vector_store_idx %arg8[%add3A_276], %bitcast3A_231 : memref<544xi32, #tpu.memory_space<vmem>>[vector<16xi32>], vector<16xi32>,
        %add3A_277 = arith.constant 13 : i32
        %add3A_278 = vector.broadcast %add3A_277 : i32 to vector<16xi32>
        %add3A_279 = arith.addi %mul3A_7, %add3A_278 : vector<16xi32>
        tpu.vector_store_idx %arg8[%add3A_279], %bitcast3A_241 : memref<544xi32, #tpu.memory_space<vmem>>[vector<16xi32>], vector<16xi32>,
        %add3A_280 = arith.constant 14 : i32
        %add3A_281 = vector.broadcast %add3A_280 : i32 to vector<16xi32>
        %add3A_282 = arith.addi %mul3A_7, %add3A_281 : vector<16xi32>
        tpu.vector_store_idx %arg8[%add3A_282], %bitcast3A_251 : memref<544xi32, #tpu.memory_space<vmem>>[vector<16xi32>], vector<16xi32>,
        %add3A_283 = arith.constant 15 : i32
        %add3A_284 = vector.broadcast %add3A_283 : i32 to vector<16xi32>
        %add3A_285 = arith.addi %mul3A_7, %add3A_284 : vector<16xi32>
        tpu.vector_store_idx %arg8[%add3A_285], %bitcast3A_261 : memref<544xi32, #tpu.memory_space<vmem>>[vector<16xi32>], vector<16xi32>,
        %add3A_286 = arith.constant 0 : i32
        %add3A_287 = vector.broadcast %add3A_286 : i32 to vector<16xi32>
        %add3A_288 = arith.addi %iota3A_4, %add3A_287 : vector<16xi32>
        %gather3A = tpu.vector_load_idx %arg8[%add3A_288] : memref<544xi32, #tpu.memory_space<vmem>>[vector<16xi32>], vector<16xi32>,
        %add3A_289 = arith.constant 34 : i32
        %add3A_290 = vector.broadcast %add3A_289 : i32 to vector<16xi32>
        %add3A_291 = arith.addi %iota3A_4, %add3A_290 : vector<16xi32>
        %gather3A_292 = tpu.vector_load_idx %arg8[%add3A_291] : memref<544xi32, #tpu.memory_space<vmem>>[vector<16xi32>], vector<16xi32>,
        %add3A_293 = arith.constant 68 : i32
        %add3A_294 = vector.broadcast %add3A_293 : i32 to vector<16xi32>
        %add3A_295 = arith.addi %iota3A_4, %add3A_294 : vector<16xi32>
        %gather3A_296 = tpu.vector_load_idx %arg8[%add3A_295] : memref<544xi32, #tpu.memory_space<vmem>>[vector<16xi32>], vector<16xi32>,
        %add3A_297 = arith.constant 102 : i32
        %add3A_298 = vector.broadcast %add3A_297 : i32 to vector<16xi32>
        %add3A_299 = arith.addi %iota3A_4, %add3A_298 : vector<16xi32>
        %gather3A_300 = tpu.vector_load_idx %arg8[%add3A_299] : memref<544xi32, #tpu.memory_space<vmem>>[vector<16xi32>], vector<16xi32>,
        %add3A_301 = arith.constant 136 : i32
        %add3A_302 = vector.broadcast %add3A_301 : i32 to vector<16xi32>
        %add3A_303 = arith.addi %iota3A_4, %add3A_302 : vector<16xi32>
        %gather3A_304 = tpu.vector_load_idx %arg8[%add3A_303] : memref<544xi32, #tpu.memory_space<vmem>>[vector<16xi32>], vector<16xi32>,
        %add3A_305 = arith.constant 170 : i32
        %add3A_306 = vector.broadcast %add3A_305 : i32 to vector<16xi32>
        %add3A_307 = arith.addi %iota3A_4, %add3A_306 : vector<16xi32>
        %gather3A_308 = tpu.vector_load_idx %arg8[%add3A_307] : memref<544xi32, #tpu.memory_space<vmem>>[vector<16xi32>], vector<16xi32>,
        %add3A_309 = arith.constant 204 : i32
        %add3A_310 = vector.broadcast %add3A_309 : i32 to vector<16xi32>
        %add3A_311 = arith.addi %iota3A_4, %add3A_310 : vector<16xi32>
        %gather3A_312 = tpu.vector_load_idx %arg8[%add3A_311] : memref<544xi32, #tpu.memory_space<vmem>>[vector<16xi32>], vector<16xi32>,
        %add3A_313 = arith.constant 238 : i32
        %add3A_314 = vector.broadcast %add3A_313 : i32 to vector<16xi32>
        %add3A_315 = arith.addi %iota3A_4, %add3A_314 : vector<16xi32>
        %gather3A_316 = tpu.vector_load_idx %arg8[%add3A_315] : memref<544xi32, #tpu.memory_space<vmem>>[vector<16xi32>], vector<16xi32>,
        %add3A_317 = arith.constant 0 : i32
        %add3A_318 = arith.addi %mul3A_80, %add3A_317 : i32
        %mul3A_319 = arith.constant 16 : i32
        %mul3A_320 = arith.muli %add3A_318, %mul3A_319 : i32
        %add3A_321 = arith.constant 0 : i32
        %add3A_322 = arith.addi %add3A_321, %mul3A_320 : i32
        %swap3A = arith.index_cast %add3A_322 : i32 to index
        %swap3A_323 = tpu.vector_load %arg7[%swap3A] {strides = array<i32>} : memref<16384xi32, #tpu.memory_space<vmem>>, vector<16xi32>,
        tpu.vector_store %arg7[%swap3A], %gather3A {strides = array<i32>} : memref<16384xi32, #tpu.memory_space<vmem>>, vector<16xi32>,
        %add3A_324 = arith.constant 1 : i32
        %add3A_325 = arith.addi %mul3A_80, %add3A_324 : i32
        %mul3A_326 = arith.constant 16 : i32
        %mul3A_327 = arith.muli %add3A_325, %mul3A_326 : i32
        %add3A_328 = arith.constant 0 : i32
        %add3A_329 = arith.addi %add3A_328, %mul3A_327 : i32
        %swap3A_330 = arith.index_cast %add3A_329 : i32 to index
        %swap3A_331 = tpu.vector_load %arg7[%swap3A_330] {strides = array<i32>} : memref<16384xi32, #tpu.memory_space<vmem>>, vector<16xi32>,
        tpu.vector_store %arg7[%swap3A_330], %gather3A_292 {strides = array<i32>} : memref<16384xi32, #tpu.memory_space<vmem>>, vector<16xi32>,
        %add3A_332 = arith.constant 2 : i32
        %add3A_333 = arith.addi %mul3A_80, %add3A_332 : i32
        %mul3A_334 = arith.constant 16 : i32
        %mul3A_335 = arith.muli %add3A_333, %mul3A_334 : i32
        %add3A_336 = arith.constant 0 : i32
        %add3A_337 = arith.addi %add3A_336, %mul3A_335 : i32
        %swap3A_338 = arith.index_cast %add3A_337 : i32 to index
        %swap3A_339 = tpu.vector_load %arg7[%swap3A_338] {strides = array<i32>} : memref<16384xi32, #tpu.memory_space<vmem>>, vector<16xi32>,
        tpu.vector_store %arg7[%swap3A_338], %gather3A_296 {strides = array<i32>} : memref<16384xi32, #tpu.memory_space<vmem>>, vector<16xi32>,
        %add3A_340 = arith.constant 3 : i32
        %add3A_341 = arith.addi %mul3A_80, %add3A_340 : i32
        %mul3A_342 = arith.constant 16 : i32
        %mul3A_343 = arith.muli %add3A_341, %mul3A_342 : i32
        %add3A_344 = arith.constant 0 : i32
        %add3A_345 = arith.addi %add3A_344, %mul3A_343 : i32
        %swap3A_346 = arith.index_cast %add3A_345 : i32 to index
        %swap3A_347 = tpu.vector_load %arg7[%swap3A_346] {strides = array<i32>} : memref<16384xi32, #tpu.memory_space<vmem>>, vector<16xi32>,
        tpu.vector_store %arg7[%swap3A_346], %gather3A_300 {strides = array<i32>} : memref<16384xi32, #tpu.memory_space<vmem>>, vector<16xi32>,
        %add3A_348 = arith.constant 272 : i32
        %add3A_349 = vector.broadcast %add3A_348 : i32 to vector<16xi32>
        %add3A_350 = arith.addi %iota3A_4, %add3A_349 : vector<16xi32>
        %gather3A_351 = tpu.vector_load_idx %arg8[%add3A_350] : memref<544xi32, #tpu.memory_space<vmem>>[vector<16xi32>], vector<16xi32>,
        %add3A_352 = arith.constant 306 : i32
        %add3A_353 = vector.broadcast %add3A_352 : i32 to vector<16xi32>
        %add3A_354 = arith.addi %iota3A_4, %add3A_353 : vector<16xi32>
        %gather3A_355 = tpu.vector_load_idx %arg8[%add3A_354] : memref<544xi32, #tpu.memory_space<vmem>>[vector<16xi32>], vector<16xi32>,
        %add3A_356 = arith.constant 340 : i32
        %add3A_357 = vector.broadcast %add3A_356 : i32 to vector<16xi32>
        %add3A_358 = arith.addi %iota3A_4, %add3A_357 : vector<16xi32>
        %gather3A_359 = tpu.vector_load_idx %arg8[%add3A_358] : memref<544xi32, #tpu.memory_space<vmem>>[vector<16xi32>], vector<16xi32>,
        %add3A_360 = arith.constant 374 : i32
        %add3A_361 = vector.broadcast %add3A_360 : i32 to vector<16xi32>
        %add3A_362 = arith.addi %iota3A_4, %add3A_361 : vector<16xi32>
        %gather3A_363 = tpu.vector_load_idx %arg8[%add3A_362] : memref<544xi32, #tpu.memory_space<vmem>>[vector<16xi32>], vector<16xi32>,
        %add3A_364 = arith.constant 4 : i32
        %add3A_365 = arith.addi %mul3A_80, %add3A_364 : i32
        %mul3A_366 = arith.constant 16 : i32
        %mul3A_367 = arith.muli %add3A_365, %mul3A_366 : i32
        %add3A_368 = arith.constant 0 : i32
        %add3A_369 = arith.addi %add3A_368, %mul3A_367 : i32
        %swap3A_370 = arith.index_cast %add3A_369 : i32 to index
        %swap3A_371 = tpu.vector_load %arg7[%swap3A_370] {strides = array<i32>} : memref<16384xi32, #tpu.memory_space<vmem>>, vector<16xi32>,
        tpu.vector_store %arg7[%swap3A_370], %gather3A_304 {strides = array<i32>} : memref<16384xi32, #tpu.memory_space<vmem>>, vector<16xi32>,
        %add3A_372 = arith.constant 5 : i32
        %add3A_373 = arith.addi %mul3A_80, %add3A_372 : i32
        %mul3A_374 = arith.constant 16 : i32
        %mul3A_375 = arith.muli %add3A_373, %mul3A_374 : i32
        %add3A_376 = arith.constant 0 : i32
        %add3A_377 = arith.addi %add3A_376, %mul3A_375 : i32
        %swap3A_378 = arith.index_cast %add3A_377 : i32 to index
        %swap3A_379 = tpu.vector_load %arg7[%swap3A_378] {strides = array<i32>} : memref<16384xi32, #tpu.memory_space<vmem>>, vector<16xi32>,
        tpu.vector_store %arg7[%swap3A_378], %gather3A_308 {strides = array<i32>} : memref<16384xi32, #tpu.memory_space<vmem>>, vector<16xi32>,
        %add3A_380 = arith.constant 6 : i32
        %add3A_381 = arith.addi %mul3A_80, %add3A_380 : i32
        %mul3A_382 = arith.constant 16 : i32
        %mul3A_383 = arith.muli %add3A_381, %mul3A_382 : i32
        %add3A_384 = arith.constant 0 : i32
        %add3A_385 = arith.addi %add3A_384, %mul3A_383 : i32
        %swap3A_386 = arith.index_cast %add3A_385 : i32 to index
        %swap3A_387 = tpu.vector_load %arg7[%swap3A_386] {strides = array<i32>} : memref<16384xi32, #tpu.memory_space<vmem>>, vector<16xi32>,
        tpu.vector_store %arg7[%swap3A_386], %gather3A_312 {strides = array<i32>} : memref<16384xi32, #tpu.memory_space<vmem>>, vector<16xi32>,
        %add3A_388 = arith.constant 7 : i32
        %add3A_389 = arith.addi %mul3A_80, %add3A_388 : i32
        %mul3A_390 = arith.constant 16 : i32
        %mul3A_391 = arith.muli %add3A_389, %mul3A_390 : i32
        %add3A_392 = arith.constant 0 : i32
        %add3A_393 = arith.addi %add3A_392, %mul3A_391 : i32
        %swap3A_394 = arith.index_cast %add3A_393 : i32 to index
        %swap3A_395 = tpu.vector_load %arg7[%swap3A_394] {strides = array<i32>} : memref<16384xi32, #tpu.memory_space<vmem>>, vector<16xi32>,
        tpu.vector_store %arg7[%swap3A_394], %gather3A_316 {strides = array<i32>} : memref<16384xi32, #tpu.memory_space<vmem>>, vector<16xi32>,
        %add3A_396 = arith.constant 408 : i32
        %add3A_397 = vector.broadcast %add3A_396 : i32 to vector<16xi32>
        %add3A_398 = arith.addi %iota3A_4, %add3A_397 : vector<16xi32>
        %gather3A_399 = tpu.vector_load_idx %arg8[%add3A_398] : memref<544xi32, #tpu.memory_space<vmem>>[vector<16xi32>], vector<16xi32>,
        %add3A_400 = arith.constant 442 : i32
        %add3A_401 = vector.broadcast %add3A_400 : i32 to vector<16xi32>
        %add3A_402 = arith.addi %iota3A_4, %add3A_401 : vector<16xi32>
        %gather3A_403 = tpu.vector_load_idx %arg8[%add3A_402] : memref<544xi32, #tpu.memory_space<vmem>>[vector<16xi32>], vector<16xi32>,
        %add3A_404 = arith.constant 476 : i32
        %add3A_405 = vector.broadcast %add3A_404 : i32 to vector<16xi32>
        %add3A_406 = arith.addi %iota3A_4, %add3A_405 : vector<16xi32>
        %gather3A_407 = tpu.vector_load_idx %arg8[%add3A_406] : memref<544xi32, #tpu.memory_space<vmem>>[vector<16xi32>], vector<16xi32>,
        %add3A_408 = arith.constant 510 : i32
        %add3A_409 = vector.broadcast %add3A_408 : i32 to vector<16xi32>
        %add3A_410 = arith.addi %iota3A_4, %add3A_409 : vector<16xi32>
        %gather3A_411 = tpu.vector_load_idx %arg8[%add3A_410] : memref<544xi32, #tpu.memory_space<vmem>>[vector<16xi32>], vector<16xi32>,
        %add3A_412 = arith.constant 8 : i32
        %add3A_413 = arith.addi %mul3A_80, %add3A_412 : i32
        %mul3A_414 = arith.constant 16 : i32
        %mul3A_415 = arith.muli %add3A_413, %mul3A_414 : i32
        %add3A_416 = arith.constant 0 : i32
        %add3A_417 = arith.addi %add3A_416, %mul3A_415 : i32
        %swap3A_418 = arith.index_cast %add3A_417 : i32 to index
        %swap3A_419 = tpu.vector_load %arg7[%swap3A_418] {strides = array<i32>} : memref<16384xi32, #tpu.memory_space<vmem>>, vector<16xi32>,
        tpu.vector_store %arg7[%swap3A_418], %gather3A_351 {strides = array<i32>} : memref<16384xi32, #tpu.memory_space<vmem>>, vector<16xi32>,
        %add3A_420 = arith.constant 9 : i32
        %add3A_421 = arith.addi %mul3A_80, %add3A_420 : i32
        %mul3A_422 = arith.constant 16 : i32
        %mul3A_423 = arith.muli %add3A_421, %mul3A_422 : i32
        %add3A_424 = arith.constant 0 : i32
        %add3A_425 = arith.addi %add3A_424, %mul3A_423 : i32
        %swap3A_426 = arith.index_cast %add3A_425 : i32 to index
        %swap3A_427 = tpu.vector_load %arg7[%swap3A_426] {strides = array<i32>} : memref<16384xi32, #tpu.memory_space<vmem>>, vector<16xi32>,
        tpu.vector_store %arg7[%swap3A_426], %gather3A_355 {strides = array<i32>} : memref<16384xi32, #tpu.memory_space<vmem>>, vector<16xi32>,
        %add3A_428 = arith.constant 10 : i32
        %add3A_429 = arith.addi %mul3A_80, %add3A_428 : i32
        %mul3A_430 = arith.constant 16 : i32
        %mul3A_431 = arith.muli %add3A_429, %mul3A_430 : i32
        %add3A_432 = arith.constant 0 : i32
        %add3A_433 = arith.addi %add3A_432, %mul3A_431 : i32
        %swap3A_434 = arith.index_cast %add3A_433 : i32 to index
        %swap3A_435 = tpu.vector_load %arg7[%swap3A_434] {strides = array<i32>} : memref<16384xi32, #tpu.memory_space<vmem>>, vector<16xi32>,
        tpu.vector_store %arg7[%swap3A_434], %gather3A_359 {strides = array<i32>} : memref<16384xi32, #tpu.memory_space<vmem>>, vector<16xi32>,
        %add3A_436 = arith.constant 11 : i32
        %add3A_437 = arith.addi %mul3A_80, %add3A_436 : i32
        %mul3A_438 = arith.constant 16 : i32
        %mul3A_439 = arith.muli %add3A_437, %mul3A_438 : i32
        %add3A_440 = arith.constant 0 : i32
        %add3A_441 = arith.addi %add3A_440, %mul3A_439 : i32
        %swap3A_442 = arith.index_cast %add3A_441 : i32 to index
        %swap3A_443 = tpu.vector_load %arg7[%swap3A_442] {strides = array<i32>} : memref<16384xi32, #tpu.memory_space<vmem>>, vector<16xi32>,
        tpu.vector_store %arg7[%swap3A_442], %gather3A_363 {strides = array<i32>} : memref<16384xi32, #tpu.memory_space<vmem>>, vector<16xi32>,
        %add3A_444 = arith.constant 12 : i32
        %add3A_445 = arith.addi %mul3A_80, %add3A_444 : i32
        %mul3A_446 = arith.constant 16 : i32
        %mul3A_447 = arith.muli %add3A_445, %mul3A_446 : i32
        %add3A_448 = arith.constant 0 : i32
        %add3A_449 = arith.addi %add3A_448, %mul3A_447 : i32
        %swap3A_450 = arith.index_cast %add3A_449 : i32 to index
        %swap3A_451 = tpu.vector_load %arg7[%swap3A_450] {strides = array<i32>} : memref<16384xi32, #tpu.memory_space<vmem>>, vector<16xi32>,
        tpu.vector_store %arg7[%swap3A_450], %gather3A_399 {strides = array<i32>} : memref<16384xi32, #tpu.memory_space<vmem>>, vector<16xi32>,
        %add3A_452 = arith.constant 13 : i32
        %add3A_453 = arith.addi %mul3A_80, %add3A_452 : i32
        %mul3A_454 = arith.constant 16 : i32
        %mul3A_455 = arith.muli %add3A_453, %mul3A_454 : i32
        %add3A_456 = arith.constant 0 : i32
        %add3A_457 = arith.addi %add3A_456, %mul3A_455 : i32
        %swap3A_458 = arith.index_cast %add3A_457 : i32 to index
        %swap3A_459 = tpu.vector_load %arg7[%swap3A_458] {strides = array<i32>} : memref<16384xi32, #tpu.memory_space<vmem>>, vector<16xi32>,
        tpu.vector_store %arg7[%swap3A_458], %gather3A_403 {strides = array<i32>} : memref<16384xi32, #tpu.memory_space<vmem>>, vector<16xi32>,
        %add3A_460 = arith.constant 14 : i32
        %add3A_461 = arith.addi %mul3A_80, %add3A_460 : i32
        %mul3A_462 = arith.constant 16 : i32
        %mul3A_463 = arith.muli %add3A_461, %mul3A_462 : i32
        %add3A_464 = arith.constant 0 : i32
        %add3A_465 = arith.addi %add3A_464, %mul3A_463 : i32
        %swap3A_466 = arith.index_cast %add3A_465 : i32 to index
        %swap3A_467 = tpu.vector_load %arg7[%swap3A_466] {strides = array<i32>} : memref<16384xi32, #tpu.memory_space<vmem>>, vector<16xi32>,
        tpu.vector_store %arg7[%swap3A_466], %gather3A_407 {strides = array<i32>} : memref<16384xi32, #tpu.memory_space<vmem>>, vector<16xi32>,
        %add3A_468 = arith.constant 15 : i32
        %add3A_469 = arith.addi %mul3A_80, %add3A_468 : i32
        %mul3A_470 = arith.constant 16 : i32
        %mul3A_471 = arith.muli %add3A_469, %mul3A_470 : i32
        %add3A_472 = arith.constant 0 : i32
        %add3A_473 = arith.addi %add3A_472, %mul3A_471 : i32
        %swap3A_474 = arith.index_cast %add3A_473 : i32 to index
        %swap3A_475 = tpu.vector_load %arg7[%swap3A_474] {strides = array<i32>} : memref<16384xi32, #tpu.memory_space<vmem>>, vector<16xi32>,
        tpu.vector_store %arg7[%swap3A_474], %gather3A_411 {strides = array<i32>} : memref<16384xi32, #tpu.memory_space<vmem>>, vector<16xi32>,
      }
      %scan3A_77 = arith.constant 8 : i32
      "tpu.region"() ({
        %run_scoped3A = tpu.sem_alloc : memref<!tpu.dma_semaphore, #tpu.memory_space<semaphore_mem>>
        %dma_start3A_78 = arith.constant 0 : i32
        %dma_start3A_79 = tpu.memref_slice %arg7[%dma_start3A_78] : memref<16384xi32, #tpu.memory_space<vmem>> -> memref<2048xi32, #tpu.memory_space<vmem>>
        %dma_start3A_80 = arith.constant 15997952 : i32
        %dma_start3A_81 = tpu.memref_slice %arg4[%dma_start3A_80] : memref<16000000xi32, #tpu.memory_space<hbm>> -> memref<2048xi32, #tpu.memory_space<hbm>>
        %dma_start3A_82 = arith.constant 15997952 : i32
        %dma_start3A_83 = tpu.memref_slice %arg4[%dma_start3A_82] : memref<16000000xi32, #tpu.memory_space<hbm>> -> memref<2048xi32, #tpu.memory_space<hbm>>
        %dma_start3A_84 = arith.constant 0 : i32
        %dma_start3A_85 = tpu.memref_slice %arg7[%dma_start3A_84] : memref<16384xi32, #tpu.memory_space<vmem>> -> memref<2048xi32, #tpu.memory_space<vmem>>
        tpu.enqueue_dma source(%dma_start3A_85 : memref<2048xi32, #tpu.memory_space<vmem>>) target(%dma_start3A_83 : memref<2048xi32, #tpu.memory_space<hbm>>) target_semaphore(%run_scoped3A : memref<!tpu.dma_semaphore, #tpu.memory_space<semaphore_mem>>)
        %dma_wait3A_86 = arith.constant 0 : i32
        %dma_wait3A_87 = tpu.memref_slice %arg7[%dma_wait3A_86] : memref<16384xi32, #tpu.memory_space<vmem>> -> memref<2048xi32, #tpu.memory_space<vmem>>
        %dma_wait3A_88 = arith.constant 15997952 : i32
        %dma_wait3A_89 = tpu.memref_slice %arg4[%dma_wait3A_88] : memref<16000000xi32, #tpu.memory_space<hbm>> -> memref<2048xi32, #tpu.memory_space<hbm>>
        %dma_wait3A_90 = arith.constant 15997952 : i32
        %dma_wait3A_91 = tpu.memref_slice %arg4[%dma_wait3A_90] : memref<16000000xi32, #tpu.memory_space<hbm>> -> memref<2048xi32, #tpu.memory_space<hbm>>
        %dma_wait3A_92 = arith.constant 0 : i32
        %dma_wait3A_93 = tpu.memref_slice %arg7[%dma_wait3A_92] : memref<16384xi32, #tpu.memory_space<vmem>> -> memref<2048xi32, #tpu.memory_space<vmem>>
        tpu.wait_dma2 semaphore(%run_scoped3A : memref<!tpu.dma_semaphore, #tpu.memory_space<semaphore_mem>>) src(%dma_wait3A_93 : memref<2048xi32, #tpu.memory_space<vmem>>) dst(%dma_wait3A_91 : memref<2048xi32, #tpu.memory_space<hbm>>)
        tpu.yield
      }) : () -> ()
    } else {
    }
    return
  }
}

#map = affine_map<(d0, d1) -> (0, 0)>
module attributes {stable_mosaic.version = 14 : i64} {
  func.func @_pool_body(%arg0: i32, %arg1: i32, %arg2: memref<16384x50xi32, #tpu.memory_space<hbm>>, %arg3: memref<1000000x16xi32, #tpu.memory_space<hbm>>, %arg4: memref<16384x32xf32, #tpu.memory_space<hbm>>, %arg5: memref<64x50xi32, #tpu.memory_space<vmem>>, %arg6: memref<3200x16xi32, #tpu.memory_space<vmem>>, %arg7: memref<32x32xf32, #tpu.memory_space<vmem>>, %arg8: memref<2x!tpu.dma_semaphore, #tpu.memory_space<semaphore_mem>>) attributes {dimension_semantics = [#tpu.dimension_semantics<core_parallel>, #tpu.dimension_semantics<subcore_parallel>], iteration_bounds = array<i64: 2, 16>, scalar_prefetch = 0 : i64, scratch_operands = 4 : i64, tpu.core_type = #tpu.core_type<sc_vector_subcore>, window_params = [{transform_indices = #map}, {transform_indices = #map}, {transform_indices = #map}]} {
    %mul3A = arith.constant 2 : i32
    %mul3A_0 = arith.muli %arg1, %mul3A : i32
    %add3A = arith.addi %mul3A_0, %arg0 : i32
    %mul3A_1 = arith.constant 512 : i32
    %mul3A_2 = arith.muli %add3A, %mul3A_1 : i32
    %add3A_3 = arith.constant 0 : i32
    %add3A_4 = arith.addi %mul3A_2, %add3A_3 : i32
    %multiple_of3A = arith.constant 0 : i32
    %multiple_of3A_5 = tpu.assume_multiple %multiple_of3A, 32 : i32
    "tpu.region"() ({
      %run_scoped3A = tpu.sem_alloc : memref<!tpu.dma_semaphore, #tpu.memory_space<semaphore_mem>>
      %dma_start3A_554 = arith.constant 0 : i32
      %dma_start3A_555 = tpu.memref_slice %arg5[%multiple_of3A_5, %dma_start3A_554] : memref<64x50xi32, #tpu.memory_space<vmem>> -> memref<32x50xi32, #tpu.memory_space<vmem>>
      %dma_start3A_556 = arith.constant 0 : i32
      %dma_start3A_557 = tpu.memref_slice %arg2[%add3A_4, %dma_start3A_556] : memref<16384x50xi32, #tpu.memory_space<hbm>> -> memref<32x50xi32, #tpu.memory_space<hbm>>
      %dma_start3A_558 = arith.constant 0 : i32
      %dma_start3A_559 = tpu.memref_slice %arg5[%multiple_of3A_5, %dma_start3A_558] : memref<64x50xi32, #tpu.memory_space<vmem>> -> memref<32x50xi32, #tpu.memory_space<vmem>>
      %dma_start3A_560 = arith.constant 0 : i32
      %dma_start3A_561 = tpu.memref_slice %arg2[%add3A_4, %dma_start3A_560] : memref<16384x50xi32, #tpu.memory_space<hbm>> -> memref<32x50xi32, #tpu.memory_space<hbm>>
      tpu.enqueue_dma source(%dma_start3A_561 : memref<32x50xi32, #tpu.memory_space<hbm>>) target(%dma_start3A_559 : memref<32x50xi32, #tpu.memory_space<vmem>>) target_semaphore(%run_scoped3A : memref<!tpu.dma_semaphore, #tpu.memory_space<semaphore_mem>>)
      %dma_wait3A = arith.constant 0 : i32
      %dma_wait3A_562 = tpu.memref_slice %arg5[%multiple_of3A_5, %dma_wait3A] : memref<64x50xi32, #tpu.memory_space<vmem>> -> memref<32x50xi32, #tpu.memory_space<vmem>>
      %dma_wait3A_563 = arith.constant 0 : i32
      %dma_wait3A_564 = tpu.memref_slice %arg2[%add3A_4, %dma_wait3A_563] : memref<16384x50xi32, #tpu.memory_space<hbm>> -> memref<32x50xi32, #tpu.memory_space<hbm>>
      %dma_wait3A_565 = arith.constant 0 : i32
      %dma_wait3A_566 = tpu.memref_slice %arg5[%multiple_of3A_5, %dma_wait3A_565] : memref<64x50xi32, #tpu.memory_space<vmem>> -> memref<32x50xi32, #tpu.memory_space<vmem>>
      %dma_wait3A_567 = arith.constant 0 : i32
      %dma_wait3A_568 = tpu.memref_slice %arg2[%add3A_4, %dma_wait3A_567] : memref<16384x50xi32, #tpu.memory_space<hbm>> -> memref<32x50xi32, #tpu.memory_space<hbm>>
      tpu.wait_dma2 semaphore(%run_scoped3A : memref<!tpu.dma_semaphore, #tpu.memory_space<semaphore_mem>>) src(%dma_wait3A_568 : memref<32x50xi32, #tpu.memory_space<hbm>>) dst(%dma_wait3A_566 : memref<32x50xi32, #tpu.memory_space<vmem>>)
      tpu.yield
    }) : () -> ()
    %add3A_6 = arith.constant 0 : i32
    %add3A_7 = arith.addi %multiple_of3A_5, %add3A_6 : i32
    %multiple_of3A_8 = arith.constant 0 : i32
    %multiple_of3A_9 = tpu.assume_multiple %multiple_of3A_8, 8 : i32
    %add3A_10 = arith.constant 0 : i32
    %add3A_11 = arith.addi %multiple_of3A_9, %add3A_10 : i32
    %dma_start3A = arith.constant 0 : i32
    %dma_start3A_12 = arith.constant 0 : i32
    %dma_start3A_13 = tpu.memref_slice %arg6[%add3A_11, %dma_start3A_12] : memref<3200x16xi32, #tpu.memory_space<vmem>> -> memref<50x16xi32, #tpu.memory_space<vmem>>
    %dma_start3A_14 = arith.constant 0 : i32
    %dma_start3A_15 = tpu.memref_slice %arg5[%add3A_7, %dma_start3A_14] : memref<64x50xi32, #tpu.memory_space<vmem>> -> memref<1x50xi32, #tpu.memory_space<vmem>>
    %dma_start3A_16 = tpu.memref_squeeze %dma_start3A_15 : memref<1x50xi32, #tpu.memory_space<vmem>> -> memref<50xi32, #tpu.memory_space<vmem>>
    %dma_start3A_17 = arith.constant 0 : i32
    %dma_start3A_18 = arith.constant 0 : i32
    %dma_start3A_19 = tpu.memref_slice %arg3[%dma_start3A_17, %dma_start3A_18] : memref<1000000x16xi32, #tpu.memory_space<hbm>> -> memref<1000000x16xi32, #tpu.memory_space<hbm>>
    %dma_start3A_20 = tpu.memref_slice %arg8[%dma_start3A] : memref<2x!tpu.dma_semaphore, #tpu.memory_space<semaphore_mem>> -> memref<1x!tpu.dma_semaphore, #tpu.memory_space<semaphore_mem>>
    %dma_start3A_21 = tpu.memref_squeeze %dma_start3A_20 : memref<1x!tpu.dma_semaphore, #tpu.memory_space<semaphore_mem>> -> memref<!tpu.dma_semaphore, #tpu.memory_space<semaphore_mem>>
    tpu.enqueue_indirect_dma source(%dma_start3A_19 : memref<1000000x16xi32, #tpu.memory_space<hbm>>) target(%dma_start3A_13 : memref<50x16xi32, #tpu.memory_space<vmem>>) offsets(%dma_start3A_16 : memref<50xi32, #tpu.memory_space<vmem>>) semaphore(%dma_start3A_21 : memref<!tpu.dma_semaphore, #tpu.memory_space<semaphore_mem>>)
    %add3A_22 = arith.constant 1 : i32
    %add3A_23 = arith.addi %multiple_of3A_5, %add3A_22 : i32
    %multiple_of3A_24 = arith.constant 0 : i32
    %multiple_of3A_25 = tpu.assume_multiple %multiple_of3A_24, 8 : i32
    %add3A_26 = arith.constant 50 : i32
    %add3A_27 = arith.addi %multiple_of3A_25, %add3A_26 : i32
    %dma_start3A_28 = arith.constant 0 : i32
    %dma_start3A_29 = arith.constant 0 : i32
    %dma_start3A_30 = tpu.memref_slice %arg6[%add3A_27, %dma_start3A_29] : memref<3200x16xi32, #tpu.memory_space<vmem>> -> memref<50x16xi32, #tpu.memory_space<vmem>>
    %dma_start3A_31 = arith.constant 0 : i32
    %dma_start3A_32 = tpu.memref_slice %arg5[%add3A_23, %dma_start3A_31] : memref<64x50xi32, #tpu.memory_space<vmem>> -> memref<1x50xi32, #tpu.memory_space<vmem>>
    %dma_start3A_33 = tpu.memref_squeeze %dma_start3A_32 : memref<1x50xi32, #tpu.memory_space<vmem>> -> memref<50xi32, #tpu.memory_space<vmem>>
    %dma_start3A_34 = arith.constant 0 : i32
    %dma_start3A_35 = arith.constant 0 : i32
    %dma_start3A_36 = tpu.memref_slice %arg3[%dma_start3A_34, %dma_start3A_35] : memref<1000000x16xi32, #tpu.memory_space<hbm>> -> memref<1000000x16xi32, #tpu.memory_space<hbm>>
    %dma_start3A_37 = tpu.memref_slice %arg8[%dma_start3A_28] : memref<2x!tpu.dma_semaphore, #tpu.memory_space<semaphore_mem>> -> memref<1x!tpu.dma_semaphore, #tpu.memory_space<semaphore_mem>>
    %dma_start3A_38 = tpu.memref_squeeze %dma_start3A_37 : memref<1x!tpu.dma_semaphore, #tpu.memory_space<semaphore_mem>> -> memref<!tpu.dma_semaphore, #tpu.memory_space<semaphore_mem>>
    tpu.enqueue_indirect_dma source(%dma_start3A_36 : memref<1000000x16xi32, #tpu.memory_space<hbm>>) target(%dma_start3A_30 : memref<50x16xi32, #tpu.memory_space<vmem>>) offsets(%dma_start3A_33 : memref<50xi32, #tpu.memory_space<vmem>>) semaphore(%dma_start3A_38 : memref<!tpu.dma_semaphore, #tpu.memory_space<semaphore_mem>>)
    %add3A_39 = arith.constant 2 : i32
    %add3A_40 = arith.addi %multiple_of3A_5, %add3A_39 : i32
    %multiple_of3A_41 = arith.constant 0 : i32
    %multiple_of3A_42 = tpu.assume_multiple %multiple_of3A_41, 8 : i32
    %add3A_43 = arith.constant 100 : i32
    %add3A_44 = arith.addi %multiple_of3A_42, %add3A_43 : i32
    %dma_start3A_45 = arith.constant 0 : i32
    %dma_start3A_46 = arith.constant 0 : i32
    %dma_start3A_47 = tpu.memref_slice %arg6[%add3A_44, %dma_start3A_46] : memref<3200x16xi32, #tpu.memory_space<vmem>> -> memref<50x16xi32, #tpu.memory_space<vmem>>
    %dma_start3A_48 = arith.constant 0 : i32
    %dma_start3A_49 = tpu.memref_slice %arg5[%add3A_40, %dma_start3A_48] : memref<64x50xi32, #tpu.memory_space<vmem>> -> memref<1x50xi32, #tpu.memory_space<vmem>>
    %dma_start3A_50 = tpu.memref_squeeze %dma_start3A_49 : memref<1x50xi32, #tpu.memory_space<vmem>> -> memref<50xi32, #tpu.memory_space<vmem>>
    %dma_start3A_51 = arith.constant 0 : i32
    %dma_start3A_52 = arith.constant 0 : i32
    %dma_start3A_53 = tpu.memref_slice %arg3[%dma_start3A_51, %dma_start3A_52] : memref<1000000x16xi32, #tpu.memory_space<hbm>> -> memref<1000000x16xi32, #tpu.memory_space<hbm>>
    %dma_start3A_54 = tpu.memref_slice %arg8[%dma_start3A_45] : memref<2x!tpu.dma_semaphore, #tpu.memory_space<semaphore_mem>> -> memref<1x!tpu.dma_semaphore, #tpu.memory_space<semaphore_mem>>
    %dma_start3A_55 = tpu.memref_squeeze %dma_start3A_54 : memref<1x!tpu.dma_semaphore, #tpu.memory_space<semaphore_mem>> -> memref<!tpu.dma_semaphore, #tpu.memory_space<semaphore_mem>>
    tpu.enqueue_indirect_dma source(%dma_start3A_53 : memref<1000000x16xi32, #tpu.memory_space<hbm>>) target(%dma_start3A_47 : memref<50x16xi32, #tpu.memory_space<vmem>>) offsets(%dma_start3A_50 : memref<50xi32, #tpu.memory_space<vmem>>) semaphore(%dma_start3A_55 : memref<!tpu.dma_semaphore, #tpu.memory_space<semaphore_mem>>)
    %add3A_56 = arith.constant 3 : i32
    %add3A_57 = arith.addi %multiple_of3A_5, %add3A_56 : i32
    %multiple_of3A_58 = arith.constant 0 : i32
    %multiple_of3A_59 = tpu.assume_multiple %multiple_of3A_58, 8 : i32
    %add3A_60 = arith.constant 150 : i32
    %add3A_61 = arith.addi %multiple_of3A_59, %add3A_60 : i32
    %dma_start3A_62 = arith.constant 0 : i32
    %dma_start3A_63 = arith.constant 0 : i32
    %dma_start3A_64 = tpu.memref_slice %arg6[%add3A_61, %dma_start3A_63] : memref<3200x16xi32, #tpu.memory_space<vmem>> -> memref<50x16xi32, #tpu.memory_space<vmem>>
    %dma_start3A_65 = arith.constant 0 : i32
    %dma_start3A_66 = tpu.memref_slice %arg5[%add3A_57, %dma_start3A_65] : memref<64x50xi32, #tpu.memory_space<vmem>> -> memref<1x50xi32, #tpu.memory_space<vmem>>
    %dma_start3A_67 = tpu.memref_squeeze %dma_start3A_66 : memref<1x50xi32, #tpu.memory_space<vmem>> -> memref<50xi32, #tpu.memory_space<vmem>>
    %dma_start3A_68 = arith.constant 0 : i32
    %dma_start3A_69 = arith.constant 0 : i32
    %dma_start3A_70 = tpu.memref_slice %arg3[%dma_start3A_68, %dma_start3A_69] : memref<1000000x16xi32, #tpu.memory_space<hbm>> -> memref<1000000x16xi32, #tpu.memory_space<hbm>>
    %dma_start3A_71 = tpu.memref_slice %arg8[%dma_start3A_62] : memref<2x!tpu.dma_semaphore, #tpu.memory_space<semaphore_mem>> -> memref<1x!tpu.dma_semaphore, #tpu.memory_space<semaphore_mem>>
    %dma_start3A_72 = tpu.memref_squeeze %dma_start3A_71 : memref<1x!tpu.dma_semaphore, #tpu.memory_space<semaphore_mem>> -> memref<!tpu.dma_semaphore, #tpu.memory_space<semaphore_mem>>
    tpu.enqueue_indirect_dma source(%dma_start3A_70 : memref<1000000x16xi32, #tpu.memory_space<hbm>>) target(%dma_start3A_64 : memref<50x16xi32, #tpu.memory_space<vmem>>) offsets(%dma_start3A_67 : memref<50xi32, #tpu.memory_space<vmem>>) semaphore(%dma_start3A_72 : memref<!tpu.dma_semaphore, #tpu.memory_space<semaphore_mem>>)
    %add3A_73 = arith.constant 4 : i32
    %add3A_74 = arith.addi %multiple_of3A_5, %add3A_73 : i32
    %multiple_of3A_75 = arith.constant 0 : i32
    %multiple_of3A_76 = tpu.assume_multiple %multiple_of3A_75, 8 : i32
    %add3A_77 = arith.constant 200 : i32
    %add3A_78 = arith.addi %multiple_of3A_76, %add3A_77 : i32
    %dma_start3A_79 = arith.constant 0 : i32
    %dma_start3A_80 = arith.constant 0 : i32
    %dma_start3A_81 = tpu.memref_slice %arg6[%add3A_78, %dma_start3A_80] : memref<3200x16xi32, #tpu.memory_space<vmem>> -> memref<50x16xi32, #tpu.memory_space<vmem>>
    %dma_start3A_82 = arith.constant 0 : i32
    %dma_start3A_83 = tpu.memref_slice %arg5[%add3A_74, %dma_start3A_82] : memref<64x50xi32, #tpu.memory_space<vmem>> -> memref<1x50xi32, #tpu.memory_space<vmem>>
    %dma_start3A_84 = tpu.memref_squeeze %dma_start3A_83 : memref<1x50xi32, #tpu.memory_space<vmem>> -> memref<50xi32, #tpu.memory_space<vmem>>
    %dma_start3A_85 = arith.constant 0 : i32
    %dma_start3A_86 = arith.constant 0 : i32
    %dma_start3A_87 = tpu.memref_slice %arg3[%dma_start3A_85, %dma_start3A_86] : memref<1000000x16xi32, #tpu.memory_space<hbm>> -> memref<1000000x16xi32, #tpu.memory_space<hbm>>
    %dma_start3A_88 = tpu.memref_slice %arg8[%dma_start3A_79] : memref<2x!tpu.dma_semaphore, #tpu.memory_space<semaphore_mem>> -> memref<1x!tpu.dma_semaphore, #tpu.memory_space<semaphore_mem>>
    %dma_start3A_89 = tpu.memref_squeeze %dma_start3A_88 : memref<1x!tpu.dma_semaphore, #tpu.memory_space<semaphore_mem>> -> memref<!tpu.dma_semaphore, #tpu.memory_space<semaphore_mem>>
    tpu.enqueue_indirect_dma source(%dma_start3A_87 : memref<1000000x16xi32, #tpu.memory_space<hbm>>) target(%dma_start3A_81 : memref<50x16xi32, #tpu.memory_space<vmem>>) offsets(%dma_start3A_84 : memref<50xi32, #tpu.memory_space<vmem>>) semaphore(%dma_start3A_89 : memref<!tpu.dma_semaphore, #tpu.memory_space<semaphore_mem>>)
    %add3A_90 = arith.constant 5 : i32
    %add3A_91 = arith.addi %multiple_of3A_5, %add3A_90 : i32
    %multiple_of3A_92 = arith.constant 0 : i32
    %multiple_of3A_93 = tpu.assume_multiple %multiple_of3A_92, 8 : i32
    %add3A_94 = arith.constant 250 : i32
    %add3A_95 = arith.addi %multiple_of3A_93, %add3A_94 : i32
    %dma_start3A_96 = arith.constant 0 : i32
    %dma_start3A_97 = arith.constant 0 : i32
    %dma_start3A_98 = tpu.memref_slice %arg6[%add3A_95, %dma_start3A_97] : memref<3200x16xi32, #tpu.memory_space<vmem>> -> memref<50x16xi32, #tpu.memory_space<vmem>>
    %dma_start3A_99 = arith.constant 0 : i32
    %dma_start3A_100 = tpu.memref_slice %arg5[%add3A_91, %dma_start3A_99] : memref<64x50xi32, #tpu.memory_space<vmem>> -> memref<1x50xi32, #tpu.memory_space<vmem>>
    %dma_start3A_101 = tpu.memref_squeeze %dma_start3A_100 : memref<1x50xi32, #tpu.memory_space<vmem>> -> memref<50xi32, #tpu.memory_space<vmem>>
    %dma_start3A_102 = arith.constant 0 : i32
    %dma_start3A_103 = arith.constant 0 : i32
    %dma_start3A_104 = tpu.memref_slice %arg3[%dma_start3A_102, %dma_start3A_103] : memref<1000000x16xi32, #tpu.memory_space<hbm>> -> memref<1000000x16xi32, #tpu.memory_space<hbm>>
    %dma_start3A_105 = tpu.memref_slice %arg8[%dma_start3A_96] : memref<2x!tpu.dma_semaphore, #tpu.memory_space<semaphore_mem>> -> memref<1x!tpu.dma_semaphore, #tpu.memory_space<semaphore_mem>>
    %dma_start3A_106 = tpu.memref_squeeze %dma_start3A_105 : memref<1x!tpu.dma_semaphore, #tpu.memory_space<semaphore_mem>> -> memref<!tpu.dma_semaphore, #tpu.memory_space<semaphore_mem>>
    tpu.enqueue_indirect_dma source(%dma_start3A_104 : memref<1000000x16xi32, #tpu.memory_space<hbm>>) target(%dma_start3A_98 : memref<50x16xi32, #tpu.memory_space<vmem>>) offsets(%dma_start3A_101 : memref<50xi32, #tpu.memory_space<vmem>>) semaphore(%dma_start3A_106 : memref<!tpu.dma_semaphore, #tpu.memory_space<semaphore_mem>>)
    %add3A_107 = arith.constant 6 : i32
    %add3A_108 = arith.addi %multiple_of3A_5, %add3A_107 : i32
    %multiple_of3A_109 = arith.constant 0 : i32
    %multiple_of3A_110 = tpu.assume_multiple %multiple_of3A_109, 8 : i32
    %add3A_111 = arith.constant 300 : i32
    %add3A_112 = arith.addi %multiple_of3A_110, %add3A_111 : i32
    %dma_start3A_113 = arith.constant 0 : i32
    %dma_start3A_114 = arith.constant 0 : i32
    %dma_start3A_115 = tpu.memref_slice %arg6[%add3A_112, %dma_start3A_114] : memref<3200x16xi32, #tpu.memory_space<vmem>> -> memref<50x16xi32, #tpu.memory_space<vmem>>
    %dma_start3A_116 = arith.constant 0 : i32
    %dma_start3A_117 = tpu.memref_slice %arg5[%add3A_108, %dma_start3A_116] : memref<64x50xi32, #tpu.memory_space<vmem>> -> memref<1x50xi32, #tpu.memory_space<vmem>>
    %dma_start3A_118 = tpu.memref_squeeze %dma_start3A_117 : memref<1x50xi32, #tpu.memory_space<vmem>> -> memref<50xi32, #tpu.memory_space<vmem>>
    %dma_start3A_119 = arith.constant 0 : i32
    %dma_start3A_120 = arith.constant 0 : i32
    %dma_start3A_121 = tpu.memref_slice %arg3[%dma_start3A_119, %dma_start3A_120] : memref<1000000x16xi32, #tpu.memory_space<hbm>> -> memref<1000000x16xi32, #tpu.memory_space<hbm>>
    %dma_start3A_122 = tpu.memref_slice %arg8[%dma_start3A_113] : memref<2x!tpu.dma_semaphore, #tpu.memory_space<semaphore_mem>> -> memref<1x!tpu.dma_semaphore, #tpu.memory_space<semaphore_mem>>
    %dma_start3A_123 = tpu.memref_squeeze %dma_start3A_122 : memref<1x!tpu.dma_semaphore, #tpu.memory_space<semaphore_mem>> -> memref<!tpu.dma_semaphore, #tpu.memory_space<semaphore_mem>>
    tpu.enqueue_indirect_dma source(%dma_start3A_121 : memref<1000000x16xi32, #tpu.memory_space<hbm>>) target(%dma_start3A_115 : memref<50x16xi32, #tpu.memory_space<vmem>>) offsets(%dma_start3A_118 : memref<50xi32, #tpu.memory_space<vmem>>) semaphore(%dma_start3A_123 : memref<!tpu.dma_semaphore, #tpu.memory_space<semaphore_mem>>)
    %add3A_124 = arith.constant 7 : i32
    %add3A_125 = arith.addi %multiple_of3A_5, %add3A_124 : i32
    %multiple_of3A_126 = arith.constant 0 : i32
    %multiple_of3A_127 = tpu.assume_multiple %multiple_of3A_126, 8 : i32
    %add3A_128 = arith.constant 350 : i32
    %add3A_129 = arith.addi %multiple_of3A_127, %add3A_128 : i32
    %dma_start3A_130 = arith.constant 0 : i32
    %dma_start3A_131 = arith.constant 0 : i32
    %dma_start3A_132 = tpu.memref_slice %arg6[%add3A_129, %dma_start3A_131] : memref<3200x16xi32, #tpu.memory_space<vmem>> -> memref<50x16xi32, #tpu.memory_space<vmem>>
    %dma_start3A_133 = arith.constant 0 : i32
    %dma_start3A_134 = tpu.memref_slice %arg5[%add3A_125, %dma_start3A_133] : memref<64x50xi32, #tpu.memory_space<vmem>> -> memref<1x50xi32, #tpu.memory_space<vmem>>
    %dma_start3A_135 = tpu.memref_squeeze %dma_start3A_134 : memref<1x50xi32, #tpu.memory_space<vmem>> -> memref<50xi32, #tpu.memory_space<vmem>>
    %dma_start3A_136 = arith.constant 0 : i32
    %dma_start3A_137 = arith.constant 0 : i32
    %dma_start3A_138 = tpu.memref_slice %arg3[%dma_start3A_136, %dma_start3A_137] : memref<1000000x16xi32, #tpu.memory_space<hbm>> -> memref<1000000x16xi32, #tpu.memory_space<hbm>>
    %dma_start3A_139 = tpu.memref_slice %arg8[%dma_start3A_130] : memref<2x!tpu.dma_semaphore, #tpu.memory_space<semaphore_mem>> -> memref<1x!tpu.dma_semaphore, #tpu.memory_space<semaphore_mem>>
    %dma_start3A_140 = tpu.memref_squeeze %dma_start3A_139 : memref<1x!tpu.dma_semaphore, #tpu.memory_space<semaphore_mem>> -> memref<!tpu.dma_semaphore, #tpu.memory_space<semaphore_mem>>
    tpu.enqueue_indirect_dma source(%dma_start3A_138 : memref<1000000x16xi32, #tpu.memory_space<hbm>>) target(%dma_start3A_132 : memref<50x16xi32, #tpu.memory_space<vmem>>) offsets(%dma_start3A_135 : memref<50xi32, #tpu.memory_space<vmem>>) semaphore(%dma_start3A_140 : memref<!tpu.dma_semaphore, #tpu.memory_space<semaphore_mem>>)
    %add3A_141 = arith.constant 8 : i32
    %add3A_142 = arith.addi %multiple_of3A_5, %add3A_141 : i32
    %multiple_of3A_143 = arith.constant 0 : i32
    %multiple_of3A_144 = tpu.assume_multiple %multiple_of3A_143, 8 : i32
    %add3A_145 = arith.constant 400 : i32
    %add3A_146 = arith.addi %multiple_of3A_144, %add3A_145 : i32
    %dma_start3A_147 = arith.constant 0 : i32
    %dma_start3A_148 = arith.constant 0 : i32
    %dma_start3A_149 = tpu.memref_slice %arg6[%add3A_146, %dma_start3A_148] : memref<3200x16xi32, #tpu.memory_space<vmem>> -> memref<50x16xi32, #tpu.memory_space<vmem>>
    %dma_start3A_150 = arith.constant 0 : i32
    %dma_start3A_151 = tpu.memref_slice %arg5[%add3A_142, %dma_start3A_150] : memref<64x50xi32, #tpu.memory_space<vmem>> -> memref<1x50xi32, #tpu.memory_space<vmem>>
    %dma_start3A_152 = tpu.memref_squeeze %dma_start3A_151 : memref<1x50xi32, #tpu.memory_space<vmem>> -> memref<50xi32, #tpu.memory_space<vmem>>
    %dma_start3A_153 = arith.constant 0 : i32
    %dma_start3A_154 = arith.constant 0 : i32
    %dma_start3A_155 = tpu.memref_slice %arg3[%dma_start3A_153, %dma_start3A_154] : memref<1000000x16xi32, #tpu.memory_space<hbm>> -> memref<1000000x16xi32, #tpu.memory_space<hbm>>
    %dma_start3A_156 = tpu.memref_slice %arg8[%dma_start3A_147] : memref<2x!tpu.dma_semaphore, #tpu.memory_space<semaphore_mem>> -> memref<1x!tpu.dma_semaphore, #tpu.memory_space<semaphore_mem>>
    %dma_start3A_157 = tpu.memref_squeeze %dma_start3A_156 : memref<1x!tpu.dma_semaphore, #tpu.memory_space<semaphore_mem>> -> memref<!tpu.dma_semaphore, #tpu.memory_space<semaphore_mem>>
    tpu.enqueue_indirect_dma source(%dma_start3A_155 : memref<1000000x16xi32, #tpu.memory_space<hbm>>) target(%dma_start3A_149 : memref<50x16xi32, #tpu.memory_space<vmem>>) offsets(%dma_start3A_152 : memref<50xi32, #tpu.memory_space<vmem>>) semaphore(%dma_start3A_157 : memref<!tpu.dma_semaphore, #tpu.memory_space<semaphore_mem>>)
    %add3A_158 = arith.constant 9 : i32
    %add3A_159 = arith.addi %multiple_of3A_5, %add3A_158 : i32
    %multiple_of3A_160 = arith.constant 0 : i32
    %multiple_of3A_161 = tpu.assume_multiple %multiple_of3A_160, 8 : i32
    %add3A_162 = arith.constant 450 : i32
    %add3A_163 = arith.addi %multiple_of3A_161, %add3A_162 : i32
    %dma_start3A_164 = arith.constant 0 : i32
    %dma_start3A_165 = arith.constant 0 : i32
    %dma_start3A_166 = tpu.memref_slice %arg6[%add3A_163, %dma_start3A_165] : memref<3200x16xi32, #tpu.memory_space<vmem>> -> memref<50x16xi32, #tpu.memory_space<vmem>>
    %dma_start3A_167 = arith.constant 0 : i32
    %dma_start3A_168 = tpu.memref_slice %arg5[%add3A_159, %dma_start3A_167] : memref<64x50xi32, #tpu.memory_space<vmem>> -> memref<1x50xi32, #tpu.memory_space<vmem>>
    %dma_start3A_169 = tpu.memref_squeeze %dma_start3A_168 : memref<1x50xi32, #tpu.memory_space<vmem>> -> memref<50xi32, #tpu.memory_space<vmem>>
    %dma_start3A_170 = arith.constant 0 : i32
    %dma_start3A_171 = arith.constant 0 : i32
    %dma_start3A_172 = tpu.memref_slice %arg3[%dma_start3A_170, %dma_start3A_171] : memref<1000000x16xi32, #tpu.memory_space<hbm>> -> memref<1000000x16xi32, #tpu.memory_space<hbm>>
    %dma_start3A_173 = tpu.memref_slice %arg8[%dma_start3A_164] : memref<2x!tpu.dma_semaphore, #tpu.memory_space<semaphore_mem>> -> memref<1x!tpu.dma_semaphore, #tpu.memory_space<semaphore_mem>>
    %dma_start3A_174 = tpu.memref_squeeze %dma_start3A_173 : memref<1x!tpu.dma_semaphore, #tpu.memory_space<semaphore_mem>> -> memref<!tpu.dma_semaphore, #tpu.memory_space<semaphore_mem>>
    tpu.enqueue_indirect_dma source(%dma_start3A_172 : memref<1000000x16xi32, #tpu.memory_space<hbm>>) target(%dma_start3A_166 : memref<50x16xi32, #tpu.memory_space<vmem>>) offsets(%dma_start3A_169 : memref<50xi32, #tpu.memory_space<vmem>>) semaphore(%dma_start3A_174 : memref<!tpu.dma_semaphore, #tpu.memory_space<semaphore_mem>>)
    %add3A_175 = arith.constant 10 : i32
    %add3A_176 = arith.addi %multiple_of3A_5, %add3A_175 : i32
    %multiple_of3A_177 = arith.constant 0 : i32
    %multiple_of3A_178 = tpu.assume_multiple %multiple_of3A_177, 8 : i32
    %add3A_179 = arith.constant 500 : i32
    %add3A_180 = arith.addi %multiple_of3A_178, %add3A_179 : i32
    %dma_start3A_181 = arith.constant 0 : i32
    %dma_start3A_182 = arith.constant 0 : i32
    %dma_start3A_183 = tpu.memref_slice %arg6[%add3A_180, %dma_start3A_182] : memref<3200x16xi32, #tpu.memory_space<vmem>> -> memref<50x16xi32, #tpu.memory_space<vmem>>
    %dma_start3A_184 = arith.constant 0 : i32
    %dma_start3A_185 = tpu.memref_slice %arg5[%add3A_176, %dma_start3A_184] : memref<64x50xi32, #tpu.memory_space<vmem>> -> memref<1x50xi32, #tpu.memory_space<vmem>>
    %dma_start3A_186 = tpu.memref_squeeze %dma_start3A_185 : memref<1x50xi32, #tpu.memory_space<vmem>> -> memref<50xi32, #tpu.memory_space<vmem>>
    %dma_start3A_187 = arith.constant 0 : i32
    %dma_start3A_188 = arith.constant 0 : i32
    %dma_start3A_189 = tpu.memref_slice %arg3[%dma_start3A_187, %dma_start3A_188] : memref<1000000x16xi32, #tpu.memory_space<hbm>> -> memref<1000000x16xi32, #tpu.memory_space<hbm>>
    %dma_start3A_190 = tpu.memref_slice %arg8[%dma_start3A_181] : memref<2x!tpu.dma_semaphore, #tpu.memory_space<semaphore_mem>> -> memref<1x!tpu.dma_semaphore, #tpu.memory_space<semaphore_mem>>
    %dma_start3A_191 = tpu.memref_squeeze %dma_start3A_190 : memref<1x!tpu.dma_semaphore, #tpu.memory_space<semaphore_mem>> -> memref<!tpu.dma_semaphore, #tpu.memory_space<semaphore_mem>>
    tpu.enqueue_indirect_dma source(%dma_start3A_189 : memref<1000000x16xi32, #tpu.memory_space<hbm>>) target(%dma_start3A_183 : memref<50x16xi32, #tpu.memory_space<vmem>>) offsets(%dma_start3A_186 : memref<50xi32, #tpu.memory_space<vmem>>) semaphore(%dma_start3A_191 : memref<!tpu.dma_semaphore, #tpu.memory_space<semaphore_mem>>)
    %add3A_192 = arith.constant 11 : i32
    %add3A_193 = arith.addi %multiple_of3A_5, %add3A_192 : i32
    %multiple_of3A_194 = arith.constant 0 : i32
    %multiple_of3A_195 = tpu.assume_multiple %multiple_of3A_194, 8 : i32
    %add3A_196 = arith.constant 550 : i32
    %add3A_197 = arith.addi %multiple_of3A_195, %add3A_196 : i32
    %dma_start3A_198 = arith.constant 0 : i32
    %dma_start3A_199 = arith.constant 0 : i32
    %dma_start3A_200 = tpu.memref_slice %arg6[%add3A_197, %dma_start3A_199] : memref<3200x16xi32, #tpu.memory_space<vmem>> -> memref<50x16xi32, #tpu.memory_space<vmem>>
    %dma_start3A_201 = arith.constant 0 : i32
    %dma_start3A_202 = tpu.memref_slice %arg5[%add3A_193, %dma_start3A_201] : memref<64x50xi32, #tpu.memory_space<vmem>> -> memref<1x50xi32, #tpu.memory_space<vmem>>
    %dma_start3A_203 = tpu.memref_squeeze %dma_start3A_202 : memref<1x50xi32, #tpu.memory_space<vmem>> -> memref<50xi32, #tpu.memory_space<vmem>>
    %dma_start3A_204 = arith.constant 0 : i32
    %dma_start3A_205 = arith.constant 0 : i32
    %dma_start3A_206 = tpu.memref_slice %arg3[%dma_start3A_204, %dma_start3A_205] : memref<1000000x16xi32, #tpu.memory_space<hbm>> -> memref<1000000x16xi32, #tpu.memory_space<hbm>>
    %dma_start3A_207 = tpu.memref_slice %arg8[%dma_start3A_198] : memref<2x!tpu.dma_semaphore, #tpu.memory_space<semaphore_mem>> -> memref<1x!tpu.dma_semaphore, #tpu.memory_space<semaphore_mem>>
    %dma_start3A_208 = tpu.memref_squeeze %dma_start3A_207 : memref<1x!tpu.dma_semaphore, #tpu.memory_space<semaphore_mem>> -> memref<!tpu.dma_semaphore, #tpu.memory_space<semaphore_mem>>
    tpu.enqueue_indirect_dma source(%dma_start3A_206 : memref<1000000x16xi32, #tpu.memory_space<hbm>>) target(%dma_start3A_200 : memref<50x16xi32, #tpu.memory_space<vmem>>) offsets(%dma_start3A_203 : memref<50xi32, #tpu.memory_space<vmem>>) semaphore(%dma_start3A_208 : memref<!tpu.dma_semaphore, #tpu.memory_space<semaphore_mem>>)
    %add3A_209 = arith.constant 12 : i32
    %add3A_210 = arith.addi %multiple_of3A_5, %add3A_209 : i32
    %multiple_of3A_211 = arith.constant 0 : i32
    %multiple_of3A_212 = tpu.assume_multiple %multiple_of3A_211, 8 : i32
    %add3A_213 = arith.constant 600 : i32
    %add3A_214 = arith.addi %multiple_of3A_212, %add3A_213 : i32
    %dma_start3A_215 = arith.constant 0 : i32
    %dma_start3A_216 = arith.constant 0 : i32
    %dma_start3A_217 = tpu.memref_slice %arg6[%add3A_214, %dma_start3A_216] : memref<3200x16xi32, #tpu.memory_space<vmem>> -> memref<50x16xi32, #tpu.memory_space<vmem>>
    %dma_start3A_218 = arith.constant 0 : i32
    %dma_start3A_219 = tpu.memref_slice %arg5[%add3A_210, %dma_start3A_218] : memref<64x50xi32, #tpu.memory_space<vmem>> -> memref<1x50xi32, #tpu.memory_space<vmem>>
    %dma_start3A_220 = tpu.memref_squeeze %dma_start3A_219 : memref<1x50xi32, #tpu.memory_space<vmem>> -> memref<50xi32, #tpu.memory_space<vmem>>
    %dma_start3A_221 = arith.constant 0 : i32
    %dma_start3A_222 = arith.constant 0 : i32
    %dma_start3A_223 = tpu.memref_slice %arg3[%dma_start3A_221, %dma_start3A_222] : memref<1000000x16xi32, #tpu.memory_space<hbm>> -> memref<1000000x16xi32, #tpu.memory_space<hbm>>
    %dma_start3A_224 = tpu.memref_slice %arg8[%dma_start3A_215] : memref<2x!tpu.dma_semaphore, #tpu.memory_space<semaphore_mem>> -> memref<1x!tpu.dma_semaphore, #tpu.memory_space<semaphore_mem>>
    %dma_start3A_225 = tpu.memref_squeeze %dma_start3A_224 : memref<1x!tpu.dma_semaphore, #tpu.memory_space<semaphore_mem>> -> memref<!tpu.dma_semaphore, #tpu.memory_space<semaphore_mem>>
    tpu.enqueue_indirect_dma source(%dma_start3A_223 : memref<1000000x16xi32, #tpu.memory_space<hbm>>) target(%dma_start3A_217 : memref<50x16xi32, #tpu.memory_space<vmem>>) offsets(%dma_start3A_220 : memref<50xi32, #tpu.memory_space<vmem>>) semaphore(%dma_start3A_225 : memref<!tpu.dma_semaphore, #tpu.memory_space<semaphore_mem>>)
    %add3A_226 = arith.constant 13 : i32
    %add3A_227 = arith.addi %multiple_of3A_5, %add3A_226 : i32
    %multiple_of3A_228 = arith.constant 0 : i32
    %multiple_of3A_229 = tpu.assume_multiple %multiple_of3A_228, 8 : i32
    %add3A_230 = arith.constant 650 : i32
    %add3A_231 = arith.addi %multiple_of3A_229, %add3A_230 : i32
    %dma_start3A_232 = arith.constant 0 : i32
    %dma_start3A_233 = arith.constant 0 : i32
    %dma_start3A_234 = tpu.memref_slice %arg6[%add3A_231, %dma_start3A_233] : memref<3200x16xi32, #tpu.memory_space<vmem>> -> memref<50x16xi32, #tpu.memory_space<vmem>>
    %dma_start3A_235 = arith.constant 0 : i32
    %dma_start3A_236 = tpu.memref_slice %arg5[%add3A_227, %dma_start3A_235] : memref<64x50xi32, #tpu.memory_space<vmem>> -> memref<1x50xi32, #tpu.memory_space<vmem>>
    %dma_start3A_237 = tpu.memref_squeeze %dma_start3A_236 : memref<1x50xi32, #tpu.memory_space<vmem>> -> memref<50xi32, #tpu.memory_space<vmem>>
    %dma_start3A_238 = arith.constant 0 : i32
    %dma_start3A_239 = arith.constant 0 : i32
    %dma_start3A_240 = tpu.memref_slice %arg3[%dma_start3A_238, %dma_start3A_239] : memref<1000000x16xi32, #tpu.memory_space<hbm>> -> memref<1000000x16xi32, #tpu.memory_space<hbm>>
    %dma_start3A_241 = tpu.memref_slice %arg8[%dma_start3A_232] : memref<2x!tpu.dma_semaphore, #tpu.memory_space<semaphore_mem>> -> memref<1x!tpu.dma_semaphore, #tpu.memory_space<semaphore_mem>>
    %dma_start3A_242 = tpu.memref_squeeze %dma_start3A_241 : memref<1x!tpu.dma_semaphore, #tpu.memory_space<semaphore_mem>> -> memref<!tpu.dma_semaphore, #tpu.memory_space<semaphore_mem>>
    tpu.enqueue_indirect_dma source(%dma_start3A_240 : memref<1000000x16xi32, #tpu.memory_space<hbm>>) target(%dma_start3A_234 : memref<50x16xi32, #tpu.memory_space<vmem>>) offsets(%dma_start3A_237 : memref<50xi32, #tpu.memory_space<vmem>>) semaphore(%dma_start3A_242 : memref<!tpu.dma_semaphore, #tpu.memory_space<semaphore_mem>>)
    %add3A_243 = arith.constant 14 : i32
    %add3A_244 = arith.addi %multiple_of3A_5, %add3A_243 : i32
    %multiple_of3A_245 = arith.constant 0 : i32
    %multiple_of3A_246 = tpu.assume_multiple %multiple_of3A_245, 8 : i32
    %add3A_247 = arith.constant 700 : i32
    %add3A_248 = arith.addi %multiple_of3A_246, %add3A_247 : i32
    %dma_start3A_249 = arith.constant 0 : i32
    %dma_start3A_250 = arith.constant 0 : i32
    %dma_start3A_251 = tpu.memref_slice %arg6[%add3A_248, %dma_start3A_250] : memref<3200x16xi32, #tpu.memory_space<vmem>> -> memref<50x16xi32, #tpu.memory_space<vmem>>
    %dma_start3A_252 = arith.constant 0 : i32
    %dma_start3A_253 = tpu.memref_slice %arg5[%add3A_244, %dma_start3A_252] : memref<64x50xi32, #tpu.memory_space<vmem>> -> memref<1x50xi32, #tpu.memory_space<vmem>>
    %dma_start3A_254 = tpu.memref_squeeze %dma_start3A_253 : memref<1x50xi32, #tpu.memory_space<vmem>> -> memref<50xi32, #tpu.memory_space<vmem>>
    %dma_start3A_255 = arith.constant 0 : i32
    %dma_start3A_256 = arith.constant 0 : i32
    %dma_start3A_257 = tpu.memref_slice %arg3[%dma_start3A_255, %dma_start3A_256] : memref<1000000x16xi32, #tpu.memory_space<hbm>> -> memref<1000000x16xi32, #tpu.memory_space<hbm>>
    %dma_start3A_258 = tpu.memref_slice %arg8[%dma_start3A_249] : memref<2x!tpu.dma_semaphore, #tpu.memory_space<semaphore_mem>> -> memref<1x!tpu.dma_semaphore, #tpu.memory_space<semaphore_mem>>
    %dma_start3A_259 = tpu.memref_squeeze %dma_start3A_258 : memref<1x!tpu.dma_semaphore, #tpu.memory_space<semaphore_mem>> -> memref<!tpu.dma_semaphore, #tpu.memory_space<semaphore_mem>>
    tpu.enqueue_indirect_dma source(%dma_start3A_257 : memref<1000000x16xi32, #tpu.memory_space<hbm>>) target(%dma_start3A_251 : memref<50x16xi32, #tpu.memory_space<vmem>>) offsets(%dma_start3A_254 : memref<50xi32, #tpu.memory_space<vmem>>) semaphore(%dma_start3A_259 : memref<!tpu.dma_semaphore, #tpu.memory_space<semaphore_mem>>)
    %add3A_260 = arith.constant 15 : i32
    %add3A_261 = arith.addi %multiple_of3A_5, %add3A_260 : i32
    %multiple_of3A_262 = arith.constant 0 : i32
    %multiple_of3A_263 = tpu.assume_multiple %multiple_of3A_262, 8 : i32
    %add3A_264 = arith.constant 750 : i32
    %add3A_265 = arith.addi %multiple_of3A_263, %add3A_264 : i32
    %dma_start3A_266 = arith.constant 0 : i32
    %dma_start3A_267 = arith.constant 0 : i32
    %dma_start3A_268 = tpu.memref_slice %arg6[%add3A_265, %dma_start3A_267] : memref<3200x16xi32, #tpu.memory_space<vmem>> -> memref<50x16xi32, #tpu.memory_space<vmem>>
    %dma_start3A_269 = arith.constant 0 : i32
    %dma_start3A_270 = tpu.memref_slice %arg5[%add3A_261, %dma_start3A_269] : memref<64x50xi32, #tpu.memory_space<vmem>> -> memref<1x50xi32, #tpu.memory_space<vmem>>
    %dma_start3A_271 = tpu.memref_squeeze %dma_start3A_270 : memref<1x50xi32, #tpu.memory_space<vmem>> -> memref<50xi32, #tpu.memory_space<vmem>>
    %dma_start3A_272 = arith.constant 0 : i32
    %dma_start3A_273 = arith.constant 0 : i32
    %dma_start3A_274 = tpu.memref_slice %arg3[%dma_start3A_272, %dma_start3A_273] : memref<1000000x16xi32, #tpu.memory_space<hbm>> -> memref<1000000x16xi32, #tpu.memory_space<hbm>>
    %dma_start3A_275 = tpu.memref_slice %arg8[%dma_start3A_266] : memref<2x!tpu.dma_semaphore, #tpu.memory_space<semaphore_mem>> -> memref<1x!tpu.dma_semaphore, #tpu.memory_space<semaphore_mem>>
    %dma_start3A_276 = tpu.memref_squeeze %dma_start3A_275 : memref<1x!tpu.dma_semaphore, #tpu.memory_space<semaphore_mem>> -> memref<!tpu.dma_semaphore, #tpu.memory_space<semaphore_mem>>
    tpu.enqueue_indirect_dma source(%dma_start3A_274 : memref<1000000x16xi32, #tpu.memory_space<hbm>>) target(%dma_start3A_268 : memref<50x16xi32, #tpu.memory_space<vmem>>) offsets(%dma_start3A_271 : memref<50xi32, #tpu.memory_space<vmem>>) semaphore(%dma_start3A_276 : memref<!tpu.dma_semaphore, #tpu.memory_space<semaphore_mem>>)
    %add3A_277 = arith.constant 16 : i32
    %add3A_278 = arith.addi %multiple_of3A_5, %add3A_277 : i32
    %multiple_of3A_279 = arith.constant 0 : i32
    %multiple_of3A_280 = tpu.assume_multiple %multiple_of3A_279, 8 : i32
    %add3A_281 = arith.constant 800 : i32
    %add3A_282 = arith.addi %multiple_of3A_280, %add3A_281 : i32
    %dma_start3A_283 = arith.constant 0 : i32
    %dma_start3A_284 = arith.constant 0 : i32
    %dma_start3A_285 = tpu.memref_slice %arg6[%add3A_282, %dma_start3A_284] : memref<3200x16xi32, #tpu.memory_space<vmem>> -> memref<50x16xi32, #tpu.memory_space<vmem>>
    %dma_start3A_286 = arith.constant 0 : i32
    %dma_start3A_287 = tpu.memref_slice %arg5[%add3A_278, %dma_start3A_286] : memref<64x50xi32, #tpu.memory_space<vmem>> -> memref<1x50xi32, #tpu.memory_space<vmem>>
    %dma_start3A_288 = tpu.memref_squeeze %dma_start3A_287 : memref<1x50xi32, #tpu.memory_space<vmem>> -> memref<50xi32, #tpu.memory_space<vmem>>
    %dma_start3A_289 = arith.constant 0 : i32
    %dma_start3A_290 = arith.constant 0 : i32
    %dma_start3A_291 = tpu.memref_slice %arg3[%dma_start3A_289, %dma_start3A_290] : memref<1000000x16xi32, #tpu.memory_space<hbm>> -> memref<1000000x16xi32, #tpu.memory_space<hbm>>
    %dma_start3A_292 = tpu.memref_slice %arg8[%dma_start3A_283] : memref<2x!tpu.dma_semaphore, #tpu.memory_space<semaphore_mem>> -> memref<1x!tpu.dma_semaphore, #tpu.memory_space<semaphore_mem>>
    %dma_start3A_293 = tpu.memref_squeeze %dma_start3A_292 : memref<1x!tpu.dma_semaphore, #tpu.memory_space<semaphore_mem>> -> memref<!tpu.dma_semaphore, #tpu.memory_space<semaphore_mem>>
    tpu.enqueue_indirect_dma source(%dma_start3A_291 : memref<1000000x16xi32, #tpu.memory_space<hbm>>) target(%dma_start3A_285 : memref<50x16xi32, #tpu.memory_space<vmem>>) offsets(%dma_start3A_288 : memref<50xi32, #tpu.memory_space<vmem>>) semaphore(%dma_start3A_293 : memref<!tpu.dma_semaphore, #tpu.memory_space<semaphore_mem>>)
    %add3A_294 = arith.constant 17 : i32
    %add3A_295 = arith.addi %multiple_of3A_5, %add3A_294 : i32
    %multiple_of3A_296 = arith.constant 0 : i32
    %multiple_of3A_297 = tpu.assume_multiple %multiple_of3A_296, 8 : i32
    %add3A_298 = arith.constant 850 : i32
    %add3A_299 = arith.addi %multiple_of3A_297, %add3A_298 : i32
    %dma_start3A_300 = arith.constant 0 : i32
    %dma_start3A_301 = arith.constant 0 : i32
    %dma_start3A_302 = tpu.memref_slice %arg6[%add3A_299, %dma_start3A_301] : memref<3200x16xi32, #tpu.memory_space<vmem>> -> memref<50x16xi32, #tpu.memory_space<vmem>>
    %dma_start3A_303 = arith.constant 0 : i32
    %dma_start3A_304 = tpu.memref_slice %arg5[%add3A_295, %dma_start3A_303] : memref<64x50xi32, #tpu.memory_space<vmem>> -> memref<1x50xi32, #tpu.memory_space<vmem>>
    %dma_start3A_305 = tpu.memref_squeeze %dma_start3A_304 : memref<1x50xi32, #tpu.memory_space<vmem>> -> memref<50xi32, #tpu.memory_space<vmem>>
    %dma_start3A_306 = arith.constant 0 : i32
    %dma_start3A_307 = arith.constant 0 : i32
    %dma_start3A_308 = tpu.memref_slice %arg3[%dma_start3A_306, %dma_start3A_307] : memref<1000000x16xi32, #tpu.memory_space<hbm>> -> memref<1000000x16xi32, #tpu.memory_space<hbm>>
    %dma_start3A_309 = tpu.memref_slice %arg8[%dma_start3A_300] : memref<2x!tpu.dma_semaphore, #tpu.memory_space<semaphore_mem>> -> memref<1x!tpu.dma_semaphore, #tpu.memory_space<semaphore_mem>>
    %dma_start3A_310 = tpu.memref_squeeze %dma_start3A_309 : memref<1x!tpu.dma_semaphore, #tpu.memory_space<semaphore_mem>> -> memref<!tpu.dma_semaphore, #tpu.memory_space<semaphore_mem>>
    tpu.enqueue_indirect_dma source(%dma_start3A_308 : memref<1000000x16xi32, #tpu.memory_space<hbm>>) target(%dma_start3A_302 : memref<50x16xi32, #tpu.memory_space<vmem>>) offsets(%dma_start3A_305 : memref<50xi32, #tpu.memory_space<vmem>>) semaphore(%dma_start3A_310 : memref<!tpu.dma_semaphore, #tpu.memory_space<semaphore_mem>>)
    %add3A_311 = arith.constant 18 : i32
    %add3A_312 = arith.addi %multiple_of3A_5, %add3A_311 : i32
    %multiple_of3A_313 = arith.constant 0 : i32
    %multiple_of3A_314 = tpu.assume_multiple %multiple_of3A_313, 8 : i32
    %add3A_315 = arith.constant 900 : i32
    %add3A_316 = arith.addi %multiple_of3A_314, %add3A_315 : i32
    %dma_start3A_317 = arith.constant 0 : i32
    %dma_start3A_318 = arith.constant 0 : i32
    %dma_start3A_319 = tpu.memref_slice %arg6[%add3A_316, %dma_start3A_318] : memref<3200x16xi32, #tpu.memory_space<vmem>> -> memref<50x16xi32, #tpu.memory_space<vmem>>
    %dma_start3A_320 = arith.constant 0 : i32
    %dma_start3A_321 = tpu.memref_slice %arg5[%add3A_312, %dma_start3A_320] : memref<64x50xi32, #tpu.memory_space<vmem>> -> memref<1x50xi32, #tpu.memory_space<vmem>>
    %dma_start3A_322 = tpu.memref_squeeze %dma_start3A_321 : memref<1x50xi32, #tpu.memory_space<vmem>> -> memref<50xi32, #tpu.memory_space<vmem>>
    %dma_start3A_323 = arith.constant 0 : i32
    %dma_start3A_324 = arith.constant 0 : i32
    %dma_start3A_325 = tpu.memref_slice %arg3[%dma_start3A_323, %dma_start3A_324] : memref<1000000x16xi32, #tpu.memory_space<hbm>> -> memref<1000000x16xi32, #tpu.memory_space<hbm>>
    %dma_start3A_326 = tpu.memref_slice %arg8[%dma_start3A_317] : memref<2x!tpu.dma_semaphore, #tpu.memory_space<semaphore_mem>> -> memref<1x!tpu.dma_semaphore, #tpu.memory_space<semaphore_mem>>
    %dma_start3A_327 = tpu.memref_squeeze %dma_start3A_326 : memref<1x!tpu.dma_semaphore, #tpu.memory_space<semaphore_mem>> -> memref<!tpu.dma_semaphore, #tpu.memory_space<semaphore_mem>>
    tpu.enqueue_indirect_dma source(%dma_start3A_325 : memref<1000000x16xi32, #tpu.memory_space<hbm>>) target(%dma_start3A_319 : memref<50x16xi32, #tpu.memory_space<vmem>>) offsets(%dma_start3A_322 : memref<50xi32, #tpu.memory_space<vmem>>) semaphore(%dma_start3A_327 : memref<!tpu.dma_semaphore, #tpu.memory_space<semaphore_mem>>)
    %add3A_328 = arith.constant 19 : i32
    %add3A_329 = arith.addi %multiple_of3A_5, %add3A_328 : i32
    %multiple_of3A_330 = arith.constant 0 : i32
    %multiple_of3A_331 = tpu.assume_multiple %multiple_of3A_330, 8 : i32
    %add3A_332 = arith.constant 950 : i32
    %add3A_333 = arith.addi %multiple_of3A_331, %add3A_332 : i32
    %dma_start3A_334 = arith.constant 0 : i32
    %dma_start3A_335 = arith.constant 0 : i32
    %dma_start3A_336 = tpu.memref_slice %arg6[%add3A_333, %dma_start3A_335] : memref<3200x16xi32, #tpu.memory_space<vmem>> -> memref<50x16xi32, #tpu.memory_space<vmem>>
    %dma_start3A_337 = arith.constant 0 : i32
    %dma_start3A_338 = tpu.memref_slice %arg5[%add3A_329, %dma_start3A_337] : memref<64x50xi32, #tpu.memory_space<vmem>> -> memref<1x50xi32, #tpu.memory_space<vmem>>
    %dma_start3A_339 = tpu.memref_squeeze %dma_start3A_338 : memref<1x50xi32, #tpu.memory_space<vmem>> -> memref<50xi32, #tpu.memory_space<vmem>>
    %dma_start3A_340 = arith.constant 0 : i32
    %dma_start3A_341 = arith.constant 0 : i32
    %dma_start3A_342 = tpu.memref_slice %arg3[%dma_start3A_340, %dma_start3A_341] : memref<1000000x16xi32, #tpu.memory_space<hbm>> -> memref<1000000x16xi32, #tpu.memory_space<hbm>>
    %dma_start3A_343 = tpu.memref_slice %arg8[%dma_start3A_334] : memref<2x!tpu.dma_semaphore, #tpu.memory_space<semaphore_mem>> -> memref<1x!tpu.dma_semaphore, #tpu.memory_space<semaphore_mem>>
    %dma_start3A_344 = tpu.memref_squeeze %dma_start3A_343 : memref<1x!tpu.dma_semaphore, #tpu.memory_space<semaphore_mem>> -> memref<!tpu.dma_semaphore, #tpu.memory_space<semaphore_mem>>
    tpu.enqueue_indirect_dma source(%dma_start3A_342 : memref<1000000x16xi32, #tpu.memory_space<hbm>>) target(%dma_start3A_336 : memref<50x16xi32, #tpu.memory_space<vmem>>) offsets(%dma_start3A_339 : memref<50xi32, #tpu.memory_space<vmem>>) semaphore(%dma_start3A_344 : memref<!tpu.dma_semaphore, #tpu.memory_space<semaphore_mem>>)
    %add3A_345 = arith.constant 20 : i32
    %add3A_346 = arith.addi %multiple_of3A_5, %add3A_345 : i32
    %multiple_of3A_347 = arith.constant 0 : i32
    %multiple_of3A_348 = tpu.assume_multiple %multiple_of3A_347, 8 : i32
    %add3A_349 = arith.constant 1000 : i32
    %add3A_350 = arith.addi %multiple_of3A_348, %add3A_349 : i32
    %dma_start3A_351 = arith.constant 0 : i32
    %dma_start3A_352 = arith.constant 0 : i32
    %dma_start3A_353 = tpu.memref_slice %arg6[%add3A_350, %dma_start3A_352] : memref<3200x16xi32, #tpu.memory_space<vmem>> -> memref<50x16xi32, #tpu.memory_space<vmem>>
    %dma_start3A_354 = arith.constant 0 : i32
    %dma_start3A_355 = tpu.memref_slice %arg5[%add3A_346, %dma_start3A_354] : memref<64x50xi32, #tpu.memory_space<vmem>> -> memref<1x50xi32, #tpu.memory_space<vmem>>
    %dma_start3A_356 = tpu.memref_squeeze %dma_start3A_355 : memref<1x50xi32, #tpu.memory_space<vmem>> -> memref<50xi32, #tpu.memory_space<vmem>>
    %dma_start3A_357 = arith.constant 0 : i32
    %dma_start3A_358 = arith.constant 0 : i32
    %dma_start3A_359 = tpu.memref_slice %arg3[%dma_start3A_357, %dma_start3A_358] : memref<1000000x16xi32, #tpu.memory_space<hbm>> -> memref<1000000x16xi32, #tpu.memory_space<hbm>>
    %dma_start3A_360 = tpu.memref_slice %arg8[%dma_start3A_351] : memref<2x!tpu.dma_semaphore, #tpu.memory_space<semaphore_mem>> -> memref<1x!tpu.dma_semaphore, #tpu.memory_space<semaphore_mem>>
    %dma_start3A_361 = tpu.memref_squeeze %dma_start3A_360 : memref<1x!tpu.dma_semaphore, #tpu.memory_space<semaphore_mem>> -> memref<!tpu.dma_semaphore, #tpu.memory_space<semaphore_mem>>
    tpu.enqueue_indirect_dma source(%dma_start3A_359 : memref<1000000x16xi32, #tpu.memory_space<hbm>>) target(%dma_start3A_353 : memref<50x16xi32, #tpu.memory_space<vmem>>) offsets(%dma_start3A_356 : memref<50xi32, #tpu.memory_space<vmem>>) semaphore(%dma_start3A_361 : memref<!tpu.dma_semaphore, #tpu.memory_space<semaphore_mem>>)
    %add3A_362 = arith.constant 21 : i32
    %add3A_363 = arith.addi %multiple_of3A_5, %add3A_362 : i32
    %multiple_of3A_364 = arith.constant 0 : i32
    %multiple_of3A_365 = tpu.assume_multiple %multiple_of3A_364, 8 : i32
    %add3A_366 = arith.constant 1050 : i32
    %add3A_367 = arith.addi %multiple_of3A_365, %add3A_366 : i32
    %dma_start3A_368 = arith.constant 0 : i32
    %dma_start3A_369 = arith.constant 0 : i32
    %dma_start3A_370 = tpu.memref_slice %arg6[%add3A_367, %dma_start3A_369] : memref<3200x16xi32, #tpu.memory_space<vmem>> -> memref<50x16xi32, #tpu.memory_space<vmem>>
    %dma_start3A_371 = arith.constant 0 : i32
    %dma_start3A_372 = tpu.memref_slice %arg5[%add3A_363, %dma_start3A_371] : memref<64x50xi32, #tpu.memory_space<vmem>> -> memref<1x50xi32, #tpu.memory_space<vmem>>
    %dma_start3A_373 = tpu.memref_squeeze %dma_start3A_372 : memref<1x50xi32, #tpu.memory_space<vmem>> -> memref<50xi32, #tpu.memory_space<vmem>>
    %dma_start3A_374 = arith.constant 0 : i32
    %dma_start3A_375 = arith.constant 0 : i32
    %dma_start3A_376 = tpu.memref_slice %arg3[%dma_start3A_374, %dma_start3A_375] : memref<1000000x16xi32, #tpu.memory_space<hbm>> -> memref<1000000x16xi32, #tpu.memory_space<hbm>>
    %dma_start3A_377 = tpu.memref_slice %arg8[%dma_start3A_368] : memref<2x!tpu.dma_semaphore, #tpu.memory_space<semaphore_mem>> -> memref<1x!tpu.dma_semaphore, #tpu.memory_space<semaphore_mem>>
    %dma_start3A_378 = tpu.memref_squeeze %dma_start3A_377 : memref<1x!tpu.dma_semaphore, #tpu.memory_space<semaphore_mem>> -> memref<!tpu.dma_semaphore, #tpu.memory_space<semaphore_mem>>
    tpu.enqueue_indirect_dma source(%dma_start3A_376 : memref<1000000x16xi32, #tpu.memory_space<hbm>>) target(%dma_start3A_370 : memref<50x16xi32, #tpu.memory_space<vmem>>) offsets(%dma_start3A_373 : memref<50xi32, #tpu.memory_space<vmem>>) semaphore(%dma_start3A_378 : memref<!tpu.dma_semaphore, #tpu.memory_space<semaphore_mem>>)
    %add3A_379 = arith.constant 22 : i32
    %add3A_380 = arith.addi %multiple_of3A_5, %add3A_379 : i32
    %multiple_of3A_381 = arith.constant 0 : i32
    %multiple_of3A_382 = tpu.assume_multiple %multiple_of3A_381, 8 : i32
    %add3A_383 = arith.constant 1100 : i32
    %add3A_384 = arith.addi %multiple_of3A_382, %add3A_383 : i32
    %dma_start3A_385 = arith.constant 0 : i32
    %dma_start3A_386 = arith.constant 0 : i32
    %dma_start3A_387 = tpu.memref_slice %arg6[%add3A_384, %dma_start3A_386] : memref<3200x16xi32, #tpu.memory_space<vmem>> -> memref<50x16xi32, #tpu.memory_space<vmem>>
    %dma_start3A_388 = arith.constant 0 : i32
    %dma_start3A_389 = tpu.memref_slice %arg5[%add3A_380, %dma_start3A_388] : memref<64x50xi32, #tpu.memory_space<vmem>> -> memref<1x50xi32, #tpu.memory_space<vmem>>
    %dma_start3A_390 = tpu.memref_squeeze %dma_start3A_389 : memref<1x50xi32, #tpu.memory_space<vmem>> -> memref<50xi32, #tpu.memory_space<vmem>>
    %dma_start3A_391 = arith.constant 0 : i32
    %dma_start3A_392 = arith.constant 0 : i32
    %dma_start3A_393 = tpu.memref_slice %arg3[%dma_start3A_391, %dma_start3A_392] : memref<1000000x16xi32, #tpu.memory_space<hbm>> -> memref<1000000x16xi32, #tpu.memory_space<hbm>>
    %dma_start3A_394 = tpu.memref_slice %arg8[%dma_start3A_385] : memref<2x!tpu.dma_semaphore, #tpu.memory_space<semaphore_mem>> -> memref<1x!tpu.dma_semaphore, #tpu.memory_space<semaphore_mem>>
    %dma_start3A_395 = tpu.memref_squeeze %dma_start3A_394 : memref<1x!tpu.dma_semaphore, #tpu.memory_space<semaphore_mem>> -> memref<!tpu.dma_semaphore, #tpu.memory_space<semaphore_mem>>
    tpu.enqueue_indirect_dma source(%dma_start3A_393 : memref<1000000x16xi32, #tpu.memory_space<hbm>>) target(%dma_start3A_387 : memref<50x16xi32, #tpu.memory_space<vmem>>) offsets(%dma_start3A_390 : memref<50xi32, #tpu.memory_space<vmem>>) semaphore(%dma_start3A_395 : memref<!tpu.dma_semaphore, #tpu.memory_space<semaphore_mem>>)
    %add3A_396 = arith.constant 23 : i32
    %add3A_397 = arith.addi %multiple_of3A_5, %add3A_396 : i32
    %multiple_of3A_398 = arith.constant 0 : i32
    %multiple_of3A_399 = tpu.assume_multiple %multiple_of3A_398, 8 : i32
    %add3A_400 = arith.constant 1150 : i32
    %add3A_401 = arith.addi %multiple_of3A_399, %add3A_400 : i32
    %dma_start3A_402 = arith.constant 0 : i32
    %dma_start3A_403 = arith.constant 0 : i32
    %dma_start3A_404 = tpu.memref_slice %arg6[%add3A_401, %dma_start3A_403] : memref<3200x16xi32, #tpu.memory_space<vmem>> -> memref<50x16xi32, #tpu.memory_space<vmem>>
    %dma_start3A_405 = arith.constant 0 : i32
    %dma_start3A_406 = tpu.memref_slice %arg5[%add3A_397, %dma_start3A_405] : memref<64x50xi32, #tpu.memory_space<vmem>> -> memref<1x50xi32, #tpu.memory_space<vmem>>
    %dma_start3A_407 = tpu.memref_squeeze %dma_start3A_406 : memref<1x50xi32, #tpu.memory_space<vmem>> -> memref<50xi32, #tpu.memory_space<vmem>>
    %dma_start3A_408 = arith.constant 0 : i32
    %dma_start3A_409 = arith.constant 0 : i32
    %dma_start3A_410 = tpu.memref_slice %arg3[%dma_start3A_408, %dma_start3A_409] : memref<1000000x16xi32, #tpu.memory_space<hbm>> -> memref<1000000x16xi32, #tpu.memory_space<hbm>>
    %dma_start3A_411 = tpu.memref_slice %arg8[%dma_start3A_402] : memref<2x!tpu.dma_semaphore, #tpu.memory_space<semaphore_mem>> -> memref<1x!tpu.dma_semaphore, #tpu.memory_space<semaphore_mem>>
    %dma_start3A_412 = tpu.memref_squeeze %dma_start3A_411 : memref<1x!tpu.dma_semaphore, #tpu.memory_space<semaphore_mem>> -> memref<!tpu.dma_semaphore, #tpu.memory_space<semaphore_mem>>
    tpu.enqueue_indirect_dma source(%dma_start3A_410 : memref<1000000x16xi32, #tpu.memory_space<hbm>>) target(%dma_start3A_404 : memref<50x16xi32, #tpu.memory_space<vmem>>) offsets(%dma_start3A_407 : memref<50xi32, #tpu.memory_space<vmem>>) semaphore(%dma_start3A_412 : memref<!tpu.dma_semaphore, #tpu.memory_space<semaphore_mem>>)
    %add3A_413 = arith.constant 24 : i32
    %add3A_414 = arith.addi %multiple_of3A_5, %add3A_413 : i32
    %multiple_of3A_415 = arith.constant 0 : i32
    %multiple_of3A_416 = tpu.assume_multiple %multiple_of3A_415, 8 : i32
    %add3A_417 = arith.constant 1200 : i32
    %add3A_418 = arith.addi %multiple_of3A_416, %add3A_417 : i32
    %dma_start3A_419 = arith.constant 0 : i32
    %dma_start3A_420 = arith.constant 0 : i32
    %dma_start3A_421 = tpu.memref_slice %arg6[%add3A_418, %dma_start3A_420] : memref<3200x16xi32, #tpu.memory_space<vmem>> -> memref<50x16xi32, #tpu.memory_space<vmem>>
    %dma_start3A_422 = arith.constant 0 : i32
    %dma_start3A_423 = tpu.memref_slice %arg5[%add3A_414, %dma_start3A_422] : memref<64x50xi32, #tpu.memory_space<vmem>> -> memref<1x50xi32, #tpu.memory_space<vmem>>
    %dma_start3A_424 = tpu.memref_squeeze %dma_start3A_423 : memref<1x50xi32, #tpu.memory_space<vmem>> -> memref<50xi32, #tpu.memory_space<vmem>>
    %dma_start3A_425 = arith.constant 0 : i32
    %dma_start3A_426 = arith.constant 0 : i32
    %dma_start3A_427 = tpu.memref_slice %arg3[%dma_start3A_425, %dma_start3A_426] : memref<1000000x16xi32, #tpu.memory_space<hbm>> -> memref<1000000x16xi32, #tpu.memory_space<hbm>>
    %dma_start3A_428 = tpu.memref_slice %arg8[%dma_start3A_419] : memref<2x!tpu.dma_semaphore, #tpu.memory_space<semaphore_mem>> -> memref<1x!tpu.dma_semaphore, #tpu.memory_space<semaphore_mem>>
    %dma_start3A_429 = tpu.memref_squeeze %dma_start3A_428 : memref<1x!tpu.dma_semaphore, #tpu.memory_space<semaphore_mem>> -> memref<!tpu.dma_semaphore, #tpu.memory_space<semaphore_mem>>
    tpu.enqueue_indirect_dma source(%dma_start3A_427 : memref<1000000x16xi32, #tpu.memory_space<hbm>>) target(%dma_start3A_421 : memref<50x16xi32, #tpu.memory_space<vmem>>) offsets(%dma_start3A_424 : memref<50xi32, #tpu.memory_space<vmem>>) semaphore(%dma_start3A_429 : memref<!tpu.dma_semaphore, #tpu.memory_space<semaphore_mem>>)
    %add3A_430 = arith.constant 25 : i32
    %add3A_431 = arith.addi %multiple_of3A_5, %add3A_430 : i32
    %multiple_of3A_432 = arith.constant 0 : i32
    %multiple_of3A_433 = tpu.assume_multiple %multiple_of3A_432, 8 : i32
    %add3A_434 = arith.constant 1250 : i32
    %add3A_435 = arith.addi %multiple_of3A_433, %add3A_434 : i32
    %dma_start3A_436 = arith.constant 0 : i32
    %dma_start3A_437 = arith.constant 0 : i32
    %dma_start3A_438 = tpu.memref_slice %arg6[%add3A_435, %dma_start3A_437] : memref<3200x16xi32, #tpu.memory_space<vmem>> -> memref<50x16xi32, #tpu.memory_space<vmem>>
    %dma_start3A_439 = arith.constant 0 : i32
    %dma_start3A_440 = tpu.memref_slice %arg5[%add3A_431, %dma_start3A_439] : memref<64x50xi32, #tpu.memory_space<vmem>> -> memref<1x50xi32, #tpu.memory_space<vmem>>
    %dma_start3A_441 = tpu.memref_squeeze %dma_start3A_440 : memref<1x50xi32, #tpu.memory_space<vmem>> -> memref<50xi32, #tpu.memory_space<vmem>>
    %dma_start3A_442 = arith.constant 0 : i32
    %dma_start3A_443 = arith.constant 0 : i32
    %dma_start3A_444 = tpu.memref_slice %arg3[%dma_start3A_442, %dma_start3A_443] : memref<1000000x16xi32, #tpu.memory_space<hbm>> -> memref<1000000x16xi32, #tpu.memory_space<hbm>>
    %dma_start3A_445 = tpu.memref_slice %arg8[%dma_start3A_436] : memref<2x!tpu.dma_semaphore, #tpu.memory_space<semaphore_mem>> -> memref<1x!tpu.dma_semaphore, #tpu.memory_space<semaphore_mem>>
    %dma_start3A_446 = tpu.memref_squeeze %dma_start3A_445 : memref<1x!tpu.dma_semaphore, #tpu.memory_space<semaphore_mem>> -> memref<!tpu.dma_semaphore, #tpu.memory_space<semaphore_mem>>
    tpu.enqueue_indirect_dma source(%dma_start3A_444 : memref<1000000x16xi32, #tpu.memory_space<hbm>>) target(%dma_start3A_438 : memref<50x16xi32, #tpu.memory_space<vmem>>) offsets(%dma_start3A_441 : memref<50xi32, #tpu.memory_space<vmem>>) semaphore(%dma_start3A_446 : memref<!tpu.dma_semaphore, #tpu.memory_space<semaphore_mem>>)
    %add3A_447 = arith.constant 26 : i32
    %add3A_448 = arith.addi %multiple_of3A_5, %add3A_447 : i32
    %multiple_of3A_449 = arith.constant 0 : i32
    %multiple_of3A_450 = tpu.assume_multiple %multiple_of3A_449, 8 : i32
    %add3A_451 = arith.constant 1300 : i32
    %add3A_452 = arith.addi %multiple_of3A_450, %add3A_451 : i32
    %dma_start3A_453 = arith.constant 0 : i32
    %dma_start3A_454 = arith.constant 0 : i32
    %dma_start3A_455 = tpu.memref_slice %arg6[%add3A_452, %dma_start3A_454] : memref<3200x16xi32, #tpu.memory_space<vmem>> -> memref<50x16xi32, #tpu.memory_space<vmem>>
    %dma_start3A_456 = arith.constant 0 : i32
    %dma_start3A_457 = tpu.memref_slice %arg5[%add3A_448, %dma_start3A_456] : memref<64x50xi32, #tpu.memory_space<vmem>> -> memref<1x50xi32, #tpu.memory_space<vmem>>
    %dma_start3A_458 = tpu.memref_squeeze %dma_start3A_457 : memref<1x50xi32, #tpu.memory_space<vmem>> -> memref<50xi32, #tpu.memory_space<vmem>>
    %dma_start3A_459 = arith.constant 0 : i32
    %dma_start3A_460 = arith.constant 0 : i32
    %dma_start3A_461 = tpu.memref_slice %arg3[%dma_start3A_459, %dma_start3A_460] : memref<1000000x16xi32, #tpu.memory_space<hbm>> -> memref<1000000x16xi32, #tpu.memory_space<hbm>>
    %dma_start3A_462 = tpu.memref_slice %arg8[%dma_start3A_453] : memref<2x!tpu.dma_semaphore, #tpu.memory_space<semaphore_mem>> -> memref<1x!tpu.dma_semaphore, #tpu.memory_space<semaphore_mem>>
    %dma_start3A_463 = tpu.memref_squeeze %dma_start3A_462 : memref<1x!tpu.dma_semaphore, #tpu.memory_space<semaphore_mem>> -> memref<!tpu.dma_semaphore, #tpu.memory_space<semaphore_mem>>
    tpu.enqueue_indirect_dma source(%dma_start3A_461 : memref<1000000x16xi32, #tpu.memory_space<hbm>>) target(%dma_start3A_455 : memref<50x16xi32, #tpu.memory_space<vmem>>) offsets(%dma_start3A_458 : memref<50xi32, #tpu.memory_space<vmem>>) semaphore(%dma_start3A_463 : memref<!tpu.dma_semaphore, #tpu.memory_space<semaphore_mem>>)
    %add3A_464 = arith.constant 27 : i32
    %add3A_465 = arith.addi %multiple_of3A_5, %add3A_464 : i32
    %multiple_of3A_466 = arith.constant 0 : i32
    %multiple_of3A_467 = tpu.assume_multiple %multiple_of3A_466, 8 : i32
    %add3A_468 = arith.constant 1350 : i32
    %add3A_469 = arith.addi %multiple_of3A_467, %add3A_468 : i32
    %dma_start3A_470 = arith.constant 0 : i32
    %dma_start3A_471 = arith.constant 0 : i32
    %dma_start3A_472 = tpu.memref_slice %arg6[%add3A_469, %dma_start3A_471] : memref<3200x16xi32, #tpu.memory_space<vmem>> -> memref<50x16xi32, #tpu.memory_space<vmem>>
    %dma_start3A_473 = arith.constant 0 : i32
    %dma_start3A_474 = tpu.memref_slice %arg5[%add3A_465, %dma_start3A_473] : memref<64x50xi32, #tpu.memory_space<vmem>> -> memref<1x50xi32, #tpu.memory_space<vmem>>
    %dma_start3A_475 = tpu.memref_squeeze %dma_start3A_474 : memref<1x50xi32, #tpu.memory_space<vmem>> -> memref<50xi32, #tpu.memory_space<vmem>>
    %dma_start3A_476 = arith.constant 0 : i32
    %dma_start3A_477 = arith.constant 0 : i32
    %dma_start3A_478 = tpu.memref_slice %arg3[%dma_start3A_476, %dma_start3A_477] : memref<1000000x16xi32, #tpu.memory_space<hbm>> -> memref<1000000x16xi32, #tpu.memory_space<hbm>>
    %dma_start3A_479 = tpu.memref_slice %arg8[%dma_start3A_470] : memref<2x!tpu.dma_semaphore, #tpu.memory_space<semaphore_mem>> -> memref<1x!tpu.dma_semaphore, #tpu.memory_space<semaphore_mem>>
    %dma_start3A_480 = tpu.memref_squeeze %dma_start3A_479 : memref<1x!tpu.dma_semaphore, #tpu.memory_space<semaphore_mem>> -> memref<!tpu.dma_semaphore, #tpu.memory_space<semaphore_mem>>
    tpu.enqueue_indirect_dma source(%dma_start3A_478 : memref<1000000x16xi32, #tpu.memory_space<hbm>>) target(%dma_start3A_472 : memref<50x16xi32, #tpu.memory_space<vmem>>) offsets(%dma_start3A_475 : memref<50xi32, #tpu.memory_space<vmem>>) semaphore(%dma_start3A_480 : memref<!tpu.dma_semaphore, #tpu.memory_space<semaphore_mem>>)
    %add3A_481 = arith.constant 28 : i32
    %add3A_482 = arith.addi %multiple_of3A_5, %add3A_481 : i32
    %multiple_of3A_483 = arith.constant 0 : i32
    %multiple_of3A_484 = tpu.assume_multiple %multiple_of3A_483, 8 : i32
    %add3A_485 = arith.constant 1400 : i32
    %add3A_486 = arith.addi %multiple_of3A_484, %add3A_485 : i32
    %dma_start3A_487 = arith.constant 0 : i32
    %dma_start3A_488 = arith.constant 0 : i32
    %dma_start3A_489 = tpu.memref_slice %arg6[%add3A_486, %dma_start3A_488] : memref<3200x16xi32, #tpu.memory_space<vmem>> -> memref<50x16xi32, #tpu.memory_space<vmem>>
    %dma_start3A_490 = arith.constant 0 : i32
    %dma_start3A_491 = tpu.memref_slice %arg5[%add3A_482, %dma_start3A_490] : memref<64x50xi32, #tpu.memory_space<vmem>> -> memref<1x50xi32, #tpu.memory_space<vmem>>
    %dma_start3A_492 = tpu.memref_squeeze %dma_start3A_491 : memref<1x50xi32, #tpu.memory_space<vmem>> -> memref<50xi32, #tpu.memory_space<vmem>>
    %dma_start3A_493 = arith.constant 0 : i32
    %dma_start3A_494 = arith.constant 0 : i32
    %dma_start3A_495 = tpu.memref_slice %arg3[%dma_start3A_493, %dma_start3A_494] : memref<1000000x16xi32, #tpu.memory_space<hbm>> -> memref<1000000x16xi32, #tpu.memory_space<hbm>>
    %dma_start3A_496 = tpu.memref_slice %arg8[%dma_start3A_487] : memref<2x!tpu.dma_semaphore, #tpu.memory_space<semaphore_mem>> -> memref<1x!tpu.dma_semaphore, #tpu.memory_space<semaphore_mem>>
    %dma_start3A_497 = tpu.memref_squeeze %dma_start3A_496 : memref<1x!tpu.dma_semaphore, #tpu.memory_space<semaphore_mem>> -> memref<!tpu.dma_semaphore, #tpu.memory_space<semaphore_mem>>
    tpu.enqueue_indirect_dma source(%dma_start3A_495 : memref<1000000x16xi32, #tpu.memory_space<hbm>>) target(%dma_start3A_489 : memref<50x16xi32, #tpu.memory_space<vmem>>) offsets(%dma_start3A_492 : memref<50xi32, #tpu.memory_space<vmem>>) semaphore(%dma_start3A_497 : memref<!tpu.dma_semaphore, #tpu.memory_space<semaphore_mem>>)
    %add3A_498 = arith.constant 29 : i32
    %add3A_499 = arith.addi %multiple_of3A_5, %add3A_498 : i32
    %multiple_of3A_500 = arith.constant 0 : i32
    %multiple_of3A_501 = tpu.assume_multiple %multiple_of3A_500, 8 : i32
    %add3A_502 = arith.constant 1450 : i32
    %add3A_503 = arith.addi %multiple_of3A_501, %add3A_502 : i32
    %dma_start3A_504 = arith.constant 0 : i32
    %dma_start3A_505 = arith.constant 0 : i32
    %dma_start3A_506 = tpu.memref_slice %arg6[%add3A_503, %dma_start3A_505] : memref<3200x16xi32, #tpu.memory_space<vmem>> -> memref<50x16xi32, #tpu.memory_space<vmem>>
    %dma_start3A_507 = arith.constant 0 : i32
    %dma_start3A_508 = tpu.memref_slice %arg5[%add3A_499, %dma_start3A_507] : memref<64x50xi32, #tpu.memory_space<vmem>> -> memref<1x50xi32, #tpu.memory_space<vmem>>
    %dma_start3A_509 = tpu.memref_squeeze %dma_start3A_508 : memref<1x50xi32, #tpu.memory_space<vmem>> -> memref<50xi32, #tpu.memory_space<vmem>>
    %dma_start3A_510 = arith.constant 0 : i32
    %dma_start3A_511 = arith.constant 0 : i32
    %dma_start3A_512 = tpu.memref_slice %arg3[%dma_start3A_510, %dma_start3A_511] : memref<1000000x16xi32, #tpu.memory_space<hbm>> -> memref<1000000x16xi32, #tpu.memory_space<hbm>>
    %dma_start3A_513 = tpu.memref_slice %arg8[%dma_start3A_504] : memref<2x!tpu.dma_semaphore, #tpu.memory_space<semaphore_mem>> -> memref<1x!tpu.dma_semaphore, #tpu.memory_space<semaphore_mem>>
    %dma_start3A_514 = tpu.memref_squeeze %dma_start3A_513 : memref<1x!tpu.dma_semaphore, #tpu.memory_space<semaphore_mem>> -> memref<!tpu.dma_semaphore, #tpu.memory_space<semaphore_mem>>
    tpu.enqueue_indirect_dma source(%dma_start3A_512 : memref<1000000x16xi32, #tpu.memory_space<hbm>>) target(%dma_start3A_506 : memref<50x16xi32, #tpu.memory_space<vmem>>) offsets(%dma_start3A_509 : memref<50xi32, #tpu.memory_space<vmem>>) semaphore(%dma_start3A_514 : memref<!tpu.dma_semaphore, #tpu.memory_space<semaphore_mem>>)
    %add3A_515 = arith.constant 30 : i32
    %add3A_516 = arith.addi %multiple_of3A_5, %add3A_515 : i32
    %multiple_of3A_517 = arith.constant 0 : i32
    %multiple_of3A_518 = tpu.assume_multiple %multiple_of3A_517, 8 : i32
    %add3A_519 = arith.constant 1500 : i32
    %add3A_520 = arith.addi %multiple_of3A_518, %add3A_519 : i32
    %dma_start3A_521 = arith.constant 0 : i32
    %dma_start3A_522 = arith.constant 0 : i32
    %dma_start3A_523 = tpu.memref_slice %arg6[%add3A_520, %dma_start3A_522] : memref<3200x16xi32, #tpu.memory_space<vmem>> -> memref<50x16xi32, #tpu.memory_space<vmem>>
    %dma_start3A_524 = arith.constant 0 : i32
    %dma_start3A_525 = tpu.memref_slice %arg5[%add3A_516, %dma_start3A_524] : memref<64x50xi32, #tpu.memory_space<vmem>> -> memref<1x50xi32, #tpu.memory_space<vmem>>
    %dma_start3A_526 = tpu.memref_squeeze %dma_start3A_525 : memref<1x50xi32, #tpu.memory_space<vmem>> -> memref<50xi32, #tpu.memory_space<vmem>>
    %dma_start3A_527 = arith.constant 0 : i32
    %dma_start3A_528 = arith.constant 0 : i32
    %dma_start3A_529 = tpu.memref_slice %arg3[%dma_start3A_527, %dma_start3A_528] : memref<1000000x16xi32, #tpu.memory_space<hbm>> -> memref<1000000x16xi32, #tpu.memory_space<hbm>>
    %dma_start3A_530 = tpu.memref_slice %arg8[%dma_start3A_521] : memref<2x!tpu.dma_semaphore, #tpu.memory_space<semaphore_mem>> -> memref<1x!tpu.dma_semaphore, #tpu.memory_space<semaphore_mem>>
    %dma_start3A_531 = tpu.memref_squeeze %dma_start3A_530 : memref<1x!tpu.dma_semaphore, #tpu.memory_space<semaphore_mem>> -> memref<!tpu.dma_semaphore, #tpu.memory_space<semaphore_mem>>
    tpu.enqueue_indirect_dma source(%dma_start3A_529 : memref<1000000x16xi32, #tpu.memory_space<hbm>>) target(%dma_start3A_523 : memref<50x16xi32, #tpu.memory_space<vmem>>) offsets(%dma_start3A_526 : memref<50xi32, #tpu.memory_space<vmem>>) semaphore(%dma_start3A_531 : memref<!tpu.dma_semaphore, #tpu.memory_space<semaphore_mem>>)
    %add3A_532 = arith.constant 31 : i32
    %add3A_533 = arith.addi %multiple_of3A_5, %add3A_532 : i32
    %multiple_of3A_534 = arith.constant 0 : i32
    %multiple_of3A_535 = tpu.assume_multiple %multiple_of3A_534, 8 : i32
    %add3A_536 = arith.constant 1550 : i32
    %add3A_537 = arith.addi %multiple_of3A_535, %add3A_536 : i32
    %dma_start3A_538 = arith.constant 0 : i32
    %dma_start3A_539 = arith.constant 0 : i32
    %dma_start3A_540 = tpu.memref_slice %arg6[%add3A_537, %dma_start3A_539] : memref<3200x16xi32, #tpu.memory_space<vmem>> -> memref<50x16xi32, #tpu.memory_space<vmem>>
    %dma_start3A_541 = arith.constant 0 : i32
    %dma_start3A_542 = tpu.memref_slice %arg5[%add3A_533, %dma_start3A_541] : memref<64x50xi32, #tpu.memory_space<vmem>> -> memref<1x50xi32, #tpu.memory_space<vmem>>
    %dma_start3A_543 = tpu.memref_squeeze %dma_start3A_542 : memref<1x50xi32, #tpu.memory_space<vmem>> -> memref<50xi32, #tpu.memory_space<vmem>>
    %dma_start3A_544 = arith.constant 0 : i32
    %dma_start3A_545 = arith.constant 0 : i32
    %dma_start3A_546 = tpu.memref_slice %arg3[%dma_start3A_544, %dma_start3A_545] : memref<1000000x16xi32, #tpu.memory_space<hbm>> -> memref<1000000x16xi32, #tpu.memory_space<hbm>>
    %dma_start3A_547 = tpu.memref_slice %arg8[%dma_start3A_538] : memref<2x!tpu.dma_semaphore, #tpu.memory_space<semaphore_mem>> -> memref<1x!tpu.dma_semaphore, #tpu.memory_space<semaphore_mem>>
    %dma_start3A_548 = tpu.memref_squeeze %dma_start3A_547 : memref<1x!tpu.dma_semaphore, #tpu.memory_space<semaphore_mem>> -> memref<!tpu.dma_semaphore, #tpu.memory_space<semaphore_mem>>
    tpu.enqueue_indirect_dma source(%dma_start3A_546 : memref<1000000x16xi32, #tpu.memory_space<hbm>>) target(%dma_start3A_540 : memref<50x16xi32, #tpu.memory_space<vmem>>) offsets(%dma_start3A_543 : memref<50xi32, #tpu.memory_space<vmem>>) semaphore(%dma_start3A_548 : memref<!tpu.dma_semaphore, #tpu.memory_space<semaphore_mem>>)
    %scan3A = arith.constant 0 : i32
    %scan3A_549 = arith.constant 0 : i32
    %scan3A_550 = arith.constant 16 : i32
    %scan3A_551 = arith.addi %scan3A_549, %scan3A_550 : i32
    %scan3A_552 = arith.constant 1 : i32
    scf.for %scan3A_554 = %scan3A_549 to %scan3A_551 step %scan3A_552  : i32 {
      %jit3A = arith.constant 2 : i32
      %eq3A = arith.constant 0 : i32
      %eq3A_555 = arith.cmpi eq, %jit3A, %eq3A : i32
      %jit3A_556 = arith.constant 1 : i32
      %select_n3A = arith.select %eq3A_555, %jit3A_556, %jit3A : i32
      %rem3A = arith.remsi %scan3A_554, %select_n3A : i32
      %ne3A = arith.constant 0 : i32
      %ne3A_557 = arith.cmpi ne, %rem3A, %ne3A : i32
      %lt3A = arith.constant 0 : i32
      %lt3A_558 = arith.cmpi slt, %rem3A, %lt3A : i32
      %lt3A_559 = arith.constant 0 : i32
      %lt3A_560 = arith.cmpi slt, %select_n3A, %lt3A_559 : i32
      %ne3A_561 = arith.xori %lt3A_558, %lt3A_560 : i1
      %and3A = arith.andi %ne3A_561, %ne3A_557 : i1
      %add3A_562 = arith.addi %rem3A, %select_n3A : i32
      %select_n3A_563 = arith.select %and3A, %add3A_562, %rem3A : i32
      %mul3A_564 = arith.constant 32 : i32
      %mul3A_565 = arith.muli %scan3A_554, %mul3A_564 : i32
      %add3A_566 = arith.addi %mul3A_2, %mul3A_565 : i32
      %add3A_567 = arith.constant 1 : i32
      %add3A_568 = arith.addi %scan3A_554, %add3A_567 : i32
      %lt3A_569 = arith.constant 16 : i32
      %lt3A_570 = arith.cmpi slt, %add3A_568, %lt3A_569 : i32
      %convert_element_type3A = arith.extui %lt3A_570 : i1 to i32
      %cond3A = arith.constant 0 : i32
      %cond3A_571 = arith.cmpi ne, %convert_element_type3A, %cond3A : i32
      scf.if %cond3A_571 {
        %add3A_594 = arith.constant 1 : i32
        %add3A_595 = arith.addi %scan3A_554, %add3A_594 : i32
        %add3A_596 = arith.constant 1 : i32
        %add3A_597 = arith.addi %scan3A_554, %add3A_596 : i32
        %jit3A_598 = arith.constant 2 : i32
        %eq3A_599 = arith.constant 0 : i32
        %eq3A_600 = arith.cmpi eq, %jit3A_598, %eq3A_599 : i32
        %jit3A_601 = arith.constant 1 : i32
        %select_n3A_602 = arith.select %eq3A_600, %jit3A_601, %jit3A_598 : i32
        %rem3A_603 = arith.remsi %add3A_597, %select_n3A_602 : i32
        %ne3A_604 = arith.constant 0 : i32
        %ne3A_605 = arith.cmpi ne, %rem3A_603, %ne3A_604 : i32
        %lt3A_606 = arith.constant 0 : i32
        %lt3A_607 = arith.cmpi slt, %rem3A_603, %lt3A_606 : i32
        %lt3A_608 = arith.constant 0 : i32
        %lt3A_609 = arith.cmpi slt, %select_n3A_602, %lt3A_608 : i32
        %ne3A_610 = arith.xori %lt3A_607, %lt3A_609 : i1
        %and3A_611 = arith.andi %ne3A_610, %ne3A_605 : i1
        %add3A_612 = arith.addi %rem3A_603, %select_n3A_602 : i32
        %select_n3A_613 = arith.select %and3A_611, %add3A_612, %rem3A_603 : i32
        %mul3A_614 = arith.constant 32 : i32
        %mul3A_615 = arith.muli %add3A_595, %mul3A_614 : i32
        %add3A_616 = arith.addi %mul3A_2, %mul3A_615 : i32
        %mul3A_617 = arith.constant 32 : i32
        %mul3A_618 = arith.muli %select_n3A_613, %mul3A_617 : i32
        %multiple_of3A_619 = tpu.assume_multiple %mul3A_618, 32 : i32
        "tpu.region"() ({
          %run_scoped3A = tpu.sem_alloc : memref<!tpu.dma_semaphore, #tpu.memory_space<semaphore_mem>>
          %dma_start3A_1164 = arith.constant 0 : i32
          %dma_start3A_1165 = tpu.memref_slice %arg5[%multiple_of3A_619, %dma_start3A_1164] : memref<64x50xi32, #tpu.memory_space<vmem>> -> memref<32x50xi32, #tpu.memory_space<vmem>>
          %dma_start3A_1166 = arith.constant 0 : i32
          %dma_start3A_1167 = tpu.memref_slice %arg2[%add3A_616, %dma_start3A_1166] : memref<16384x50xi32, #tpu.memory_space<hbm>> -> memref<32x50xi32, #tpu.memory_space<hbm>>
          %dma_start3A_1168 = arith.constant 0 : i32
          %dma_start3A_1169 = tpu.memref_slice %arg5[%multiple_of3A_619, %dma_start3A_1168] : memref<64x50xi32, #tpu.memory_space<vmem>> -> memref<32x50xi32, #tpu.memory_space<vmem>>
          %dma_start3A_1170 = arith.constant 0 : i32
          %dma_start3A_1171 = tpu.memref_slice %arg2[%add3A_616, %dma_start3A_1170] : memref<16384x50xi32, #tpu.memory_space<hbm>> -> memref<32x50xi32, #tpu.memory_space<hbm>>
          tpu.enqueue_dma source(%dma_start3A_1171 : memref<32x50xi32, #tpu.memory_space<hbm>>) target(%dma_start3A_1169 : memref<32x50xi32, #tpu.memory_space<vmem>>) target_semaphore(%run_scoped3A : memref<!tpu.dma_semaphore, #tpu.memory_space<semaphore_mem>>)
          %dma_wait3A_1172 = arith.constant 0 : i32
          %dma_wait3A_1173 = tpu.memref_slice %arg5[%multiple_of3A_619, %dma_wait3A_1172] : memref<64x50xi32, #tpu.memory_space<vmem>> -> memref<32x50xi32, #tpu.memory_space<vmem>>
          %dma_wait3A_1174 = arith.constant 0 : i32
          %dma_wait3A_1175 = tpu.memref_slice %arg2[%add3A_616, %dma_wait3A_1174] : memref<16384x50xi32, #tpu.memory_space<hbm>> -> memref<32x50xi32, #tpu.memory_space<hbm>>
          %dma_wait3A_1176 = arith.constant 0 : i32
          %dma_wait3A_1177 = tpu.memref_slice %arg5[%multiple_of3A_619, %dma_wait3A_1176] : memref<64x50xi32, #tpu.memory_space<vmem>> -> memref<32x50xi32, #tpu.memory_space<vmem>>
          %dma_wait3A_1178 = arith.constant 0 : i32
          %dma_wait3A_1179 = tpu.memref_slice %arg2[%add3A_616, %dma_wait3A_1178] : memref<16384x50xi32, #tpu.memory_space<hbm>> -> memref<32x50xi32, #tpu.memory_space<hbm>>
          tpu.wait_dma2 semaphore(%run_scoped3A : memref<!tpu.dma_semaphore, #tpu.memory_space<semaphore_mem>>) src(%dma_wait3A_1179 : memref<32x50xi32, #tpu.memory_space<hbm>>) dst(%dma_wait3A_1177 : memref<32x50xi32, #tpu.memory_space<vmem>>)
          tpu.yield
        }) : () -> ()
        %add3A_620 = arith.constant 0 : i32
        %add3A_621 = arith.addi %multiple_of3A_619, %add3A_620 : i32
        %mul3A_622 = arith.constant 1600 : i32
        %mul3A_623 = arith.muli %select_n3A_613, %mul3A_622 : i32
        %multiple_of3A_624 = tpu.assume_multiple %mul3A_623, 8 : i32
        %add3A_625 = arith.constant 0 : i32
        %add3A_626 = arith.addi %multiple_of3A_624, %add3A_625 : i32
        %dma_start3A_627 = arith.constant 0 : i32
        %dma_start3A_628 = tpu.memref_slice %arg6[%add3A_626, %dma_start3A_627] : memref<3200x16xi32, #tpu.memory_space<vmem>> -> memref<50x16xi32, #tpu.memory_space<vmem>>
        %dma_start3A_629 = arith.constant 0 : i32
        %dma_start3A_630 = tpu.memref_slice %arg5[%add3A_621, %dma_start3A_629] : memref<64x50xi32, #tpu.memory_space<vmem>> -> memref<1x50xi32, #tpu.memory_space<vmem>>
        %dma_start3A_631 = tpu.memref_squeeze %dma_start3A_630 : memref<1x50xi32, #tpu.memory_space<vmem>> -> memref<50xi32, #tpu.memory_space<vmem>>
        %dma_start3A_632 = arith.constant 0 : i32
        %dma_start3A_633 = arith.constant 0 : i32
        %dma_start3A_634 = tpu.memref_slice %arg3[%dma_start3A_632, %dma_start3A_633] : memref<1000000x16xi32, #tpu.memory_space<hbm>> -> memref<1000000x16xi32, #tpu.memory_space<hbm>>
        %dma_start3A_635 = tpu.memref_slice %arg8[%select_n3A_613] : memref<2x!tpu.dma_semaphore, #tpu.memory_space<semaphore_mem>> -> memref<1x!tpu.dma_semaphore, #tpu.memory_space<semaphore_mem>>
        %dma_start3A_636 = tpu.memref_squeeze %dma_start3A_635 : memref<1x!tpu.dma_semaphore, #tpu.memory_space<semaphore_mem>> -> memref<!tpu.dma_semaphore, #tpu.memory_space<semaphore_mem>>
        tpu.enqueue_indirect_dma source(%dma_start3A_634 : memref<1000000x16xi32, #tpu.memory_space<hbm>>) target(%dma_start3A_628 : memref<50x16xi32, #tpu.memory_space<vmem>>) offsets(%dma_start3A_631 : memref<50xi32, #tpu.memory_space<vmem>>) semaphore(%dma_start3A_636 : memref<!tpu.dma_semaphore, #tpu.memory_space<semaphore_mem>>)
        %add3A_637 = arith.constant 1 : i32
        %add3A_638 = arith.addi %multiple_of3A_619, %add3A_637 : i32
        %mul3A_639 = arith.constant 1600 : i32
        %mul3A_640 = arith.muli %select_n3A_613, %mul3A_639 : i32
        %multiple_of3A_641 = tpu.assume_multiple %mul3A_640, 8 : i32
        %add3A_642 = arith.constant 50 : i32
        %add3A_643 = arith.addi %multiple_of3A_641, %add3A_642 : i32
        %dma_start3A_644 = arith.constant 0 : i32
        %dma_start3A_645 = tpu.memref_slice %arg6[%add3A_643, %dma_start3A_644] : memref<3200x16xi32, #tpu.memory_space<vmem>> -> memref<50x16xi32, #tpu.memory_space<vmem>>
        %dma_start3A_646 = arith.constant 0 : i32
        %dma_start3A_647 = tpu.memref_slice %arg5[%add3A_638, %dma_start3A_646] : memref<64x50xi32, #tpu.memory_space<vmem>> -> memref<1x50xi32, #tpu.memory_space<vmem>>
        %dma_start3A_648 = tpu.memref_squeeze %dma_start3A_647 : memref<1x50xi32, #tpu.memory_space<vmem>> -> memref<50xi32, #tpu.memory_space<vmem>>
        %dma_start3A_649 = arith.constant 0 : i32
        %dma_start3A_650 = arith.constant 0 : i32
        %dma_start3A_651 = tpu.memref_slice %arg3[%dma_start3A_649, %dma_start3A_650] : memref<1000000x16xi32, #tpu.memory_space<hbm>> -> memref<1000000x16xi32, #tpu.memory_space<hbm>>
        %dma_start3A_652 = tpu.memref_slice %arg8[%select_n3A_613] : memref<2x!tpu.dma_semaphore, #tpu.memory_space<semaphore_mem>> -> memref<1x!tpu.dma_semaphore, #tpu.memory_space<semaphore_mem>>
        %dma_start3A_653 = tpu.memref_squeeze %dma_start3A_652 : memref<1x!tpu.dma_semaphore, #tpu.memory_space<semaphore_mem>> -> memref<!tpu.dma_semaphore, #tpu.memory_space<semaphore_mem>>
        tpu.enqueue_indirect_dma source(%dma_start3A_651 : memref<1000000x16xi32, #tpu.memory_space<hbm>>) target(%dma_start3A_645 : memref<50x16xi32, #tpu.memory_space<vmem>>) offsets(%dma_start3A_648 : memref<50xi32, #tpu.memory_space<vmem>>) semaphore(%dma_start3A_653 : memref<!tpu.dma_semaphore, #tpu.memory_space<semaphore_mem>>)
        %add3A_654 = arith.constant 2 : i32
        %add3A_655 = arith.addi %multiple_of3A_619, %add3A_654 : i32
        %mul3A_656 = arith.constant 1600 : i32
        %mul3A_657 = arith.muli %select_n3A_613, %mul3A_656 : i32
        %multiple_of3A_658 = tpu.assume_multiple %mul3A_657, 8 : i32
        %add3A_659 = arith.constant 100 : i32
        %add3A_660 = arith.addi %multiple_of3A_658, %add3A_659 : i32
        %dma_start3A_661 = arith.constant 0 : i32
        %dma_start3A_662 = tpu.memref_slice %arg6[%add3A_660, %dma_start3A_661] : memref<3200x16xi32, #tpu.memory_space<vmem>> -> memref<50x16xi32, #tpu.memory_space<vmem>>
        %dma_start3A_663 = arith.constant 0 : i32
        %dma_start3A_664 = tpu.memref_slice %arg5[%add3A_655, %dma_start3A_663] : memref<64x50xi32, #tpu.memory_space<vmem>> -> memref<1x50xi32, #tpu.memory_space<vmem>>
        %dma_start3A_665 = tpu.memref_squeeze %dma_start3A_664 : memref<1x50xi32, #tpu.memory_space<vmem>> -> memref<50xi32, #tpu.memory_space<vmem>>
        %dma_start3A_666 = arith.constant 0 : i32
        %dma_start3A_667 = arith.constant 0 : i32
        %dma_start3A_668 = tpu.memref_slice %arg3[%dma_start3A_666, %dma_start3A_667] : memref<1000000x16xi32, #tpu.memory_space<hbm>> -> memref<1000000x16xi32, #tpu.memory_space<hbm>>
        %dma_start3A_669 = tpu.memref_slice %arg8[%select_n3A_613] : memref<2x!tpu.dma_semaphore, #tpu.memory_space<semaphore_mem>> -> memref<1x!tpu.dma_semaphore, #tpu.memory_space<semaphore_mem>>
        %dma_start3A_670 = tpu.memref_squeeze %dma_start3A_669 : memref<1x!tpu.dma_semaphore, #tpu.memory_space<semaphore_mem>> -> memref<!tpu.dma_semaphore, #tpu.memory_space<semaphore_mem>>
        tpu.enqueue_indirect_dma source(%dma_start3A_668 : memref<1000000x16xi32, #tpu.memory_space<hbm>>) target(%dma_start3A_662 : memref<50x16xi32, #tpu.memory_space<vmem>>) offsets(%dma_start3A_665 : memref<50xi32, #tpu.memory_space<vmem>>) semaphore(%dma_start3A_670 : memref<!tpu.dma_semaphore, #tpu.memory_space<semaphore_mem>>)
        %add3A_671 = arith.constant 3 : i32
        %add3A_672 = arith.addi %multiple_of3A_619, %add3A_671 : i32
        %mul3A_673 = arith.constant 1600 : i32
        %mul3A_674 = arith.muli %select_n3A_613, %mul3A_673 : i32
        %multiple_of3A_675 = tpu.assume_multiple %mul3A_674, 8 : i32
        %add3A_676 = arith.constant 150 : i32
        %add3A_677 = arith.addi %multiple_of3A_675, %add3A_676 : i32
        %dma_start3A_678 = arith.constant 0 : i32
        %dma_start3A_679 = tpu.memref_slice %arg6[%add3A_677, %dma_start3A_678] : memref<3200x16xi32, #tpu.memory_space<vmem>> -> memref<50x16xi32, #tpu.memory_space<vmem>>
        %dma_start3A_680 = arith.constant 0 : i32
        %dma_start3A_681 = tpu.memref_slice %arg5[%add3A_672, %dma_start3A_680] : memref<64x50xi32, #tpu.memory_space<vmem>> -> memref<1x50xi32, #tpu.memory_space<vmem>>
        %dma_start3A_682 = tpu.memref_squeeze %dma_start3A_681 : memref<1x50xi32, #tpu.memory_space<vmem>> -> memref<50xi32, #tpu.memory_space<vmem>>
        %dma_start3A_683 = arith.constant 0 : i32
        %dma_start3A_684 = arith.constant 0 : i32
        %dma_start3A_685 = tpu.memref_slice %arg3[%dma_start3A_683, %dma_start3A_684] : memref<1000000x16xi32, #tpu.memory_space<hbm>> -> memref<1000000x16xi32, #tpu.memory_space<hbm>>
        %dma_start3A_686 = tpu.memref_slice %arg8[%select_n3A_613] : memref<2x!tpu.dma_semaphore, #tpu.memory_space<semaphore_mem>> -> memref<1x!tpu.dma_semaphore, #tpu.memory_space<semaphore_mem>>
        %dma_start3A_687 = tpu.memref_squeeze %dma_start3A_686 : memref<1x!tpu.dma_semaphore, #tpu.memory_space<semaphore_mem>> -> memref<!tpu.dma_semaphore, #tpu.memory_space<semaphore_mem>>
        tpu.enqueue_indirect_dma source(%dma_start3A_685 : memref<1000000x16xi32, #tpu.memory_space<hbm>>) target(%dma_start3A_679 : memref<50x16xi32, #tpu.memory_space<vmem>>) offsets(%dma_start3A_682 : memref<50xi32, #tpu.memory_space<vmem>>) semaphore(%dma_start3A_687 : memref<!tpu.dma_semaphore, #tpu.memory_space<semaphore_mem>>)
        %add3A_688 = arith.constant 4 : i32
        %add3A_689 = arith.addi %multiple_of3A_619, %add3A_688 : i32
        %mul3A_690 = arith.constant 1600 : i32
        %mul3A_691 = arith.muli %select_n3A_613, %mul3A_690 : i32
        %multiple_of3A_692 = tpu.assume_multiple %mul3A_691, 8 : i32
        %add3A_693 = arith.constant 200 : i32
        %add3A_694 = arith.addi %multiple_of3A_692, %add3A_693 : i32
        %dma_start3A_695 = arith.constant 0 : i32
        %dma_start3A_696 = tpu.memref_slice %arg6[%add3A_694, %dma_start3A_695] : memref<3200x16xi32, #tpu.memory_space<vmem>> -> memref<50x16xi32, #tpu.memory_space<vmem>>
        %dma_start3A_697 = arith.constant 0 : i32
        %dma_start3A_698 = tpu.memref_slice %arg5[%add3A_689, %dma_start3A_697] : memref<64x50xi32, #tpu.memory_space<vmem>> -> memref<1x50xi32, #tpu.memory_space<vmem>>
        %dma_start3A_699 = tpu.memref_squeeze %dma_start3A_698 : memref<1x50xi32, #tpu.memory_space<vmem>> -> memref<50xi32, #tpu.memory_space<vmem>>
        %dma_start3A_700 = arith.constant 0 : i32
        %dma_start3A_701 = arith.constant 0 : i32
        %dma_start3A_702 = tpu.memref_slice %arg3[%dma_start3A_700, %dma_start3A_701] : memref<1000000x16xi32, #tpu.memory_space<hbm>> -> memref<1000000x16xi32, #tpu.memory_space<hbm>>
        %dma_start3A_703 = tpu.memref_slice %arg8[%select_n3A_613] : memref<2x!tpu.dma_semaphore, #tpu.memory_space<semaphore_mem>> -> memref<1x!tpu.dma_semaphore, #tpu.memory_space<semaphore_mem>>
        %dma_start3A_704 = tpu.memref_squeeze %dma_start3A_703 : memref<1x!tpu.dma_semaphore, #tpu.memory_space<semaphore_mem>> -> memref<!tpu.dma_semaphore, #tpu.memory_space<semaphore_mem>>
        tpu.enqueue_indirect_dma source(%dma_start3A_702 : memref<1000000x16xi32, #tpu.memory_space<hbm>>) target(%dma_start3A_696 : memref<50x16xi32, #tpu.memory_space<vmem>>) offsets(%dma_start3A_699 : memref<50xi32, #tpu.memory_space<vmem>>) semaphore(%dma_start3A_704 : memref<!tpu.dma_semaphore, #tpu.memory_space<semaphore_mem>>)
        %add3A_705 = arith.constant 5 : i32
        %add3A_706 = arith.addi %multiple_of3A_619, %add3A_705 : i32
        %mul3A_707 = arith.constant 1600 : i32
        %mul3A_708 = arith.muli %select_n3A_613, %mul3A_707 : i32
        %multiple_of3A_709 = tpu.assume_multiple %mul3A_708, 8 : i32
        %add3A_710 = arith.constant 250 : i32
        %add3A_711 = arith.addi %multiple_of3A_709, %add3A_710 : i32
        %dma_start3A_712 = arith.constant 0 : i32
        %dma_start3A_713 = tpu.memref_slice %arg6[%add3A_711, %dma_start3A_712] : memref<3200x16xi32, #tpu.memory_space<vmem>> -> memref<50x16xi32, #tpu.memory_space<vmem>>
        %dma_start3A_714 = arith.constant 0 : i32
        %dma_start3A_715 = tpu.memref_slice %arg5[%add3A_706, %dma_start3A_714] : memref<64x50xi32, #tpu.memory_space<vmem>> -> memref<1x50xi32, #tpu.memory_space<vmem>>
        %dma_start3A_716 = tpu.memref_squeeze %dma_start3A_715 : memref<1x50xi32, #tpu.memory_space<vmem>> -> memref<50xi32, #tpu.memory_space<vmem>>
        %dma_start3A_717 = arith.constant 0 : i32
        %dma_start3A_718 = arith.constant 0 : i32
        %dma_start3A_719 = tpu.memref_slice %arg3[%dma_start3A_717, %dma_start3A_718] : memref<1000000x16xi32, #tpu.memory_space<hbm>> -> memref<1000000x16xi32, #tpu.memory_space<hbm>>
        %dma_start3A_720 = tpu.memref_slice %arg8[%select_n3A_613] : memref<2x!tpu.dma_semaphore, #tpu.memory_space<semaphore_mem>> -> memref<1x!tpu.dma_semaphore, #tpu.memory_space<semaphore_mem>>
        %dma_start3A_721 = tpu.memref_squeeze %dma_start3A_720 : memref<1x!tpu.dma_semaphore, #tpu.memory_space<semaphore_mem>> -> memref<!tpu.dma_semaphore, #tpu.memory_space<semaphore_mem>>
        tpu.enqueue_indirect_dma source(%dma_start3A_719 : memref<1000000x16xi32, #tpu.memory_space<hbm>>) target(%dma_start3A_713 : memref<50x16xi32, #tpu.memory_space<vmem>>) offsets(%dma_start3A_716 : memref<50xi32, #tpu.memory_space<vmem>>) semaphore(%dma_start3A_721 : memref<!tpu.dma_semaphore, #tpu.memory_space<semaphore_mem>>)
        %add3A_722 = arith.constant 6 : i32
        %add3A_723 = arith.addi %multiple_of3A_619, %add3A_722 : i32
        %mul3A_724 = arith.constant 1600 : i32
        %mul3A_725 = arith.muli %select_n3A_613, %mul3A_724 : i32
        %multiple_of3A_726 = tpu.assume_multiple %mul3A_725, 8 : i32
        %add3A_727 = arith.constant 300 : i32
        %add3A_728 = arith.addi %multiple_of3A_726, %add3A_727 : i32
        %dma_start3A_729 = arith.constant 0 : i32
        %dma_start3A_730 = tpu.memref_slice %arg6[%add3A_728, %dma_start3A_729] : memref<3200x16xi32, #tpu.memory_space<vmem>> -> memref<50x16xi32, #tpu.memory_space<vmem>>
        %dma_start3A_731 = arith.constant 0 : i32
        %dma_start3A_732 = tpu.memref_slice %arg5[%add3A_723, %dma_start3A_731] : memref<64x50xi32, #tpu.memory_space<vmem>> -> memref<1x50xi32, #tpu.memory_space<vmem>>
        %dma_start3A_733 = tpu.memref_squeeze %dma_start3A_732 : memref<1x50xi32, #tpu.memory_space<vmem>> -> memref<50xi32, #tpu.memory_space<vmem>>
        %dma_start3A_734 = arith.constant 0 : i32
        %dma_start3A_735 = arith.constant 0 : i32
        %dma_start3A_736 = tpu.memref_slice %arg3[%dma_start3A_734, %dma_start3A_735] : memref<1000000x16xi32, #tpu.memory_space<hbm>> -> memref<1000000x16xi32, #tpu.memory_space<hbm>>
        %dma_start3A_737 = tpu.memref_slice %arg8[%select_n3A_613] : memref<2x!tpu.dma_semaphore, #tpu.memory_space<semaphore_mem>> -> memref<1x!tpu.dma_semaphore, #tpu.memory_space<semaphore_mem>>
        %dma_start3A_738 = tpu.memref_squeeze %dma_start3A_737 : memref<1x!tpu.dma_semaphore, #tpu.memory_space<semaphore_mem>> -> memref<!tpu.dma_semaphore, #tpu.memory_space<semaphore_mem>>
        tpu.enqueue_indirect_dma source(%dma_start3A_736 : memref<1000000x16xi32, #tpu.memory_space<hbm>>) target(%dma_start3A_730 : memref<50x16xi32, #tpu.memory_space<vmem>>) offsets(%dma_start3A_733 : memref<50xi32, #tpu.memory_space<vmem>>) semaphore(%dma_start3A_738 : memref<!tpu.dma_semaphore, #tpu.memory_space<semaphore_mem>>)
        %add3A_739 = arith.constant 7 : i32
        %add3A_740 = arith.addi %multiple_of3A_619, %add3A_739 : i32
        %mul3A_741 = arith.constant 1600 : i32
        %mul3A_742 = arith.muli %select_n3A_613, %mul3A_741 : i32
        %multiple_of3A_743 = tpu.assume_multiple %mul3A_742, 8 : i32
        %add3A_744 = arith.constant 350 : i32
        %add3A_745 = arith.addi %multiple_of3A_743, %add3A_744 : i32
        %dma_start3A_746 = arith.constant 0 : i32
        %dma_start3A_747 = tpu.memref_slice %arg6[%add3A_745, %dma_start3A_746] : memref<3200x16xi32, #tpu.memory_space<vmem>> -> memref<50x16xi32, #tpu.memory_space<vmem>>
        %dma_start3A_748 = arith.constant 0 : i32
        %dma_start3A_749 = tpu.memref_slice %arg5[%add3A_740, %dma_start3A_748] : memref<64x50xi32, #tpu.memory_space<vmem>> -> memref<1x50xi32, #tpu.memory_space<vmem>>
        %dma_start3A_750 = tpu.memref_squeeze %dma_start3A_749 : memref<1x50xi32, #tpu.memory_space<vmem>> -> memref<50xi32, #tpu.memory_space<vmem>>
        %dma_start3A_751 = arith.constant 0 : i32
        %dma_start3A_752 = arith.constant 0 : i32
        %dma_start3A_753 = tpu.memref_slice %arg3[%dma_start3A_751, %dma_start3A_752] : memref<1000000x16xi32, #tpu.memory_space<hbm>> -> memref<1000000x16xi32, #tpu.memory_space<hbm>>
        %dma_start3A_754 = tpu.memref_slice %arg8[%select_n3A_613] : memref<2x!tpu.dma_semaphore, #tpu.memory_space<semaphore_mem>> -> memref<1x!tpu.dma_semaphore, #tpu.memory_space<semaphore_mem>>
        %dma_start3A_755 = tpu.memref_squeeze %dma_start3A_754 : memref<1x!tpu.dma_semaphore, #tpu.memory_space<semaphore_mem>> -> memref<!tpu.dma_semaphore, #tpu.memory_space<semaphore_mem>>
        tpu.enqueue_indirect_dma source(%dma_start3A_753 : memref<1000000x16xi32, #tpu.memory_space<hbm>>) target(%dma_start3A_747 : memref<50x16xi32, #tpu.memory_space<vmem>>) offsets(%dma_start3A_750 : memref<50xi32, #tpu.memory_space<vmem>>) semaphore(%dma_start3A_755 : memref<!tpu.dma_semaphore, #tpu.memory_space<semaphore_mem>>)
        %add3A_756 = arith.constant 8 : i32
        %add3A_757 = arith.addi %multiple_of3A_619, %add3A_756 : i32
        %mul3A_758 = arith.constant 1600 : i32
        %mul3A_759 = arith.muli %select_n3A_613, %mul3A_758 : i32
        %multiple_of3A_760 = tpu.assume_multiple %mul3A_759, 8 : i32
        %add3A_761 = arith.constant 400 : i32
        %add3A_762 = arith.addi %multiple_of3A_760, %add3A_761 : i32
        %dma_start3A_763 = arith.constant 0 : i32
        %dma_start3A_764 = tpu.memref_slice %arg6[%add3A_762, %dma_start3A_763] : memref<3200x16xi32, #tpu.memory_space<vmem>> -> memref<50x16xi32, #tpu.memory_space<vmem>>
        %dma_start3A_765 = arith.constant 0 : i32
        %dma_start3A_766 = tpu.memref_slice %arg5[%add3A_757, %dma_start3A_765] : memref<64x50xi32, #tpu.memory_space<vmem>> -> memref<1x50xi32, #tpu.memory_space<vmem>>
        %dma_start3A_767 = tpu.memref_squeeze %dma_start3A_766 : memref<1x50xi32, #tpu.memory_space<vmem>> -> memref<50xi32, #tpu.memory_space<vmem>>
        %dma_start3A_768 = arith.constant 0 : i32
        %dma_start3A_769 = arith.constant 0 : i32
        %dma_start3A_770 = tpu.memref_slice %arg3[%dma_start3A_768, %dma_start3A_769] : memref<1000000x16xi32, #tpu.memory_space<hbm>> -> memref<1000000x16xi32, #tpu.memory_space<hbm>>
        %dma_start3A_771 = tpu.memref_slice %arg8[%select_n3A_613] : memref<2x!tpu.dma_semaphore, #tpu.memory_space<semaphore_mem>> -> memref<1x!tpu.dma_semaphore, #tpu.memory_space<semaphore_mem>>
        %dma_start3A_772 = tpu.memref_squeeze %dma_start3A_771 : memref<1x!tpu.dma_semaphore, #tpu.memory_space<semaphore_mem>> -> memref<!tpu.dma_semaphore, #tpu.memory_space<semaphore_mem>>
        tpu.enqueue_indirect_dma source(%dma_start3A_770 : memref<1000000x16xi32, #tpu.memory_space<hbm>>) target(%dma_start3A_764 : memref<50x16xi32, #tpu.memory_space<vmem>>) offsets(%dma_start3A_767 : memref<50xi32, #tpu.memory_space<vmem>>) semaphore(%dma_start3A_772 : memref<!tpu.dma_semaphore, #tpu.memory_space<semaphore_mem>>)
        %add3A_773 = arith.constant 9 : i32
        %add3A_774 = arith.addi %multiple_of3A_619, %add3A_773 : i32
        %mul3A_775 = arith.constant 1600 : i32
        %mul3A_776 = arith.muli %select_n3A_613, %mul3A_775 : i32
        %multiple_of3A_777 = tpu.assume_multiple %mul3A_776, 8 : i32
        %add3A_778 = arith.constant 450 : i32
        %add3A_779 = arith.addi %multiple_of3A_777, %add3A_778 : i32
        %dma_start3A_780 = arith.constant 0 : i32
        %dma_start3A_781 = tpu.memref_slice %arg6[%add3A_779, %dma_start3A_780] : memref<3200x16xi32, #tpu.memory_space<vmem>> -> memref<50x16xi32, #tpu.memory_space<vmem>>
        %dma_start3A_782 = arith.constant 0 : i32
        %dma_start3A_783 = tpu.memref_slice %arg5[%add3A_774, %dma_start3A_782] : memref<64x50xi32, #tpu.memory_space<vmem>> -> memref<1x50xi32, #tpu.memory_space<vmem>>
        %dma_start3A_784 = tpu.memref_squeeze %dma_start3A_783 : memref<1x50xi32, #tpu.memory_space<vmem>> -> memref<50xi32, #tpu.memory_space<vmem>>
        %dma_start3A_785 = arith.constant 0 : i32
        %dma_start3A_786 = arith.constant 0 : i32
        %dma_start3A_787 = tpu.memref_slice %arg3[%dma_start3A_785, %dma_start3A_786] : memref<1000000x16xi32, #tpu.memory_space<hbm>> -> memref<1000000x16xi32, #tpu.memory_space<hbm>>
        %dma_start3A_788 = tpu.memref_slice %arg8[%select_n3A_613] : memref<2x!tpu.dma_semaphore, #tpu.memory_space<semaphore_mem>> -> memref<1x!tpu.dma_semaphore, #tpu.memory_space<semaphore_mem>>
        %dma_start3A_789 = tpu.memref_squeeze %dma_start3A_788 : memref<1x!tpu.dma_semaphore, #tpu.memory_space<semaphore_mem>> -> memref<!tpu.dma_semaphore, #tpu.memory_space<semaphore_mem>>
        tpu.enqueue_indirect_dma source(%dma_start3A_787 : memref<1000000x16xi32, #tpu.memory_space<hbm>>) target(%dma_start3A_781 : memref<50x16xi32, #tpu.memory_space<vmem>>) offsets(%dma_start3A_784 : memref<50xi32, #tpu.memory_space<vmem>>) semaphore(%dma_start3A_789 : memref<!tpu.dma_semaphore, #tpu.memory_space<semaphore_mem>>)
        %add3A_790 = arith.constant 10 : i32
        %add3A_791 = arith.addi %multiple_of3A_619, %add3A_790 : i32
        %mul3A_792 = arith.constant 1600 : i32
        %mul3A_793 = arith.muli %select_n3A_613, %mul3A_792 : i32
        %multiple_of3A_794 = tpu.assume_multiple %mul3A_793, 8 : i32
        %add3A_795 = arith.constant 500 : i32
        %add3A_796 = arith.addi %multiple_of3A_794, %add3A_795 : i32
        %dma_start3A_797 = arith.constant 0 : i32
        %dma_start3A_798 = tpu.memref_slice %arg6[%add3A_796, %dma_start3A_797] : memref<3200x16xi32, #tpu.memory_space<vmem>> -> memref<50x16xi32, #tpu.memory_space<vmem>>
        %dma_start3A_799 = arith.constant 0 : i32
        %dma_start3A_800 = tpu.memref_slice %arg5[%add3A_791, %dma_start3A_799] : memref<64x50xi32, #tpu.memory_space<vmem>> -> memref<1x50xi32, #tpu.memory_space<vmem>>
        %dma_start3A_801 = tpu.memref_squeeze %dma_start3A_800 : memref<1x50xi32, #tpu.memory_space<vmem>> -> memref<50xi32, #tpu.memory_space<vmem>>
        %dma_start3A_802 = arith.constant 0 : i32
        %dma_start3A_803 = arith.constant 0 : i32
        %dma_start3A_804 = tpu.memref_slice %arg3[%dma_start3A_802, %dma_start3A_803] : memref<1000000x16xi32, #tpu.memory_space<hbm>> -> memref<1000000x16xi32, #tpu.memory_space<hbm>>
        %dma_start3A_805 = tpu.memref_slice %arg8[%select_n3A_613] : memref<2x!tpu.dma_semaphore, #tpu.memory_space<semaphore_mem>> -> memref<1x!tpu.dma_semaphore, #tpu.memory_space<semaphore_mem>>
        %dma_start3A_806 = tpu.memref_squeeze %dma_start3A_805 : memref<1x!tpu.dma_semaphore, #tpu.memory_space<semaphore_mem>> -> memref<!tpu.dma_semaphore, #tpu.memory_space<semaphore_mem>>
        tpu.enqueue_indirect_dma source(%dma_start3A_804 : memref<1000000x16xi32, #tpu.memory_space<hbm>>) target(%dma_start3A_798 : memref<50x16xi32, #tpu.memory_space<vmem>>) offsets(%dma_start3A_801 : memref<50xi32, #tpu.memory_space<vmem>>) semaphore(%dma_start3A_806 : memref<!tpu.dma_semaphore, #tpu.memory_space<semaphore_mem>>)
        %add3A_807 = arith.constant 11 : i32
        %add3A_808 = arith.addi %multiple_of3A_619, %add3A_807 : i32
        %mul3A_809 = arith.constant 1600 : i32
        %mul3A_810 = arith.muli %select_n3A_613, %mul3A_809 : i32
        %multiple_of3A_811 = tpu.assume_multiple %mul3A_810, 8 : i32
        %add3A_812 = arith.constant 550 : i32
        %add3A_813 = arith.addi %multiple_of3A_811, %add3A_812 : i32
        %dma_start3A_814 = arith.constant 0 : i32
        %dma_start3A_815 = tpu.memref_slice %arg6[%add3A_813, %dma_start3A_814] : memref<3200x16xi32, #tpu.memory_space<vmem>> -> memref<50x16xi32, #tpu.memory_space<vmem>>
        %dma_start3A_816 = arith.constant 0 : i32
        %dma_start3A_817 = tpu.memref_slice %arg5[%add3A_808, %dma_start3A_816] : memref<64x50xi32, #tpu.memory_space<vmem>> -> memref<1x50xi32, #tpu.memory_space<vmem>>
        %dma_start3A_818 = tpu.memref_squeeze %dma_start3A_817 : memref<1x50xi32, #tpu.memory_space<vmem>> -> memref<50xi32, #tpu.memory_space<vmem>>
        %dma_start3A_819 = arith.constant 0 : i32
        %dma_start3A_820 = arith.constant 0 : i32
        %dma_start3A_821 = tpu.memref_slice %arg3[%dma_start3A_819, %dma_start3A_820] : memref<1000000x16xi32, #tpu.memory_space<hbm>> -> memref<1000000x16xi32, #tpu.memory_space<hbm>>
        %dma_start3A_822 = tpu.memref_slice %arg8[%select_n3A_613] : memref<2x!tpu.dma_semaphore, #tpu.memory_space<semaphore_mem>> -> memref<1x!tpu.dma_semaphore, #tpu.memory_space<semaphore_mem>>
        %dma_start3A_823 = tpu.memref_squeeze %dma_start3A_822 : memref<1x!tpu.dma_semaphore, #tpu.memory_space<semaphore_mem>> -> memref<!tpu.dma_semaphore, #tpu.memory_space<semaphore_mem>>
        tpu.enqueue_indirect_dma source(%dma_start3A_821 : memref<1000000x16xi32, #tpu.memory_space<hbm>>) target(%dma_start3A_815 : memref<50x16xi32, #tpu.memory_space<vmem>>) offsets(%dma_start3A_818 : memref<50xi32, #tpu.memory_space<vmem>>) semaphore(%dma_start3A_823 : memref<!tpu.dma_semaphore, #tpu.memory_space<semaphore_mem>>)
        %add3A_824 = arith.constant 12 : i32
        %add3A_825 = arith.addi %multiple_of3A_619, %add3A_824 : i32
        %mul3A_826 = arith.constant 1600 : i32
        %mul3A_827 = arith.muli %select_n3A_613, %mul3A_826 : i32
        %multiple_of3A_828 = tpu.assume_multiple %mul3A_827, 8 : i32
        %add3A_829 = arith.constant 600 : i32
        %add3A_830 = arith.addi %multiple_of3A_828, %add3A_829 : i32
        %dma_start3A_831 = arith.constant 0 : i32
        %dma_start3A_832 = tpu.memref_slice %arg6[%add3A_830, %dma_start3A_831] : memref<3200x16xi32, #tpu.memory_space<vmem>> -> memref<50x16xi32, #tpu.memory_space<vmem>>
        %dma_start3A_833 = arith.constant 0 : i32
        %dma_start3A_834 = tpu.memref_slice %arg5[%add3A_825, %dma_start3A_833] : memref<64x50xi32, #tpu.memory_space<vmem>> -> memref<1x50xi32, #tpu.memory_space<vmem>>
        %dma_start3A_835 = tpu.memref_squeeze %dma_start3A_834 : memref<1x50xi32, #tpu.memory_space<vmem>> -> memref<50xi32, #tpu.memory_space<vmem>>
        %dma_start3A_836 = arith.constant 0 : i32
        %dma_start3A_837 = arith.constant 0 : i32
        %dma_start3A_838 = tpu.memref_slice %arg3[%dma_start3A_836, %dma_start3A_837] : memref<1000000x16xi32, #tpu.memory_space<hbm>> -> memref<1000000x16xi32, #tpu.memory_space<hbm>>
        %dma_start3A_839 = tpu.memref_slice %arg8[%select_n3A_613] : memref<2x!tpu.dma_semaphore, #tpu.memory_space<semaphore_mem>> -> memref<1x!tpu.dma_semaphore, #tpu.memory_space<semaphore_mem>>
        %dma_start3A_840 = tpu.memref_squeeze %dma_start3A_839 : memref<1x!tpu.dma_semaphore, #tpu.memory_space<semaphore_mem>> -> memref<!tpu.dma_semaphore, #tpu.memory_space<semaphore_mem>>
        tpu.enqueue_indirect_dma source(%dma_start3A_838 : memref<1000000x16xi32, #tpu.memory_space<hbm>>) target(%dma_start3A_832 : memref<50x16xi32, #tpu.memory_space<vmem>>) offsets(%dma_start3A_835 : memref<50xi32, #tpu.memory_space<vmem>>) semaphore(%dma_start3A_840 : memref<!tpu.dma_semaphore, #tpu.memory_space<semaphore_mem>>)
        %add3A_841 = arith.constant 13 : i32
        %add3A_842 = arith.addi %multiple_of3A_619, %add3A_841 : i32
        %mul3A_843 = arith.constant 1600 : i32
        %mul3A_844 = arith.muli %select_n3A_613, %mul3A_843 : i32
        %multiple_of3A_845 = tpu.assume_multiple %mul3A_844, 8 : i32
        %add3A_846 = arith.constant 650 : i32
        %add3A_847 = arith.addi %multiple_of3A_845, %add3A_846 : i32
        %dma_start3A_848 = arith.constant 0 : i32
        %dma_start3A_849 = tpu.memref_slice %arg6[%add3A_847, %dma_start3A_848] : memref<3200x16xi32, #tpu.memory_space<vmem>> -> memref<50x16xi32, #tpu.memory_space<vmem>>
        %dma_start3A_850 = arith.constant 0 : i32
        %dma_start3A_851 = tpu.memref_slice %arg5[%add3A_842, %dma_start3A_850] : memref<64x50xi32, #tpu.memory_space<vmem>> -> memref<1x50xi32, #tpu.memory_space<vmem>>
        %dma_start3A_852 = tpu.memref_squeeze %dma_start3A_851 : memref<1x50xi32, #tpu.memory_space<vmem>> -> memref<50xi32, #tpu.memory_space<vmem>>
        %dma_start3A_853 = arith.constant 0 : i32
        %dma_start3A_854 = arith.constant 0 : i32
        %dma_start3A_855 = tpu.memref_slice %arg3[%dma_start3A_853, %dma_start3A_854] : memref<1000000x16xi32, #tpu.memory_space<hbm>> -> memref<1000000x16xi32, #tpu.memory_space<hbm>>
        %dma_start3A_856 = tpu.memref_slice %arg8[%select_n3A_613] : memref<2x!tpu.dma_semaphore, #tpu.memory_space<semaphore_mem>> -> memref<1x!tpu.dma_semaphore, #tpu.memory_space<semaphore_mem>>
        %dma_start3A_857 = tpu.memref_squeeze %dma_start3A_856 : memref<1x!tpu.dma_semaphore, #tpu.memory_space<semaphore_mem>> -> memref<!tpu.dma_semaphore, #tpu.memory_space<semaphore_mem>>
        tpu.enqueue_indirect_dma source(%dma_start3A_855 : memref<1000000x16xi32, #tpu.memory_space<hbm>>) target(%dma_start3A_849 : memref<50x16xi32, #tpu.memory_space<vmem>>) offsets(%dma_start3A_852 : memref<50xi32, #tpu.memory_space<vmem>>) semaphore(%dma_start3A_857 : memref<!tpu.dma_semaphore, #tpu.memory_space<semaphore_mem>>)
        %add3A_858 = arith.constant 14 : i32
        %add3A_859 = arith.addi %multiple_of3A_619, %add3A_858 : i32
        %mul3A_860 = arith.constant 1600 : i32
        %mul3A_861 = arith.muli %select_n3A_613, %mul3A_860 : i32
        %multiple_of3A_862 = tpu.assume_multiple %mul3A_861, 8 : i32
        %add3A_863 = arith.constant 700 : i32
        %add3A_864 = arith.addi %multiple_of3A_862, %add3A_863 : i32
        %dma_start3A_865 = arith.constant 0 : i32
        %dma_start3A_866 = tpu.memref_slice %arg6[%add3A_864, %dma_start3A_865] : memref<3200x16xi32, #tpu.memory_space<vmem>> -> memref<50x16xi32, #tpu.memory_space<vmem>>
        %dma_start3A_867 = arith.constant 0 : i32
        %dma_start3A_868 = tpu.memref_slice %arg5[%add3A_859, %dma_start3A_867] : memref<64x50xi32, #tpu.memory_space<vmem>> -> memref<1x50xi32, #tpu.memory_space<vmem>>
        %dma_start3A_869 = tpu.memref_squeeze %dma_start3A_868 : memref<1x50xi32, #tpu.memory_space<vmem>> -> memref<50xi32, #tpu.memory_space<vmem>>
        %dma_start3A_870 = arith.constant 0 : i32
        %dma_start3A_871 = arith.constant 0 : i32
        %dma_start3A_872 = tpu.memref_slice %arg3[%dma_start3A_870, %dma_start3A_871] : memref<1000000x16xi32, #tpu.memory_space<hbm>> -> memref<1000000x16xi32, #tpu.memory_space<hbm>>
        %dma_start3A_873 = tpu.memref_slice %arg8[%select_n3A_613] : memref<2x!tpu.dma_semaphore, #tpu.memory_space<semaphore_mem>> -> memref<1x!tpu.dma_semaphore, #tpu.memory_space<semaphore_mem>>
        %dma_start3A_874 = tpu.memref_squeeze %dma_start3A_873 : memref<1x!tpu.dma_semaphore, #tpu.memory_space<semaphore_mem>> -> memref<!tpu.dma_semaphore, #tpu.memory_space<semaphore_mem>>
        tpu.enqueue_indirect_dma source(%dma_start3A_872 : memref<1000000x16xi32, #tpu.memory_space<hbm>>) target(%dma_start3A_866 : memref<50x16xi32, #tpu.memory_space<vmem>>) offsets(%dma_start3A_869 : memref<50xi32, #tpu.memory_space<vmem>>) semaphore(%dma_start3A_874 : memref<!tpu.dma_semaphore, #tpu.memory_space<semaphore_mem>>)
        %add3A_875 = arith.constant 15 : i32
        %add3A_876 = arith.addi %multiple_of3A_619, %add3A_875 : i32
        %mul3A_877 = arith.constant 1600 : i32
        %mul3A_878 = arith.muli %select_n3A_613, %mul3A_877 : i32
        %multiple_of3A_879 = tpu.assume_multiple %mul3A_878, 8 : i32
        %add3A_880 = arith.constant 750 : i32
        %add3A_881 = arith.addi %multiple_of3A_879, %add3A_880 : i32
        %dma_start3A_882 = arith.constant 0 : i32
        %dma_start3A_883 = tpu.memref_slice %arg6[%add3A_881, %dma_start3A_882] : memref<3200x16xi32, #tpu.memory_space<vmem>> -> memref<50x16xi32, #tpu.memory_space<vmem>>
        %dma_start3A_884 = arith.constant 0 : i32
        %dma_start3A_885 = tpu.memref_slice %arg5[%add3A_876, %dma_start3A_884] : memref<64x50xi32, #tpu.memory_space<vmem>> -> memref<1x50xi32, #tpu.memory_space<vmem>>
        %dma_start3A_886 = tpu.memref_squeeze %dma_start3A_885 : memref<1x50xi32, #tpu.memory_space<vmem>> -> memref<50xi32, #tpu.memory_space<vmem>>
        %dma_start3A_887 = arith.constant 0 : i32
        %dma_start3A_888 = arith.constant 0 : i32
        %dma_start3A_889 = tpu.memref_slice %arg3[%dma_start3A_887, %dma_start3A_888] : memref<1000000x16xi32, #tpu.memory_space<hbm>> -> memref<1000000x16xi32, #tpu.memory_space<hbm>>
        %dma_start3A_890 = tpu.memref_slice %arg8[%select_n3A_613] : memref<2x!tpu.dma_semaphore, #tpu.memory_space<semaphore_mem>> -> memref<1x!tpu.dma_semaphore, #tpu.memory_space<semaphore_mem>>
        %dma_start3A_891 = tpu.memref_squeeze %dma_start3A_890 : memref<1x!tpu.dma_semaphore, #tpu.memory_space<semaphore_mem>> -> memref<!tpu.dma_semaphore, #tpu.memory_space<semaphore_mem>>
        tpu.enqueue_indirect_dma source(%dma_start3A_889 : memref<1000000x16xi32, #tpu.memory_space<hbm>>) target(%dma_start3A_883 : memref<50x16xi32, #tpu.memory_space<vmem>>) offsets(%dma_start3A_886 : memref<50xi32, #tpu.memory_space<vmem>>) semaphore(%dma_start3A_891 : memref<!tpu.dma_semaphore, #tpu.memory_space<semaphore_mem>>)
        %add3A_892 = arith.constant 16 : i32
        %add3A_893 = arith.addi %multiple_of3A_619, %add3A_892 : i32
        %mul3A_894 = arith.constant 1600 : i32
        %mul3A_895 = arith.muli %select_n3A_613, %mul3A_894 : i32
        %multiple_of3A_896 = tpu.assume_multiple %mul3A_895, 8 : i32
        %add3A_897 = arith.constant 800 : i32
        %add3A_898 = arith.addi %multiple_of3A_896, %add3A_897 : i32
        %dma_start3A_899 = arith.constant 0 : i32
        %dma_start3A_900 = tpu.memref_slice %arg6[%add3A_898, %dma_start3A_899] : memref<3200x16xi32, #tpu.memory_space<vmem>> -> memref<50x16xi32, #tpu.memory_space<vmem>>
        %dma_start3A_901 = arith.constant 0 : i32
        %dma_start3A_902 = tpu.memref_slice %arg5[%add3A_893, %dma_start3A_901] : memref<64x50xi32, #tpu.memory_space<vmem>> -> memref<1x50xi32, #tpu.memory_space<vmem>>
        %dma_start3A_903 = tpu.memref_squeeze %dma_start3A_902 : memref<1x50xi32, #tpu.memory_space<vmem>> -> memref<50xi32, #tpu.memory_space<vmem>>
        %dma_start3A_904 = arith.constant 0 : i32
        %dma_start3A_905 = arith.constant 0 : i32
        %dma_start3A_906 = tpu.memref_slice %arg3[%dma_start3A_904, %dma_start3A_905] : memref<1000000x16xi32, #tpu.memory_space<hbm>> -> memref<1000000x16xi32, #tpu.memory_space<hbm>>
        %dma_start3A_907 = tpu.memref_slice %arg8[%select_n3A_613] : memref<2x!tpu.dma_semaphore, #tpu.memory_space<semaphore_mem>> -> memref<1x!tpu.dma_semaphore, #tpu.memory_space<semaphore_mem>>
        %dma_start3A_908 = tpu.memref_squeeze %dma_start3A_907 : memref<1x!tpu.dma_semaphore, #tpu.memory_space<semaphore_mem>> -> memref<!tpu.dma_semaphore, #tpu.memory_space<semaphore_mem>>
        tpu.enqueue_indirect_dma source(%dma_start3A_906 : memref<1000000x16xi32, #tpu.memory_space<hbm>>) target(%dma_start3A_900 : memref<50x16xi32, #tpu.memory_space<vmem>>) offsets(%dma_start3A_903 : memref<50xi32, #tpu.memory_space<vmem>>) semaphore(%dma_start3A_908 : memref<!tpu.dma_semaphore, #tpu.memory_space<semaphore_mem>>)
        %add3A_909 = arith.constant 17 : i32
        %add3A_910 = arith.addi %multiple_of3A_619, %add3A_909 : i32
        %mul3A_911 = arith.constant 1600 : i32
        %mul3A_912 = arith.muli %select_n3A_613, %mul3A_911 : i32
        %multiple_of3A_913 = tpu.assume_multiple %mul3A_912, 8 : i32
        %add3A_914 = arith.constant 850 : i32
        %add3A_915 = arith.addi %multiple_of3A_913, %add3A_914 : i32
        %dma_start3A_916 = arith.constant 0 : i32
        %dma_start3A_917 = tpu.memref_slice %arg6[%add3A_915, %dma_start3A_916] : memref<3200x16xi32, #tpu.memory_space<vmem>> -> memref<50x16xi32, #tpu.memory_space<vmem>>
        %dma_start3A_918 = arith.constant 0 : i32
        %dma_start3A_919 = tpu.memref_slice %arg5[%add3A_910, %dma_start3A_918] : memref<64x50xi32, #tpu.memory_space<vmem>> -> memref<1x50xi32, #tpu.memory_space<vmem>>
        %dma_start3A_920 = tpu.memref_squeeze %dma_start3A_919 : memref<1x50xi32, #tpu.memory_space<vmem>> -> memref<50xi32, #tpu.memory_space<vmem>>
        %dma_start3A_921 = arith.constant 0 : i32
        %dma_start3A_922 = arith.constant 0 : i32
        %dma_start3A_923 = tpu.memref_slice %arg3[%dma_start3A_921, %dma_start3A_922] : memref<1000000x16xi32, #tpu.memory_space<hbm>> -> memref<1000000x16xi32, #tpu.memory_space<hbm>>
        %dma_start3A_924 = tpu.memref_slice %arg8[%select_n3A_613] : memref<2x!tpu.dma_semaphore, #tpu.memory_space<semaphore_mem>> -> memref<1x!tpu.dma_semaphore, #tpu.memory_space<semaphore_mem>>
        %dma_start3A_925 = tpu.memref_squeeze %dma_start3A_924 : memref<1x!tpu.dma_semaphore, #tpu.memory_space<semaphore_mem>> -> memref<!tpu.dma_semaphore, #tpu.memory_space<semaphore_mem>>
        tpu.enqueue_indirect_dma source(%dma_start3A_923 : memref<1000000x16xi32, #tpu.memory_space<hbm>>) target(%dma_start3A_917 : memref<50x16xi32, #tpu.memory_space<vmem>>) offsets(%dma_start3A_920 : memref<50xi32, #tpu.memory_space<vmem>>) semaphore(%dma_start3A_925 : memref<!tpu.dma_semaphore, #tpu.memory_space<semaphore_mem>>)
        %add3A_926 = arith.constant 18 : i32
        %add3A_927 = arith.addi %multiple_of3A_619, %add3A_926 : i32
        %mul3A_928 = arith.constant 1600 : i32
        %mul3A_929 = arith.muli %select_n3A_613, %mul3A_928 : i32
        %multiple_of3A_930 = tpu.assume_multiple %mul3A_929, 8 : i32
        %add3A_931 = arith.constant 900 : i32
        %add3A_932 = arith.addi %multiple_of3A_930, %add3A_931 : i32
        %dma_start3A_933 = arith.constant 0 : i32
        %dma_start3A_934 = tpu.memref_slice %arg6[%add3A_932, %dma_start3A_933] : memref<3200x16xi32, #tpu.memory_space<vmem>> -> memref<50x16xi32, #tpu.memory_space<vmem>>
        %dma_start3A_935 = arith.constant 0 : i32
        %dma_start3A_936 = tpu.memref_slice %arg5[%add3A_927, %dma_start3A_935] : memref<64x50xi32, #tpu.memory_space<vmem>> -> memref<1x50xi32, #tpu.memory_space<vmem>>
        %dma_start3A_937 = tpu.memref_squeeze %dma_start3A_936 : memref<1x50xi32, #tpu.memory_space<vmem>> -> memref<50xi32, #tpu.memory_space<vmem>>
        %dma_start3A_938 = arith.constant 0 : i32
        %dma_start3A_939 = arith.constant 0 : i32
        %dma_start3A_940 = tpu.memref_slice %arg3[%dma_start3A_938, %dma_start3A_939] : memref<1000000x16xi32, #tpu.memory_space<hbm>> -> memref<1000000x16xi32, #tpu.memory_space<hbm>>
        %dma_start3A_941 = tpu.memref_slice %arg8[%select_n3A_613] : memref<2x!tpu.dma_semaphore, #tpu.memory_space<semaphore_mem>> -> memref<1x!tpu.dma_semaphore, #tpu.memory_space<semaphore_mem>>
        %dma_start3A_942 = tpu.memref_squeeze %dma_start3A_941 : memref<1x!tpu.dma_semaphore, #tpu.memory_space<semaphore_mem>> -> memref<!tpu.dma_semaphore, #tpu.memory_space<semaphore_mem>>
        tpu.enqueue_indirect_dma source(%dma_start3A_940 : memref<1000000x16xi32, #tpu.memory_space<hbm>>) target(%dma_start3A_934 : memref<50x16xi32, #tpu.memory_space<vmem>>) offsets(%dma_start3A_937 : memref<50xi32, #tpu.memory_space<vmem>>) semaphore(%dma_start3A_942 : memref<!tpu.dma_semaphore, #tpu.memory_space<semaphore_mem>>)
        %add3A_943 = arith.constant 19 : i32
        %add3A_944 = arith.addi %multiple_of3A_619, %add3A_943 : i32
        %mul3A_945 = arith.constant 1600 : i32
        %mul3A_946 = arith.muli %select_n3A_613, %mul3A_945 : i32
        %multiple_of3A_947 = tpu.assume_multiple %mul3A_946, 8 : i32
        %add3A_948 = arith.constant 950 : i32
        %add3A_949 = arith.addi %multiple_of3A_947, %add3A_948 : i32
        %dma_start3A_950 = arith.constant 0 : i32
        %dma_start3A_951 = tpu.memref_slice %arg6[%add3A_949, %dma_start3A_950] : memref<3200x16xi32, #tpu.memory_space<vmem>> -> memref<50x16xi32, #tpu.memory_space<vmem>>
        %dma_start3A_952 = arith.constant 0 : i32
        %dma_start3A_953 = tpu.memref_slice %arg5[%add3A_944, %dma_start3A_952] : memref<64x50xi32, #tpu.memory_space<vmem>> -> memref<1x50xi32, #tpu.memory_space<vmem>>
        %dma_start3A_954 = tpu.memref_squeeze %dma_start3A_953 : memref<1x50xi32, #tpu.memory_space<vmem>> -> memref<50xi32, #tpu.memory_space<vmem>>
        %dma_start3A_955 = arith.constant 0 : i32
        %dma_start3A_956 = arith.constant 0 : i32
        %dma_start3A_957 = tpu.memref_slice %arg3[%dma_start3A_955, %dma_start3A_956] : memref<1000000x16xi32, #tpu.memory_space<hbm>> -> memref<1000000x16xi32, #tpu.memory_space<hbm>>
        %dma_start3A_958 = tpu.memref_slice %arg8[%select_n3A_613] : memref<2x!tpu.dma_semaphore, #tpu.memory_space<semaphore_mem>> -> memref<1x!tpu.dma_semaphore, #tpu.memory_space<semaphore_mem>>
        %dma_start3A_959 = tpu.memref_squeeze %dma_start3A_958 : memref<1x!tpu.dma_semaphore, #tpu.memory_space<semaphore_mem>> -> memref<!tpu.dma_semaphore, #tpu.memory_space<semaphore_mem>>
        tpu.enqueue_indirect_dma source(%dma_start3A_957 : memref<1000000x16xi32, #tpu.memory_space<hbm>>) target(%dma_start3A_951 : memref<50x16xi32, #tpu.memory_space<vmem>>) offsets(%dma_start3A_954 : memref<50xi32, #tpu.memory_space<vmem>>) semaphore(%dma_start3A_959 : memref<!tpu.dma_semaphore, #tpu.memory_space<semaphore_mem>>)
        %add3A_960 = arith.constant 20 : i32
        %add3A_961 = arith.addi %multiple_of3A_619, %add3A_960 : i32
        %mul3A_962 = arith.constant 1600 : i32
        %mul3A_963 = arith.muli %select_n3A_613, %mul3A_962 : i32
        %multiple_of3A_964 = tpu.assume_multiple %mul3A_963, 8 : i32
        %add3A_965 = arith.constant 1000 : i32
        %add3A_966 = arith.addi %multiple_of3A_964, %add3A_965 : i32
        %dma_start3A_967 = arith.constant 0 : i32
        %dma_start3A_968 = tpu.memref_slice %arg6[%add3A_966, %dma_start3A_967] : memref<3200x16xi32, #tpu.memory_space<vmem>> -> memref<50x16xi32, #tpu.memory_space<vmem>>
        %dma_start3A_969 = arith.constant 0 : i32
        %dma_start3A_970 = tpu.memref_slice %arg5[%add3A_961, %dma_start3A_969] : memref<64x50xi32, #tpu.memory_space<vmem>> -> memref<1x50xi32, #tpu.memory_space<vmem>>
        %dma_start3A_971 = tpu.memref_squeeze %dma_start3A_970 : memref<1x50xi32, #tpu.memory_space<vmem>> -> memref<50xi32, #tpu.memory_space<vmem>>
        %dma_start3A_972 = arith.constant 0 : i32
        %dma_start3A_973 = arith.constant 0 : i32
        %dma_start3A_974 = tpu.memref_slice %arg3[%dma_start3A_972, %dma_start3A_973] : memref<1000000x16xi32, #tpu.memory_space<hbm>> -> memref<1000000x16xi32, #tpu.memory_space<hbm>>
        %dma_start3A_975 = tpu.memref_slice %arg8[%select_n3A_613] : memref<2x!tpu.dma_semaphore, #tpu.memory_space<semaphore_mem>> -> memref<1x!tpu.dma_semaphore, #tpu.memory_space<semaphore_mem>>
        %dma_start3A_976 = tpu.memref_squeeze %dma_start3A_975 : memref<1x!tpu.dma_semaphore, #tpu.memory_space<semaphore_mem>> -> memref<!tpu.dma_semaphore, #tpu.memory_space<semaphore_mem>>
        tpu.enqueue_indirect_dma source(%dma_start3A_974 : memref<1000000x16xi32, #tpu.memory_space<hbm>>) target(%dma_start3A_968 : memref<50x16xi32, #tpu.memory_space<vmem>>) offsets(%dma_start3A_971 : memref<50xi32, #tpu.memory_space<vmem>>) semaphore(%dma_start3A_976 : memref<!tpu.dma_semaphore, #tpu.memory_space<semaphore_mem>>)
        %add3A_977 = arith.constant 21 : i32
        %add3A_978 = arith.addi %multiple_of3A_619, %add3A_977 : i32
        %mul3A_979 = arith.constant 1600 : i32
        %mul3A_980 = arith.muli %select_n3A_613, %mul3A_979 : i32
        %multiple_of3A_981 = tpu.assume_multiple %mul3A_980, 8 : i32
        %add3A_982 = arith.constant 1050 : i32
        %add3A_983 = arith.addi %multiple_of3A_981, %add3A_982 : i32
        %dma_start3A_984 = arith.constant 0 : i32
        %dma_start3A_985 = tpu.memref_slice %arg6[%add3A_983, %dma_start3A_984] : memref<3200x16xi32, #tpu.memory_space<vmem>> -> memref<50x16xi32, #tpu.memory_space<vmem>>
        %dma_start3A_986 = arith.constant 0 : i32
        %dma_start3A_987 = tpu.memref_slice %arg5[%add3A_978, %dma_start3A_986] : memref<64x50xi32, #tpu.memory_space<vmem>> -> memref<1x50xi32, #tpu.memory_space<vmem>>
        %dma_start3A_988 = tpu.memref_squeeze %dma_start3A_987 : memref<1x50xi32, #tpu.memory_space<vmem>> -> memref<50xi32, #tpu.memory_space<vmem>>
        %dma_start3A_989 = arith.constant 0 : i32
        %dma_start3A_990 = arith.constant 0 : i32
        %dma_start3A_991 = tpu.memref_slice %arg3[%dma_start3A_989, %dma_start3A_990] : memref<1000000x16xi32, #tpu.memory_space<hbm>> -> memref<1000000x16xi32, #tpu.memory_space<hbm>>
        %dma_start3A_992 = tpu.memref_slice %arg8[%select_n3A_613] : memref<2x!tpu.dma_semaphore, #tpu.memory_space<semaphore_mem>> -> memref<1x!tpu.dma_semaphore, #tpu.memory_space<semaphore_mem>>
        %dma_start3A_993 = tpu.memref_squeeze %dma_start3A_992 : memref<1x!tpu.dma_semaphore, #tpu.memory_space<semaphore_mem>> -> memref<!tpu.dma_semaphore, #tpu.memory_space<semaphore_mem>>
        tpu.enqueue_indirect_dma source(%dma_start3A_991 : memref<1000000x16xi32, #tpu.memory_space<hbm>>) target(%dma_start3A_985 : memref<50x16xi32, #tpu.memory_space<vmem>>) offsets(%dma_start3A_988 : memref<50xi32, #tpu.memory_space<vmem>>) semaphore(%dma_start3A_993 : memref<!tpu.dma_semaphore, #tpu.memory_space<semaphore_mem>>)
        %add3A_994 = arith.constant 22 : i32
        %add3A_995 = arith.addi %multiple_of3A_619, %add3A_994 : i32
        %mul3A_996 = arith.constant 1600 : i32
        %mul3A_997 = arith.muli %select_n3A_613, %mul3A_996 : i32
        %multiple_of3A_998 = tpu.assume_multiple %mul3A_997, 8 : i32
        %add3A_999 = arith.constant 1100 : i32
        %add3A_1000 = arith.addi %multiple_of3A_998, %add3A_999 : i32
        %dma_start3A_1001 = arith.constant 0 : i32
        %dma_start3A_1002 = tpu.memref_slice %arg6[%add3A_1000, %dma_start3A_1001] : memref<3200x16xi32, #tpu.memory_space<vmem>> -> memref<50x16xi32, #tpu.memory_space<vmem>>
        %dma_start3A_1003 = arith.constant 0 : i32
        %dma_start3A_1004 = tpu.memref_slice %arg5[%add3A_995, %dma_start3A_1003] : memref<64x50xi32, #tpu.memory_space<vmem>> -> memref<1x50xi32, #tpu.memory_space<vmem>>
        %dma_start3A_1005 = tpu.memref_squeeze %dma_start3A_1004 : memref<1x50xi32, #tpu.memory_space<vmem>> -> memref<50xi32, #tpu.memory_space<vmem>>
        %dma_start3A_1006 = arith.constant 0 : i32
        %dma_start3A_1007 = arith.constant 0 : i32
        %dma_start3A_1008 = tpu.memref_slice %arg3[%dma_start3A_1006, %dma_start3A_1007] : memref<1000000x16xi32, #tpu.memory_space<hbm>> -> memref<1000000x16xi32, #tpu.memory_space<hbm>>
        %dma_start3A_1009 = tpu.memref_slice %arg8[%select_n3A_613] : memref<2x!tpu.dma_semaphore, #tpu.memory_space<semaphore_mem>> -> memref<1x!tpu.dma_semaphore, #tpu.memory_space<semaphore_mem>>
        %dma_start3A_1010 = tpu.memref_squeeze %dma_start3A_1009 : memref<1x!tpu.dma_semaphore, #tpu.memory_space<semaphore_mem>> -> memref<!tpu.dma_semaphore, #tpu.memory_space<semaphore_mem>>
        tpu.enqueue_indirect_dma source(%dma_start3A_1008 : memref<1000000x16xi32, #tpu.memory_space<hbm>>) target(%dma_start3A_1002 : memref<50x16xi32, #tpu.memory_space<vmem>>) offsets(%dma_start3A_1005 : memref<50xi32, #tpu.memory_space<vmem>>) semaphore(%dma_start3A_1010 : memref<!tpu.dma_semaphore, #tpu.memory_space<semaphore_mem>>)
        %add3A_1011 = arith.constant 23 : i32
        %add3A_1012 = arith.addi %multiple_of3A_619, %add3A_1011 : i32
        %mul3A_1013 = arith.constant 1600 : i32
        %mul3A_1014 = arith.muli %select_n3A_613, %mul3A_1013 : i32
        %multiple_of3A_1015 = tpu.assume_multiple %mul3A_1014, 8 : i32
        %add3A_1016 = arith.constant 1150 : i32
        %add3A_1017 = arith.addi %multiple_of3A_1015, %add3A_1016 : i32
        %dma_start3A_1018 = arith.constant 0 : i32
        %dma_start3A_1019 = tpu.memref_slice %arg6[%add3A_1017, %dma_start3A_1018] : memref<3200x16xi32, #tpu.memory_space<vmem>> -> memref<50x16xi32, #tpu.memory_space<vmem>>
        %dma_start3A_1020 = arith.constant 0 : i32
        %dma_start3A_1021 = tpu.memref_slice %arg5[%add3A_1012, %dma_start3A_1020] : memref<64x50xi32, #tpu.memory_space<vmem>> -> memref<1x50xi32, #tpu.memory_space<vmem>>
        %dma_start3A_1022 = tpu.memref_squeeze %dma_start3A_1021 : memref<1x50xi32, #tpu.memory_space<vmem>> -> memref<50xi32, #tpu.memory_space<vmem>>
        %dma_start3A_1023 = arith.constant 0 : i32
        %dma_start3A_1024 = arith.constant 0 : i32
        %dma_start3A_1025 = tpu.memref_slice %arg3[%dma_start3A_1023, %dma_start3A_1024] : memref<1000000x16xi32, #tpu.memory_space<hbm>> -> memref<1000000x16xi32, #tpu.memory_space<hbm>>
        %dma_start3A_1026 = tpu.memref_slice %arg8[%select_n3A_613] : memref<2x!tpu.dma_semaphore, #tpu.memory_space<semaphore_mem>> -> memref<1x!tpu.dma_semaphore, #tpu.memory_space<semaphore_mem>>
        %dma_start3A_1027 = tpu.memref_squeeze %dma_start3A_1026 : memref<1x!tpu.dma_semaphore, #tpu.memory_space<semaphore_mem>> -> memref<!tpu.dma_semaphore, #tpu.memory_space<semaphore_mem>>
        tpu.enqueue_indirect_dma source(%dma_start3A_1025 : memref<1000000x16xi32, #tpu.memory_space<hbm>>) target(%dma_start3A_1019 : memref<50x16xi32, #tpu.memory_space<vmem>>) offsets(%dma_start3A_1022 : memref<50xi32, #tpu.memory_space<vmem>>) semaphore(%dma_start3A_1027 : memref<!tpu.dma_semaphore, #tpu.memory_space<semaphore_mem>>)
        %add3A_1028 = arith.constant 24 : i32
        %add3A_1029 = arith.addi %multiple_of3A_619, %add3A_1028 : i32
        %mul3A_1030 = arith.constant 1600 : i32
        %mul3A_1031 = arith.muli %select_n3A_613, %mul3A_1030 : i32
        %multiple_of3A_1032 = tpu.assume_multiple %mul3A_1031, 8 : i32
        %add3A_1033 = arith.constant 1200 : i32
        %add3A_1034 = arith.addi %multiple_of3A_1032, %add3A_1033 : i32
        %dma_start3A_1035 = arith.constant 0 : i32
        %dma_start3A_1036 = tpu.memref_slice %arg6[%add3A_1034, %dma_start3A_1035] : memref<3200x16xi32, #tpu.memory_space<vmem>> -> memref<50x16xi32, #tpu.memory_space<vmem>>
        %dma_start3A_1037 = arith.constant 0 : i32
        %dma_start3A_1038 = tpu.memref_slice %arg5[%add3A_1029, %dma_start3A_1037] : memref<64x50xi32, #tpu.memory_space<vmem>> -> memref<1x50xi32, #tpu.memory_space<vmem>>
        %dma_start3A_1039 = tpu.memref_squeeze %dma_start3A_1038 : memref<1x50xi32, #tpu.memory_space<vmem>> -> memref<50xi32, #tpu.memory_space<vmem>>
        %dma_start3A_1040 = arith.constant 0 : i32
        %dma_start3A_1041 = arith.constant 0 : i32
        %dma_start3A_1042 = tpu.memref_slice %arg3[%dma_start3A_1040, %dma_start3A_1041] : memref<1000000x16xi32, #tpu.memory_space<hbm>> -> memref<1000000x16xi32, #tpu.memory_space<hbm>>
        %dma_start3A_1043 = tpu.memref_slice %arg8[%select_n3A_613] : memref<2x!tpu.dma_semaphore, #tpu.memory_space<semaphore_mem>> -> memref<1x!tpu.dma_semaphore, #tpu.memory_space<semaphore_mem>>
        %dma_start3A_1044 = tpu.memref_squeeze %dma_start3A_1043 : memref<1x!tpu.dma_semaphore, #tpu.memory_space<semaphore_mem>> -> memref<!tpu.dma_semaphore, #tpu.memory_space<semaphore_mem>>
        tpu.enqueue_indirect_dma source(%dma_start3A_1042 : memref<1000000x16xi32, #tpu.memory_space<hbm>>) target(%dma_start3A_1036 : memref<50x16xi32, #tpu.memory_space<vmem>>) offsets(%dma_start3A_1039 : memref<50xi32, #tpu.memory_space<vmem>>) semaphore(%dma_start3A_1044 : memref<!tpu.dma_semaphore, #tpu.memory_space<semaphore_mem>>)
        %add3A_1045 = arith.constant 25 : i32
        %add3A_1046 = arith.addi %multiple_of3A_619, %add3A_1045 : i32
        %mul3A_1047 = arith.constant 1600 : i32
        %mul3A_1048 = arith.muli %select_n3A_613, %mul3A_1047 : i32
        %multiple_of3A_1049 = tpu.assume_multiple %mul3A_1048, 8 : i32
        %add3A_1050 = arith.constant 1250 : i32
        %add3A_1051 = arith.addi %multiple_of3A_1049, %add3A_1050 : i32
        %dma_start3A_1052 = arith.constant 0 : i32
        %dma_start3A_1053 = tpu.memref_slice %arg6[%add3A_1051, %dma_start3A_1052] : memref<3200x16xi32, #tpu.memory_space<vmem>> -> memref<50x16xi32, #tpu.memory_space<vmem>>
        %dma_start3A_1054 = arith.constant 0 : i32
        %dma_start3A_1055 = tpu.memref_slice %arg5[%add3A_1046, %dma_start3A_1054] : memref<64x50xi32, #tpu.memory_space<vmem>> -> memref<1x50xi32, #tpu.memory_space<vmem>>
        %dma_start3A_1056 = tpu.memref_squeeze %dma_start3A_1055 : memref<1x50xi32, #tpu.memory_space<vmem>> -> memref<50xi32, #tpu.memory_space<vmem>>
        %dma_start3A_1057 = arith.constant 0 : i32
        %dma_start3A_1058 = arith.constant 0 : i32
        %dma_start3A_1059 = tpu.memref_slice %arg3[%dma_start3A_1057, %dma_start3A_1058] : memref<1000000x16xi32, #tpu.memory_space<hbm>> -> memref<1000000x16xi32, #tpu.memory_space<hbm>>
        %dma_start3A_1060 = tpu.memref_slice %arg8[%select_n3A_613] : memref<2x!tpu.dma_semaphore, #tpu.memory_space<semaphore_mem>> -> memref<1x!tpu.dma_semaphore, #tpu.memory_space<semaphore_mem>>
        %dma_start3A_1061 = tpu.memref_squeeze %dma_start3A_1060 : memref<1x!tpu.dma_semaphore, #tpu.memory_space<semaphore_mem>> -> memref<!tpu.dma_semaphore, #tpu.memory_space<semaphore_mem>>
        tpu.enqueue_indirect_dma source(%dma_start3A_1059 : memref<1000000x16xi32, #tpu.memory_space<hbm>>) target(%dma_start3A_1053 : memref<50x16xi32, #tpu.memory_space<vmem>>) offsets(%dma_start3A_1056 : memref<50xi32, #tpu.memory_space<vmem>>) semaphore(%dma_start3A_1061 : memref<!tpu.dma_semaphore, #tpu.memory_space<semaphore_mem>>)
        %add3A_1062 = arith.constant 26 : i32
        %add3A_1063 = arith.addi %multiple_of3A_619, %add3A_1062 : i32
        %mul3A_1064 = arith.constant 1600 : i32
        %mul3A_1065 = arith.muli %select_n3A_613, %mul3A_1064 : i32
        %multiple_of3A_1066 = tpu.assume_multiple %mul3A_1065, 8 : i32
        %add3A_1067 = arith.constant 1300 : i32
        %add3A_1068 = arith.addi %multiple_of3A_1066, %add3A_1067 : i32
        %dma_start3A_1069 = arith.constant 0 : i32
        %dma_start3A_1070 = tpu.memref_slice %arg6[%add3A_1068, %dma_start3A_1069] : memref<3200x16xi32, #tpu.memory_space<vmem>> -> memref<50x16xi32, #tpu.memory_space<vmem>>
        %dma_start3A_1071 = arith.constant 0 : i32
        %dma_start3A_1072 = tpu.memref_slice %arg5[%add3A_1063, %dma_start3A_1071] : memref<64x50xi32, #tpu.memory_space<vmem>> -> memref<1x50xi32, #tpu.memory_space<vmem>>
        %dma_start3A_1073 = tpu.memref_squeeze %dma_start3A_1072 : memref<1x50xi32, #tpu.memory_space<vmem>> -> memref<50xi32, #tpu.memory_space<vmem>>
        %dma_start3A_1074 = arith.constant 0 : i32
        %dma_start3A_1075 = arith.constant 0 : i32
        %dma_start3A_1076 = tpu.memref_slice %arg3[%dma_start3A_1074, %dma_start3A_1075] : memref<1000000x16xi32, #tpu.memory_space<hbm>> -> memref<1000000x16xi32, #tpu.memory_space<hbm>>
        %dma_start3A_1077 = tpu.memref_slice %arg8[%select_n3A_613] : memref<2x!tpu.dma_semaphore, #tpu.memory_space<semaphore_mem>> -> memref<1x!tpu.dma_semaphore, #tpu.memory_space<semaphore_mem>>
        %dma_start3A_1078 = tpu.memref_squeeze %dma_start3A_1077 : memref<1x!tpu.dma_semaphore, #tpu.memory_space<semaphore_mem>> -> memref<!tpu.dma_semaphore, #tpu.memory_space<semaphore_mem>>
        tpu.enqueue_indirect_dma source(%dma_start3A_1076 : memref<1000000x16xi32, #tpu.memory_space<hbm>>) target(%dma_start3A_1070 : memref<50x16xi32, #tpu.memory_space<vmem>>) offsets(%dma_start3A_1073 : memref<50xi32, #tpu.memory_space<vmem>>) semaphore(%dma_start3A_1078 : memref<!tpu.dma_semaphore, #tpu.memory_space<semaphore_mem>>)
        %add3A_1079 = arith.constant 27 : i32
        %add3A_1080 = arith.addi %multiple_of3A_619, %add3A_1079 : i32
        %mul3A_1081 = arith.constant 1600 : i32
        %mul3A_1082 = arith.muli %select_n3A_613, %mul3A_1081 : i32
        %multiple_of3A_1083 = tpu.assume_multiple %mul3A_1082, 8 : i32
        %add3A_1084 = arith.constant 1350 : i32
        %add3A_1085 = arith.addi %multiple_of3A_1083, %add3A_1084 : i32
        %dma_start3A_1086 = arith.constant 0 : i32
        %dma_start3A_1087 = tpu.memref_slice %arg6[%add3A_1085, %dma_start3A_1086] : memref<3200x16xi32, #tpu.memory_space<vmem>> -> memref<50x16xi32, #tpu.memory_space<vmem>>
        %dma_start3A_1088 = arith.constant 0 : i32
        %dma_start3A_1089 = tpu.memref_slice %arg5[%add3A_1080, %dma_start3A_1088] : memref<64x50xi32, #tpu.memory_space<vmem>> -> memref<1x50xi32, #tpu.memory_space<vmem>>
        %dma_start3A_1090 = tpu.memref_squeeze %dma_start3A_1089 : memref<1x50xi32, #tpu.memory_space<vmem>> -> memref<50xi32, #tpu.memory_space<vmem>>
        %dma_start3A_1091 = arith.constant 0 : i32
        %dma_start3A_1092 = arith.constant 0 : i32
        %dma_start3A_1093 = tpu.memref_slice %arg3[%dma_start3A_1091, %dma_start3A_1092] : memref<1000000x16xi32, #tpu.memory_space<hbm>> -> memref<1000000x16xi32, #tpu.memory_space<hbm>>
        %dma_start3A_1094 = tpu.memref_slice %arg8[%select_n3A_613] : memref<2x!tpu.dma_semaphore, #tpu.memory_space<semaphore_mem>> -> memref<1x!tpu.dma_semaphore, #tpu.memory_space<semaphore_mem>>
        %dma_start3A_1095 = tpu.memref_squeeze %dma_start3A_1094 : memref<1x!tpu.dma_semaphore, #tpu.memory_space<semaphore_mem>> -> memref<!tpu.dma_semaphore, #tpu.memory_space<semaphore_mem>>
        tpu.enqueue_indirect_dma source(%dma_start3A_1093 : memref<1000000x16xi32, #tpu.memory_space<hbm>>) target(%dma_start3A_1087 : memref<50x16xi32, #tpu.memory_space<vmem>>) offsets(%dma_start3A_1090 : memref<50xi32, #tpu.memory_space<vmem>>) semaphore(%dma_start3A_1095 : memref<!tpu.dma_semaphore, #tpu.memory_space<semaphore_mem>>)
        %add3A_1096 = arith.constant 28 : i32
        %add3A_1097 = arith.addi %multiple_of3A_619, %add3A_1096 : i32
        %mul3A_1098 = arith.constant 1600 : i32
        %mul3A_1099 = arith.muli %select_n3A_613, %mul3A_1098 : i32
        %multiple_of3A_1100 = tpu.assume_multiple %mul3A_1099, 8 : i32
        %add3A_1101 = arith.constant 1400 : i32
        %add3A_1102 = arith.addi %multiple_of3A_1100, %add3A_1101 : i32
        %dma_start3A_1103 = arith.constant 0 : i32
        %dma_start3A_1104 = tpu.memref_slice %arg6[%add3A_1102, %dma_start3A_1103] : memref<3200x16xi32, #tpu.memory_space<vmem>> -> memref<50x16xi32, #tpu.memory_space<vmem>>
        %dma_start3A_1105 = arith.constant 0 : i32
        %dma_start3A_1106 = tpu.memref_slice %arg5[%add3A_1097, %dma_start3A_1105] : memref<64x50xi32, #tpu.memory_space<vmem>> -> memref<1x50xi32, #tpu.memory_space<vmem>>
        %dma_start3A_1107 = tpu.memref_squeeze %dma_start3A_1106 : memref<1x50xi32, #tpu.memory_space<vmem>> -> memref<50xi32, #tpu.memory_space<vmem>>
        %dma_start3A_1108 = arith.constant 0 : i32
        %dma_start3A_1109 = arith.constant 0 : i32
        %dma_start3A_1110 = tpu.memref_slice %arg3[%dma_start3A_1108, %dma_start3A_1109] : memref<1000000x16xi32, #tpu.memory_space<hbm>> -> memref<1000000x16xi32, #tpu.memory_space<hbm>>
        %dma_start3A_1111 = tpu.memref_slice %arg8[%select_n3A_613] : memref<2x!tpu.dma_semaphore, #tpu.memory_space<semaphore_mem>> -> memref<1x!tpu.dma_semaphore, #tpu.memory_space<semaphore_mem>>
        %dma_start3A_1112 = tpu.memref_squeeze %dma_start3A_1111 : memref<1x!tpu.dma_semaphore, #tpu.memory_space<semaphore_mem>> -> memref<!tpu.dma_semaphore, #tpu.memory_space<semaphore_mem>>
        tpu.enqueue_indirect_dma source(%dma_start3A_1110 : memref<1000000x16xi32, #tpu.memory_space<hbm>>) target(%dma_start3A_1104 : memref<50x16xi32, #tpu.memory_space<vmem>>) offsets(%dma_start3A_1107 : memref<50xi32, #tpu.memory_space<vmem>>) semaphore(%dma_start3A_1112 : memref<!tpu.dma_semaphore, #tpu.memory_space<semaphore_mem>>)
        %add3A_1113 = arith.constant 29 : i32
        %add3A_1114 = arith.addi %multiple_of3A_619, %add3A_1113 : i32
        %mul3A_1115 = arith.constant 1600 : i32
        %mul3A_1116 = arith.muli %select_n3A_613, %mul3A_1115 : i32
        %multiple_of3A_1117 = tpu.assume_multiple %mul3A_1116, 8 : i32
        %add3A_1118 = arith.constant 1450 : i32
        %add3A_1119 = arith.addi %multiple_of3A_1117, %add3A_1118 : i32
        %dma_start3A_1120 = arith.constant 0 : i32
        %dma_start3A_1121 = tpu.memref_slice %arg6[%add3A_1119, %dma_start3A_1120] : memref<3200x16xi32, #tpu.memory_space<vmem>> -> memref<50x16xi32, #tpu.memory_space<vmem>>
        %dma_start3A_1122 = arith.constant 0 : i32
        %dma_start3A_1123 = tpu.memref_slice %arg5[%add3A_1114, %dma_start3A_1122] : memref<64x50xi32, #tpu.memory_space<vmem>> -> memref<1x50xi32, #tpu.memory_space<vmem>>
        %dma_start3A_1124 = tpu.memref_squeeze %dma_start3A_1123 : memref<1x50xi32, #tpu.memory_space<vmem>> -> memref<50xi32, #tpu.memory_space<vmem>>
        %dma_start3A_1125 = arith.constant 0 : i32
        %dma_start3A_1126 = arith.constant 0 : i32
        %dma_start3A_1127 = tpu.memref_slice %arg3[%dma_start3A_1125, %dma_start3A_1126] : memref<1000000x16xi32, #tpu.memory_space<hbm>> -> memref<1000000x16xi32, #tpu.memory_space<hbm>>
        %dma_start3A_1128 = tpu.memref_slice %arg8[%select_n3A_613] : memref<2x!tpu.dma_semaphore, #tpu.memory_space<semaphore_mem>> -> memref<1x!tpu.dma_semaphore, #tpu.memory_space<semaphore_mem>>
        %dma_start3A_1129 = tpu.memref_squeeze %dma_start3A_1128 : memref<1x!tpu.dma_semaphore, #tpu.memory_space<semaphore_mem>> -> memref<!tpu.dma_semaphore, #tpu.memory_space<semaphore_mem>>
        tpu.enqueue_indirect_dma source(%dma_start3A_1127 : memref<1000000x16xi32, #tpu.memory_space<hbm>>) target(%dma_start3A_1121 : memref<50x16xi32, #tpu.memory_space<vmem>>) offsets(%dma_start3A_1124 : memref<50xi32, #tpu.memory_space<vmem>>) semaphore(%dma_start3A_1129 : memref<!tpu.dma_semaphore, #tpu.memory_space<semaphore_mem>>)
        %add3A_1130 = arith.constant 30 : i32
        %add3A_1131 = arith.addi %multiple_of3A_619, %add3A_1130 : i32
        %mul3A_1132 = arith.constant 1600 : i32
        %mul3A_1133 = arith.muli %select_n3A_613, %mul3A_1132 : i32
        %multiple_of3A_1134 = tpu.assume_multiple %mul3A_1133, 8 : i32
        %add3A_1135 = arith.constant 1500 : i32
        %add3A_1136 = arith.addi %multiple_of3A_1134, %add3A_1135 : i32
        %dma_start3A_1137 = arith.constant 0 : i32
        %dma_start3A_1138 = tpu.memref_slice %arg6[%add3A_1136, %dma_start3A_1137] : memref<3200x16xi32, #tpu.memory_space<vmem>> -> memref<50x16xi32, #tpu.memory_space<vmem>>
        %dma_start3A_1139 = arith.constant 0 : i32
        %dma_start3A_1140 = tpu.memref_slice %arg5[%add3A_1131, %dma_start3A_1139] : memref<64x50xi32, #tpu.memory_space<vmem>> -> memref<1x50xi32, #tpu.memory_space<vmem>>
        %dma_start3A_1141 = tpu.memref_squeeze %dma_start3A_1140 : memref<1x50xi32, #tpu.memory_space<vmem>> -> memref<50xi32, #tpu.memory_space<vmem>>
        %dma_start3A_1142 = arith.constant 0 : i32
        %dma_start3A_1143 = arith.constant 0 : i32
        %dma_start3A_1144 = tpu.memref_slice %arg3[%dma_start3A_1142, %dma_start3A_1143] : memref<1000000x16xi32, #tpu.memory_space<hbm>> -> memref<1000000x16xi32, #tpu.memory_space<hbm>>
        %dma_start3A_1145 = tpu.memref_slice %arg8[%select_n3A_613] : memref<2x!tpu.dma_semaphore, #tpu.memory_space<semaphore_mem>> -> memref<1x!tpu.dma_semaphore, #tpu.memory_space<semaphore_mem>>
        %dma_start3A_1146 = tpu.memref_squeeze %dma_start3A_1145 : memref<1x!tpu.dma_semaphore, #tpu.memory_space<semaphore_mem>> -> memref<!tpu.dma_semaphore, #tpu.memory_space<semaphore_mem>>
        tpu.enqueue_indirect_dma source(%dma_start3A_1144 : memref<1000000x16xi32, #tpu.memory_space<hbm>>) target(%dma_start3A_1138 : memref<50x16xi32, #tpu.memory_space<vmem>>) offsets(%dma_start3A_1141 : memref<50xi32, #tpu.memory_space<vmem>>) semaphore(%dma_start3A_1146 : memref<!tpu.dma_semaphore, #tpu.memory_space<semaphore_mem>>)
        %add3A_1147 = arith.constant 31 : i32
        %add3A_1148 = arith.addi %multiple_of3A_619, %add3A_1147 : i32
        %mul3A_1149 = arith.constant 1600 : i32
        %mul3A_1150 = arith.muli %select_n3A_613, %mul3A_1149 : i32
        %multiple_of3A_1151 = tpu.assume_multiple %mul3A_1150, 8 : i32
        %add3A_1152 = arith.constant 1550 : i32
        %add3A_1153 = arith.addi %multiple_of3A_1151, %add3A_1152 : i32
        %dma_start3A_1154 = arith.constant 0 : i32
        %dma_start3A_1155 = tpu.memref_slice %arg6[%add3A_1153, %dma_start3A_1154] : memref<3200x16xi32, #tpu.memory_space<vmem>> -> memref<50x16xi32, #tpu.memory_space<vmem>>
        %dma_start3A_1156 = arith.constant 0 : i32
        %dma_start3A_1157 = tpu.memref_slice %arg5[%add3A_1148, %dma_start3A_1156] : memref<64x50xi32, #tpu.memory_space<vmem>> -> memref<1x50xi32, #tpu.memory_space<vmem>>
        %dma_start3A_1158 = tpu.memref_squeeze %dma_start3A_1157 : memref<1x50xi32, #tpu.memory_space<vmem>> -> memref<50xi32, #tpu.memory_space<vmem>>
        %dma_start3A_1159 = arith.constant 0 : i32
        %dma_start3A_1160 = arith.constant 0 : i32
        %dma_start3A_1161 = tpu.memref_slice %arg3[%dma_start3A_1159, %dma_start3A_1160] : memref<1000000x16xi32, #tpu.memory_space<hbm>> -> memref<1000000x16xi32, #tpu.memory_space<hbm>>
        %dma_start3A_1162 = tpu.memref_slice %arg8[%select_n3A_613] : memref<2x!tpu.dma_semaphore, #tpu.memory_space<semaphore_mem>> -> memref<1x!tpu.dma_semaphore, #tpu.memory_space<semaphore_mem>>
        %dma_start3A_1163 = tpu.memref_squeeze %dma_start3A_1162 : memref<1x!tpu.dma_semaphore, #tpu.memory_space<semaphore_mem>> -> memref<!tpu.dma_semaphore, #tpu.memory_space<semaphore_mem>>
        tpu.enqueue_indirect_dma source(%dma_start3A_1161 : memref<1000000x16xi32, #tpu.memory_space<hbm>>) target(%dma_start3A_1155 : memref<50x16xi32, #tpu.memory_space<vmem>>) offsets(%dma_start3A_1158 : memref<50xi32, #tpu.memory_space<vmem>>) semaphore(%dma_start3A_1163 : memref<!tpu.dma_semaphore, #tpu.memory_space<semaphore_mem>>)
      } else {
      }
      %mul3A_572 = arith.constant 1600 : i32
      %mul3A_573 = arith.muli %select_n3A_563, %mul3A_572 : i32
      %multiple_of3A_574 = tpu.assume_multiple %mul3A_573, 8 : i32
      %dma_wait3A = arith.constant 0 : i32
      %dma_wait3A_575 = tpu.memref_slice %arg6[%multiple_of3A_574, %dma_wait3A] : memref<3200x16xi32, #tpu.memory_space<vmem>> -> memref<1600x16xi32, #tpu.memory_space<vmem>>
      %dma_wait3A_576 = arith.constant 0 : i32
      %dma_wait3A_577 = arith.constant 0 : i32
      %dma_wait3A_578 = tpu.memref_slice %arg3[%dma_wait3A_576, %dma_wait3A_577] : memref<1000000x16xi32, #tpu.memory_space<hbm>> -> memref<1600x16xi32, #tpu.memory_space<hbm>>
      %dma_wait3A_579 = tpu.memref_slice %arg8[%select_n3A_563] : memref<2x!tpu.dma_semaphore, #tpu.memory_space<semaphore_mem>> -> memref<1x!tpu.dma_semaphore, #tpu.memory_space<semaphore_mem>>
      %dma_wait3A_580 = tpu.memref_squeeze %dma_wait3A_579 : memref<1x!tpu.dma_semaphore, #tpu.memory_space<semaphore_mem>> -> memref<!tpu.dma_semaphore, #tpu.memory_space<semaphore_mem>>
      %dma_wait3A_581 = arith.constant 0 : i32
      %dma_wait3A_582 = tpu.memref_slice %arg6[%multiple_of3A_574, %dma_wait3A_581] : memref<3200x16xi32, #tpu.memory_space<vmem>> -> memref<1600x16xi32, #tpu.memory_space<vmem>>
      %dma_wait3A_583 = arith.constant 0 : i32
      %dma_wait3A_584 = arith.constant 0 : i32
      %dma_wait3A_585 = tpu.memref_slice %arg3[%dma_wait3A_583, %dma_wait3A_584] : memref<1000000x16xi32, #tpu.memory_space<hbm>> -> memref<1600x16xi32, #tpu.memory_space<hbm>>
      tpu.wait_dma2 semaphore(%dma_wait3A_580 : memref<!tpu.dma_semaphore, #tpu.memory_space<semaphore_mem>>) src(%dma_wait3A_585 : memref<1600x16xi32, #tpu.memory_space<hbm>>) dst(%dma_wait3A_582 : memref<1600x16xi32, #tpu.memory_space<vmem>>)
      %mul3A_586 = arith.constant 1600 : i32
      %mul3A_587 = arith.muli %select_n3A_563, %mul3A_586 : i32
      %scan3A_588 = arith.constant 0 : i32
      %scan3A_589 = arith.constant 0 : i32
      %scan3A_590 = arith.constant 32 : i32
      %scan3A_591 = arith.addi %scan3A_589, %scan3A_590 : i32
      %scan3A_592 = arith.constant 1 : i32
      scf.for %scan3A_594 = %scan3A_589 to %scan3A_591 step %scan3A_592  : i32 {
        %mul3A_595 = arith.constant 50 : i32
        %mul3A_596 = arith.muli %scan3A_594, %mul3A_595 : i32
        %add3A_597 = arith.addi %mul3A_587, %mul3A_596 : i32
        %get3A = arith.index_cast %add3A_597 : i32 to index
        %get3A_598 = arith.constant 0 : index
        %get3A_599 = tpu.vector_load %arg6[%get3A, %get3A_598] {strides = array<i32>} : memref<3200x16xi32, #tpu.memory_space<vmem>>, vector<16xi32>,
        %bitcast3A = vector.bitcast %get3A_599 : vector<16xi32> to vector<32xbf16>
        %unpack3A = tpu.unpack_subelements %bitcast3A, 0 {pack_format = #tpu.pack_format<interleaved>} : vector<32xbf16> -> vector<16xf32>
        %unpack3A_600 = tpu.unpack_subelements %bitcast3A, 1 {pack_format = #tpu.pack_format<interleaved>} : vector<32xbf16> -> vector<16xf32>
        %add3A_601 = arith.constant 1 : i32
        %add3A_602 = arith.addi %add3A_597, %add3A_601 : i32
        %get3A_603 = arith.index_cast %add3A_602 : i32 to index
        %get3A_604 = arith.constant 0 : index
        %get3A_605 = tpu.vector_load %arg6[%get3A_603, %get3A_604] {strides = array<i32>} : memref<3200x16xi32, #tpu.memory_space<vmem>>, vector<16xi32>,
        %bitcast3A_606 = vector.bitcast %get3A_605 : vector<16xi32> to vector<32xbf16>
        %unpack3A_607 = tpu.unpack_subelements %bitcast3A_606, 0 {pack_format = #tpu.pack_format<interleaved>} : vector<32xbf16> -> vector<16xf32>
        %unpack3A_608 = tpu.unpack_subelements %bitcast3A_606, 1 {pack_format = #tpu.pack_format<interleaved>} : vector<32xbf16> -> vector<16xf32>
        %add3A_609 = arith.addf %unpack3A, %unpack3A_607 : vector<16xf32>
        %add3A_610 = arith.addf %unpack3A_600, %unpack3A_608 : vector<16xf32>
        %add3A_611 = arith.constant 2 : i32
        %add3A_612 = arith.addi %add3A_597, %add3A_611 : i32
        %get3A_613 = arith.index_cast %add3A_612 : i32 to index
        %get3A_614 = arith.constant 0 : index
        %get3A_615 = tpu.vector_load %arg6[%get3A_613, %get3A_614] {strides = array<i32>} : memref<3200x16xi32, #tpu.memory_space<vmem>>, vector<16xi32>,
        %bitcast3A_616 = vector.bitcast %get3A_615 : vector<16xi32> to vector<32xbf16>
        %unpack3A_617 = tpu.unpack_subelements %bitcast3A_616, 0 {pack_format = #tpu.pack_format<interleaved>} : vector<32xbf16> -> vector<16xf32>
        %unpack3A_618 = tpu.unpack_subelements %bitcast3A_616, 1 {pack_format = #tpu.pack_format<interleaved>} : vector<32xbf16> -> vector<16xf32>
        %add3A_619 = arith.addf %add3A_609, %unpack3A_617 : vector<16xf32>
        %add3A_620 = arith.addf %add3A_610, %unpack3A_618 : vector<16xf32>
        %add3A_621 = arith.constant 3 : i32
        %add3A_622 = arith.addi %add3A_597, %add3A_621 : i32
        %get3A_623 = arith.index_cast %add3A_622 : i32 to index
        %get3A_624 = arith.constant 0 : index
        %get3A_625 = tpu.vector_load %arg6[%get3A_623, %get3A_624] {strides = array<i32>} : memref<3200x16xi32, #tpu.memory_space<vmem>>, vector<16xi32>,
        %bitcast3A_626 = vector.bitcast %get3A_625 : vector<16xi32> to vector<32xbf16>
        %unpack3A_627 = tpu.unpack_subelements %bitcast3A_626, 0 {pack_format = #tpu.pack_format<interleaved>} : vector<32xbf16> -> vector<16xf32>
        %unpack3A_628 = tpu.unpack_subelements %bitcast3A_626, 1 {pack_format = #tpu.pack_format<interleaved>} : vector<32xbf16> -> vector<16xf32>
        %add3A_629 = arith.addf %add3A_619, %unpack3A_627 : vector<16xf32>
        %add3A_630 = arith.addf %add3A_620, %unpack3A_628 : vector<16xf32>
        %add3A_631 = arith.constant 4 : i32
        %add3A_632 = arith.addi %add3A_597, %add3A_631 : i32
        %get3A_633 = arith.index_cast %add3A_632 : i32 to index
        %get3A_634 = arith.constant 0 : index
        %get3A_635 = tpu.vector_load %arg6[%get3A_633, %get3A_634] {strides = array<i32>} : memref<3200x16xi32, #tpu.memory_space<vmem>>, vector<16xi32>,
        %bitcast3A_636 = vector.bitcast %get3A_635 : vector<16xi32> to vector<32xbf16>
        %unpack3A_637 = tpu.unpack_subelements %bitcast3A_636, 0 {pack_format = #tpu.pack_format<interleaved>} : vector<32xbf16> -> vector<16xf32>
        %unpack3A_638 = tpu.unpack_subelements %bitcast3A_636, 1 {pack_format = #tpu.pack_format<interleaved>} : vector<32xbf16> -> vector<16xf32>
        %add3A_639 = arith.addf %add3A_629, %unpack3A_637 : vector<16xf32>
        %add3A_640 = arith.addf %add3A_630, %unpack3A_638 : vector<16xf32>
        %add3A_641 = arith.constant 5 : i32
        %add3A_642 = arith.addi %add3A_597, %add3A_641 : i32
        %get3A_643 = arith.index_cast %add3A_642 : i32 to index
        %get3A_644 = arith.constant 0 : index
        %get3A_645 = tpu.vector_load %arg6[%get3A_643, %get3A_644] {strides = array<i32>} : memref<3200x16xi32, #tpu.memory_space<vmem>>, vector<16xi32>,
        %bitcast3A_646 = vector.bitcast %get3A_645 : vector<16xi32> to vector<32xbf16>
        %unpack3A_647 = tpu.unpack_subelements %bitcast3A_646, 0 {pack_format = #tpu.pack_format<interleaved>} : vector<32xbf16> -> vector<16xf32>
        %unpack3A_648 = tpu.unpack_subelements %bitcast3A_646, 1 {pack_format = #tpu.pack_format<interleaved>} : vector<32xbf16> -> vector<16xf32>
        %add3A_649 = arith.addf %add3A_639, %unpack3A_647 : vector<16xf32>
        %add3A_650 = arith.addf %add3A_640, %unpack3A_648 : vector<16xf32>
        %add3A_651 = arith.constant 6 : i32
        %add3A_652 = arith.addi %add3A_597, %add3A_651 : i32
        %get3A_653 = arith.index_cast %add3A_652 : i32 to index
        %get3A_654 = arith.constant 0 : index
        %get3A_655 = tpu.vector_load %arg6[%get3A_653, %get3A_654] {strides = array<i32>} : memref<3200x16xi32, #tpu.memory_space<vmem>>, vector<16xi32>,
        %bitcast3A_656 = vector.bitcast %get3A_655 : vector<16xi32> to vector<32xbf16>
        %unpack3A_657 = tpu.unpack_subelements %bitcast3A_656, 0 {pack_format = #tpu.pack_format<interleaved>} : vector<32xbf16> -> vector<16xf32>
        %unpack3A_658 = tpu.unpack_subelements %bitcast3A_656, 1 {pack_format = #tpu.pack_format<interleaved>} : vector<32xbf16> -> vector<16xf32>
        %add3A_659 = arith.addf %add3A_649, %unpack3A_657 : vector<16xf32>
        %add3A_660 = arith.addf %add3A_650, %unpack3A_658 : vector<16xf32>
        %add3A_661 = arith.constant 7 : i32
        %add3A_662 = arith.addi %add3A_597, %add3A_661 : i32
        %get3A_663 = arith.index_cast %add3A_662 : i32 to index
        %get3A_664 = arith.constant 0 : index
        %get3A_665 = tpu.vector_load %arg6[%get3A_663, %get3A_664] {strides = array<i32>} : memref<3200x16xi32, #tpu.memory_space<vmem>>, vector<16xi32>,
        %bitcast3A_666 = vector.bitcast %get3A_665 : vector<16xi32> to vector<32xbf16>
        %unpack3A_667 = tpu.unpack_subelements %bitcast3A_666, 0 {pack_format = #tpu.pack_format<interleaved>} : vector<32xbf16> -> vector<16xf32>
        %unpack3A_668 = tpu.unpack_subelements %bitcast3A_666, 1 {pack_format = #tpu.pack_format<interleaved>} : vector<32xbf16> -> vector<16xf32>
        %add3A_669 = arith.addf %add3A_659, %unpack3A_667 : vector<16xf32>
        %add3A_670 = arith.addf %add3A_660, %unpack3A_668 : vector<16xf32>
        %add3A_671 = arith.constant 8 : i32
        %add3A_672 = arith.addi %add3A_597, %add3A_671 : i32
        %get3A_673 = arith.index_cast %add3A_672 : i32 to index
        %get3A_674 = arith.constant 0 : index
        %get3A_675 = tpu.vector_load %arg6[%get3A_673, %get3A_674] {strides = array<i32>} : memref<3200x16xi32, #tpu.memory_space<vmem>>, vector<16xi32>,
        %bitcast3A_676 = vector.bitcast %get3A_675 : vector<16xi32> to vector<32xbf16>
        %unpack3A_677 = tpu.unpack_subelements %bitcast3A_676, 0 {pack_format = #tpu.pack_format<interleaved>} : vector<32xbf16> -> vector<16xf32>
        %unpack3A_678 = tpu.unpack_subelements %bitcast3A_676, 1 {pack_format = #tpu.pack_format<interleaved>} : vector<32xbf16> -> vector<16xf32>
        %add3A_679 = arith.addf %add3A_669, %unpack3A_677 : vector<16xf32>
        %add3A_680 = arith.addf %add3A_670, %unpack3A_678 : vector<16xf32>
        %add3A_681 = arith.constant 9 : i32
        %add3A_682 = arith.addi %add3A_597, %add3A_681 : i32
        %get3A_683 = arith.index_cast %add3A_682 : i32 to index
        %get3A_684 = arith.constant 0 : index
        %get3A_685 = tpu.vector_load %arg6[%get3A_683, %get3A_684] {strides = array<i32>} : memref<3200x16xi32, #tpu.memory_space<vmem>>, vector<16xi32>,
        %bitcast3A_686 = vector.bitcast %get3A_685 : vector<16xi32> to vector<32xbf16>
        %unpack3A_687 = tpu.unpack_subelements %bitcast3A_686, 0 {pack_format = #tpu.pack_format<interleaved>} : vector<32xbf16> -> vector<16xf32>
        %unpack3A_688 = tpu.unpack_subelements %bitcast3A_686, 1 {pack_format = #tpu.pack_format<interleaved>} : vector<32xbf16> -> vector<16xf32>
        %add3A_689 = arith.addf %add3A_679, %unpack3A_687 : vector<16xf32>
        %add3A_690 = arith.addf %add3A_680, %unpack3A_688 : vector<16xf32>
        %add3A_691 = arith.constant 10 : i32
        %add3A_692 = arith.addi %add3A_597, %add3A_691 : i32
        %get3A_693 = arith.index_cast %add3A_692 : i32 to index
        %get3A_694 = arith.constant 0 : index
        %get3A_695 = tpu.vector_load %arg6[%get3A_693, %get3A_694] {strides = array<i32>} : memref<3200x16xi32, #tpu.memory_space<vmem>>, vector<16xi32>,
        %bitcast3A_696 = vector.bitcast %get3A_695 : vector<16xi32> to vector<32xbf16>
        %unpack3A_697 = tpu.unpack_subelements %bitcast3A_696, 0 {pack_format = #tpu.pack_format<interleaved>} : vector<32xbf16> -> vector<16xf32>
        %unpack3A_698 = tpu.unpack_subelements %bitcast3A_696, 1 {pack_format = #tpu.pack_format<interleaved>} : vector<32xbf16> -> vector<16xf32>
        %add3A_699 = arith.addf %add3A_689, %unpack3A_697 : vector<16xf32>
        %add3A_700 = arith.addf %add3A_690, %unpack3A_698 : vector<16xf32>
        %add3A_701 = arith.constant 11 : i32
        %add3A_702 = arith.addi %add3A_597, %add3A_701 : i32
        %get3A_703 = arith.index_cast %add3A_702 : i32 to index
        %get3A_704 = arith.constant 0 : index
        %get3A_705 = tpu.vector_load %arg6[%get3A_703, %get3A_704] {strides = array<i32>} : memref<3200x16xi32, #tpu.memory_space<vmem>>, vector<16xi32>,
        %bitcast3A_706 = vector.bitcast %get3A_705 : vector<16xi32> to vector<32xbf16>
        %unpack3A_707 = tpu.unpack_subelements %bitcast3A_706, 0 {pack_format = #tpu.pack_format<interleaved>} : vector<32xbf16> -> vector<16xf32>
        %unpack3A_708 = tpu.unpack_subelements %bitcast3A_706, 1 {pack_format = #tpu.pack_format<interleaved>} : vector<32xbf16> -> vector<16xf32>
        %add3A_709 = arith.addf %add3A_699, %unpack3A_707 : vector<16xf32>
        %add3A_710 = arith.addf %add3A_700, %unpack3A_708 : vector<16xf32>
        %add3A_711 = arith.constant 12 : i32
        %add3A_712 = arith.addi %add3A_597, %add3A_711 : i32
        %get3A_713 = arith.index_cast %add3A_712 : i32 to index
        %get3A_714 = arith.constant 0 : index
        %get3A_715 = tpu.vector_load %arg6[%get3A_713, %get3A_714] {strides = array<i32>} : memref<3200x16xi32, #tpu.memory_space<vmem>>, vector<16xi32>,
        %bitcast3A_716 = vector.bitcast %get3A_715 : vector<16xi32> to vector<32xbf16>
        %unpack3A_717 = tpu.unpack_subelements %bitcast3A_716, 0 {pack_format = #tpu.pack_format<interleaved>} : vector<32xbf16> -> vector<16xf32>
        %unpack3A_718 = tpu.unpack_subelements %bitcast3A_716, 1 {pack_format = #tpu.pack_format<interleaved>} : vector<32xbf16> -> vector<16xf32>
        %add3A_719 = arith.addf %add3A_709, %unpack3A_717 : vector<16xf32>
        %add3A_720 = arith.addf %add3A_710, %unpack3A_718 : vector<16xf32>
        %add3A_721 = arith.constant 13 : i32
        %add3A_722 = arith.addi %add3A_597, %add3A_721 : i32
        %get3A_723 = arith.index_cast %add3A_722 : i32 to index
        %get3A_724 = arith.constant 0 : index
        %get3A_725 = tpu.vector_load %arg6[%get3A_723, %get3A_724] {strides = array<i32>} : memref<3200x16xi32, #tpu.memory_space<vmem>>, vector<16xi32>,
        %bitcast3A_726 = vector.bitcast %get3A_725 : vector<16xi32> to vector<32xbf16>
        %unpack3A_727 = tpu.unpack_subelements %bitcast3A_726, 0 {pack_format = #tpu.pack_format<interleaved>} : vector<32xbf16> -> vector<16xf32>
        %unpack3A_728 = tpu.unpack_subelements %bitcast3A_726, 1 {pack_format = #tpu.pack_format<interleaved>} : vector<32xbf16> -> vector<16xf32>
        %add3A_729 = arith.addf %add3A_719, %unpack3A_727 : vector<16xf32>
        %add3A_730 = arith.addf %add3A_720, %unpack3A_728 : vector<16xf32>
        %add3A_731 = arith.constant 14 : i32
        %add3A_732 = arith.addi %add3A_597, %add3A_731 : i32
        %get3A_733 = arith.index_cast %add3A_732 : i32 to index
        %get3A_734 = arith.constant 0 : index
        %get3A_735 = tpu.vector_load %arg6[%get3A_733, %get3A_734] {strides = array<i32>} : memref<3200x16xi32, #tpu.memory_space<vmem>>, vector<16xi32>,
        %bitcast3A_736 = vector.bitcast %get3A_735 : vector<16xi32> to vector<32xbf16>
        %unpack3A_737 = tpu.unpack_subelements %bitcast3A_736, 0 {pack_format = #tpu.pack_format<interleaved>} : vector<32xbf16> -> vector<16xf32>
        %unpack3A_738 = tpu.unpack_subelements %bitcast3A_736, 1 {pack_format = #tpu.pack_format<interleaved>} : vector<32xbf16> -> vector<16xf32>
        %add3A_739 = arith.addf %add3A_729, %unpack3A_737 : vector<16xf32>
        %add3A_740 = arith.addf %add3A_730, %unpack3A_738 : vector<16xf32>
        %add3A_741 = arith.constant 15 : i32
        %add3A_742 = arith.addi %add3A_597, %add3A_741 : i32
        %get3A_743 = arith.index_cast %add3A_742 : i32 to index
        %get3A_744 = arith.constant 0 : index
        %get3A_745 = tpu.vector_load %arg6[%get3A_743, %get3A_744] {strides = array<i32>} : memref<3200x16xi32, #tpu.memory_space<vmem>>, vector<16xi32>,
        %bitcast3A_746 = vector.bitcast %get3A_745 : vector<16xi32> to vector<32xbf16>
        %unpack3A_747 = tpu.unpack_subelements %bitcast3A_746, 0 {pack_format = #tpu.pack_format<interleaved>} : vector<32xbf16> -> vector<16xf32>
        %unpack3A_748 = tpu.unpack_subelements %bitcast3A_746, 1 {pack_format = #tpu.pack_format<interleaved>} : vector<32xbf16> -> vector<16xf32>
        %add3A_749 = arith.addf %add3A_739, %unpack3A_747 : vector<16xf32>
        %add3A_750 = arith.addf %add3A_740, %unpack3A_748 : vector<16xf32>
        %add3A_751 = arith.constant 16 : i32
        %add3A_752 = arith.addi %add3A_597, %add3A_751 : i32
        %get3A_753 = arith.index_cast %add3A_752 : i32 to index
        %get3A_754 = arith.constant 0 : index
        %get3A_755 = tpu.vector_load %arg6[%get3A_753, %get3A_754] {strides = array<i32>} : memref<3200x16xi32, #tpu.memory_space<vmem>>, vector<16xi32>,
        %bitcast3A_756 = vector.bitcast %get3A_755 : vector<16xi32> to vector<32xbf16>
        %unpack3A_757 = tpu.unpack_subelements %bitcast3A_756, 0 {pack_format = #tpu.pack_format<interleaved>} : vector<32xbf16> -> vector<16xf32>
        %unpack3A_758 = tpu.unpack_subelements %bitcast3A_756, 1 {pack_format = #tpu.pack_format<interleaved>} : vector<32xbf16> -> vector<16xf32>
        %add3A_759 = arith.addf %add3A_749, %unpack3A_757 : vector<16xf32>
        %add3A_760 = arith.addf %add3A_750, %unpack3A_758 : vector<16xf32>
        %add3A_761 = arith.constant 17 : i32
        %add3A_762 = arith.addi %add3A_597, %add3A_761 : i32
        %get3A_763 = arith.index_cast %add3A_762 : i32 to index
        %get3A_764 = arith.constant 0 : index
        %get3A_765 = tpu.vector_load %arg6[%get3A_763, %get3A_764] {strides = array<i32>} : memref<3200x16xi32, #tpu.memory_space<vmem>>, vector<16xi32>,
        %bitcast3A_766 = vector.bitcast %get3A_765 : vector<16xi32> to vector<32xbf16>
        %unpack3A_767 = tpu.unpack_subelements %bitcast3A_766, 0 {pack_format = #tpu.pack_format<interleaved>} : vector<32xbf16> -> vector<16xf32>
        %unpack3A_768 = tpu.unpack_subelements %bitcast3A_766, 1 {pack_format = #tpu.pack_format<interleaved>} : vector<32xbf16> -> vector<16xf32>
        %add3A_769 = arith.addf %add3A_759, %unpack3A_767 : vector<16xf32>
        %add3A_770 = arith.addf %add3A_760, %unpack3A_768 : vector<16xf32>
        %add3A_771 = arith.constant 18 : i32
        %add3A_772 = arith.addi %add3A_597, %add3A_771 : i32
        %get3A_773 = arith.index_cast %add3A_772 : i32 to index
        %get3A_774 = arith.constant 0 : index
        %get3A_775 = tpu.vector_load %arg6[%get3A_773, %get3A_774] {strides = array<i32>} : memref<3200x16xi32, #tpu.memory_space<vmem>>, vector<16xi32>,
        %bitcast3A_776 = vector.bitcast %get3A_775 : vector<16xi32> to vector<32xbf16>
        %unpack3A_777 = tpu.unpack_subelements %bitcast3A_776, 0 {pack_format = #tpu.pack_format<interleaved>} : vector<32xbf16> -> vector<16xf32>
        %unpack3A_778 = tpu.unpack_subelements %bitcast3A_776, 1 {pack_format = #tpu.pack_format<interleaved>} : vector<32xbf16> -> vector<16xf32>
        %add3A_779 = arith.addf %add3A_769, %unpack3A_777 : vector<16xf32>
        %add3A_780 = arith.addf %add3A_770, %unpack3A_778 : vector<16xf32>
        %add3A_781 = arith.constant 19 : i32
        %add3A_782 = arith.addi %add3A_597, %add3A_781 : i32
        %get3A_783 = arith.index_cast %add3A_782 : i32 to index
        %get3A_784 = arith.constant 0 : index
        %get3A_785 = tpu.vector_load %arg6[%get3A_783, %get3A_784] {strides = array<i32>} : memref<3200x16xi32, #tpu.memory_space<vmem>>, vector<16xi32>,
        %bitcast3A_786 = vector.bitcast %get3A_785 : vector<16xi32> to vector<32xbf16>
        %unpack3A_787 = tpu.unpack_subelements %bitcast3A_786, 0 {pack_format = #tpu.pack_format<interleaved>} : vector<32xbf16> -> vector<16xf32>
        %unpack3A_788 = tpu.unpack_subelements %bitcast3A_786, 1 {pack_format = #tpu.pack_format<interleaved>} : vector<32xbf16> -> vector<16xf32>
        %add3A_789 = arith.addf %add3A_779, %unpack3A_787 : vector<16xf32>
        %add3A_790 = arith.addf %add3A_780, %unpack3A_788 : vector<16xf32>
        %add3A_791 = arith.constant 20 : i32
        %add3A_792 = arith.addi %add3A_597, %add3A_791 : i32
        %get3A_793 = arith.index_cast %add3A_792 : i32 to index
        %get3A_794 = arith.constant 0 : index
        %get3A_795 = tpu.vector_load %arg6[%get3A_793, %get3A_794] {strides = array<i32>} : memref<3200x16xi32, #tpu.memory_space<vmem>>, vector<16xi32>,
        %bitcast3A_796 = vector.bitcast %get3A_795 : vector<16xi32> to vector<32xbf16>
        %unpack3A_797 = tpu.unpack_subelements %bitcast3A_796, 0 {pack_format = #tpu.pack_format<interleaved>} : vector<32xbf16> -> vector<16xf32>
        %unpack3A_798 = tpu.unpack_subelements %bitcast3A_796, 1 {pack_format = #tpu.pack_format<interleaved>} : vector<32xbf16> -> vector<16xf32>
        %add3A_799 = arith.addf %add3A_789, %unpack3A_797 : vector<16xf32>
        %add3A_800 = arith.addf %add3A_790, %unpack3A_798 : vector<16xf32>
        %add3A_801 = arith.constant 21 : i32
        %add3A_802 = arith.addi %add3A_597, %add3A_801 : i32
        %get3A_803 = arith.index_cast %add3A_802 : i32 to index
        %get3A_804 = arith.constant 0 : index
        %get3A_805 = tpu.vector_load %arg6[%get3A_803, %get3A_804] {strides = array<i32>} : memref<3200x16xi32, #tpu.memory_space<vmem>>, vector<16xi32>,
        %bitcast3A_806 = vector.bitcast %get3A_805 : vector<16xi32> to vector<32xbf16>
        %unpack3A_807 = tpu.unpack_subelements %bitcast3A_806, 0 {pack_format = #tpu.pack_format<interleaved>} : vector<32xbf16> -> vector<16xf32>
        %unpack3A_808 = tpu.unpack_subelements %bitcast3A_806, 1 {pack_format = #tpu.pack_format<interleaved>} : vector<32xbf16> -> vector<16xf32>
        %add3A_809 = arith.addf %add3A_799, %unpack3A_807 : vector<16xf32>
        %add3A_810 = arith.addf %add3A_800, %unpack3A_808 : vector<16xf32>
        %add3A_811 = arith.constant 22 : i32
        %add3A_812 = arith.addi %add3A_597, %add3A_811 : i32
        %get3A_813 = arith.index_cast %add3A_812 : i32 to index
        %get3A_814 = arith.constant 0 : index
        %get3A_815 = tpu.vector_load %arg6[%get3A_813, %get3A_814] {strides = array<i32>} : memref<3200x16xi32, #tpu.memory_space<vmem>>, vector<16xi32>,
        %bitcast3A_816 = vector.bitcast %get3A_815 : vector<16xi32> to vector<32xbf16>
        %unpack3A_817 = tpu.unpack_subelements %bitcast3A_816, 0 {pack_format = #tpu.pack_format<interleaved>} : vector<32xbf16> -> vector<16xf32>
        %unpack3A_818 = tpu.unpack_subelements %bitcast3A_816, 1 {pack_format = #tpu.pack_format<interleaved>} : vector<32xbf16> -> vector<16xf32>
        %add3A_819 = arith.addf %add3A_809, %unpack3A_817 : vector<16xf32>
        %add3A_820 = arith.addf %add3A_810, %unpack3A_818 : vector<16xf32>
        %add3A_821 = arith.constant 23 : i32
        %add3A_822 = arith.addi %add3A_597, %add3A_821 : i32
        %get3A_823 = arith.index_cast %add3A_822 : i32 to index
        %get3A_824 = arith.constant 0 : index
        %get3A_825 = tpu.vector_load %arg6[%get3A_823, %get3A_824] {strides = array<i32>} : memref<3200x16xi32, #tpu.memory_space<vmem>>, vector<16xi32>,
        %bitcast3A_826 = vector.bitcast %get3A_825 : vector<16xi32> to vector<32xbf16>
        %unpack3A_827 = tpu.unpack_subelements %bitcast3A_826, 0 {pack_format = #tpu.pack_format<interleaved>} : vector<32xbf16> -> vector<16xf32>
        %unpack3A_828 = tpu.unpack_subelements %bitcast3A_826, 1 {pack_format = #tpu.pack_format<interleaved>} : vector<32xbf16> -> vector<16xf32>
        %add3A_829 = arith.addf %add3A_819, %unpack3A_827 : vector<16xf32>
        %add3A_830 = arith.addf %add3A_820, %unpack3A_828 : vector<16xf32>
        %add3A_831 = arith.constant 24 : i32
        %add3A_832 = arith.addi %add3A_597, %add3A_831 : i32
        %get3A_833 = arith.index_cast %add3A_832 : i32 to index
        %get3A_834 = arith.constant 0 : index
        %get3A_835 = tpu.vector_load %arg6[%get3A_833, %get3A_834] {strides = array<i32>} : memref<3200x16xi32, #tpu.memory_space<vmem>>, vector<16xi32>,
        %bitcast3A_836 = vector.bitcast %get3A_835 : vector<16xi32> to vector<32xbf16>
        %unpack3A_837 = tpu.unpack_subelements %bitcast3A_836, 0 {pack_format = #tpu.pack_format<interleaved>} : vector<32xbf16> -> vector<16xf32>
        %unpack3A_838 = tpu.unpack_subelements %bitcast3A_836, 1 {pack_format = #tpu.pack_format<interleaved>} : vector<32xbf16> -> vector<16xf32>
        %add3A_839 = arith.addf %add3A_829, %unpack3A_837 : vector<16xf32>
        %add3A_840 = arith.addf %add3A_830, %unpack3A_838 : vector<16xf32>
        %add3A_841 = arith.constant 25 : i32
        %add3A_842 = arith.addi %add3A_597, %add3A_841 : i32
        %get3A_843 = arith.index_cast %add3A_842 : i32 to index
        %get3A_844 = arith.constant 0 : index
        %get3A_845 = tpu.vector_load %arg6[%get3A_843, %get3A_844] {strides = array<i32>} : memref<3200x16xi32, #tpu.memory_space<vmem>>, vector<16xi32>,
        %bitcast3A_846 = vector.bitcast %get3A_845 : vector<16xi32> to vector<32xbf16>
        %unpack3A_847 = tpu.unpack_subelements %bitcast3A_846, 0 {pack_format = #tpu.pack_format<interleaved>} : vector<32xbf16> -> vector<16xf32>
        %unpack3A_848 = tpu.unpack_subelements %bitcast3A_846, 1 {pack_format = #tpu.pack_format<interleaved>} : vector<32xbf16> -> vector<16xf32>
        %add3A_849 = arith.addf %add3A_839, %unpack3A_847 : vector<16xf32>
        %add3A_850 = arith.addf %add3A_840, %unpack3A_848 : vector<16xf32>
        %add3A_851 = arith.constant 26 : i32
        %add3A_852 = arith.addi %add3A_597, %add3A_851 : i32
        %get3A_853 = arith.index_cast %add3A_852 : i32 to index
        %get3A_854 = arith.constant 0 : index
        %get3A_855 = tpu.vector_load %arg6[%get3A_853, %get3A_854] {strides = array<i32>} : memref<3200x16xi32, #tpu.memory_space<vmem>>, vector<16xi32>,
        %bitcast3A_856 = vector.bitcast %get3A_855 : vector<16xi32> to vector<32xbf16>
        %unpack3A_857 = tpu.unpack_subelements %bitcast3A_856, 0 {pack_format = #tpu.pack_format<interleaved>} : vector<32xbf16> -> vector<16xf32>
        %unpack3A_858 = tpu.unpack_subelements %bitcast3A_856, 1 {pack_format = #tpu.pack_format<interleaved>} : vector<32xbf16> -> vector<16xf32>
        %add3A_859 = arith.addf %add3A_849, %unpack3A_857 : vector<16xf32>
        %add3A_860 = arith.addf %add3A_850, %unpack3A_858 : vector<16xf32>
        %add3A_861 = arith.constant 27 : i32
        %add3A_862 = arith.addi %add3A_597, %add3A_861 : i32
        %get3A_863 = arith.index_cast %add3A_862 : i32 to index
        %get3A_864 = arith.constant 0 : index
        %get3A_865 = tpu.vector_load %arg6[%get3A_863, %get3A_864] {strides = array<i32>} : memref<3200x16xi32, #tpu.memory_space<vmem>>, vector<16xi32>,
        %bitcast3A_866 = vector.bitcast %get3A_865 : vector<16xi32> to vector<32xbf16>
        %unpack3A_867 = tpu.unpack_subelements %bitcast3A_866, 0 {pack_format = #tpu.pack_format<interleaved>} : vector<32xbf16> -> vector<16xf32>
        %unpack3A_868 = tpu.unpack_subelements %bitcast3A_866, 1 {pack_format = #tpu.pack_format<interleaved>} : vector<32xbf16> -> vector<16xf32>
        %add3A_869 = arith.addf %add3A_859, %unpack3A_867 : vector<16xf32>
        %add3A_870 = arith.addf %add3A_860, %unpack3A_868 : vector<16xf32>
        %add3A_871 = arith.constant 28 : i32
        %add3A_872 = arith.addi %add3A_597, %add3A_871 : i32
        %get3A_873 = arith.index_cast %add3A_872 : i32 to index
        %get3A_874 = arith.constant 0 : index
        %get3A_875 = tpu.vector_load %arg6[%get3A_873, %get3A_874] {strides = array<i32>} : memref<3200x16xi32, #tpu.memory_space<vmem>>, vector<16xi32>,
        %bitcast3A_876 = vector.bitcast %get3A_875 : vector<16xi32> to vector<32xbf16>
        %unpack3A_877 = tpu.unpack_subelements %bitcast3A_876, 0 {pack_format = #tpu.pack_format<interleaved>} : vector<32xbf16> -> vector<16xf32>
        %unpack3A_878 = tpu.unpack_subelements %bitcast3A_876, 1 {pack_format = #tpu.pack_format<interleaved>} : vector<32xbf16> -> vector<16xf32>
        %add3A_879 = arith.addf %add3A_869, %unpack3A_877 : vector<16xf32>
        %add3A_880 = arith.addf %add3A_870, %unpack3A_878 : vector<16xf32>
        %add3A_881 = arith.constant 29 : i32
        %add3A_882 = arith.addi %add3A_597, %add3A_881 : i32
        %get3A_883 = arith.index_cast %add3A_882 : i32 to index
        %get3A_884 = arith.constant 0 : index
        %get3A_885 = tpu.vector_load %arg6[%get3A_883, %get3A_884] {strides = array<i32>} : memref<3200x16xi32, #tpu.memory_space<vmem>>, vector<16xi32>,
        %bitcast3A_886 = vector.bitcast %get3A_885 : vector<16xi32> to vector<32xbf16>
        %unpack3A_887 = tpu.unpack_subelements %bitcast3A_886, 0 {pack_format = #tpu.pack_format<interleaved>} : vector<32xbf16> -> vector<16xf32>
        %unpack3A_888 = tpu.unpack_subelements %bitcast3A_886, 1 {pack_format = #tpu.pack_format<interleaved>} : vector<32xbf16> -> vector<16xf32>
        %add3A_889 = arith.addf %add3A_879, %unpack3A_887 : vector<16xf32>
        %add3A_890 = arith.addf %add3A_880, %unpack3A_888 : vector<16xf32>
        %add3A_891 = arith.constant 30 : i32
        %add3A_892 = arith.addi %add3A_597, %add3A_891 : i32
        %get3A_893 = arith.index_cast %add3A_892 : i32 to index
        %get3A_894 = arith.constant 0 : index
        %get3A_895 = tpu.vector_load %arg6[%get3A_893, %get3A_894] {strides = array<i32>} : memref<3200x16xi32, #tpu.memory_space<vmem>>, vector<16xi32>,
        %bitcast3A_896 = vector.bitcast %get3A_895 : vector<16xi32> to vector<32xbf16>
        %unpack3A_897 = tpu.unpack_subelements %bitcast3A_896, 0 {pack_format = #tpu.pack_format<interleaved>} : vector<32xbf16> -> vector<16xf32>
        %unpack3A_898 = tpu.unpack_subelements %bitcast3A_896, 1 {pack_format = #tpu.pack_format<interleaved>} : vector<32xbf16> -> vector<16xf32>
        %add3A_899 = arith.addf %add3A_889, %unpack3A_897 : vector<16xf32>
        %add3A_900 = arith.addf %add3A_890, %unpack3A_898 : vector<16xf32>
        %add3A_901 = arith.constant 31 : i32
        %add3A_902 = arith.addi %add3A_597, %add3A_901 : i32
        %get3A_903 = arith.index_cast %add3A_902 : i32 to index
        %get3A_904 = arith.constant 0 : index
        %get3A_905 = tpu.vector_load %arg6[%get3A_903, %get3A_904] {strides = array<i32>} : memref<3200x16xi32, #tpu.memory_space<vmem>>, vector<16xi32>,
        %bitcast3A_906 = vector.bitcast %get3A_905 : vector<16xi32> to vector<32xbf16>
        %unpack3A_907 = tpu.unpack_subelements %bitcast3A_906, 0 {pack_format = #tpu.pack_format<interleaved>} : vector<32xbf16> -> vector<16xf32>
        %unpack3A_908 = tpu.unpack_subelements %bitcast3A_906, 1 {pack_format = #tpu.pack_format<interleaved>} : vector<32xbf16> -> vector<16xf32>
        %add3A_909 = arith.addf %add3A_899, %unpack3A_907 : vector<16xf32>
        %add3A_910 = arith.addf %add3A_900, %unpack3A_908 : vector<16xf32>
        %add3A_911 = arith.constant 32 : i32
        %add3A_912 = arith.addi %add3A_597, %add3A_911 : i32
        %get3A_913 = arith.index_cast %add3A_912 : i32 to index
        %get3A_914 = arith.constant 0 : index
        %get3A_915 = tpu.vector_load %arg6[%get3A_913, %get3A_914] {strides = array<i32>} : memref<3200x16xi32, #tpu.memory_space<vmem>>, vector<16xi32>,
        %bitcast3A_916 = vector.bitcast %get3A_915 : vector<16xi32> to vector<32xbf16>
        %unpack3A_917 = tpu.unpack_subelements %bitcast3A_916, 0 {pack_format = #tpu.pack_format<interleaved>} : vector<32xbf16> -> vector<16xf32>
        %unpack3A_918 = tpu.unpack_subelements %bitcast3A_916, 1 {pack_format = #tpu.pack_format<interleaved>} : vector<32xbf16> -> vector<16xf32>
        %add3A_919 = arith.addf %add3A_909, %unpack3A_917 : vector<16xf32>
        %add3A_920 = arith.addf %add3A_910, %unpack3A_918 : vector<16xf32>
        %add3A_921 = arith.constant 33 : i32
        %add3A_922 = arith.addi %add3A_597, %add3A_921 : i32
        %get3A_923 = arith.index_cast %add3A_922 : i32 to index
        %get3A_924 = arith.constant 0 : index
        %get3A_925 = tpu.vector_load %arg6[%get3A_923, %get3A_924] {strides = array<i32>} : memref<3200x16xi32, #tpu.memory_space<vmem>>, vector<16xi32>,
        %bitcast3A_926 = vector.bitcast %get3A_925 : vector<16xi32> to vector<32xbf16>
        %unpack3A_927 = tpu.unpack_subelements %bitcast3A_926, 0 {pack_format = #tpu.pack_format<interleaved>} : vector<32xbf16> -> vector<16xf32>
        %unpack3A_928 = tpu.unpack_subelements %bitcast3A_926, 1 {pack_format = #tpu.pack_format<interleaved>} : vector<32xbf16> -> vector<16xf32>
        %add3A_929 = arith.addf %add3A_919, %unpack3A_927 : vector<16xf32>
        %add3A_930 = arith.addf %add3A_920, %unpack3A_928 : vector<16xf32>
        %add3A_931 = arith.constant 34 : i32
        %add3A_932 = arith.addi %add3A_597, %add3A_931 : i32
        %get3A_933 = arith.index_cast %add3A_932 : i32 to index
        %get3A_934 = arith.constant 0 : index
        %get3A_935 = tpu.vector_load %arg6[%get3A_933, %get3A_934] {strides = array<i32>} : memref<3200x16xi32, #tpu.memory_space<vmem>>, vector<16xi32>,
        %bitcast3A_936 = vector.bitcast %get3A_935 : vector<16xi32> to vector<32xbf16>
        %unpack3A_937 = tpu.unpack_subelements %bitcast3A_936, 0 {pack_format = #tpu.pack_format<interleaved>} : vector<32xbf16> -> vector<16xf32>
        %unpack3A_938 = tpu.unpack_subelements %bitcast3A_936, 1 {pack_format = #tpu.pack_format<interleaved>} : vector<32xbf16> -> vector<16xf32>
        %add3A_939 = arith.addf %add3A_929, %unpack3A_937 : vector<16xf32>
        %add3A_940 = arith.addf %add3A_930, %unpack3A_938 : vector<16xf32>
        %add3A_941 = arith.constant 35 : i32
        %add3A_942 = arith.addi %add3A_597, %add3A_941 : i32
        %get3A_943 = arith.index_cast %add3A_942 : i32 to index
        %get3A_944 = arith.constant 0 : index
        %get3A_945 = tpu.vector_load %arg6[%get3A_943, %get3A_944] {strides = array<i32>} : memref<3200x16xi32, #tpu.memory_space<vmem>>, vector<16xi32>,
        %bitcast3A_946 = vector.bitcast %get3A_945 : vector<16xi32> to vector<32xbf16>
        %unpack3A_947 = tpu.unpack_subelements %bitcast3A_946, 0 {pack_format = #tpu.pack_format<interleaved>} : vector<32xbf16> -> vector<16xf32>
        %unpack3A_948 = tpu.unpack_subelements %bitcast3A_946, 1 {pack_format = #tpu.pack_format<interleaved>} : vector<32xbf16> -> vector<16xf32>
        %add3A_949 = arith.addf %add3A_939, %unpack3A_947 : vector<16xf32>
        %add3A_950 = arith.addf %add3A_940, %unpack3A_948 : vector<16xf32>
        %add3A_951 = arith.constant 36 : i32
        %add3A_952 = arith.addi %add3A_597, %add3A_951 : i32
        %get3A_953 = arith.index_cast %add3A_952 : i32 to index
        %get3A_954 = arith.constant 0 : index
        %get3A_955 = tpu.vector_load %arg6[%get3A_953, %get3A_954] {strides = array<i32>} : memref<3200x16xi32, #tpu.memory_space<vmem>>, vector<16xi32>,
        %bitcast3A_956 = vector.bitcast %get3A_955 : vector<16xi32> to vector<32xbf16>
        %unpack3A_957 = tpu.unpack_subelements %bitcast3A_956, 0 {pack_format = #tpu.pack_format<interleaved>} : vector<32xbf16> -> vector<16xf32>
        %unpack3A_958 = tpu.unpack_subelements %bitcast3A_956, 1 {pack_format = #tpu.pack_format<interleaved>} : vector<32xbf16> -> vector<16xf32>
        %add3A_959 = arith.addf %add3A_949, %unpack3A_957 : vector<16xf32>
        %add3A_960 = arith.addf %add3A_950, %unpack3A_958 : vector<16xf32>
        %add3A_961 = arith.constant 37 : i32
        %add3A_962 = arith.addi %add3A_597, %add3A_961 : i32
        %get3A_963 = arith.index_cast %add3A_962 : i32 to index
        %get3A_964 = arith.constant 0 : index
        %get3A_965 = tpu.vector_load %arg6[%get3A_963, %get3A_964] {strides = array<i32>} : memref<3200x16xi32, #tpu.memory_space<vmem>>, vector<16xi32>,
        %bitcast3A_966 = vector.bitcast %get3A_965 : vector<16xi32> to vector<32xbf16>
        %unpack3A_967 = tpu.unpack_subelements %bitcast3A_966, 0 {pack_format = #tpu.pack_format<interleaved>} : vector<32xbf16> -> vector<16xf32>
        %unpack3A_968 = tpu.unpack_subelements %bitcast3A_966, 1 {pack_format = #tpu.pack_format<interleaved>} : vector<32xbf16> -> vector<16xf32>
        %add3A_969 = arith.addf %add3A_959, %unpack3A_967 : vector<16xf32>
        %add3A_970 = arith.addf %add3A_960, %unpack3A_968 : vector<16xf32>
        %add3A_971 = arith.constant 38 : i32
        %add3A_972 = arith.addi %add3A_597, %add3A_971 : i32
        %get3A_973 = arith.index_cast %add3A_972 : i32 to index
        %get3A_974 = arith.constant 0 : index
        %get3A_975 = tpu.vector_load %arg6[%get3A_973, %get3A_974] {strides = array<i32>} : memref<3200x16xi32, #tpu.memory_space<vmem>>, vector<16xi32>,
        %bitcast3A_976 = vector.bitcast %get3A_975 : vector<16xi32> to vector<32xbf16>
        %unpack3A_977 = tpu.unpack_subelements %bitcast3A_976, 0 {pack_format = #tpu.pack_format<interleaved>} : vector<32xbf16> -> vector<16xf32>
        %unpack3A_978 = tpu.unpack_subelements %bitcast3A_976, 1 {pack_format = #tpu.pack_format<interleaved>} : vector<32xbf16> -> vector<16xf32>
        %add3A_979 = arith.addf %add3A_969, %unpack3A_977 : vector<16xf32>
        %add3A_980 = arith.addf %add3A_970, %unpack3A_978 : vector<16xf32>
        %add3A_981 = arith.constant 39 : i32
        %add3A_982 = arith.addi %add3A_597, %add3A_981 : i32
        %get3A_983 = arith.index_cast %add3A_982 : i32 to index
        %get3A_984 = arith.constant 0 : index
        %get3A_985 = tpu.vector_load %arg6[%get3A_983, %get3A_984] {strides = array<i32>} : memref<3200x16xi32, #tpu.memory_space<vmem>>, vector<16xi32>,
        %bitcast3A_986 = vector.bitcast %get3A_985 : vector<16xi32> to vector<32xbf16>
        %unpack3A_987 = tpu.unpack_subelements %bitcast3A_986, 0 {pack_format = #tpu.pack_format<interleaved>} : vector<32xbf16> -> vector<16xf32>
        %unpack3A_988 = tpu.unpack_subelements %bitcast3A_986, 1 {pack_format = #tpu.pack_format<interleaved>} : vector<32xbf16> -> vector<16xf32>
        %add3A_989 = arith.addf %add3A_979, %unpack3A_987 : vector<16xf32>
        %add3A_990 = arith.addf %add3A_980, %unpack3A_988 : vector<16xf32>
        %add3A_991 = arith.constant 40 : i32
        %add3A_992 = arith.addi %add3A_597, %add3A_991 : i32
        %get3A_993 = arith.index_cast %add3A_992 : i32 to index
        %get3A_994 = arith.constant 0 : index
        %get3A_995 = tpu.vector_load %arg6[%get3A_993, %get3A_994] {strides = array<i32>} : memref<3200x16xi32, #tpu.memory_space<vmem>>, vector<16xi32>,
        %bitcast3A_996 = vector.bitcast %get3A_995 : vector<16xi32> to vector<32xbf16>
        %unpack3A_997 = tpu.unpack_subelements %bitcast3A_996, 0 {pack_format = #tpu.pack_format<interleaved>} : vector<32xbf16> -> vector<16xf32>
        %unpack3A_998 = tpu.unpack_subelements %bitcast3A_996, 1 {pack_format = #tpu.pack_format<interleaved>} : vector<32xbf16> -> vector<16xf32>
        %add3A_999 = arith.addf %add3A_989, %unpack3A_997 : vector<16xf32>
        %add3A_1000 = arith.addf %add3A_990, %unpack3A_998 : vector<16xf32>
        %add3A_1001 = arith.constant 41 : i32
        %add3A_1002 = arith.addi %add3A_597, %add3A_1001 : i32
        %get3A_1003 = arith.index_cast %add3A_1002 : i32 to index
        %get3A_1004 = arith.constant 0 : index
        %get3A_1005 = tpu.vector_load %arg6[%get3A_1003, %get3A_1004] {strides = array<i32>} : memref<3200x16xi32, #tpu.memory_space<vmem>>, vector<16xi32>,
        %bitcast3A_1006 = vector.bitcast %get3A_1005 : vector<16xi32> to vector<32xbf16>
        %unpack3A_1007 = tpu.unpack_subelements %bitcast3A_1006, 0 {pack_format = #tpu.pack_format<interleaved>} : vector<32xbf16> -> vector<16xf32>
        %unpack3A_1008 = tpu.unpack_subelements %bitcast3A_1006, 1 {pack_format = #tpu.pack_format<interleaved>} : vector<32xbf16> -> vector<16xf32>
        %add3A_1009 = arith.addf %add3A_999, %unpack3A_1007 : vector<16xf32>
        %add3A_1010 = arith.addf %add3A_1000, %unpack3A_1008 : vector<16xf32>
        %add3A_1011 = arith.constant 42 : i32
        %add3A_1012 = arith.addi %add3A_597, %add3A_1011 : i32
        %get3A_1013 = arith.index_cast %add3A_1012 : i32 to index
        %get3A_1014 = arith.constant 0 : index
        %get3A_1015 = tpu.vector_load %arg6[%get3A_1013, %get3A_1014] {strides = array<i32>} : memref<3200x16xi32, #tpu.memory_space<vmem>>, vector<16xi32>,
        %bitcast3A_1016 = vector.bitcast %get3A_1015 : vector<16xi32> to vector<32xbf16>
        %unpack3A_1017 = tpu.unpack_subelements %bitcast3A_1016, 0 {pack_format = #tpu.pack_format<interleaved>} : vector<32xbf16> -> vector<16xf32>
        %unpack3A_1018 = tpu.unpack_subelements %bitcast3A_1016, 1 {pack_format = #tpu.pack_format<interleaved>} : vector<32xbf16> -> vector<16xf32>
        %add3A_1019 = arith.addf %add3A_1009, %unpack3A_1017 : vector<16xf32>
        %add3A_1020 = arith.addf %add3A_1010, %unpack3A_1018 : vector<16xf32>
        %add3A_1021 = arith.constant 43 : i32
        %add3A_1022 = arith.addi %add3A_597, %add3A_1021 : i32
        %get3A_1023 = arith.index_cast %add3A_1022 : i32 to index
        %get3A_1024 = arith.constant 0 : index
        %get3A_1025 = tpu.vector_load %arg6[%get3A_1023, %get3A_1024] {strides = array<i32>} : memref<3200x16xi32, #tpu.memory_space<vmem>>, vector<16xi32>,
        %bitcast3A_1026 = vector.bitcast %get3A_1025 : vector<16xi32> to vector<32xbf16>
        %unpack3A_1027 = tpu.unpack_subelements %bitcast3A_1026, 0 {pack_format = #tpu.pack_format<interleaved>} : vector<32xbf16> -> vector<16xf32>
        %unpack3A_1028 = tpu.unpack_subelements %bitcast3A_1026, 1 {pack_format = #tpu.pack_format<interleaved>} : vector<32xbf16> -> vector<16xf32>
        %add3A_1029 = arith.addf %add3A_1019, %unpack3A_1027 : vector<16xf32>
        %add3A_1030 = arith.addf %add3A_1020, %unpack3A_1028 : vector<16xf32>
        %add3A_1031 = arith.constant 44 : i32
        %add3A_1032 = arith.addi %add3A_597, %add3A_1031 : i32
        %get3A_1033 = arith.index_cast %add3A_1032 : i32 to index
        %get3A_1034 = arith.constant 0 : index
        %get3A_1035 = tpu.vector_load %arg6[%get3A_1033, %get3A_1034] {strides = array<i32>} : memref<3200x16xi32, #tpu.memory_space<vmem>>, vector<16xi32>,
        %bitcast3A_1036 = vector.bitcast %get3A_1035 : vector<16xi32> to vector<32xbf16>
        %unpack3A_1037 = tpu.unpack_subelements %bitcast3A_1036, 0 {pack_format = #tpu.pack_format<interleaved>} : vector<32xbf16> -> vector<16xf32>
        %unpack3A_1038 = tpu.unpack_subelements %bitcast3A_1036, 1 {pack_format = #tpu.pack_format<interleaved>} : vector<32xbf16> -> vector<16xf32>
        %add3A_1039 = arith.addf %add3A_1029, %unpack3A_1037 : vector<16xf32>
        %add3A_1040 = arith.addf %add3A_1030, %unpack3A_1038 : vector<16xf32>
        %add3A_1041 = arith.constant 45 : i32
        %add3A_1042 = arith.addi %add3A_597, %add3A_1041 : i32
        %get3A_1043 = arith.index_cast %add3A_1042 : i32 to index
        %get3A_1044 = arith.constant 0 : index
        %get3A_1045 = tpu.vector_load %arg6[%get3A_1043, %get3A_1044] {strides = array<i32>} : memref<3200x16xi32, #tpu.memory_space<vmem>>, vector<16xi32>,
        %bitcast3A_1046 = vector.bitcast %get3A_1045 : vector<16xi32> to vector<32xbf16>
        %unpack3A_1047 = tpu.unpack_subelements %bitcast3A_1046, 0 {pack_format = #tpu.pack_format<interleaved>} : vector<32xbf16> -> vector<16xf32>
        %unpack3A_1048 = tpu.unpack_subelements %bitcast3A_1046, 1 {pack_format = #tpu.pack_format<interleaved>} : vector<32xbf16> -> vector<16xf32>
        %add3A_1049 = arith.addf %add3A_1039, %unpack3A_1047 : vector<16xf32>
        %add3A_1050 = arith.addf %add3A_1040, %unpack3A_1048 : vector<16xf32>
        %add3A_1051 = arith.constant 46 : i32
        %add3A_1052 = arith.addi %add3A_597, %add3A_1051 : i32
        %get3A_1053 = arith.index_cast %add3A_1052 : i32 to index
        %get3A_1054 = arith.constant 0 : index
        %get3A_1055 = tpu.vector_load %arg6[%get3A_1053, %get3A_1054] {strides = array<i32>} : memref<3200x16xi32, #tpu.memory_space<vmem>>, vector<16xi32>,
        %bitcast3A_1056 = vector.bitcast %get3A_1055 : vector<16xi32> to vector<32xbf16>
        %unpack3A_1057 = tpu.unpack_subelements %bitcast3A_1056, 0 {pack_format = #tpu.pack_format<interleaved>} : vector<32xbf16> -> vector<16xf32>
        %unpack3A_1058 = tpu.unpack_subelements %bitcast3A_1056, 1 {pack_format = #tpu.pack_format<interleaved>} : vector<32xbf16> -> vector<16xf32>
        %add3A_1059 = arith.addf %add3A_1049, %unpack3A_1057 : vector<16xf32>
        %add3A_1060 = arith.addf %add3A_1050, %unpack3A_1058 : vector<16xf32>
        %add3A_1061 = arith.constant 47 : i32
        %add3A_1062 = arith.addi %add3A_597, %add3A_1061 : i32
        %get3A_1063 = arith.index_cast %add3A_1062 : i32 to index
        %get3A_1064 = arith.constant 0 : index
        %get3A_1065 = tpu.vector_load %arg6[%get3A_1063, %get3A_1064] {strides = array<i32>} : memref<3200x16xi32, #tpu.memory_space<vmem>>, vector<16xi32>,
        %bitcast3A_1066 = vector.bitcast %get3A_1065 : vector<16xi32> to vector<32xbf16>
        %unpack3A_1067 = tpu.unpack_subelements %bitcast3A_1066, 0 {pack_format = #tpu.pack_format<interleaved>} : vector<32xbf16> -> vector<16xf32>
        %unpack3A_1068 = tpu.unpack_subelements %bitcast3A_1066, 1 {pack_format = #tpu.pack_format<interleaved>} : vector<32xbf16> -> vector<16xf32>
        %add3A_1069 = arith.addf %add3A_1059, %unpack3A_1067 : vector<16xf32>
        %add3A_1070 = arith.addf %add3A_1060, %unpack3A_1068 : vector<16xf32>
        %add3A_1071 = arith.constant 48 : i32
        %add3A_1072 = arith.addi %add3A_597, %add3A_1071 : i32
        %get3A_1073 = arith.index_cast %add3A_1072 : i32 to index
        %get3A_1074 = arith.constant 0 : index
        %get3A_1075 = tpu.vector_load %arg6[%get3A_1073, %get3A_1074] {strides = array<i32>} : memref<3200x16xi32, #tpu.memory_space<vmem>>, vector<16xi32>,
        %bitcast3A_1076 = vector.bitcast %get3A_1075 : vector<16xi32> to vector<32xbf16>
        %unpack3A_1077 = tpu.unpack_subelements %bitcast3A_1076, 0 {pack_format = #tpu.pack_format<interleaved>} : vector<32xbf16> -> vector<16xf32>
        %unpack3A_1078 = tpu.unpack_subelements %bitcast3A_1076, 1 {pack_format = #tpu.pack_format<interleaved>} : vector<32xbf16> -> vector<16xf32>
        %add3A_1079 = arith.addf %add3A_1069, %unpack3A_1077 : vector<16xf32>
        %add3A_1080 = arith.addf %add3A_1070, %unpack3A_1078 : vector<16xf32>
        %add3A_1081 = arith.constant 49 : i32
        %add3A_1082 = arith.addi %add3A_597, %add3A_1081 : i32
        %get3A_1083 = arith.index_cast %add3A_1082 : i32 to index
        %get3A_1084 = arith.constant 0 : index
        %get3A_1085 = tpu.vector_load %arg6[%get3A_1083, %get3A_1084] {strides = array<i32>} : memref<3200x16xi32, #tpu.memory_space<vmem>>, vector<16xi32>,
        %bitcast3A_1086 = vector.bitcast %get3A_1085 : vector<16xi32> to vector<32xbf16>
        %unpack3A_1087 = tpu.unpack_subelements %bitcast3A_1086, 0 {pack_format = #tpu.pack_format<interleaved>} : vector<32xbf16> -> vector<16xf32>
        %unpack3A_1088 = tpu.unpack_subelements %bitcast3A_1086, 1 {pack_format = #tpu.pack_format<interleaved>} : vector<32xbf16> -> vector<16xf32>
        %add3A_1089 = arith.addf %add3A_1079, %unpack3A_1087 : vector<16xf32>
        %add3A_1090 = arith.addf %add3A_1080, %unpack3A_1088 : vector<16xf32>
        %mul3A_1091 = arith.constant 2.000000e-02 : f32
        %mul3A_1092 = vector.broadcast %mul3A_1091 : f32 to vector<16xf32>
        %mul3A_1093 = arith.mulf %add3A_1089, %mul3A_1092 : vector<16xf32>
        %swap3A = arith.index_cast %scan3A_594 : i32 to index
        %swap3A_1094 = arith.constant 0 : index
        %swap3A_1095 = tpu.vector_load %arg7[%swap3A, %swap3A_1094] {strides = array<i32>} : memref<32x32xf32, #tpu.memory_space<vmem>>, vector<16xf32>,
        tpu.vector_store %arg7[%swap3A, %swap3A_1094], %mul3A_1093 {strides = array<i32>} : memref<32x32xf32, #tpu.memory_space<vmem>>, vector<16xf32>,
        %mul3A_1096 = arith.constant 2.000000e-02 : f32
        %mul3A_1097 = vector.broadcast %mul3A_1096 : f32 to vector<16xf32>
        %mul3A_1098 = arith.mulf %add3A_1090, %mul3A_1097 : vector<16xf32>
        %swap3A_1099 = arith.index_cast %scan3A_594 : i32 to index
        %swap3A_1100 = arith.constant 16 : index
        %swap3A_1101 = tpu.vector_load %arg7[%swap3A_1099, %swap3A_1100] {strides = array<i32>} : memref<32x32xf32, #tpu.memory_space<vmem>>, vector<16xf32>,
        tpu.vector_store %arg7[%swap3A_1099, %swap3A_1100], %mul3A_1098 {strides = array<i32>} : memref<32x32xf32, #tpu.memory_space<vmem>>, vector<16xf32>,
      }
      %scan3A_593 = arith.constant 32 : i32
      "tpu.region"() ({
        %run_scoped3A = tpu.sem_alloc : memref<!tpu.dma_semaphore, #tpu.memory_space<semaphore_mem>>
        %dma_start3A_594 = arith.constant 0 : i32
        %dma_start3A_595 = tpu.memref_slice %arg4[%add3A_566, %dma_start3A_594] : memref<16384x32xf32, #tpu.memory_space<hbm>> -> memref<32x32xf32, #tpu.memory_space<hbm>>
        %dma_start3A_596 = arith.constant 0 : i32
        %dma_start3A_597 = tpu.memref_slice %arg4[%add3A_566, %dma_start3A_596] : memref<16384x32xf32, #tpu.memory_space<hbm>> -> memref<32x32xf32, #tpu.memory_space<hbm>>
        tpu.enqueue_dma source(%arg7 : memref<32x32xf32, #tpu.memory_space<vmem>>) target(%dma_start3A_597 : memref<32x32xf32, #tpu.memory_space<hbm>>) target_semaphore(%run_scoped3A : memref<!tpu.dma_semaphore, #tpu.memory_space<semaphore_mem>>)
        %dma_wait3A_598 = arith.constant 0 : i32
        %dma_wait3A_599 = tpu.memref_slice %arg4[%add3A_566, %dma_wait3A_598] : memref<16384x32xf32, #tpu.memory_space<hbm>> -> memref<32x32xf32, #tpu.memory_space<hbm>>
        %dma_wait3A_600 = arith.constant 0 : i32
        %dma_wait3A_601 = tpu.memref_slice %arg4[%add3A_566, %dma_wait3A_600] : memref<16384x32xf32, #tpu.memory_space<hbm>> -> memref<32x32xf32, #tpu.memory_space<hbm>>
        tpu.wait_dma2 semaphore(%run_scoped3A : memref<!tpu.dma_semaphore, #tpu.memory_space<semaphore_mem>>) src(%arg7 : memref<32x32xf32, #tpu.memory_space<vmem>>) dst(%dma_wait3A_601 : memref<32x32xf32, #tpu.memory_space<hbm>>)
        tpu.yield
      }) : () -> ()
    }
    %scan3A_553 = arith.constant 16 : i32
    return
  }
}

module attributes {stable_mosaic.version = 14 : i64} {
  func.func @_tail_body(%arg0: i32, %arg1: memref<2048x32xf32, #tpu.memory_space<vmem>>, %arg2: memref<32x32xf32, #tpu.memory_space<vmem>>, %arg3: memref<1x32xf32, #tpu.memory_space<vmem>>, %arg4: memref<1x32xf32, #tpu.memory_space<vmem>>, %arg5: memref<1x32xf32, #tpu.memory_space<vmem>>, %arg6: memref<1x32xf32, #tpu.memory_space<vmem>>, %arg7: memref<1x32xf32, #tpu.memory_space<vmem>>, %arg8: memref<2048x32xf32, #tpu.memory_space<vmem>>) attributes {dimension_semantics = [#tpu.dimension_semantics<arbitrary>], iteration_bounds = array<i64: 8>, scalar_prefetch = 0 : i64, scratch_operands = 0 : i64, tpu.core_type = #tpu.core_type<tc>, window_params = [{transform_indices = @transform_0, window_bounds = array<i64: 2048, 32>}, {pipeline_mode = #tpu.pipeline_mode<synchronous>, transform_indices = @transform_1, window_bounds = array<i64: 32, 32>}, {pipeline_mode = #tpu.pipeline_mode<synchronous>, transform_indices = @transform_2, window_bounds = array<i64: 1, 32>}, {pipeline_mode = #tpu.pipeline_mode<synchronous>, transform_indices = @transform_3, window_bounds = array<i64: 1, 32>}, {pipeline_mode = #tpu.pipeline_mode<synchronous>, transform_indices = @transform_4, window_bounds = array<i64: 1, 32>}, {pipeline_mode = #tpu.pipeline_mode<synchronous>, transform_indices = @transform_5, window_bounds = array<i64: 1, 32>}, {pipeline_mode = #tpu.pipeline_mode<synchronous>, transform_indices = @transform_6, window_bounds = array<i64: 1, 32>}, {transform_indices = @transform_7, window_bounds = array<i64: 2048, 32>}]} {
    %get3A = arith.constant 0 : index
    %get3A_0 = arith.constant 0 : index
    %get3A_1 = vector.load %arg1[%get3A, %get3A_0] : memref<2048x32xf32, #tpu.memory_space<vmem>>, vector<2048x32xf32>
    %get3A_2 = arith.constant 0 : index
    %get3A_3 = arith.constant 0 : index
    %get3A_4 = vector.load %arg2[%get3A_2, %get3A_3] : memref<32x32xf32, #tpu.memory_space<vmem>>, vector<32x32xf32>
    %dot_general3A = arith.constant dense<0.000000e+00> : vector<2048x32xf32>
    %dot_general3A_5 = tpu.matmul %get3A_1, %get3A_4, %dot_general3A {dimension_numbers = #tpu.dot_dimension_numbers<[1], [0], [0], [1], [0, 0, 1, 1], [], []>, transpose_lhs_hint = false} : vector<2048x32xf32>, vector<32x32xf32>, vector<2048x32xf32> -> vector<2048x32xf32>
    %get3A_6 = arith.constant 0 : index
    %get3A_7 = arith.constant 0 : index
    %get3A_8 = vector.load %arg3[%get3A_6, %get3A_7] : memref<1x32xf32, #tpu.memory_space<vmem>>, vector<1x32xf32>
    %add3A = vector.broadcast %get3A_8 : vector<1x32xf32> to vector<2048x32xf32>
    %add3A_9 = arith.addf %dot_general3A_5, %add3A : vector<2048x32xf32>
    %get3A_10 = arith.constant 0 : index
    %get3A_11 = arith.constant 0 : index
    %get3A_12 = vector.load %arg4[%get3A_10, %get3A_11] : memref<1x32xf32, #tpu.memory_space<vmem>>, vector<1x32xf32>
    %get3A_13 = arith.constant 0 : index
    %get3A_14 = arith.constant 0 : index
    %get3A_15 = vector.load %arg7[%get3A_13, %get3A_14] : memref<1x32xf32, #tpu.memory_space<vmem>>, vector<1x32xf32>
    %add3A_16 = arith.constant 1.000000e-03 : f32
    %add3A_17 = vector.broadcast %add3A_16 : f32 to vector<1x32xf32>
    %add3A_18 = arith.addf %get3A_15, %add3A_17 : vector<1x32xf32>
    %rsqrt3A = math.rsqrt %add3A_18 : vector<1x32xf32>
    %mul3A = arith.mulf %get3A_12, %rsqrt3A : vector<1x32xf32>
    %get3A_19 = arith.constant 0 : index
    %get3A_20 = arith.constant 0 : index
    %get3A_21 = vector.load %arg6[%get3A_19, %get3A_20] : memref<1x32xf32, #tpu.memory_space<vmem>>, vector<1x32xf32>
    %sub3A = vector.broadcast %get3A_21 : vector<1x32xf32> to vector<2048x32xf32>
    %sub3A_22 = arith.subf %add3A_9, %sub3A : vector<2048x32xf32>
    %mul3A_23 = vector.broadcast %mul3A : vector<1x32xf32> to vector<2048x32xf32>
    %mul3A_24 = arith.mulf %sub3A_22, %mul3A_23 : vector<2048x32xf32>
    %get3A_25 = arith.constant 0 : index
    %get3A_26 = arith.constant 0 : index
    %get3A_27 = vector.load %arg5[%get3A_25, %get3A_26] : memref<1x32xf32, #tpu.memory_space<vmem>>, vector<1x32xf32>
    %add3A_28 = vector.broadcast %get3A_27 : vector<1x32xf32> to vector<2048x32xf32>
    %add3A_29 = arith.addf %mul3A_24, %add3A_28 : vector<2048x32xf32>
    %mul3A_30 = arith.mulf %add3A_29, %add3A_29 : vector<2048x32xf32>
    %reduce_sum3A = arith.constant dense<0.000000e+00> : vector<2048xf32>
    %reduce_sum3A_31 = vector.multi_reduction <add>, %mul3A_30, %reduce_sum3A [1] : vector<2048x32xf32> to vector<2048xf32>
    %broadcast_in_dim3A = vector.shape_cast %reduce_sum3A_31 : vector<2048xf32> to vector<2048x1xf32>
    %max3A = arith.constant 9.99999996E-13 : f32
    %max3A_32 = vector.broadcast %max3A : f32 to vector<2048x1xf32>
    %max3A_33 = arith.maximumf %broadcast_in_dim3A, %max3A_32 : vector<2048x1xf32>
    %rsqrt3A_34 = math.rsqrt %max3A_33 : vector<2048x1xf32>
    %mul3A_35 = vector.broadcast %rsqrt3A_34 : vector<2048x1xf32> to vector<2048x32xf32>
    %mul3A_36 = arith.mulf %add3A_29, %mul3A_35 : vector<2048x32xf32>
    %swap3A = arith.constant 0 : index
    %swap3A_37 = arith.constant 0 : index
    %swap3A_38 = vector.load %arg8[%swap3A, %swap3A_37] : memref<2048x32xf32, #tpu.memory_space<vmem>>, vector<2048x32xf32>
    tpu.vector_store %arg8[%swap3A, %swap3A_37], %mul3A_36 {strides = array<i32>} : memref<2048x32xf32, #tpu.memory_space<vmem>>, vector<2048x32xf32>,
    return
  }
  func.func @transform_0(%arg0: i32) -> (i32, i32) {
    %c0_i32 = arith.constant 0 : i32
    %c0_i32_0 = arith.constant 0 : i32
    return %arg0, %c0_i32 : i32, i32
  }
  func.func @transform_1(%arg0: i32) -> (i32, i32) {
    %c0_i32 = arith.constant 0 : i32
    %c0_i32_0 = arith.constant 0 : i32
    %c0_i32_1 = arith.constant 0 : i32
    return %c0_i32, %c0_i32_0 : i32, i32
  }
  func.func @transform_2(%arg0: i32) -> (i32, i32) {
    %c0_i32 = arith.constant 0 : i32
    %c0_i32_0 = arith.constant 0 : i32
    %c0_i32_1 = arith.constant 0 : i32
    return %c0_i32, %c0_i32_0 : i32, i32
  }
  func.func @transform_3(%arg0: i32) -> (i32, i32) {
    %c0_i32 = arith.constant 0 : i32
    %c0_i32_0 = arith.constant 0 : i32
    %c0_i32_1 = arith.constant 0 : i32
    return %c0_i32, %c0_i32_0 : i32, i32
  }
  func.func @transform_4(%arg0: i32) -> (i32, i32) {
    %c0_i32 = arith.constant 0 : i32
    %c0_i32_0 = arith.constant 0 : i32
    %c0_i32_1 = arith.constant 0 : i32
    return %c0_i32, %c0_i32_0 : i32, i32
  }
  func.func @transform_5(%arg0: i32) -> (i32, i32) {
    %c0_i32 = arith.constant 0 : i32
    %c0_i32_0 = arith.constant 0 : i32
    %c0_i32_1 = arith.constant 0 : i32
    return %c0_i32, %c0_i32_0 : i32, i32
  }
  func.func @transform_6(%arg0: i32) -> (i32, i32) {
    %c0_i32 = arith.constant 0 : i32
    %c0_i32_0 = arith.constant 0 : i32
    %c0_i32_1 = arith.constant 0 : i32
    return %c0_i32, %c0_i32_0 : i32, i32
  }
  func.func @transform_7(%arg0: i32) -> (i32, i32) {
    %c0_i32 = arith.constant 0 : i32
    %c0_i32_0 = arith.constant 0 : i32
    return %arg0, %c0_i32 : i32, i32
  }
}

</mosaic_0001>

<sc_bundles>
// kernel: kernel.5.cloned.1.call-start
scs
__scs_entry_jumppad:
0x0: {  	(pc) =	sbr.rel $0x88, $3  }
0x1: {  	(tag) =	ssettag $0x0;
	lr =	simm.s32 $0x1  }
0x2: {  	[smem:$0x3F99] =	sst lr;
	_ =	strace $0xD0000000  }
0x3: {  	_ = 	snop  }
0x4: {  	_ = 	snop  }
0x5: {  	_ = 	snop  }
0x6: {  	_ = 	snop  }
0x7: {  	_ = 	snop  }
__scs_overlays_trampoline_lowered:
0x8: {  	[smem:$0x3FA8] =	sst s0  }
0x9: {  	[smem:$0x3FA9] =	sst s1  }
0xa: {  	[smem:$0x3FAA] =	sst s2  }
0xb: {  	[smem:$0x3FAB] =	sst s3  }
0xc: {  	[smem:$0x3FAC] =	sst s4  }
0xd: {  	[smem:$0x3FAD] =	sst s5  }
0xe: {  	[smem:$0x3FAE] =	sst s6  }
0xf: {  	[smem:$0x3FAF] =	sst s7  }
0x10: {  	[smem:$0x3FB0] =	sst s8  }
0x11: {  	[smem:$0x3FB1] =	sst s9;
	s0 =	simm.s32 @!p0 $0x0  }
0x12: {  	s1 =	sld [smem:$0x3F97];
	s0 =	simm.s32 @p0 $0x1  }
0x13: {  	[smem:$0x3FB2] =	sst s0;
	s0 =	simm.s32 @!p1 $0x0  }
0x14: {  	s2 =	sld [smem:$0x3F96];
	s0 =	simm.s32 @p1 $0x1  }
0x15: {  	[smem:$0x3FB3] =	sst s0;
	s0 =	simm.s32 @!p2 $0x0  }
0x16: {  	s3 =	sld [smem:$0x3FDB];
	s0 =	simm.s32 @p2 $0x1  }
0x17: {  	s4 =	simm.s32 $0x1BF5;
	[smem:$0x3FB5] =	sst s0  }
0x18: {  	s0 =	sld [smem:$0x3F98];
	_ =	swait.ge [sflag:s4], $0x0  }
0x19: {  	s7 =	sld [smem:$0x3F99]  }
0x1a: {  	s8 =	sadd.s32 $0xFFFFE003, lr  }
0x1b: {  	s9 =	sadd.s32 $0xFFFFFEF7, lr;
	s5 =	simm.s32 $0xFFFFFFFF;
	p2 =	slt.u32 s8, $0xFFFFF086  }
0x1c: {  	p1 =	slt.u32 s9, $0xF7A;
	s5 =	simm.s32 @!p2 $0x0  }
0x1d: {  	s5 =	simm.s32 @p1 $0x1;
	p0 =	seq.s32 s7, s2  }
0x1e: {  	s7 =	smul.u32 @!p0 $0xF7A, s2;
	p2 =	seq.s32 @!p0 s5, $0x0  }
0x1f: {  	s9 =	smul.u32 $0xF7A, s1;
	s8 =	simm.s32 @!p0 $0x1BF5;
	p2 =	por !p2, p0  }
0x20: {  	[sflag:s8] =	ssyncset.s32 @!p0 $0xFFFFF086;
	s6 =	sadd.s32 @!p0 s3, s7;
	s7 =	simm.s32 @!p0 $0x108  }
0x21: {  	s3 =	sadd.s32 s3, s9;
	s6 =	sadd.s32 @!p0 $0x88, s6;
	s7 =	simm.s32 @p2 $0x1082  }
0x22: {  	[simem:s7], [sflag:s8] =	dma.local @!p0 [hbm:s6], $0xF7A  }
0x23: {  	s9 =	sor.u32 $0xD0000000, s2;
	s6 =	simm.s32 $0x108;
	_ =	swait.ge @!p0 [sflag:s8], $0x0  }
0x24: {  	s3 =	sadd.s32 $0x88, s3;
	s6 =	simm.s32 @!p1 $0x1082;
	[sflag:s4] =	ssyncset.s32 $0xFFFFF086  }
0x25: {  	[simem:s6], [sflag:s4] =	dma.local [hbm:s3], $0xF7A  }
0x26: {  	[smem:$0x3F99] =	sst s1;
	(tag) =	ssettag s2;
	_ =	strace s9  }
0x27: {  	s1 =	sld [smem:$0x3FA9]  }
0x28: {  	s2 =	sld [smem:$0x3FAA]  }
0x29: {  	s4 =	sld [smem:$0x3FAC]  }
0x2a: {  	p0 =	seq.s32 s5, $0x0;
	s5 =	sld [smem:$0x3FAD]  }
0x2b: {  	s6 =	sld [smem:$0x3FAE]  }
0x2c: {  	s7 =	sld [smem:$0x3FAF]  }
0x2d: {  	s3 =	simm.s32 $0x108;
	s8 =	sld [smem:$0x3FB0]  }
0x2e: {  	s3 =	simm.s32 @!p0 $0x1082;
	s9 =	sld [smem:$0x3FB1]  }
0x2f: {  	lr =	sadd.s32 s0, s3;
	s0 =	sld [smem:$0x3FA8]  }
0x30: {  	s3 =	sld [smem:$0x3FAB]  }
0x31: {  	[smem:$0x3FB4] =	sst s10  }
0x32: {  	s10 =	sld [smem:$0x3FB2];
	_ =	sdelay $0x3  }
0x33: {  	p0 =	seq.s32 s10, $0x1;
	s10 =	sld [smem:$0x3FB4];
	_ =	sdelay $0x3  }
0x34: {  	[smem:$0x3FB4] =	sst s10  }
0x35: {  	s10 =	sld [smem:$0x3FB3];
	_ =	sdelay $0x3  }
0x36: {  	p1 =	seq.s32 s10, $0x1;
	s10 =	sld [smem:$0x3FB4];
	_ =	sdelay $0x3  }
0x37: {  	[smem:$0x3FB4] =	sst s10  }
0x38: {  	s10 =	sld [smem:$0x3FB5]  }
0x39: {  	_ = 	snop;
	(pc) =	sbr.ind lr, $3  }
0x3a: {  	_ = 	snop  }
0x3b: {  	_ = 	snop  }
0x3c: {  	p2 =	seq.s32 s10, $0x1;
	s10 =	sld [smem:$0x3FB4]  }
0x3d: {  	_ =	shalt  }
0x3e: {  	_ =	shalt  }
0x3f: {  	_ =	shalt  }
0x40: {  	_ =	shalt  }
0x41: {  	_ =	shalt  }
0x42: {  	_ =	shalt  }
0x43: {  	_ =	shalt  }
0x44: {  	_ =	shalt  }
0x45: {  	_ =	shalt  }
0x46: {  	_ =	shalt  }
0x47: {  	_ =	shalt  }
0x48: {  	_ =	shalt  }
0x49: {  	_ =	shalt  }
0x4a: {  	_ =	shalt  }
0x4b: {  	_ =	shalt  }
0x4c: {  	_ =	shalt  }
0x4d: {  	_ =	shalt  }
0x4e: {  	_ =	shalt  }
0x4f: {  	_ =	shalt  }
0x50: {  	_ =	shalt  }
0x51: {  	_ =	shalt  }
0x52: {  	_ =	shalt  }
0x53: {  	_ =	shalt  }
0x54: {  	_ =	shalt  }
0x55: {  	_ =	shalt  }
0x56: {  	_ =	shalt  }
0x57: {  	_ =	shalt  }
0x58: {  	_ =	shalt  }
0x59: {  	_ =	shalt  }
0x5a: {  	_ =	shalt  }
0x5b: {  	_ =	shalt  }
0x5c: {  	_ =	shalt  }
0x5d: {  	_ =	shalt  }
0x5e: {  	_ =	shalt  }
0x5f: {  	_ =	shalt  }
0x60: {  	_ =	shalt  }
0x61: {  	_ =	shalt  }
0x62: {  	_ =	shalt  }
0x63: {  	_ =	shalt  }
0x64: {  	_ =	shalt  }
0x65: {  	_ =	shalt  }
0x66: {  	_ =	shalt  }
0x67: {  	_ =	shalt  }
0x68: {  	_ =	shalt  }
0x69: {  	_ =	shalt  }
0x6a: {  	_ =	shalt  }
0x6b: {  	_ =	shalt  }
0x6c: {  	_ =	shalt  }
0x6d: {  	_ =	shalt  }
0x6e: {  	_ =	shalt  }
0x6f: {  	_ =	shalt  }
0x70: {  	_ =	shalt  }
0x71: {  	_ =	shalt  }
0x72: {  	_ =	shalt  }
0x73: {  	_ =	shalt  }
0x74: {  	_ =	shalt  }
0x75: {  	_ =	shalt  }
0x76: {  	_ =	shalt  }
0x77: {  	_ =	shalt  }
0x78: {  	_ =	shalt  }
0x79: {  	_ =	shalt  }
0x7a: {  	_ =	shalt  }
0x7b: {  	_ =	shalt  }
0x7c: {  	_ =	shalt  }
0x7d: {  	_ =	shalt  }
0x7e: {  	_ =	shalt  }
0x7f: {  	_ =	shalt  }
0x80: {  	_ =	shalt  }
0x81: {  	_ =	shalt  }
0x82: {  	_ =	shalt  }
0x83: {  	_ =	shalt  }
0x84: {  	_ =	shalt  }
0x85: {  	_ =	shalt  }
0x86: {  	_ =	shalt  }
0x87: {  	_ =	shalt  }
.Lfunc_end0:
.L_simem_size_0:
called_computation_lowered:
.L_overlay_start_0:
0x88: {  	s2 =	sld [smem:$0x3FD9]  }
0x89: {  	s3 =	sld [smem:$0x3FFE];
	_ =	sdelay $0x1  }
0x8a: {  	s1 =	srdreg.scid  }
0x8b: {  	s0 =	sand.u32 $0x1, s1  }
0x8c: {  	s17 =	sshll.u32 s0, $0xA;
	s2 =	sadd.s32 s3, s2  }
0x8d: {  	s2 =	sadd.s32 s2, s17  }
0x8e: {  	[smem:$0x3FC0] =	sst s2  }
0x8f: {  	_ = 	snop  }
0x90: {  	s2 =	sld [smem:$0x3FC8]  }
0x91: {  	s18 =	sld [smem:$0x3FD0];
	(tm) =	ssettm $0x1  }
0x92: {  	s4 =	sld [smem:$0x3FFB];
	_ =	sdelay $0x3  }
0x93: {  	_ =	strace s4  }
0x94: {  	s4 =	sld [smem:$0x3FFC];
	_ =	sdelay $0x3  }
0x95: {  	_ =	strace s4  }
0x96: {  	s4 =	sld [smem:$0x3FFD];
	_ =	sdelay $0x3  }
0x97: {  	_ =	strace s4  }
0x98: {  	_ =	strace $0x8FFFFFFF  }
0x99: {  	s19 =	sld [smem:$0x3FDB];
	_ =	sdelay $0x1  }
0x9a: {  	s5 =	simm.s32 $_scs_section_size  }
0x9b: {  	s6 =	simm.s32 $_size__tile_overlayer_lowered;
	s7 =	simm.s32 $_tile_overlayer_lowered  }
0x9c: {  	s22 =	simm.s32 $0x1BFF;
	s21 =	sshll.u32 s7, $0x1;
	s4 =	sadd.s32 s5, s19  }
0x9d: {  	s8 =	simm.s32 $0x0;
	s20 =	sshll.u32 s6, $0x1;
	s6 =	sadd.s32 s21, s4  }
0x9e: {  	[timem:s8], [sflag:s22] =	dma.local [hbm:s6], s20  }
0x9f: {  	_ =	swait.ge [sflag:s22], s20  }
0xa0: {  	s5 =	ssub.s32 $0x0, s20;
	[sflag:s22] =	ssyncset.done $0x0  }
0xa1: {  	[sflag:s22] =	ssyncadd.s32 s5;
	_ =	sdelay $0x1  }
0xa2: {  	s23 =	simm.s32 $0x1B8B  }
0xa3: {  	_ =	swait.ge [sflag:s23], $0x1  }
0xa4: {  	[sflag:s23] =	ssyncset.done $0x0  }
0xa5: {  	s25 =	simm.s32 $0x1B8E;
	s24 =	sld [smem:$0x3FFE];
	[sflag:s23] =	ssyncadd.s32 $0xFFFFFFFF  }
0xa6: {  	s26 =	simm.s32 $execute0_lowered;
	[smem:$0x3FD2] =	sst s25  }
0xa7: {  	s6 =	sshll.u32 s26, $0x1;
	_ =	strace $0x80000046;
	[dreg:$0x1] =	wrdreg $0xFFFFFFFF  }
0xa8: {  	s28 =	simm.s32 $_size_execute0_lowered;
	s4 =	sadd.s32 s4, s6;
	[dreg:$0x0] =	wrdreg $0x0  }
0xa9: {  	s6 =	sshll.u32 s28, $0x1;
	[dreg:$0x2] =	wrdreg s4  }
0xaa: {  	[dreg:$0x3] =	wrdreg s6  }
0xab: {  	[dreg:$0x4] =	wrdreg $0xC0  }
0xac: {  	_ =	task [dreg:s8], $0x5FFFF  }
0xad: {  	[dreg:$0x1] =	wrdreg $0xFFFFFFFF  }
0xae: {  	[dreg:$0x0] =	wrdreg $0x60  }
0xaf: {  	[dreg:$0x2] =	wrdreg s2  }
0xb0: {  	[dreg:$0x3] =	wrdreg s18  }
0xb1: {  	[dreg:$0x4] =	wrdreg s24  }
0xb2: {  	[dreg:$0x5] =	wrdreg $0x9  }
0xb3: {  	_ =	task.clear_ibuf [dreg:s8], $0x6FFFF;
	_ =	strace $0x90000046  }
0xb4: {  	s29 =	simm.s32 $0x9;
	_ =	strace $0x80000048  }
0xb5: {  	_ =	swait.ge [sflag:s29], $0x1  }
0xb6: {  	[sflag:s29] =	ssyncadd.s32 $0xFFFFFFFF  }
0xb7: {  	_ =	strace $0x90000048  }
0xb8: {  	_ =	sfence  }
0xb9: {  	s30 =	sld [smem:$0x0];
	_ =	sdelay $0x2  }
0xba: {  	s31 =	sshll.u32 s1, $0xD;
	s1 =	sshrl.u32 s1, $0x2  }
0xbb: {  	s3 =	sand.u32 $0x4000, s31;
	s1 =	sadd.s32 s1, s30  }
0xbc: {  	s0 =	sor.u32 s3, s0;
	s1 =	sshll.u32 s1, $0x11  }
0xbd: {  	s0 =	sor.u32 s1, s0  }
0xbe: {  	s0 =	sadd.s32 $0x8F2B, s0  }
0xbf: {  	[sflag:s0] =	ssyncadd.remote.s32 $0x1  }
0xc0: {  	_ =	sfence.sel $0xFFFF  }
0xc1: {  	[dreg:$0x0] =	wrdreg $0xFFFFFFFF;
	(pc) =	sbr.abs _section_cstart, $3  }
0xc2: {  	[dreg:$0x1] =	wrdreg $0xFFFFFFFF  }
0xc3: {  	_ =	task.clear_ibuf [dreg:s8], $0x2FFFF;
	_ =	strace $0x9FFFFFFF  }
0xc4: {  	(tm) =	ssettm $0x7FFFFFFF  }
0xc5: {  	_ =	shalt  }
tec
execute0_lowered:
.L_overlay_start_1:
0x0: {  	(tag) =	ssettag $0x1  }
0x1: {  	s6 =	rddreg [dreg:$0x0];
	v0 =	vlaneseq.u32  }
0x2: {  	s2 =	srdreg.scid;
	s0 =	stileid.u32;
	v1 =	vmul.u32 $0x22, v0  }
0x3: {  	s8 =	rddreg [dreg:$0x2];
	s3 =	simm.s32 $0x0;
	s10 =	simm.s32 $0x1000;
	v17 =	vadd.s32 $0x22, v0;
	v18 =	vadd.s32 $0x44, v0;
	v19 =	vadd.s32 $0x66, v0  }
0x4: {  	s11 =	simm.s32 $0x7A1400;
	s12 =	simm.s32 $0xD000;
	s14 =	simm.s32 $0x3;
	v20 =	vadd.s32 $0x88, v0;
	v21 =	vadd.s32 $0xAA, v0;
	v22 =	vadd.s32 $0xCC, v0  }
0x5: {  	s15 =	simm.s32 $0x5;
	s16 =	simm.s32 $0x9000;
	s17 =	simm.s32 $0x8000;
	v23 =	vadd.s32 $0xEE, v0;
	v24 =	vor.u32 $0x110, v0;
	v25 =	vadd.s32 $0x132, v0  }
0x6: {  	s18 =	simm.s32 $0x0;
	s4 =	sand.u32 $0x1, s2;
	s5 =	sshll.u32 s0, $0x1;
	v26 =	vadd.s32 $0x154, v0;
	v27 =	vadd.s32 $0x176, v0;
	v28 =	vadd.s32 $0x198, v0  }
0x7: {  	[smem:$0x7FF] =	sst s3;
	v29 =	vadd.s32 $0x1BA, v0;
	v30 =	vadd.s32 $0x1DC, v0;
	v31 =	vadd.s32 $0x1FE, v0;
	s13 =	sor.u32 s4, s5;
	s4 =	ssub.s32 $0x2, s4  }
.Ltmp0:
0x8: {  	_ =	strace $0x80000047;
	v2 =	vor.u32 $0x1, v1;
	v3 =	vadd.s32 $0x2, v1;
	v4 =	vadd.s32 $0x3, v1;
	s5 =	sshll.u32 s13, $0xA;
	(pc) =	sbr.rel .LBB2_1-.Ltmp0, $4  }
0x9: {  	v5 =	vadd.s32 $0x4, v1;
	v6 =	vadd.s32 $0x5, v1;
	v7 =	vadd.s32 $0x6, v1;
	s7 =	sshrl.u32 s4, $0x1;
	s31 =	sshll.u32 s13, $0x9;
	p0 =	sne.s32 s13, $0x10  }
0xa: {  	v8 =	vadd.s32 $0x7, v1;
	v9 =	vadd.s32 $0x8, v1;
	v10 =	vadd.s32 $0x9, v1;
	s5 =	sadd.s32 s5, s8;
	s9 =	ssub.s32 s4, s7;
	s7 =	sadd.s32 $0x1E9600, s8  }
0xb: {  	v11 =	vadd.s32 $0xA, v1;
	v12 =	vadd.s32 $0xB, v1;
	v13 =	vadd.s32 $0xC, v1;
	s13 =	simm.s32 $0x4;
	s8 =	sadd.s32 $0x1E9980, s8;
	s4 =	sadd.s32 $0x1600, s5  }
0xc: {  	v14 =	vadd.s32 $0xD, v1;
	v15 =	vadd.s32 $0xE, v1;
	v16 =	vadd.s32 $0xF, v1;
	s5 =	sadd.s32 s6, s31;
	s6 =	sadd.s32 $0xF4000, s6;
	s9 =	smax.u32 s9, $0x1  }
.LBB2_11:
0xd: {  	s18 =	sadd.s32 $0x1, s18  }
0xe: {  	p1 =	sne.s32 s18, s9  }
.Ltmp1:
0xf: {  	_ = 	snop;
	(pc) =	sbr.rel @!p1 .LBB2_12-.Ltmp1, $1  }
0x10: {  	_ =	sdelay $0x3  }
.LBB2_1:
0x11: {  	[tilespmem:s3], [sflag:$0x1] =	stream.strided.gather [hbm4b:s5+s10], $0x4000, s11, s10, $0x38;
	[tilespmem:$0xD280] =	vst v63  }
0x12: {  	p1 =	por $0x0, $0x0;
	s22 =	simm.s32 $0x0  }
.LBB2_2:
0x13: {  	s26 =	sand.u32 $0x1, s22;
	s19 =	sadd.s32 $0x1, s22;
	p2 =	seq.s32 s22, $0x3C  }
0x14: {  	s20 =	sadd.s32 $0x1, s26;
	s21 =	sand.u32 @!p2 $0x1, s19;
	s23 =	sshll.u32 @!p2 s19, $0xE  }
0x15: {  	s24 =	simm.s32 @!p2 $0x1000;
	s25 =	simm.s32 @!p2 $0x7A1400;
	_ =	swait.ge [sflag:s20], $0x4000  }
0x16: {  	p3 =	slt.u32 @!p2 s22, $0x2;
	s23 =	sadd.s32 @!p2 s23, s5;
	[sflag:s20] =	ssyncset.done $0x0  }
0x17: {  	[sflag:s20] =	ssyncadd.s32 $0xFFFFC000;
	s20 =	sadd.s32 @!p2 $0x1, s21;
	s21 =	sshll.u32 @!p2 s21, $0xE  }
0x18: {  	[tilespmem:s21], [sflag:s20] =	stream.strided.gather @!p2 [hbm4b:s23+s24], $0x4000, s25, s24, $0x38;
	[tilespmem:$0xD280] =	vst v63  }
0x19: {  	s29 =	simm.s32 $0x0;
	p2 =	por p2, !p3;
	s20 =	sadd.s32 $0x3, s26  }
0x1a: {  	s30 =	simm.s32 $0x0;
	s21 =	simm.s32 $0x1;
	_ =	swait.ge @p2 [sflag:s20], $0x2000  }
0x1b: {  	s22 =	sshll.u32 s22, $0xF;
	s21 =	simm.s32 @!p1 $0x0;
	[sflag:s20] =	ssyncset.done @p2 $0x0  }
0x1c: {  	s31 =	sshll.u32 s21, $0xD;
	s21 =	sshll.u32 s26, $0xE;
	s26 =	sshll.u32 s26, $0xD  }
0x1d: {  	[sflag:s20] =	ssyncadd.s32 @p2 $0xFFFFE000;
	s23 =	sor.u32 $0x9080, s31;
	s24 =	sor.u32 $0x2000, s21  }
0x1e: {  	s25 =	sor.u32 $0x1000, s21;
	s28 =	sor.u32 $0x3000, s21;
	s26 =	sor.u32 $0x9000, s26  }
.LBB2_3:
0x1f: {  	s31 =	sand.u32 $0xC00, s29  }
0x20: {  	s2 =	sand.u32 $0x70, s30;
	s0 =	sadd.s32 s31, s21  }
0x21: {  	s1 =	sadd.s32 s31, s24;
	s0 =	sadd.s32 s2, s0  }
0x22: {  	s1 =	sadd.s32 s2, s1;
	v32 =	vld [tilespmem:s0+$0x0]  }
0x23: {  	v33 =	vld [tilespmem:s1+$0x0]  }
0x24: {  	v34 =	vld [tilespmem:s0+$0x80]  }
0x25: {  	v35 =	vld [tilespmem:s0+$0x2080]  }
0x26: {  	v36 =	vld [tilespmem:s0+$0x100]  }
0x27: {  	v37 =	vld [tilespmem:s0+$0x2100]  }
0x28: {  	v38 =	vld [tilespmem:s0+$0x180]  }
0x29: {  	v39 =	vld [tilespmem:s0+$0x2180]  }
0x2a: {  	v40 =	vld [tilespmem:s0+$0x200]  }
0x2b: {  	v41 =	vld [tilespmem:s0+$0x2200]  }
0x2c: {  	v42 =	vld [tilespmem:s0+$0x280]  }
0x2d: {  	v43 =	vld [tilespmem:s0+$0x2280]  }
0x2e: {  	v44 =	vld [tilespmem:s0+$0x300]  }
0x2f: {  	v45 =	vld [tilespmem:s0+$0x2300]  }
0x30: {  	v46 =	vld [tilespmem:s0+$0x380];
	v32 =	vpack.i.f32.bf16 v33, v32  }
0x31: {  	v55 =	vld [tilespmem:s0+$0x2380];
	v34 =	vpack.i.f32.bf16 v35, v34;
	[tilespmem:v1+s12+$0x0] =	vst.idx.msk $0xffff, v32  }
0x32: {  	v56 =	vpack.i.f32.bf16 v37, v36;
	[tilespmem:v2+s12+$0x0] =	vst.idx.msk $0xffff, v34  }
0x33: {  	s1 =	sadd.s32 s31, s25;
	v57 =	vpack.i.f32.bf16 v39, v38;
	[tilespmem:v3+s12+$0x0] =	vst.idx.msk $0xffff, v56  }
0x34: {  	s31 =	sadd.s32 s31, s28;
	s1 =	sadd.s32 s2, s1;
	[tilespmem:v4+s12+$0x0] =	vst.idx.msk $0xffff, v57  }
0x35: {  	s31 =	sadd.s32 s2, s31;
	v32 =	vld [tilespmem:s1+$0x0]  }
0x36: {  	v34 =	vld [tilespmem:s31+$0x0]  }
0x37: {  	v58 =	vld [tilespmem:s0+$0x1080]  }
0x38: {  	v59 =	vld [tilespmem:s0+$0x3080]  }
0x39: {  	v60 =	vld [tilespmem:s0+$0x1100]  }
0x3a: {  	v61 =	vld [tilespmem:s0+$0x3100]  }
0x3b: {  	v40 =	vpack.i.f32.bf16 v41, v40;
	v62 =	vld [tilespmem:s0+$0x1180]  }
0x3c: {  	v42 =	vpack.i.f32.bf16 v43, v42;
	v63 =	vld [tilespmem:s0+$0x3180];
	[tilespmem:v5+s12+$0x0] =	vst.idx.msk $0xffff, v40  }
0x3d: {  	v47 =	vpack.i.f32.bf16 v45, v44;
	[tilespmem:v6+s12+$0x0] =	vst.idx.msk $0xffff, v42  }
0x3e: {  	v33 =	vpack.i.f32.bf16 v55, v46;
	[tilespmem:v7+s12+$0x0] =	vst.idx.msk $0xffff, v47  }
0x3f: {  	[tilespmem:v8+s12+$0x0] =	vst.idx.msk $0xffff, v33  }
0x40: {  	v33 =	vld [tilespmem:s0+$0x1200]  }
0x41: {  	v40 =	vld [tilespmem:s0+$0x3200]  }
0x42: {  	v42 =	vld [tilespmem:s0+$0x1280]  }
0x43: {  	v48 =	vld [tilespmem:s0+$0x3280]  }
0x44: {  	v49 =	vld [tilespmem:s0+$0x1300]  }
0x45: {  	v50 =	vld [tilespmem:s0+$0x3300]  }
0x46: {  	v51 =	vld [tilespmem:s0+$0x1380];
	v32 =	vpack.i.f32.bf16 v34, v32  }
0x47: {  	v52 =	vld [tilespmem:s0+$0x3380];
	v35 =	vpack.i.f32.bf16 v59, v58;
	[tilespmem:v9+s12+$0x0] =	vst.idx.msk $0xffff, v32  }
0x48: {  	v53 =	vpack.i.f32.bf16 v61, v60;
	[tilespmem:v10+s12+$0x0] =	vst.idx.msk $0xffff, v35  }
0x49: {  	v54 =	vpack.i.f32.bf16 v63, v62;
	[tilespmem:v11+s12+$0x0] =	vst.idx.msk $0xffff, v53  }
0x4a: {  	v55 =	vpack.i.f32.bf16 v40, v33;
	[tilespmem:v12+s12+$0x0] =	vst.idx.msk $0xffff, v54  }
0x4b: {  	v56 =	vpack.i.f32.bf16 v48, v42;
	[tilespmem:v13+s12+$0x0] =	vst.idx.msk $0xffff, v55  }
0x4c: {  	v57 =	vpack.i.f32.bf16 v50, v49;
	[tilespmem:v14+s12+$0x0] =	vst.idx.msk $0xffff, v56  }
0x4d: {  	v58 =	vpack.i.f32.bf16 v52, v51;
	[tilespmem:v15+s12+$0x0] =	vst.idx.msk $0xffff, v57  }
0x4e: {  	[tilespmem:v16+s12+$0x0] =	vst.idx.msk $0xffff, v58  }
0x4f: {  	v32 =	vld.idx.msk [tilespmem:v0+s12+$0x0], $0xffff  }
0x50: {  	v33 =	vld.idx.msk [tilespmem:v17+s12+$0x0], $0xffff  }
0x51: {  	v59 =	vld.idx.msk [tilespmem:v18+s12+$0x0], $0xffff  }
0x52: {  	v35 =	vld.idx.msk [tilespmem:v19+s12+$0x0], $0xffff  }
0x53: {  	v60 =	vld.idx.msk [tilespmem:v20+s12+$0x0], $0xffff  }
0x54: {  	v61 =	vld.idx.msk [tilespmem:v21+s12+$0x0], $0xffff  }
0x55: {  	v62 =	vld.idx.msk [tilespmem:v22+s12+$0x0], $0xffff  }
0x56: {  	v63 =	vld.idx.msk [tilespmem:v23+s12+$0x0], $0xffff;
	[tilespmem:s23+$0xFFFFFF80] =	vst v32  }
0x57: {  	[tilespmem:s23+$0xFFFFFF90] =	vst v33  }
0x58: {  	[tilespmem:s23+$0xFFFFFFA0] =	vst v59  }
0x59: {  	[tilespmem:s23+$0xFFFFFFB0] =	vst v35  }
0x5a: {  	v32 =	vld.idx.msk [tilespmem:v24+s12+$0x0], $0xffff  }
0x5b: {  	v33 =	vld.idx.msk [tilespmem:v25+s12+$0x0], $0xffff  }
0x5c: {  	v34 =	vld.idx.msk [tilespmem:v26+s12+$0x0], $0xffff  }
0x5d: {  	v35 =	vld.idx.msk [tilespmem:v27+s12+$0x0], $0xffff;
	[tilespmem:s23+$0xFFFFFFC0] =	vst v60  }
0x5e: {  	[tilespmem:s23+$0xFFFFFFD0] =	vst v61  }
0x5f: {  	[tilespmem:s23+$0xFFFFFFE0] =	vst v62  }
0x60: {  	[tilespmem:s23+$0xFFFFFFF0] =	vst v63  }
0x61: {  	v36 =	vld.idx.msk [tilespmem:v28+s12+$0x0], $0xffff  }
0x62: {  	v37 =	vld.idx.msk [tilespmem:v29+s12+$0x0], $0xffff  }
0x63: {  	v38 =	vld.idx.msk [tilespmem:v30+s12+$0x0], $0xffff  }
0x64: {  	v39 =	vld.idx.msk [tilespmem:v31+s12+$0x0], $0xffff;
	[tilespmem:s23+$0x0] =	vst v32  }
0x65: {  	[tilespmem:s23+$0x10] =	vst v33  }
0x66: {  	p2 =	sne.s32 s30, $0x1F0;
	[tilespmem:s23+$0x20] =	vst v34  }
.Ltmp2:
0x67: {  	[tilespmem:s23+$0x30] =	vst v35;
	(pc) =	sbr.rel @p2 .LBB2_3-.Ltmp2, $4  }
0x68: {  	[tilespmem:s23+$0x40] =	vst v36  }
0x69: {  	[tilespmem:s23+$0x50] =	vst v37  }
0x6a: {  	[tilespmem:s23+$0x60] =	vst v38  }
0x6b: {  	s29 =	sadd.s32 $0x80, s29;
	s30 =	sadd.s32 $0x10, s30;
	[tilespmem:s23+$0x70] =	vst v39;
	s23 =	sadd.s32 $0x100, s23  }
0x6c: {  	p2 =	sne.s32 s19, $0x3D  }
.Ltmp3:
0x6d: {  	_ = 	snop;
	(pc) =	sbr.rel @p2 .LBB2_2-.Ltmp3, $3  }
0x6e: {  	_ =	sdelay $0x1  }
0x6f: {  	s0 =	sadd.s32 s22, s4;
	p1 =	por !p1, !p1;
	s22 =	smov.u32 s19  }
0x70: {  	[hbm4b:s0+s3] =	stream.linear.scatter [tilespmem:s26], [sflag:s20], $0x2000, $0x38;
	[tilespmem:$0xD280] =	vst v63  }
0x71: {  	_ =	swait.ge [sflag:s13], $0x2000  }
.Ltmp4:
0x72: {  	[sflag:s13] =	ssyncset.done $0x0;
	(pc) =	sbr.rel @p0 .LBB2_11-.Ltmp4, $4  }
0x73: {  	[sflag:s13] =	ssyncadd.s32 $0xFFFFE000  }
0x74: {  	_ =	swait.ge [sflag:s14], $0x2000  }
0x75: {  	[sflag:s14] =	ssyncset.done $0x0  }
0x76: {  	[sflag:s14] =	ssyncadd.s32 $0xFFFFE000  }
0x77: {  	s19 =	simm.s32 $0x0  }
0x78: {  	[tilespmem:s19], [sflag:$0x5] =	stream.strided.gather [hbm4b:s6+s10], $0x4000, s11, s10, $0x38;
	[tilespmem:$0xD280] =	vst v63  }
0x79: {  	_ =	swait.ge [sflag:s15], $0x4000  }
0x7a: {  	[sflag:s15] =	ssyncset.done $0x0  }
0x7b: {  	s20 =	simm.s32 $0x9080;
	s21 =	simm.s32 $0x0;
	[sflag:s15] =	ssyncadd.s32 $0xFFFFC000  }
.LBB2_7:
0x7c: {  	s0 =	sand.u32 $0x70, s21;
	s1 =	sand.u32 $0xC00, s19  }
0x7d: {  	s0 =	sor.u32 s0, s1  }
0x7e: {  	v32 =	vld [tilespmem:s0+$0x0]  }
0x7f: {  	v33 =	vld [tilespmem:s0+$0x2000]  }
0x80: {  	v34 =	vld [tilespmem:s0+$0x80]  }
0x81: {  	v35 =	vld [tilespmem:s0+$0x2080]  }
0x82: {  	v36 =	vld [tilespmem:s0+$0x100]  }
0x83: {  	v37 =	vld [tilespmem:s0+$0x2100]  }
0x84: {  	v38 =	vld [tilespmem:s0+$0x180]  }
0x85: {  	v39 =	vld [tilespmem:s0+$0x2180]  }
0x86: {  	v40 =	vld [tilespmem:s0+$0x200]  }
0x87: {  	v41 =	vld [tilespmem:s0+$0x2200]  }
0x88: {  	v42 =	vld [tilespmem:s0+$0x280]  }
0x89: {  	v43 =	vld [tilespmem:s0+$0x2280]  }
0x8a: {  	s31 =	sor.u32 s19, s21;
	v44 =	vld [tilespmem:s0+$0x300]  }
0x8b: {  	s1 =	sor.u32 $0x380, s31;
	v45 =	vld [tilespmem:s0+$0x2300]  }
0x8c: {  	v46 =	vld [tilespmem:s1+$0x0];
	v32 =	vpack.i.f32.bf16 v33, v32  }
0x8d: {  	v55 =	vld [tilespmem:s0+$0x2380];
	v34 =	vpack.i.f32.bf16 v35, v34;
	[tilespmem:v1+s12+$0x0] =	vst.idx.msk $0xffff, v32  }
0x8e: {  	v56 =	vpack.i.f32.bf16 v37, v36;
	[tilespmem:v2+s12+$0x0] =	vst.idx.msk $0xffff, v34  }
0x8f: {  	v57 =	vpack.i.f32.bf16 v39, v38;
	[tilespmem:v3+s12+$0x0] =	vst.idx.msk $0xffff, v56  }
0x90: {  	[tilespmem:v4+s12+$0x0] =	vst.idx.msk $0xffff, v57  }
0x91: {  	v32 =	vld [tilespmem:s0+$0x1000]  }
0x92: {  	v34 =	vld [tilespmem:s0+$0x3000]  }
0x93: {  	v58 =	vld [tilespmem:s0+$0x1080]  }
0x94: {  	v59 =	vld [tilespmem:s0+$0x3080]  }
0x95: {  	v60 =	vld [tilespmem:s0+$0x1100]  }
0x96: {  	v61 =	vld [tilespmem:s0+$0x3100]  }
0x97: {  	v40 =	vpack.i.f32.bf16 v41, v40;
	v62 =	vld [tilespmem:s0+$0x1180]  }
0x98: {  	v42 =	vpack.i.f32.bf16 v43, v42;
	v63 =	vld [tilespmem:s0+$0x3180];
	[tilespmem:v5+s12+$0x0] =	vst.idx.msk $0xffff, v40  }
0x99: {  	v47 =	vpack.i.f32.bf16 v45, v44;
	[tilespmem:v6+s12+$0x0] =	vst.idx.msk $0xffff, v42  }
0x9a: {  	v33 =	vpack.i.f32.bf16 v55, v46;
	[tilespmem:v7+s12+$0x0] =	vst.idx.msk $0xffff, v47  }
0x9b: {  	[tilespmem:v8+s12+$0x0] =	vst.idx.msk $0xffff, v33  }
0x9c: {  	v33 =	vld [tilespmem:s0+$0x1200]  }
0x9d: {  	v40 =	vld [tilespmem:s0+$0x3200]  }
0x9e: {  	v42 =	vld [tilespmem:s0+$0x1280]  }
0x9f: {  	v48 =	vld [tilespmem:s0+$0x3280]  }
0xa0: {  	v49 =	vld [tilespmem:s0+$0x1300]  }
0xa1: {  	v50 =	vld [tilespmem:s0+$0x3300]  }
0xa2: {  	v51 =	vld [tilespmem:s0+$0x1380];
	v32 =	vpack.i.f32.bf16 v34, v32  }
0xa3: {  	v52 =	vld [tilespmem:s0+$0x3380];
	v35 =	vpack.i.f32.bf16 v59, v58;
	[tilespmem:v9+s12+$0x0] =	vst.idx.msk $0xffff, v32  }
0xa4: {  	v53 =	vpack.i.f32.bf16 v61, v60;
	[tilespmem:v10+s12+$0x0] =	vst.idx.msk $0xffff, v35  }
0xa5: {  	v54 =	vpack.i.f32.bf16 v63, v62;
	[tilespmem:v11+s12+$0x0] =	vst.idx.msk $0xffff, v53  }
0xa6: {  	v55 =	vpack.i.f32.bf16 v40, v33;
	[tilespmem:v12+s12+$0x0] =	vst.idx.msk $0xffff, v54  }
0xa7: {  	v56 =	vpack.i.f32.bf16 v48, v42;
	[tilespmem:v13+s12+$0x0] =	vst.idx.msk $0xffff, v55  }
0xa8: {  	v57 =	vpack.i.f32.bf16 v50, v49;
	[tilespmem:v14+s12+$0x0] =	vst.idx.msk $0xffff, v56  }
0xa9: {  	v58 =	vpack.i.f32.bf16 v52, v51;
	[tilespmem:v15+s12+$0x0] =	vst.idx.msk $0xffff, v57  }
0xaa: {  	[tilespmem:v16+s12+$0x0] =	vst.idx.msk $0xffff, v58  }
0xab: {  	v32 =	vld.idx.msk [tilespmem:v0+s12+$0x0], $0xffff  }
0xac: {  	v33 =	vld.idx.msk [tilespmem:v17+s12+$0x0], $0xffff  }
0xad: {  	v59 =	vld.idx.msk [tilespmem:v18+s12+$0x0], $0xffff  }
0xae: {  	v35 =	vld.idx.msk [tilespmem:v19+s12+$0x0], $0xffff  }
0xaf: {  	v60 =	vld.idx.msk [tilespmem:v20+s12+$0x0], $0xffff  }
0xb0: {  	v61 =	vld.idx.msk [tilespmem:v21+s12+$0x0], $0xffff  }
0xb1: {  	v62 =	vld.idx.msk [tilespmem:v22+s12+$0x0], $0xffff  }
0xb2: {  	v63 =	vld.idx.msk [tilespmem:v23+s12+$0x0], $0xffff;
	[tilespmem:s20+$0xFFFFFF80] =	vst v32  }
0xb3: {  	[tilespmem:s20+$0xFFFFFF90] =	vst v33  }
0xb4: {  	[tilespmem:s20+$0xFFFFFFA0] =	vst v59  }
0xb5: {  	[tilespmem:s20+$0xFFFFFFB0] =	vst v35  }
0xb6: {  	v32 =	vld.idx.msk [tilespmem:v24+s12+$0x0], $0xffff  }
0xb7: {  	v33 =	vld.idx.msk [tilespmem:v25+s12+$0x0], $0xffff  }
0xb8: {  	v34 =	vld.idx.msk [tilespmem:v26+s12+$0x0], $0xffff  }
0xb9: {  	v35 =	vld.idx.msk [tilespmem:v27+s12+$0x0], $0xffff;
	[tilespmem:s20+$0xFFFFFFC0] =	vst v60  }
0xba: {  	[tilespmem:s20+$0xFFFFFFD0] =	vst v61  }
0xbb: {  	[tilespmem:s20+$0xFFFFFFE0] =	vst v62  }
0xbc: {  	[tilespmem:s20+$0xFFFFFFF0] =	vst v63  }
0xbd: {  	v36 =	vld.idx.msk [tilespmem:v28+s12+$0x0], $0xffff  }
0xbe: {  	v37 =	vld.idx.msk [tilespmem:v29+s12+$0x0], $0xffff  }
0xbf: {  	v38 =	vld.idx.msk [tilespmem:v30+s12+$0x0], $0xffff  }
0xc0: {  	v39 =	vld.idx.msk [tilespmem:v31+s12+$0x0], $0xffff;
	[tilespmem:s20+$0x0] =	vst v32  }
0xc1: {  	[tilespmem:s20+$0x10] =	vst v33  }
0xc2: {  	p1 =	sne.s32 s21, $0x1F0;
	[tilespmem:s20+$0x20] =	vst v34  }
.Ltmp5:
0xc3: {  	[tilespmem:s20+$0x30] =	vst v35;
	(pc) =	sbr.rel @p1 .LBB2_7-.Ltmp5, $4  }
0xc4: {  	[tilespmem:s20+$0x40] =	vst v36  }
0xc5: {  	[tilespmem:s20+$0x50] =	vst v37  }
0xc6: {  	[tilespmem:s20+$0x60] =	vst v38  }
0xc7: {  	s19 =	sadd.s32 $0x80, s19;
	s21 =	sadd.s32 $0x10, s21;
	[tilespmem:s20+$0x70] =	vst v39;
	s20 =	sadd.s32 $0x100, s20  }
0xc8: {  	s19 =	simm.s32 $0x0  }
0xc9: {  	[hbm4b:s7+s19] =	stream.linear.scatter [tilespmem:s16], [sflag:$0x5], $0x2000, $0x38;
	[tilespmem:$0xD280] =	vst v63  }
0xca: {  	_ =	swait.ge [sflag:s15], $0x2000  }
0xcb: {  	[sflag:s15] =	ssyncset.done $0x0  }
0xcc: {  	[sflag:s15] =	ssyncadd.s32 $0xFFFFE000  }
0xcd: {  	s0 =	rddreg [dreg:$0x1]  }
0xce: {  	[tilespmem:s17], [sflag:$0x5] =	stream.linear.gather [hbm4b:s0+s19], $0x1000, $0x38;
	[tilespmem:$0xD280] =	vst v63  }
0xcf: {  	_ =	swait.ge [sflag:s15], $0x1000  }
0xd0: {  	[sflag:s15] =	ssyncset.done $0x0  }
0xd1: {  	s20 =	simm.s32 $0x8800;
	[sflag:s15] =	ssyncadd.s32 $0xFFFFF000  }
.LBB2_9:
0xd2: {  	v32 =	vld [tilespmem:s20+$0xFFFFF800]  }
0xd3: {  	v33 =	vld [tilespmem:s20+$0x0]  }
0xd4: {  	v34 =	vld [tilespmem:s20+$0xFFFFF880]  }
0xd5: {  	v35 =	vld [tilespmem:s20+$0x80]  }
0xd6: {  	v36 =	vld [tilespmem:s20+$0xFFFFF900]  }
0xd7: {  	v37 =	vld [tilespmem:s20+$0x100]  }
0xd8: {  	v38 =	vld [tilespmem:s20+$0xFFFFF980]  }
0xd9: {  	v39 =	vld [tilespmem:s20+$0x180]  }
0xda: {  	v40 =	vld [tilespmem:s20+$0xFFFFFA00]  }
0xdb: {  	v41 =	vld [tilespmem:s20+$0x200]  }
0xdc: {  	v42 =	vld [tilespmem:s20+$0xFFFFFA80]  }
0xdd: {  	v43 =	vld [tilespmem:s20+$0x280]  }
0xde: {  	v44 =	vld [tilespmem:s20+$0xFFFFFB00]  }
0xdf: {  	v45 =	vld [tilespmem:s20+$0x300]  }
0xe0: {  	v46 =	vld [tilespmem:s20+$0xFFFFFB80];
	v32 =	vpack.i.f32.bf16 v33, v32  }
0xe1: {  	v55 =	vld [tilespmem:s20+$0x380];
	v34 =	vpack.i.f32.bf16 v35, v34;
	[tilespmem:v1+s12+$0x0] =	vst.idx.msk $0xffff, v32  }
0xe2: {  	v56 =	vpack.i.f32.bf16 v37, v36;
	[tilespmem:v2+s12+$0x0] =	vst.idx.msk $0xffff, v34  }
0xe3: {  	v57 =	vpack.i.f32.bf16 v39, v38;
	[tilespmem:v3+s12+$0x0] =	vst.idx.msk $0xffff, v56  }
0xe4: {  	[tilespmem:v4+s12+$0x0] =	vst.idx.msk $0xffff, v57  }
0xe5: {  	v32 =	vld [tilespmem:s20+$0xFFFFFC00]  }
0xe6: {  	v34 =	vld [tilespmem:s20+$0x400]  }
0xe7: {  	v58 =	vld [tilespmem:s20+$0xFFFFFC80]  }
0xe8: {  	v59 =	vld [tilespmem:s20+$0x480]  }
0xe9: {  	v60 =	vld [tilespmem:s20+$0xFFFFFD00]  }
0xea: {  	v61 =	vld [tilespmem:s20+$0x500]  }
0xeb: {  	v40 =	vpack.i.f32.bf16 v41, v40;
	v62 =	vld [tilespmem:s20+$0xFFFFFD80]  }
0xec: {  	v42 =	vpack.i.f32.bf16 v43, v42;
	v63 =	vld [tilespmem:s20+$0x580];
	[tilespmem:v5+s12+$0x0] =	vst.idx.msk $0xffff, v40  }
0xed: {  	v47 =	vpack.i.f32.bf16 v45, v44;
	[tilespmem:v6+s12+$0x0] =	vst.idx.msk $0xffff, v42  }
0xee: {  	v33 =	vpack.i.f32.bf16 v55, v46;
	[tilespmem:v7+s12+$0x0] =	vst.idx.msk $0xffff, v47  }
0xef: {  	[tilespmem:v8+s12+$0x0] =	vst.idx.msk $0xffff, v33  }
0xf0: {  	v33 =	vld [tilespmem:s20+$0xFFFFFE00]  }
0xf1: {  	v40 =	vld [tilespmem:s20+$0x600]  }
0xf2: {  	v42 =	vld [tilespmem:s20+$0xFFFFFE80]  }
0xf3: {  	v48 =	vld [tilespmem:s20+$0x680]  }
0xf4: {  	v49 =	vld [tilespmem:s20+$0xFFFFFF00]  }
0xf5: {  	v50 =	vld [tilespmem:s20+$0x700]  }
0xf6: {  	v51 =	vld [tilespmem:s20+$0xFFFFFF80];
	v32 =	vpack.i.f32.bf16 v34, v32  }
0xf7: {  	v52 =	vld [tilespmem:s20+$0x780];
	v35 =	vpack.i.f32.bf16 v59, v58;
	[tilespmem:v9+s12+$0x0] =	vst.idx.msk $0xffff, v32  }
0xf8: {  	v53 =	vpack.i.f32.bf16 v61, v60;
	[tilespmem:v10+s12+$0x0] =	vst.idx.msk $0xffff, v35  }
0xf9: {  	v54 =	vpack.i.f32.bf16 v63, v62;
	[tilespmem:v11+s12+$0x0] =	vst.idx.msk $0xffff, v53  }
0xfa: {  	v55 =	vpack.i.f32.bf16 v40, v33;
	[tilespmem:v12+s12+$0x0] =	vst.idx.msk $0xffff, v54  }
0xfb: {  	v56 =	vpack.i.f32.bf16 v48, v42;
	[tilespmem:v13+s12+$0x0] =	vst.idx.msk $0xffff, v55  }
0xfc: {  	v57 =	vpack.i.f32.bf16 v50, v49;
	[tilespmem:v14+s12+$0x0] =	vst.idx.msk $0xffff, v56  }
0xfd: {  	v58 =	vpack.i.f32.bf16 v52, v51;
	[tilespmem:v15+s12+$0x0] =	vst.idx.msk $0xffff, v57  }
0xfe: {  	[tilespmem:v16+s12+$0x0] =	vst.idx.msk $0xffff, v58  }
0xff: {  	v32 =	vld.idx.msk [tilespmem:v0+s12+$0x0], $0xffff  }
0x100: {  	v33 =	vld.idx.msk [tilespmem:v17+s12+$0x0], $0xffff  }
0x101: {  	v59 =	vld.idx.msk [tilespmem:v18+s12+$0x0], $0xffff  }
0x102: {  	v35 =	vld.idx.msk [tilespmem:v19+s12+$0x0], $0xffff  }
0x103: {  	v60 =	vld.idx.msk [tilespmem:v20+s12+$0x0], $0xffff  }
0x104: {  	v61 =	vld.idx.msk [tilespmem:v21+s12+$0x0], $0xffff  }
0x105: {  	s0 =	sshra.s32 s19, $0x2;
	v62 =	vld.idx.msk [tilespmem:v22+s12+$0x0], $0xffff  }
0x106: {  	v63 =	vld.idx.msk [tilespmem:v23+s12+$0x0], $0xffff;
	[tilespmem:s0+$0x9000] =	vst v32  }
0x107: {  	[tilespmem:s0+$0x9010] =	vst v33  }
0x108: {  	[tilespmem:s0+$0x9020] =	vst v59  }
0x109: {  	[tilespmem:s0+$0x9030] =	vst v35  }
0x10a: {  	v32 =	vld.idx.msk [tilespmem:v24+s12+$0x0], $0xffff  }
0x10b: {  	v33 =	vld.idx.msk [tilespmem:v25+s12+$0x0], $0xffff  }
0x10c: {  	v34 =	vld.idx.msk [tilespmem:v26+s12+$0x0], $0xffff  }
0x10d: {  	v35 =	vld.idx.msk [tilespmem:v27+s12+$0x0], $0xffff;
	[tilespmem:s0+$0x9040] =	vst v60  }
0x10e: {  	[tilespmem:s0+$0x9050] =	vst v61  }
0x10f: {  	[tilespmem:s0+$0x9060] =	vst v62  }
0x110: {  	[tilespmem:s0+$0x9070] =	vst v63  }
0x111: {  	v36 =	vld.idx.msk [tilespmem:v28+s12+$0x0], $0xffff  }
0x112: {  	v37 =	vld.idx.msk [tilespmem:v29+s12+$0x0], $0xffff  }
0x113: {  	v38 =	vld.idx.msk [tilespmem:v30+s12+$0x0], $0xffff  }
0x114: {  	v39 =	vld.idx.msk [tilespmem:v31+s12+$0x0], $0xffff;
	[tilespmem:s0+$0x9080] =	vst v32  }
0x115: {  	[tilespmem:s0+$0x9090] =	vst v33  }
0x116: {  	p1 =	sne.s32 s19, $0x1C00;
	[tilespmem:s0+$0x90A0] =	vst v34  }
.Ltmp6:
0x117: {  	[tilespmem:s0+$0x90B0] =	vst v35;
	(pc) =	sbr.rel @p1 .LBB2_9-.Ltmp6, $4  }
0x118: {  	[tilespmem:s0+$0x90C0] =	vst v36  }
0x119: {  	[tilespmem:s0+$0x90D0] =	vst v37  }
0x11a: {  	[tilespmem:s0+$0x90E0] =	vst v38  }
0x11b: {  	s19 =	sadd.s32 $0x400, s19;
	s20 =	sadd.s32 $0x10, s20;
	[tilespmem:s0+$0x90F0] =	vst v39  }
.Ltmp7:
0x11c: {  	(pc) =	sbr.rel .LBB2_11-.Ltmp7, $4  }
0x11d: {  	[hbm4b:s8+s3] =	stream.linear.scatter [tilespmem:s16], [sflag:$0x5], $0x800, $0x38;
	[tilespmem:$0xD280] =	vst v63  }
0x11e: {  	_ =	swait.ge [sflag:s15], $0x800  }
0x11f: {  	[sflag:s15] =	ssyncset.done $0x0  }
0x120: {  	[sflag:s15] =	ssyncadd.s32 $0xFFFFF800  }
.LBB2_12:
0x121: {  	_ =	sfence.sel $0x180000  }
0x122: {  	[bflag:$0x0] =	sbarrier.arrive $0xFFFF  }
0x123: {  	_ =	strace $0x90000047  }
0x124: {  	s0 =	stileid.u32;
	[bflag:$0x2] =	sbarrier.arrive $0xFFFF  }
0x125: {  	p0 =	sne.s32 s0, $0x0;
	s0 =	rddreg [dreg:$0x3]  }
0x126: {  	s0 =	sadd.s32 @!p0 $0x100000, s0  }
0x127: {  	[sflag:s0] =	ssyncadd.tile.s32 @!p0 $0x1;
	_ =	shalt  }
.Lfunc_end2:
_tile_overlayer_lowered:
.L_overlay_start_2:
0x128: {  	(tag) =	ssettag $0x2  }
0x129: {  	s0 =	rddreg [dreg:$0x0];
	s2 =	stileid.u32  }
0x12a: {  	s1 =	rddreg [dreg:$0x1];
	p0 =	sne.s32 s2, $0x0  }
0x12b: {  	s3 =	rddreg [dreg:$0x2];
	[bflag:$0x3] =	sbarrier.arrive $0xFFFF;
	s2 =	simm.s32 @!p0 $0x1C05  }
0x12c: {  	[timem:s3], [sflag:s2] =	dma.local @!p0 [hbm:s0], s1  }
0x12d: {  	s0 =	simm.s32 @!p0 $0x5  }
0x12e: {  	_ =	swait.ge @!p0 [sflag:s0], s1  }
0x12f: {  	s1 =	ssub.s32 @!p0 $0x0, s1;
	[sflag:s0] =	ssyncset.done @!p0 $0x0  }
0x130: {  	[sflag:s0] =	ssyncadd.s32 @!p0 s1  }
0x131: {  	[bflag:$0x3] =	sbarrier.arrive $0xFFFF  }
0x132: {  	_ =	shalt  }

// kernel: kernel.8.cloned.1.call-start
scs
__scs_entry_jumppad:
0x0: {  	(pc) =	sbr.rel $0x88, $3  }
0x1: {  	(tag) =	ssettag $0x0;
	lr =	simm.s32 $0x1  }
0x2: {  	[smem:$0x3F99] =	sst lr;
	_ =	strace $0xD0000000  }
0x3: {  	_ = 	snop  }
0x4: {  	_ = 	snop  }
0x5: {  	_ = 	snop  }
0x6: {  	_ = 	snop  }
0x7: {  	_ = 	snop  }
__scs_overlays_trampoline_lowered:
0x8: {  	[smem:$0x3FA8] =	sst s0  }
0x9: {  	[smem:$0x3FA9] =	sst s1  }
0xa: {  	[smem:$0x3FAA] =	sst s2  }
0xb: {  	[smem:$0x3FAB] =	sst s3  }
0xc: {  	[smem:$0x3FAC] =	sst s4  }
0xd: {  	[smem:$0x3FAD] =	sst s5  }
0xe: {  	[smem:$0x3FAE] =	sst s6  }
0xf: {  	[smem:$0x3FAF] =	sst s7  }
0x10: {  	[smem:$0x3FB0] =	sst s8  }
0x11: {  	[smem:$0x3FB1] =	sst s9;
	s0 =	simm.s32 @!p0 $0x0  }
0x12: {  	s1 =	sld [smem:$0x3F97];
	s0 =	simm.s32 @p0 $0x1  }
0x13: {  	[smem:$0x3FB2] =	sst s0;
	s0 =	simm.s32 @!p1 $0x0  }
0x14: {  	s2 =	sld [smem:$0x3F96];
	s0 =	simm.s32 @p1 $0x1  }
0x15: {  	[smem:$0x3FB3] =	sst s0;
	s0 =	simm.s32 @!p2 $0x0  }
0x16: {  	s3 =	sld [smem:$0x3FDB];
	s0 =	simm.s32 @p2 $0x1  }
0x17: {  	s4 =	simm.s32 $0x1BF5;
	[smem:$0x3FB5] =	sst s0  }
0x18: {  	s0 =	sld [smem:$0x3F98];
	_ =	swait.ge [sflag:s4], $0x0  }
0x19: {  	s7 =	sld [smem:$0x3F99]  }
0x1a: {  	s8 =	sadd.s32 $0xFFFFE003, lr  }
0x1b: {  	s9 =	sadd.s32 $0xFFFFFEF7, lr;
	s5 =	simm.s32 $0xFFFFFFFF;
	p2 =	slt.u32 s8, $0xFFFFF086  }
0x1c: {  	p1 =	slt.u32 s9, $0xF7A;
	s5 =	simm.s32 @!p2 $0x0  }
0x1d: {  	s5 =	simm.s32 @p1 $0x1;
	p0 =	seq.s32 s7, s2  }
0x1e: {  	s7 =	smul.u32 @!p0 $0xF7A, s2;
	p2 =	seq.s32 @!p0 s5, $0x0  }
0x1f: {  	s9 =	smul.u32 $0xF7A, s1;
	s8 =	simm.s32 @!p0 $0x1BF5;
	p2 =	por !p2, p0  }
0x20: {  	[sflag:s8] =	ssyncset.s32 @!p0 $0xFFFFF086;
	s6 =	sadd.s32 @!p0 s3, s7;
	s7 =	simm.s32 @!p0 $0x108  }
0x21: {  	s3 =	sadd.s32 s3, s9;
	s6 =	sadd.s32 @!p0 $0x88, s6;
	s7 =	simm.s32 @p2 $0x1082  }
0x22: {  	[simem:s7], [sflag:s8] =	dma.local @!p0 [hbm:s6], $0xF7A  }
0x23: {  	s9 =	sor.u32 $0xD0000000, s2;
	s6 =	simm.s32 $0x108;
	_ =	swait.ge @!p0 [sflag:s8], $0x0  }
0x24: {  	s3 =	sadd.s32 $0x88, s3;
	s6 =	simm.s32 @!p1 $0x1082;
	[sflag:s4] =	ssyncset.s32 $0xFFFFF086  }
0x25: {  	[simem:s6], [sflag:s4] =	dma.local [hbm:s3], $0xF7A  }
0x26: {  	[smem:$0x3F99] =	sst s1;
	(tag) =	ssettag s2;
	_ =	strace s9  }
0x27: {  	s1 =	sld [smem:$0x3FA9]  }
0x28: {  	s2 =	sld [smem:$0x3FAA]  }
0x29: {  	s4 =	sld [smem:$0x3FAC]  }
0x2a: {  	p0 =	seq.s32 s5, $0x0;
	s5 =	sld [smem:$0x3FAD]  }
0x2b: {  	s6 =	sld [smem:$0x3FAE]  }
0x2c: {  	s7 =	sld [smem:$0x3FAF]  }
0x2d: {  	s3 =	simm.s32 $0x108;
	s8 =	sld [smem:$0x3FB0]  }
0x2e: {  	s3 =	simm.s32 @!p0 $0x1082;
	s9 =	sld [smem:$0x3FB1]  }
0x2f: {  	lr =	sadd.s32 s0, s3;
	s0 =	sld [smem:$0x3FA8]  }
0x30: {  	s3 =	sld [smem:$0x3FAB]  }
0x31: {  	[smem:$0x3FB4] =	sst s10  }
0x32: {  	s10 =	sld [smem:$0x3FB2];
	_ =	sdelay $0x3  }
0x33: {  	p0 =	seq.s32 s10, $0x1;
	s10 =	sld [smem:$0x3FB4];
	_ =	sdelay $0x3  }
0x34: {  	[smem:$0x3FB4] =	sst s10  }
0x35: {  	s10 =	sld [smem:$0x3FB3];
	_ =	sdelay $0x3  }
0x36: {  	p1 =	seq.s32 s10, $0x1;
	s10 =	sld [smem:$0x3FB4];
	_ =	sdelay $0x3  }
0x37: {  	[smem:$0x3FB4] =	sst s10  }
0x38: {  	s10 =	sld [smem:$0x3FB5]  }
0x39: {  	_ = 	snop;
	(pc) =	sbr.ind lr, $3  }
0x3a: {  	_ = 	snop  }
0x3b: {  	_ = 	snop  }
0x3c: {  	p2 =	seq.s32 s10, $0x1;
	s10 =	sld [smem:$0x3FB4]  }
0x3d: {  	_ =	shalt  }
0x3e: {  	_ =	shalt  }
0x3f: {  	_ =	shalt  }
0x40: {  	_ =	shalt  }
0x41: {  	_ =	shalt  }
0x42: {  	_ =	shalt  }
0x43: {  	_ =	shalt  }
0x44: {  	_ =	shalt  }
0x45: {  	_ =	shalt  }
0x46: {  	_ =	shalt  }
0x47: {  	_ =	shalt  }
0x48: {  	_ =	shalt  }
0x49: {  	_ =	shalt  }
0x4a: {  	_ =	shalt  }
0x4b: {  	_ =	shalt  }
0x4c: {  	_ =	shalt  }
0x4d: {  	_ =	shalt  }
0x4e: {  	_ =	shalt  }
0x4f: {  	_ =	shalt  }
0x50: {  	_ =	shalt  }
0x51: {  	_ =	shalt  }
0x52: {  	_ =	shalt  }
0x53: {  	_ =	shalt  }
0x54: {  	_ =	shalt  }
0x55: {  	_ =	shalt  }
0x56: {  	_ =	shalt  }
0x57: {  	_ =	shalt  }
0x58: {  	_ =	shalt  }
0x59: {  	_ =	shalt  }
0x5a: {  	_ =	shalt  }
0x5b: {  	_ =	shalt  }
0x5c: {  	_ =	shalt  }
0x5d: {  	_ =	shalt  }
0x5e: {  	_ =	shalt  }
0x5f: {  	_ =	shalt  }
0x60: {  	_ =	shalt  }
0x61: {  	_ =	shalt  }
0x62: {  	_ =	shalt  }
0x63: {  	_ =	shalt  }
0x64: {  	_ =	shalt  }
0x65: {  	_ =	shalt  }
0x66: {  	_ =	shalt  }
0x67: {  	_ =	shalt  }
0x68: {  	_ =	shalt  }
0x69: {  	_ =	shalt  }
0x6a: {  	_ =	shalt  }
0x6b: {  	_ =	shalt  }
0x6c: {  	_ =	shalt  }
0x6d: {  	_ =	shalt  }
0x6e: {  	_ =	shalt  }
0x6f: {  	_ =	shalt  }
0x70: {  	_ =	shalt  }
0x71: {  	_ =	shalt  }
0x72: {  	_ =	shalt  }
0x73: {  	_ =	shalt  }
0x74: {  	_ =	shalt  }
0x75: {  	_ =	shalt  }
0x76: {  	_ =	shalt  }
0x77: {  	_ =	shalt  }
0x78: {  	_ =	shalt  }
0x79: {  	_ =	shalt  }
0x7a: {  	_ =	shalt  }
0x7b: {  	_ =	shalt  }
0x7c: {  	_ =	shalt  }
0x7d: {  	_ =	shalt  }
0x7e: {  	_ =	shalt  }
0x7f: {  	_ =	shalt  }
0x80: {  	_ =	shalt  }
0x81: {  	_ =	shalt  }
0x82: {  	_ =	shalt  }
0x83: {  	_ =	shalt  }
0x84: {  	_ =	shalt  }
0x85: {  	_ =	shalt  }
0x86: {  	_ =	shalt  }
0x87: {  	_ =	shalt  }
.Lfunc_end0:
.L_simem_size_0:
called_computation.1_lowered:
.L_overlay_start_0:
0x88: {  	s2 =	sld [smem:$0x3FD9]  }
0x89: {  	s3 =	sld [smem:$0x3FFE];
	_ =	sdelay $0x1  }
0x8a: {  	s1 =	srdreg.scid  }
0x8b: {  	s0 =	sand.u32 $0x1, s1  }
0x8c: {  	s17 =	sshll.u32 s0, $0xA;
	s2 =	sadd.s32 s3, s2  }
0x8d: {  	s2 =	sadd.s32 s2, s17  }
0x8e: {  	[smem:$0x3FC0] =	sst s2  }
0x8f: {  	_ = 	snop  }
0x90: {  	s2 =	sld [smem:$0x3FD0];
	(tm) =	ssettm $0x1  }
0x91: {  	s18 =	sld [smem:$0x3FFB];
	_ =	sdelay $0x3  }
0x92: {  	_ =	strace s18  }
0x93: {  	s3 =	sld [smem:$0x3FFC];
	_ =	sdelay $0x3  }
0x94: {  	_ =	strace s3  }
0x95: {  	s3 =	sld [smem:$0x3FFD];
	_ =	sdelay $0x3  }
0x96: {  	_ =	strace s3  }
0x97: {  	_ =	strace $0x8FFFFFFF  }
0x98: {  	s19 =	sld [smem:$0x3FDB];
	_ =	sdelay $0x1  }
0x99: {  	s4 =	simm.s32 $_scs_section_size  }
0x9a: {  	s5 =	simm.s32 $_size__tile_overlayer_lowered;
	s6 =	simm.s32 $_tile_overlayer_lowered  }
0x9b: {  	s22 =	simm.s32 $0x1BFF;
	s21 =	sshll.u32 s6, $0x1;
	s3 =	sadd.s32 s4, s19  }
0x9c: {  	s7 =	simm.s32 $0x0;
	s20 =	sshll.u32 s5, $0x1;
	s5 =	sadd.s32 s21, s3  }
0x9d: {  	[timem:s7], [sflag:s22] =	dma.local [hbm:s5], s20  }
0x9e: {  	_ =	swait.ge [sflag:s22], s20  }
0x9f: {  	s4 =	ssub.s32 $0x0, s20;
	[sflag:s22] =	ssyncset.done $0x0  }
0xa0: {  	[sflag:s22] =	ssyncadd.s32 s4;
	_ =	sdelay $0x1  }
0xa1: {  	s23 =	simm.s32 $0x1B8B  }
0xa2: {  	_ =	swait.ge [sflag:s23], $0x1  }
0xa3: {  	[sflag:s23] =	ssyncset.done $0x0  }
0xa4: {  	s25 =	simm.s32 $0x1B8E;
	s24 =	sld [smem:$0x3FFE];
	[sflag:s23] =	ssyncadd.s32 $0xFFFFFFFF  }
0xa5: {  	s26 =	simm.s32 $execute0_lowered;
	[smem:$0x3FD2] =	sst s25  }
0xa6: {  	s5 =	sshll.u32 s26, $0x1;
	_ =	strace $0x80000049;
	[dreg:$0x1] =	wrdreg $0xFFFFFFFF  }
0xa7: {  	s28 =	simm.s32 $_size_execute0_lowered;
	s3 =	sadd.s32 s3, s5;
	[dreg:$0x0] =	wrdreg $0x0  }
0xa8: {  	s5 =	sshll.u32 s28, $0x1;
	[dreg:$0x2] =	wrdreg s3  }
0xa9: {  	[dreg:$0x3] =	wrdreg s5  }
0xaa: {  	[dreg:$0x4] =	wrdreg $0xC0  }
0xab: {  	_ =	task [dreg:s7], $0x5FFFF  }
0xac: {  	[dreg:$0x1] =	wrdreg $0xFFFFFFFF  }
0xad: {  	[dreg:$0x0] =	wrdreg $0x60  }
0xae: {  	[dreg:$0x2] =	wrdreg s24  }
0xaf: {  	[dreg:$0x3] =	wrdreg s2  }
0xb0: {  	[dreg:$0x4] =	wrdreg $0x9  }
0xb1: {  	_ =	task.clear_ibuf [dreg:s7], $0x5FFFF;
	_ =	strace $0x90000049  }
0xb2: {  	s29 =	simm.s32 $0x9;
	_ =	strace $0x8000004B  }
0xb3: {  	_ =	swait.ge [sflag:s29], $0x1  }
0xb4: {  	[sflag:s29] =	ssyncadd.s32 $0xFFFFFFFF  }
0xb5: {  	_ =	strace $0x9000004B  }
0xb6: {  	_ =	sfence  }
0xb7: {  	s30 =	sld [smem:$0x0];
	_ =	sdelay $0x2  }
0xb8: {  	s31 =	sshll.u32 s1, $0xD;
	s1 =	sshrl.u32 s1, $0x2  }
0xb9: {  	s3 =	sand.u32 $0x4000, s31;
	s1 =	sadd.s32 s1, s30  }
0xba: {  	s0 =	sor.u32 s3, s0;
	s1 =	sshll.u32 s1, $0x11  }
0xbb: {  	s0 =	sor.u32 s1, s0  }
0xbc: {  	s0 =	sadd.s32 $0x8F2B, s0  }
0xbd: {  	[sflag:s0] =	ssyncadd.remote.s32 $0x1  }
0xbe: {  	_ =	sfence.sel $0xFFFF  }
0xbf: {  	[dreg:$0x0] =	wrdreg $0xFFFFFFFF;
	(pc) =	sbr.abs _section_cstart, $3  }
0xc0: {  	[dreg:$0x1] =	wrdreg $0xFFFFFFFF  }
0xc1: {  	_ =	task.clear_ibuf [dreg:s7], $0x2FFFF;
	_ =	strace $0x9FFFFFFF  }
0xc2: {  	(tm) =	ssettm $0x7FFFFFFF  }
0xc3: {  	_ =	shalt  }
tec
execute0_lowered:
.L_overlay_start_1:
0x0: {  	(tag) =	ssettag $0x1  }
0x1: {  	s0 =	rddreg [dreg:$0x0]  }
0x2: {  	s1 =	rddreg [dreg:$0x1]  }
0x3: {  	s2 =	srdreg.scid;
	s3 =	stileid.u32;
	s9 =	simm.s32 $0x3  }
0x4: {  	s10 =	simm.s32 $0x32;
	s17 =	simm.s32 $0x5C20;
	s18 =	simm.s32 $0x5B0  }
0x5: {  	s19 =	simm.s32 $0x5F40;
	s20 =	simm.s32 $0x5E8;
	s21 =	simm.s32 $0x6260  }
0x6: {  	s22 =	simm.s32 $0x620;
	s23 =	simm.s32 $0x6580;
	s24 =	simm.s32 $0x658  }
0x7: {  	s28 =	simm.s32 $0x6BC0;
	s29 =	simm.s32 $0x6C8;
	s30 =	simm.s32 $0x6EE0  }
0x8: {  	s31 =	simm.s32 $0xD600;
	s4 =	sand.u32 $0x1, s2;
	s2 =	simm.s32 $0x0  }
0x9: {  	s3 =	sshll.u32 s3, $0xA;
	s5 =	sshll.u32 s4, $0x9;
	[smem:$0x7FF] =	sst s2  }
0xa: {  	s6 =	ssub.s32 $0x2, s4;
	s4 =	sadd.s32 $0x1E9C00, s0;
	s3 =	sor.u32 s5, s3  }
0xb: {  	_ =	strace $0x8000004A;
	s5 =	sadd.s32 $0x1600, s0;
	s25 =	sshrl.u32 s6, $0x1  }
0xc: {  	s7 =	smul.u32 $0x7, s3;
	s0 =	ssub.s32 s6, s25;
	s26 =	sshll.u32 s3, $0x2  }
0xd: {  	s25 =	simm.s32 $0x68A0;
	s8 =	smax.u32 s0, $0x1;
	s0 =	simm.s32 $0x0  }
0xe: {  	s6 =	sadd.s32 s4, s7;
	s7 =	sadd.s32 s1, s26;
	s26 =	simm.s32 $0x690  }
.LBB2_1:
0xf: {  	[tilespmem:s2], [sflag:$0x3] =	stream.linear.gather [hbm4b:s6+s2], $0x700, $0x38;
	[tilespmem:$0xDA00] =	vst v63  }
0x10: {  	_ =	swait.ge [sflag:s9], $0x700  }
0x11: {  	[sflag:s9] =	ssyncset.done $0x0  }
0x12: {  	s1 =	simm.s32 $0xE00;
	[sflag:s9] =	ssyncadd.s32 $0xFFFFF900  }
0x13: {  	[tilespmem:s1], [sflag:$0x1] =	stream.indirect.gather [hbm4b:s5+s10], $0x10, s2, s10, $0xb8;
	[tilespmem:$0xDA00] =	vst v63  }
0x14: {  	s16 =	simm.s32 $0x38;
	s11 =	simm.s32 $0x1120  }
0x15: {  	[tilespmem:s11], [sflag:$0x1] =	stream.indirect.gather [hbm4b:s5+s10], $0x10, s16, s10, $0xb8;
	[tilespmem:$0xDA00] =	vst v63  }
0x16: {  	s12 =	simm.s32 $0x1440;
	s11 =	simm.s32 $0x70  }
0x17: {  	[tilespmem:s12], [sflag:$0x1] =	stream.indirect.gather [hbm4b:s5+s10], $0x10, s11, s10, $0xb8;
	[tilespmem:$0xDA00] =	vst v63  }
0x18: {  	s13 =	simm.s32 $0xA8;
	s14 =	simm.s32 $0x1760  }
0x19: {  	[tilespmem:s14], [sflag:$0x1] =	stream.indirect.gather [hbm4b:s5+s10], $0x10, s13, s10, $0xb8;
	[tilespmem:$0xDA00] =	vst v63  }
0x1a: {  	s15 =	simm.s32 $0xE0;
	s16 =	simm.s32 $0x1A80  }
0x1b: {  	[tilespmem:s16], [sflag:$0x1] =	stream.indirect.gather [hbm4b:s5+s10], $0x10, s15, s10, $0xb8;
	[tilespmem:$0xDA00] =	vst v63  }
0x1c: {  	s11 =	simm.s32 $0x118;
	s12 =	simm.s32 $0x1DA0  }
0x1d: {  	[tilespmem:s12], [sflag:$0x1] =	stream.indirect.gather [hbm4b:s5+s10], $0x10, s11, s10, $0xb8;
	[tilespmem:$0xDA00] =	vst v63  }
0x1e: {  	s13 =	simm.s32 $0x150;
	s14 =	simm.s32 $0x20C0  }
0x1f: {  	[tilespmem:s14], [sflag:$0x1] =	stream.indirect.gather [hbm4b:s5+s10], $0x10, s13, s10, $0xb8;
	[tilespmem:$0xDA00] =	vst v63  }
0x20: {  	s15 =	simm.s32 $0x188;
	s16 =	simm.s32 $0x23E0  }
0x21: {  	[tilespmem:s16], [sflag:$0x1] =	stream.indirect.gather [hbm4b:s5+s10], $0x10, s15, s10, $0xb8;
	[tilespmem:$0xDA00] =	vst v63  }
0x22: {  	s11 =	simm.s32 $0x1C0;
	s12 =	simm.s32 $0x2700  }
0x23: {  	[tilespmem:s12], [sflag:$0x1] =	stream.indirect.gather [hbm4b:s5+s10], $0x10, s11, s10, $0xb8;
	[tilespmem:$0xDA00] =	vst v63  }
0x24: {  	s13 =	simm.s32 $0x1F8;
	s14 =	simm.s32 $0x2A20  }
0x25: {  	[tilespmem:s14], [sflag:$0x1] =	stream.indirect.gather [hbm4b:s5+s10], $0x10, s13, s10, $0xb8;
	[tilespmem:$0xDA00] =	vst v63  }
0x26: {  	s15 =	simm.s32 $0x230;
	s16 =	simm.s32 $0x2D40  }
0x27: {  	[tilespmem:s16], [sflag:$0x1] =	stream.indirect.gather [hbm4b:s5+s10], $0x10, s15, s10, $0xb8;
	[tilespmem:$0xDA00] =	vst v63  }
0x28: {  	s11 =	simm.s32 $0x268;
	s12 =	simm.s32 $0x3060  }
0x29: {  	[tilespmem:s12], [sflag:$0x1] =	stream.indirect.gather [hbm4b:s5+s10], $0x10, s11, s10, $0xb8;
	[tilespmem:$0xDA00] =	vst v63  }
0x2a: {  	s13 =	simm.s32 $0x2A0;
	s14 =	simm.s32 $0x3380  }
0x2b: {  	[tilespmem:s14], [sflag:$0x1] =	stream.indirect.gather [hbm4b:s5+s10], $0x10, s13, s10, $0xb8;
	[tilespmem:$0xDA00] =	vst v63  }
0x2c: {  	s15 =	simm.s32 $0x2D8;
	s16 =	simm.s32 $0x36A0  }
0x2d: {  	[tilespmem:s16], [sflag:$0x1] =	stream.indirect.gather [hbm4b:s5+s10], $0x10, s15, s10, $0xb8;
	[tilespmem:$0xDA00] =	vst v63  }
0x2e: {  	s11 =	simm.s32 $0x310;
	s12 =	simm.s32 $0x39C0  }
0x2f: {  	[tilespmem:s12], [sflag:$0x1] =	stream.indirect.gather [hbm4b:s5+s10], $0x10, s11, s10, $0xb8;
	[tilespmem:$0xDA00] =	vst v63  }
0x30: {  	s13 =	simm.s32 $0x348;
	s14 =	simm.s32 $0x3CE0  }
0x31: {  	[tilespmem:s14], [sflag:$0x1] =	stream.indirect.gather [hbm4b:s5+s10], $0x10, s13, s10, $0xb8;
	[tilespmem:$0xDA00] =	vst v63  }
0x32: {  	s15 =	simm.s32 $0x380;
	s16 =	simm.s32 $0x4000  }
0x33: {  	[tilespmem:s16], [sflag:$0x1] =	stream.indirect.gather [hbm4b:s5+s10], $0x10, s15, s10, $0xb8;
	[tilespmem:$0xDA00] =	vst v63  }
0x34: {  	s11 =	simm.s32 $0x3B8;
	s12 =	simm.s32 $0x4320  }
0x35: {  	[tilespmem:s12], [sflag:$0x1] =	stream.indirect.gather [hbm4b:s5+s10], $0x10, s11, s10, $0xb8;
	[tilespmem:$0xDA00] =	vst v63  }
0x36: {  	s13 =	simm.s32 $0x3F0;
	s14 =	simm.s32 $0x4640  }
0x37: {  	[tilespmem:s14], [sflag:$0x1] =	stream.indirect.gather [hbm4b:s5+s10], $0x10, s13, s10, $0xb8;
	[tilespmem:$0xDA00] =	vst v63  }
0x38: {  	s15 =	simm.s32 $0x428;
	s16 =	simm.s32 $0x4960  }
0x39: {  	[tilespmem:s16], [sflag:$0x1] =	stream.indirect.gather [hbm4b:s5+s10], $0x10, s15, s10, $0xb8;
	[tilespmem:$0xDA00] =	vst v63  }
0x3a: {  	s11 =	simm.s32 $0x460;
	s12 =	simm.s32 $0x4C80  }
0x3b: {  	[tilespmem:s12], [sflag:$0x1] =	stream.indirect.gather [hbm4b:s5+s10], $0x10, s11, s10, $0xb8;
	[tilespmem:$0xDA00] =	vst v63  }
0x3c: {  	s13 =	simm.s32 $0x498;
	s14 =	simm.s32 $0x4FA0  }
0x3d: {  	[tilespmem:s14], [sflag:$0x1] =	stream.indirect.gather [hbm4b:s5+s10], $0x10, s13, s10, $0xb8;
	[tilespmem:$0xDA00] =	vst v63  }
0x3e: {  	s15 =	simm.s32 $0x4D0;
	s16 =	simm.s32 $0x52C0  }
0x3f: {  	[tilespmem:s16], [sflag:$0x1] =	stream.indirect.gather [hbm4b:s5+s10], $0x10, s15, s10, $0xb8;
	[tilespmem:$0xDA00] =	vst v63  }
0x40: {  	s12 =	simm.s32 $0x508;
	s13 =	simm.s32 $0x55E0  }
0x41: {  	[tilespmem:s13], [sflag:$0x1] =	stream.indirect.gather [hbm4b:s5+s10], $0x10, s12, s10, $0xb8;
	[tilespmem:$0xDA00] =	vst v63  }
0x42: {  	s14 =	simm.s32 $0x540;
	s15 =	simm.s32 $0x5900  }
0x43: {  	[tilespmem:s15], [sflag:$0x1] =	stream.indirect.gather [hbm4b:s5+s10], $0x10, s14, s10, $0xb8;
	[tilespmem:$0xDA00] =	vst v63  }
0x44: {  	s16 =	simm.s32 $0x578  }
0x45: {  	[tilespmem:s17], [sflag:$0x1] =	stream.indirect.gather [hbm4b:s5+s10], $0x10, s16, s10, $0xb8;
	[tilespmem:$0xDA00] =	vst v63  }
0x46: {  	_ = 	snop  }
0x47: {  	[tilespmem:s19], [sflag:$0x1] =	stream.indirect.gather [hbm4b:s5+s10], $0x10, s18, s10, $0xb8;
	[tilespmem:$0xDA00] =	vst v63  }
0x48: {  	_ = 	snop  }
0x49: {  	[tilespmem:s21], [sflag:$0x1] =	stream.indirect.gather [hbm4b:s5+s10], $0x10, s20, s10, $0xb8;
	[tilespmem:$0xDA00] =	vst v63  }
0x4a: {  	_ = 	snop  }
0x4b: {  	[tilespmem:s23], [sflag:$0x1] =	stream.indirect.gather [hbm4b:s5+s10], $0x10, s22, s10, $0xb8;
	[tilespmem:$0xDA00] =	vst v63  }
0x4c: {  	_ = 	snop  }
0x4d: {  	[tilespmem:s25], [sflag:$0x1] =	stream.indirect.gather [hbm4b:s5+s10], $0x10, s24, s10, $0xb8;
	[tilespmem:$0xDA00] =	vst v63  }
0x4e: {  	_ = 	snop  }
0x4f: {  	[tilespmem:s28], [sflag:$0x1] =	stream.indirect.gather [hbm4b:s5+s10], $0x10, s26, s10, $0xb8;
	[tilespmem:$0xDA00] =	vst v63  }
0x50: {  	p0 =	por $0x0, $0x0;
	s1 =	simm.s32 $0x0  }
0x51: {  	[tilespmem:s30], [sflag:$0x1] =	stream.indirect.gather [hbm4b:s5+s10], $0x10, s29, s10, $0xb8;
	[tilespmem:$0xDA00] =	vst v63  }
.LBB2_2:
0x52: {  	p1 =	seq.s32 s1, $0xF  }
.Ltmp0:
0x53: {  	_ = 	snop;
	(pc) =	sbr.rel @p1 .LBB2_4-.Ltmp0, $2  }
0x54: {  	_ =	sdelay $0x2  }
0x55: {  	s11 =	sadd.s32 $0x1, s1  }
0x56: {  	s14 =	sand.u32 $0x1, s11;
	s12 =	sshll.u32 s11, $0x5  }
0x57: {  	s12 =	sadd.s32 s3, s12;
	s13 =	smul.u32 $0x1C00, s14  }
0x58: {  	s15 =	smul.u32 $0x7, s12;
	_ =	sdelay $0x1  }
0x59: {  	s12 =	sshrl.u32 s13, $0x2;
	s16 =	sadd.s32 s4, s15;
	s15 =	smul.u32 $0x19000, s14  }
0x5a: {  	[tilespmem:s12], [sflag:$0x3] =	stream.linear.gather [hbm4b:s16+s2], $0x700, $0x38;
	[tilespmem:$0xDA00] =	vst v63  }
0x5b: {  	_ =	swait.ge [sflag:s9], $0x700  }
0x5c: {  	s13 =	sshrl.u32 s15, $0x2;
	[sflag:s9] =	ssyncset.done $0x0  }
0x5d: {  	s14 =	sadd.s32 $0x1, s14;
	s16 =	sadd.s32 $0xE00, s13;
	[sflag:s9] =	ssyncadd.s32 $0xFFFFF900  }
0x5e: {  	[tilespmem:s16], [sflag:s14] =	stream.indirect.gather [hbm4b:s5+s10], $0x10, s12, s10, $0xb8;
	[tilespmem:$0xDA00] =	vst v63  }
0x5f: {  	s15 =	sadd.s32 $0x1120, s13;
	s16 =	sor.u32 $0x38, s12  }
0x60: {  	[tilespmem:s15], [sflag:s14] =	stream.indirect.gather [hbm4b:s5+s10], $0x10, s16, s10, $0xb8;
	[tilespmem:$0xDA00] =	vst v63  }
0x61: {  	s15 =	sadd.s32 $0x1440, s13;
	s16 =	sor.u32 $0x70, s12  }
0x62: {  	[tilespmem:s15], [sflag:s14] =	stream.indirect.gather [hbm4b:s5+s10], $0x10, s16, s10, $0xb8;
	[tilespmem:$0xDA00] =	vst v63  }
0x63: {  	s15 =	sadd.s32 $0x1760, s13;
	s16 =	sor.u32 $0xA8, s12  }
0x64: {  	[tilespmem:s15], [sflag:s14] =	stream.indirect.gather [hbm4b:s5+s10], $0x10, s16, s10, $0xb8;
	[tilespmem:$0xDA00] =	vst v63  }
0x65: {  	s15 =	sadd.s32 $0x1A80, s13;
	s16 =	sor.u32 $0xE0, s12  }
0x66: {  	[tilespmem:s15], [sflag:s14] =	stream.indirect.gather [hbm4b:s5+s10], $0x10, s16, s10, $0xb8;
	[tilespmem:$0xDA00] =	vst v63  }
0x67: {  	s15 =	sadd.s32 $0x1DA0, s13;
	s16 =	sadd.s32 $0x118, s12  }
0x68: {  	[tilespmem:s15], [sflag:s14] =	stream.indirect.gather [hbm4b:s5+s10], $0x10, s16, s10, $0xb8;
	[tilespmem:$0xDA00] =	vst v63  }
0x69: {  	s15 =	sadd.s32 $0x20C0, s13;
	s16 =	sadd.s32 $0x150, s12  }
0x6a: {  	[tilespmem:s15], [sflag:s14] =	stream.indirect.gather [hbm4b:s5+s10], $0x10, s16, s10, $0xb8;
	[tilespmem:$0xDA00] =	vst v63  }
0x6b: {  	s15 =	sadd.s32 $0x23E0, s13;
	s16 =	sadd.s32 $0x188, s12  }
0x6c: {  	[tilespmem:s15], [sflag:s14] =	stream.indirect.gather [hbm4b:s5+s10], $0x10, s16, s10, $0xb8;
	[tilespmem:$0xDA00] =	vst v63  }
0x6d: {  	s15 =	sadd.s32 $0x2700, s13;
	s16 =	sadd.s32 $0x1C0, s12  }
0x6e: {  	[tilespmem:s15], [sflag:s14] =	stream.indirect.gather [hbm4b:s5+s10], $0x10, s16, s10, $0xb8;
	[tilespmem:$0xDA00] =	vst v63  }
0x6f: {  	s15 =	sadd.s32 $0x2A20, s13;
	s16 =	sadd.s32 $0x1F8, s12  }
0x70: {  	[tilespmem:s15], [sflag:s14] =	stream.indirect.gather [hbm4b:s5+s10], $0x10, s16, s10, $0xb8;
	[tilespmem:$0xDA00] =	vst v63  }
0x71: {  	s15 =	sadd.s32 $0x2D40, s13;
	s16 =	sadd.s32 $0x230, s12  }
0x72: {  	[tilespmem:s15], [sflag:s14] =	stream.indirect.gather [hbm4b:s5+s10], $0x10, s16, s10, $0xb8;
	[tilespmem:$0xDA00] =	vst v63  }
0x73: {  	s15 =	sadd.s32 $0x3060, s13;
	s16 =	sadd.s32 $0x268, s12  }
0x74: {  	[tilespmem:s15], [sflag:s14] =	stream.indirect.gather [hbm4b:s5+s10], $0x10, s16, s10, $0xb8;
	[tilespmem:$0xDA00] =	vst v63  }
0x75: {  	s15 =	sadd.s32 $0x3380, s13;
	s16 =	sadd.s32 $0x2A0, s12  }
0x76: {  	[tilespmem:s15], [sflag:s14] =	stream.indirect.gather [hbm4b:s5+s10], $0x10, s16, s10, $0xb8;
	[tilespmem:$0xDA00] =	vst v63  }
0x77: {  	s15 =	sadd.s32 $0x36A0, s13;
	s16 =	sadd.s32 $0x2D8, s12  }
0x78: {  	[tilespmem:s15], [sflag:s14] =	stream.indirect.gather [hbm4b:s5+s10], $0x10, s16, s10, $0xb8;
	[tilespmem:$0xDA00] =	vst v63  }
0x79: {  	s15 =	sadd.s32 $0x39C0, s13;
	s16 =	sadd.s32 $0x310, s12  }
0x7a: {  	[tilespmem:s15], [sflag:s14] =	stream.indirect.gather [hbm4b:s5+s10], $0x10, s16, s10, $0xb8;
	[tilespmem:$0xDA00] =	vst v63  }
0x7b: {  	s15 =	sadd.s32 $0x3CE0, s13;
	s16 =	sadd.s32 $0x348, s12  }
0x7c: {  	[tilespmem:s15], [sflag:s14] =	stream.indirect.gather [hbm4b:s5+s10], $0x10, s16, s10, $0xb8;
	[tilespmem:$0xDA00] =	vst v63  }
0x7d: {  	s15 =	sadd.s32 $0x4000, s13;
	s16 =	sadd.s32 $0x380, s12  }
0x7e: {  	[tilespmem:s15], [sflag:s14] =	stream.indirect.gather [hbm4b:s5+s10], $0x10, s16, s10, $0xb8;
	[tilespmem:$0xDA00] =	vst v63  }
0x7f: {  	s15 =	sadd.s32 $0x4320, s13;
	s16 =	sadd.s32 $0x3B8, s12  }
0x80: {  	[tilespmem:s15], [sflag:s14] =	stream.indirect.gather [hbm4b:s5+s10], $0x10, s16, s10, $0xb8;
	[tilespmem:$0xDA00] =	vst v63  }
0x81: {  	s15 =	sadd.s32 $0x4640, s13;
	s16 =	sadd.s32 $0x3F0, s12  }
0x82: {  	[tilespmem:s15], [sflag:s14] =	stream.indirect.gather [hbm4b:s5+s10], $0x10, s16, s10, $0xb8;
	[tilespmem:$0xDA00] =	vst v63  }
0x83: {  	s15 =	sadd.s32 $0x4960, s13;
	s16 =	sadd.s32 $0x428, s12  }
0x84: {  	[tilespmem:s15], [sflag:s14] =	stream.indirect.gather [hbm4b:s5+s10], $0x10, s16, s10, $0xb8;
	[tilespmem:$0xDA00] =	vst v63  }
0x85: {  	s15 =	sadd.s32 $0x4C80, s13;
	s16 =	sadd.s32 $0x460, s12  }
0x86: {  	[tilespmem:s15], [sflag:s14] =	stream.indirect.gather [hbm4b:s5+s10], $0x10, s16, s10, $0xb8;
	[tilespmem:$0xDA00] =	vst v63  }
0x87: {  	s15 =	sadd.s32 $0x4FA0, s13;
	s16 =	sadd.s32 $0x498, s12  }
0x88: {  	[tilespmem:s15], [sflag:s14] =	stream.indirect.gather [hbm4b:s5+s10], $0x10, s16, s10, $0xb8;
	[tilespmem:$0xDA00] =	vst v63  }
0x89: {  	s15 =	sadd.s32 $0x52C0, s13;
	s16 =	sadd.s32 $0x4D0, s12  }
0x8a: {  	[tilespmem:s15], [sflag:s14] =	stream.indirect.gather [hbm4b:s5+s10], $0x10, s16, s10, $0xb8;
	[tilespmem:$0xDA00] =	vst v63  }
0x8b: {  	s15 =	sadd.s32 $0x55E0, s13;
	s16 =	sadd.s32 $0x508, s12  }
0x8c: {  	[tilespmem:s15], [sflag:s14] =	stream.indirect.gather [hbm4b:s5+s10], $0x10, s16, s10, $0xb8;
	[tilespmem:$0xDA00] =	vst v63  }
0x8d: {  	s15 =	sadd.s32 $0x5900, s13;
	s16 =	sadd.s32 $0x540, s12  }
0x8e: {  	[tilespmem:s15], [sflag:s14] =	stream.indirect.gather [hbm4b:s5+s10], $0x10, s16, s10, $0xb8;
	[tilespmem:$0xDA00] =	vst v63  }
0x8f: {  	s15 =	sadd.s32 $0x5C20, s13;
	s16 =	sadd.s32 $0x578, s12  }
0x90: {  	[tilespmem:s15], [sflag:s14] =	stream.indirect.gather [hbm4b:s5+s10], $0x10, s16, s10, $0xb8;
	[tilespmem:$0xDA00] =	vst v63  }
0x91: {  	s15 =	sadd.s32 $0x5F40, s13;
	s16 =	sadd.s32 $0x5B0, s12  }
0x92: {  	[tilespmem:s15], [sflag:s14] =	stream.indirect.gather [hbm4b:s5+s10], $0x10, s16, s10, $0xb8;
	[tilespmem:$0xDA00] =	vst v63  }
0x93: {  	s15 =	sadd.s32 $0x6260, s13;
	s16 =	sadd.s32 $0x5E8, s12  }
0x94: {  	[tilespmem:s15], [sflag:s14] =	stream.indirect.gather [hbm4b:s5+s10], $0x10, s16, s10, $0xb8;
	[tilespmem:$0xDA00] =	vst v63  }
0x95: {  	s15 =	sadd.s32 $0x6580, s13;
	s16 =	sadd.s32 $0x620, s12  }
0x96: {  	[tilespmem:s15], [sflag:s14] =	stream.indirect.gather [hbm4b:s5+s10], $0x10, s16, s10, $0xb8;
	[tilespmem:$0xDA00] =	vst v63  }
0x97: {  	s15 =	sadd.s32 $0x68A0, s13;
	s16 =	sadd.s32 $0x658, s12  }
0x98: {  	[tilespmem:s15], [sflag:s14] =	stream.indirect.gather [hbm4b:s5+s10], $0x10, s16, s10, $0xb8;
	[tilespmem:$0xDA00] =	vst v63  }
0x99: {  	s15 =	sadd.s32 $0x6BC0, s13;
	s16 =	sadd.s32 $0x690, s12  }
0x9a: {  	[tilespmem:s15], [sflag:s14] =	stream.indirect.gather [hbm4b:s5+s10], $0x10, s16, s10, $0xb8;
	[tilespmem:$0xDA00] =	vst v63  }
0x9b: {  	s13 =	sadd.s32 $0x6EE0, s13;
	s12 =	sadd.s32 $0x6C8, s12  }
0x9c: {  	[tilespmem:s13], [sflag:s14] =	stream.indirect.gather [hbm4b:s5+s10], $0x10, s12, s10, $0xb8;
	[tilespmem:$0xDA00] =	vst v63  }
.LBB2_4:
0x9d: {  	s12 =	simm.s32 $0x1  }
0x9e: {  	s13 =	sand.u32 $0x1, s1;
	s12 =	simm.s32 @!p0 $0x0  }
0x9f: {  	s13 =	sadd.s32 $0x1, s13;
	s12 =	smul.u32 $0x19000, s12  }
0xa0: {  	_ =	swait.ge [sflag:s13], $0x6400  }
0xa1: {  	[sflag:s13] =	ssyncset.done $0x0;
	s12 =	sshrl.u32 s12, $0x2  }
0xa2: {  	[sflag:s13] =	ssyncadd.s32 $0xFFFF9C00;
	s12 =	sadd.s32 $0xF90, s12  }
0xa3: {  	v0 =	vld [tilespmem:s12+$0xFFFFFE70]  }
0xa4: {  	v1 =	vld [tilespmem:s12+$0xFFFFFE80];
	_ =	sdelay $0x1  }
0xa5: {  	v2 =	vld [tilespmem:s12+$0xFFFFFE90];
	_ =	sdelay $0x1  }
0xa6: {  	v4 =	vld [tilespmem:s12+$0xFFFFFEA0];
	v3 =	vunpack.i.l.bf16.f32 v0  }
0xa7: {  	v0 =	vunpack.i.u.bf16.f32 v0;
	v5 =	vunpack.i.u.bf16.f32 v1;
	v1 =	vunpack.i.l.bf16.f32 v1  }
0xa8: {  	v1 =	vadd.f32 v1, v3;
	v0 =	vadd.f32 v5, v0;
	v3 =	vld [tilespmem:s12+$0xFFFFFEB0]  }
0xa9: {  	v59 =	vunpack.i.u.bf16.f32 v2;
	v2 =	vunpack.i.l.bf16.f32 v2  }
0xaa: {  	v1 =	vadd.f32 v2, v1;
	v0 =	vadd.f32 v59, v0;
	v2 =	vld [tilespmem:s12+$0xFFFFFEC0]  }
0xab: {  	v60 =	vunpack.i.u.bf16.f32 v4;
	v4 =	vunpack.i.l.bf16.f32 v4  }
0xac: {  	v61 =	vld [tilespmem:s12+$0xFFFFFED0];
	v1 =	vadd.f32 v4, v1;
	v0 =	vadd.f32 v60, v0  }
0xad: {  	v62 =	vunpack.i.u.bf16.f32 v3;
	v3 =	vunpack.i.l.bf16.f32 v3  }
0xae: {  	v1 =	vadd.f32 v3, v1;
	v0 =	vadd.f32 v62, v0;
	v3 =	vld [tilespmem:s12+$0xFFFFFEE0]  }
0xaf: {  	v63 =	vunpack.i.u.bf16.f32 v2;
	v2 =	vunpack.i.l.bf16.f32 v2  }
0xb0: {  	v1 =	vadd.f32 v2, v1;
	v0 =	vadd.f32 v63, v0;
	v2 =	vld [tilespmem:s12+$0xFFFFFEF0]  }
0xb1: {  	v8 =	vunpack.i.u.bf16.f32 v61;
	v4 =	vunpack.i.l.bf16.f32 v61  }
0xb2: {  	v9 =	vld [tilespmem:s12+$0xFFFFFF00];
	v1 =	vadd.f32 v4, v1;
	v0 =	vadd.f32 v8, v0  }
0xb3: {  	v10 =	vunpack.i.u.bf16.f32 v3;
	v3 =	vunpack.i.l.bf16.f32 v3  }
0xb4: {  	v1 =	vadd.f32 v3, v1;
	v0 =	vadd.f32 v10, v0;
	v3 =	vld [tilespmem:s12+$0xFFFFFF10]  }
0xb5: {  	v11 =	vunpack.i.u.bf16.f32 v2;
	v2 =	vunpack.i.l.bf16.f32 v2  }
0xb6: {  	v1 =	vadd.f32 v2, v1;
	v0 =	vadd.f32 v11, v0;
	v2 =	vld [tilespmem:s12+$0xFFFFFF20]  }
0xb7: {  	v12 =	vunpack.i.u.bf16.f32 v9;
	v4 =	vunpack.i.l.bf16.f32 v9  }
0xb8: {  	v13 =	vld [tilespmem:s12+$0xFFFFFF30];
	v1 =	vadd.f32 v4, v1;
	v0 =	vadd.f32 v12, v0  }
0xb9: {  	v14 =	vunpack.i.u.bf16.f32 v3;
	v3 =	vunpack.i.l.bf16.f32 v3  }
0xba: {  	v1 =	vadd.f32 v3, v1;
	v0 =	vadd.f32 v14, v0;
	v3 =	vld [tilespmem:s12+$0xFFFFFF40]  }
0xbb: {  	v15 =	vunpack.i.u.bf16.f32 v2;
	v2 =	vunpack.i.l.bf16.f32 v2  }
0xbc: {  	v1 =	vadd.f32 v2, v1;
	v0 =	vadd.f32 v15, v0;
	v2 =	vld [tilespmem:s12+$0xFFFFFF50]  }
0xbd: {  	v16 =	vunpack.i.u.bf16.f32 v13;
	v4 =	vunpack.i.l.bf16.f32 v13  }
0xbe: {  	v17 =	vld [tilespmem:s12+$0xFFFFFF60];
	v1 =	vadd.f32 v4, v1;
	v0 =	vadd.f32 v16, v0  }
0xbf: {  	v18 =	vunpack.i.u.bf16.f32 v3;
	v3 =	vunpack.i.l.bf16.f32 v3  }
0xc0: {  	v1 =	vadd.f32 v3, v1;
	v0 =	vadd.f32 v18, v0;
	v3 =	vld [tilespmem:s12+$0xFFFFFF70]  }
0xc1: {  	v19 =	vunpack.i.u.bf16.f32 v2;
	v2 =	vunpack.i.l.bf16.f32 v2  }
0xc2: {  	v1 =	vadd.f32 v2, v1;
	v0 =	vadd.f32 v19, v0;
	v2 =	vld [tilespmem:s12+$0xFFFFFF80]  }
0xc3: {  	v20 =	vunpack.i.u.bf16.f32 v17;
	v4 =	vunpack.i.l.bf16.f32 v17  }
0xc4: {  	v21 =	vld [tilespmem:s12+$0xFFFFFF90];
	v1 =	vadd.f32 v4, v1;
	v0 =	vadd.f32 v20, v0  }
0xc5: {  	v22 =	vunpack.i.u.bf16.f32 v3;
	v3 =	vunpack.i.l.bf16.f32 v3  }
0xc6: {  	v1 =	vadd.f32 v3, v1;
	v0 =	vadd.f32 v22, v0;
	v3 =	vld [tilespmem:s12+$0xFFFFFFA0]  }
0xc7: {  	v23 =	vunpack.i.u.bf16.f32 v2;
	v2 =	vunpack.i.l.bf16.f32 v2  }
0xc8: {  	v1 =	vadd.f32 v2, v1;
	v0 =	vadd.f32 v23, v0;
	v2 =	vld [tilespmem:s12+$0xFFFFFFB0]  }
0xc9: {  	v24 =	vunpack.i.u.bf16.f32 v21;
	v4 =	vunpack.i.l.bf16.f32 v21  }
0xca: {  	v25 =	vld [tilespmem:s12+$0xFFFFFFC0];
	v1 =	vadd.f32 v4, v1;
	v0 =	vadd.f32 v24, v0  }
0xcb: {  	v26 =	vunpack.i.u.bf16.f32 v3;
	v3 =	vunpack.i.l.bf16.f32 v3  }
0xcc: {  	v1 =	vadd.f32 v3, v1;
	v0 =	vadd.f32 v26, v0;
	v3 =	vld [tilespmem:s12+$0xFFFFFFD0]  }
0xcd: {  	v27 =	vunpack.i.u.bf16.f32 v2;
	v2 =	vunpack.i.l.bf16.f32 v2  }
0xce: {  	v1 =	vadd.f32 v2, v1;
	v0 =	vadd.f32 v27, v0;
	v2 =	vld [tilespmem:s12+$0xFFFFFFE0]  }
0xcf: {  	v28 =	vunpack.i.u.bf16.f32 v25;
	v4 =	vunpack.i.l.bf16.f32 v25  }
0xd0: {  	v29 =	vld [tilespmem:s12+$0xFFFFFFF0];
	v1 =	vadd.f32 v4, v1;
	v0 =	vadd.f32 v28, v0  }
0xd1: {  	v30 =	vunpack.i.u.bf16.f32 v3;
	v3 =	vunpack.i.l.bf16.f32 v3  }
0xd2: {  	v1 =	vadd.f32 v3, v1;
	v0 =	vadd.f32 v30, v0;
	v3 =	vld [tilespmem:s12+$0x0]  }
0xd3: {  	v31 =	vunpack.i.u.bf16.f32 v2;
	v2 =	vunpack.i.l.bf16.f32 v2  }
0xd4: {  	v1 =	vadd.f32 v2, v1;
	v0 =	vadd.f32 v31, v0;
	v2 =	vld [tilespmem:s12+$0x10]  }
0xd5: {  	v32 =	vunpack.i.u.bf16.f32 v29;
	v4 =	vunpack.i.l.bf16.f32 v29  }
0xd6: {  	v33 =	vld [tilespmem:s12+$0x20];
	v1 =	vadd.f32 v4, v1;
	v0 =	vadd.f32 v32, v0  }
0xd7: {  	v34 =	vunpack.i.u.bf16.f32 v3;
	v3 =	vunpack.i.l.bf16.f32 v3  }
0xd8: {  	v1 =	vadd.f32 v3, v1;
	v0 =	vadd.f32 v34, v0;
	v3 =	vld [tilespmem:s12+$0x30]  }
0xd9: {  	v35 =	vunpack.i.u.bf16.f32 v2;
	v2 =	vunpack.i.l.bf16.f32 v2  }
0xda: {  	v1 =	vadd.f32 v2, v1;
	v0 =	vadd.f32 v35, v0;
	v2 =	vld [tilespmem:s12+$0x40]  }
0xdb: {  	v36 =	vunpack.i.u.bf16.f32 v33;
	v4 =	vunpack.i.l.bf16.f32 v33  }
0xdc: {  	v37 =	vld [tilespmem:s12+$0x50];
	v1 =	vadd.f32 v4, v1;
	v0 =	vadd.f32 v36, v0  }
0xdd: {  	v38 =	vunpack.i.u.bf16.f32 v3;
	v3 =	vunpack.i.l.bf16.f32 v3  }
0xde: {  	v1 =	vadd.f32 v3, v1;
	v0 =	vadd.f32 v38, v0;
	v3 =	vld [tilespmem:s12+$0x60]  }
0xdf: {  	v39 =	vunpack.i.u.bf16.f32 v2;
	v2 =	vunpack.i.l.bf16.f32 v2  }
0xe0: {  	v1 =	vadd.f32 v2, v1;
	v0 =	vadd.f32 v39, v0;
	v2 =	vld [tilespmem:s12+$0x70]  }
0xe1: {  	v40 =	vunpack.i.u.bf16.f32 v37;
	v4 =	vunpack.i.l.bf16.f32 v37  }
0xe2: {  	v41 =	vld [tilespmem:s12+$0x80];
	v1 =	vadd.f32 v4, v1;
	v0 =	vadd.f32 v40, v0  }
0xe3: {  	v42 =	vunpack.i.u.bf16.f32 v3;
	v3 =	vunpack.i.l.bf16.f32 v3  }
0xe4: {  	v1 =	vadd.f32 v3, v1;
	v0 =	vadd.f32 v42, v0;
	v3 =	vld [tilespmem:s12+$0x90]  }
0xe5: {  	v43 =	vunpack.i.u.bf16.f32 v2;
	v2 =	vunpack.i.l.bf16.f32 v2  }
0xe6: {  	v1 =	vadd.f32 v2, v1;
	v0 =	vadd.f32 v43, v0;
	v2 =	vld [tilespmem:s12+$0xA0]  }
0xe7: {  	v44 =	vunpack.i.u.bf16.f32 v41;
	v4 =	vunpack.i.l.bf16.f32 v41  }
0xe8: {  	v45 =	vld [tilespmem:s12+$0xB0];
	v1 =	vadd.f32 v4, v1;
	v0 =	vadd.f32 v44, v0  }
0xe9: {  	v46 =	vunpack.i.u.bf16.f32 v3;
	v3 =	vunpack.i.l.bf16.f32 v3  }
0xea: {  	v1 =	vadd.f32 v3, v1;
	v0 =	vadd.f32 v46, v0;
	v3 =	vld [tilespmem:s12+$0xC0]  }
0xeb: {  	v47 =	vunpack.i.u.bf16.f32 v2;
	v2 =	vunpack.i.l.bf16.f32 v2  }
0xec: {  	v1 =	vadd.f32 v2, v1;
	v0 =	vadd.f32 v47, v0;
	v2 =	vld [tilespmem:s12+$0xD0]  }
0xed: {  	v48 =	vunpack.i.u.bf16.f32 v45;
	v4 =	vunpack.i.l.bf16.f32 v45  }
0xee: {  	v49 =	vld [tilespmem:s12+$0xE0];
	v1 =	vadd.f32 v4, v1;
	v0 =	vadd.f32 v48, v0  }
0xef: {  	v50 =	vunpack.i.u.bf16.f32 v3;
	v3 =	vunpack.i.l.bf16.f32 v3  }
0xf0: {  	v1 =	vadd.f32 v3, v1;
	v0 =	vadd.f32 v50, v0;
	v3 =	vld [tilespmem:s12+$0xF0]  }
0xf1: {  	v51 =	vunpack.i.u.bf16.f32 v2;
	v2 =	vunpack.i.l.bf16.f32 v2  }
0xf2: {  	v1 =	vadd.f32 v2, v1;
	v0 =	vadd.f32 v51, v0;
	v2 =	vld [tilespmem:s12+$0x100]  }
0xf3: {  	v52 =	vunpack.i.u.bf16.f32 v49;
	v4 =	vunpack.i.l.bf16.f32 v49  }
0xf4: {  	v53 =	vld [tilespmem:s12+$0x110];
	v1 =	vadd.f32 v4, v1;
	v0 =	vadd.f32 v52, v0  }
0xf5: {  	v54 =	vunpack.i.u.bf16.f32 v3;
	v3 =	vunpack.i.l.bf16.f32 v3  }
0xf6: {  	v1 =	vadd.f32 v3, v1;
	v0 =	vadd.f32 v54, v0;
	v3 =	vld [tilespmem:s12+$0x120]  }
0xf7: {  	v55 =	vunpack.i.u.bf16.f32 v2;
	v2 =	vunpack.i.l.bf16.f32 v2  }
0xf8: {  	v1 =	vadd.f32 v2, v1;
	v0 =	vadd.f32 v55, v0;
	v2 =	vld [tilespmem:s12+$0x130]  }
0xf9: {  	v56 =	vunpack.i.u.bf16.f32 v53;
	v4 =	vunpack.i.l.bf16.f32 v53  }
0xfa: {  	v57 =	vld [tilespmem:s12+$0x140];
	v1 =	vadd.f32 v4, v1;
	v0 =	vadd.f32 v56, v0  }
0xfb: {  	v58 =	vunpack.i.u.bf16.f32 v3;
	v3 =	vunpack.i.l.bf16.f32 v3  }
0xfc: {  	v1 =	vadd.f32 v3, v1;
	v0 =	vadd.f32 v58, v0;
	v3 =	vld [tilespmem:s12+$0x150]  }
0xfd: {  	v59 =	vunpack.i.u.bf16.f32 v2;
	v2 =	vunpack.i.l.bf16.f32 v2  }
0xfe: {  	v1 =	vadd.f32 v2, v1;
	v0 =	vadd.f32 v59, v0;
	v2 =	vld [tilespmem:s12+$0x160]  }
0xff: {  	v60 =	vunpack.i.u.bf16.f32 v57;
	v4 =	vunpack.i.l.bf16.f32 v57  }
0x100: {  	v61 =	vld [tilespmem:s12+$0x170];
	v1 =	vadd.f32 v4, v1;
	v0 =	vadd.f32 v60, v0  }
0x101: {  	v62 =	vunpack.i.u.bf16.f32 v3;
	v3 =	vunpack.i.l.bf16.f32 v3  }
0x102: {  	v1 =	vadd.f32 v3, v1;
	v0 =	vadd.f32 v62, v0;
	v3 =	vld [tilespmem:s12+$0x180]  }
0x103: {  	v63 =	vunpack.i.u.bf16.f32 v2;
	v2 =	vunpack.i.l.bf16.f32 v2  }
0x104: {  	v1 =	vadd.f32 v2, v1;
	v0 =	vadd.f32 v63, v0  }
0x105: {  	v4 =	vunpack.i.l.bf16.f32 v61;
	v2 =	vunpack.i.u.bf16.f32 v61  }
0x106: {  	v1 =	vadd.f32 v4, v1;
	v0 =	vadd.f32 v2, v0  }
0x107: {  	v2 =	vunpack.i.u.bf16.f32 v3;
	v3 =	vunpack.i.l.bf16.f32 v3  }
0x108: {  	v1 =	vadd.f32 v3, v1;
	v2 =	vadd.f32 v2, v0;
	_ =	sdelay $0x1  }
0x109: {  	s15 =	simm.s32 $0x0;
	s13 =	simm.s32 $0x80;
	v0 =	vmul.f32 $1.999999960e-02, v1;
	v1 =	vmul.f32 $1.999999960e-02, v2  }
.LBB2_5:
0x10a: {  	p1 =	sne.s32 s13, $0xF80  }
0x10b: {  	[tilespmem:s15+$0xD610] =	vst v1;
	s12 =	sadd.s32 $0x320, s12;
	s14 =	smov.u32 s13;
	s13 =	sadd.s32 $0x80, s13  }
0x10c: {  	[tilespmem:s15+$0xD600] =	vst v0  }
0x10d: {  	v0 =	vld [tilespmem:s12+$0xFFFFFE70]  }
0x10e: {  	v1 =	vld [tilespmem:s12+$0xFFFFFE80];
	_ =	sdelay $0x1  }
0x10f: {  	v2 =	vld [tilespmem:s12+$0xFFFFFE90];
	_ =	sdelay $0x1  }
0x110: {  	v3 =	vunpack.i.l.bf16.f32 v0;
	v4 =	vld [tilespmem:s12+$0xFFFFFEA0]  }
0x111: {  	v0 =	vunpack.i.u.bf16.f32 v0;
	v5 =	vunpack.i.u.bf16.f32 v1;
	v1 =	vunpack.i.l.bf16.f32 v1  }
0x112: {  	v1 =	vadd.f32 v1, v3;
	v0 =	vadd.f32 v5, v0;
	v3 =	vld [tilespmem:s12+$0xFFFFFEB0]  }
0x113: {  	v5 =	vunpack.i.u.bf16.f32 v2;
	v2 =	vunpack.i.l.bf16.f32 v2  }
0x114: {  	v1 =	vadd.f32 v2, v1;
	v0 =	vadd.f32 v5, v0;
	v2 =	vld [tilespmem:s12+$0xFFFFFEC0]  }
0x115: {  	v5 =	vunpack.i.u.bf16.f32 v4;
	v4 =	vunpack.i.l.bf16.f32 v4  }
0x116: {  	v1 =	vadd.f32 v4, v1;
	v0 =	vadd.f32 v5, v0;
	v4 =	vld [tilespmem:s12+$0xFFFFFED0]  }
0x117: {  	v5 =	vunpack.i.u.bf16.f32 v3;
	v3 =	vunpack.i.l.bf16.f32 v3  }
0x118: {  	v1 =	vadd.f32 v3, v1;
	v0 =	vadd.f32 v5, v0;
	v3 =	vld [tilespmem:s12+$0xFFFFFEE0]  }
0x119: {  	v5 =	vunpack.i.u.bf16.f32 v2;
	v2 =	vunpack.i.l.bf16.f32 v2  }
0x11a: {  	v1 =	vadd.f32 v2, v1;
	v0 =	vadd.f32 v5, v0;
	v2 =	vld [tilespmem:s12+$0xFFFFFEF0]  }
0x11b: {  	v5 =	vunpack.i.u.bf16.f32 v4;
	v4 =	vunpack.i.l.bf16.f32 v4  }
0x11c: {  	v1 =	vadd.f32 v4, v1;
	v0 =	vadd.f32 v5, v0;
	v4 =	vld [tilespmem:s12+$0xFFFFFF00]  }
0x11d: {  	v5 =	vunpack.i.u.bf16.f32 v3;
	v3 =	vunpack.i.l.bf16.f32 v3  }
0x11e: {  	v1 =	vadd.f32 v3, v1;
	v0 =	vadd.f32 v5, v0;
	v3 =	vld [tilespmem:s12+$0xFFFFFF10]  }
0x11f: {  	v5 =	vunpack.i.u.bf16.f32 v2;
	v2 =	vunpack.i.l.bf16.f32 v2  }
0x120: {  	v1 =	vadd.f32 v2, v1;
	v0 =	vadd.f32 v5, v0;
	v2 =	vld [tilespmem:s12+$0xFFFFFF20]  }
0x121: {  	v5 =	vunpack.i.u.bf16.f32 v4;
	v4 =	vunpack.i.l.bf16.f32 v4  }
0x122: {  	v1 =	vadd.f32 v4, v1;
	v0 =	vadd.f32 v5, v0;
	v4 =	vld [tilespmem:s12+$0xFFFFFF30]  }
0x123: {  	v5 =	vunpack.i.u.bf16.f32 v3;
	v3 =	vunpack.i.l.bf16.f32 v3  }
0x124: {  	v1 =	vadd.f32 v3, v1;
	v0 =	vadd.f32 v5, v0;
	v3 =	vld [tilespmem:s12+$0xFFFFFF40]  }
0x125: {  	v5 =	vunpack.i.u.bf16.f32 v2;
	v2 =	vunpack.i.l.bf16.f32 v2  }
0x126: {  	v1 =	vadd.f32 v2, v1;
	v0 =	vadd.f32 v5, v0;
	v2 =	vld [tilespmem:s12+$0xFFFFFF50]  }
0x127: {  	v5 =	vunpack.i.u.bf16.f32 v4;
	v4 =	vunpack.i.l.bf16.f32 v4  }
0x128: {  	v1 =	vadd.f32 v4, v1;
	v0 =	vadd.f32 v5, v0;
	v4 =	vld [tilespmem:s12+$0xFFFFFF60]  }
0x129: {  	v5 =	vunpack.i.u.bf16.f32 v3;
	v3 =	vunpack.i.l.bf16.f32 v3  }
0x12a: {  	v1 =	vadd.f32 v3, v1;
	v0 =	vadd.f32 v5, v0;
	v3 =	vld [tilespmem:s12+$0xFFFFFF70]  }
0x12b: {  	v5 =	vunpack.i.u.bf16.f32 v2;
	v2 =	vunpack.i.l.bf16.f32 v2  }
0x12c: {  	v1 =	vadd.f32 v2, v1;
	v0 =	vadd.f32 v5, v0;
	v2 =	vld [tilespmem:s12+$0xFFFFFF80]  }
0x12d: {  	v5 =	vunpack.i.u.bf16.f32 v4;
	v4 =	vunpack.i.l.bf16.f32 v4  }
0x12e: {  	v1 =	vadd.f32 v4, v1;
	v0 =	vadd.f32 v5, v0;
	v4 =	vld [tilespmem:s12+$0xFFFFFF90]  }
0x12f: {  	v5 =	vunpack.i.u.bf16.f32 v3;
	v3 =	vunpack.i.l.bf16.f32 v3  }
0x130: {  	v1 =	vadd.f32 v3, v1;
	v0 =	vadd.f32 v5, v0;
	v3 =	vld [tilespmem:s12+$0xFFFFFFA0]  }
0x131: {  	v5 =	vunpack.i.u.bf16.f32 v2;
	v2 =	vunpack.i.l.bf16.f32 v2  }
0x132: {  	v1 =	vadd.f32 v2, v1;
	v0 =	vadd.f32 v5, v0;
	v2 =	vld [tilespmem:s12+$0xFFFFFFB0]  }
0x133: {  	v5 =	vunpack.i.u.bf16.f32 v4;
	v4 =	vunpack.i.l.bf16.f32 v4  }
0x134: {  	v1 =	vadd.f32 v4, v1;
	v0 =	vadd.f32 v5, v0;
	v4 =	vld [tilespmem:s12+$0xFFFFFFC0]  }
0x135: {  	v5 =	vunpack.i.u.bf16.f32 v3;
	v3 =	vunpack.i.l.bf16.f32 v3  }
0x136: {  	v1 =	vadd.f32 v3, v1;
	v0 =	vadd.f32 v5, v0;
	v3 =	vld [tilespmem:s12+$0xFFFFFFD0]  }
0x137: {  	v5 =	vunpack.i.u.bf16.f32 v2;
	v2 =	vunpack.i.l.bf16.f32 v2  }
0x138: {  	v1 =	vadd.f32 v2, v1;
	v0 =	vadd.f32 v5, v0;
	v2 =	vld [tilespmem:s12+$0xFFFFFFE0]  }
0x139: {  	v5 =	vunpack.i.u.bf16.f32 v4;
	v4 =	vunpack.i.l.bf16.f32 v4  }
0x13a: {  	v1 =	vadd.f32 v4, v1;
	v0 =	vadd.f32 v5, v0;
	v4 =	vld [tilespmem:s12+$0xFFFFFFF0]  }
0x13b: {  	v5 =	vunpack.i.u.bf16.f32 v3;
	v3 =	vunpack.i.l.bf16.f32 v3  }
0x13c: {  	v1 =	vadd.f32 v3, v1;
	v0 =	vadd.f32 v5, v0;
	v3 =	vld [tilespmem:s12+$0x0]  }
0x13d: {  	v5 =	vunpack.i.u.bf16.f32 v2;
	v2 =	vunpack.i.l.bf16.f32 v2  }
0x13e: {  	v1 =	vadd.f32 v2, v1;
	v0 =	vadd.f32 v5, v0;
	v2 =	vld [tilespmem:s12+$0x10]  }
0x13f: {  	v5 =	vunpack.i.u.bf16.f32 v4;
	v4 =	vunpack.i.l.bf16.f32 v4  }
0x140: {  	v1 =	vadd.f32 v4, v1;
	v0 =	vadd.f32 v5, v0;
	v4 =	vld [tilespmem:s12+$0x20]  }
0x141: {  	v5 =	vunpack.i.u.bf16.f32 v3;
	v3 =	vunpack.i.l.bf16.f32 v3  }
0x142: {  	v1 =	vadd.f32 v3, v1;
	v0 =	vadd.f32 v5, v0;
	v3 =	vld [tilespmem:s12+$0x30]  }
0x143: {  	v5 =	vunpack.i.u.bf16.f32 v2;
	v2 =	vunpack.i.l.bf16.f32 v2  }
0x144: {  	v1 =	vadd.f32 v2, v1;
	v0 =	vadd.f32 v5, v0;
	v2 =	vld [tilespmem:s12+$0x40]  }
0x145: {  	v5 =	vunpack.i.u.bf16.f32 v4;
	v4 =	vunpack.i.l.bf16.f32 v4  }
0x146: {  	v1 =	vadd.f32 v4, v1;
	v0 =	vadd.f32 v5, v0;
	v4 =	vld [tilespmem:s12+$0x50]  }
0x147: {  	v5 =	vunpack.i.u.bf16.f32 v3;
	v3 =	vunpack.i.l.bf16.f32 v3  }
0x148: {  	v1 =	vadd.f32 v3, v1;
	v0 =	vadd.f32 v5, v0;
	v3 =	vld [tilespmem:s12+$0x60]  }
0x149: {  	v5 =	vunpack.i.u.bf16.f32 v2;
	v2 =	vunpack.i.l.bf16.f32 v2  }
0x14a: {  	v1 =	vadd.f32 v2, v1;
	v0 =	vadd.f32 v5, v0;
	v2 =	vld [tilespmem:s12+$0x70]  }
0x14b: {  	v5 =	vunpack.i.u.bf16.f32 v4;
	v4 =	vunpack.i.l.bf16.f32 v4  }
0x14c: {  	v1 =	vadd.f32 v4, v1;
	v0 =	vadd.f32 v5, v0;
	v4 =	vld [tilespmem:s12+$0x80]  }
0x14d: {  	v5 =	vunpack.i.u.bf16.f32 v3;
	v3 =	vunpack.i.l.bf16.f32 v3  }
0x14e: {  	v1 =	vadd.f32 v3, v1;
	v0 =	vadd.f32 v5, v0;
	v3 =	vld [tilespmem:s12+$0x90]  }
0x14f: {  	v5 =	vunpack.i.u.bf16.f32 v2;
	v2 =	vunpack.i.l.bf16.f32 v2  }
0x150: {  	v1 =	vadd.f32 v2, v1;
	v0 =	vadd.f32 v5, v0;
	v2 =	vld [tilespmem:s12+$0xA0]  }
0x151: {  	v5 =	vunpack.i.u.bf16.f32 v4;
	v4 =	vunpack.i.l.bf16.f32 v4  }
0x152: {  	v1 =	vadd.f32 v4, v1;
	v0 =	vadd.f32 v5, v0;
	v4 =	vld [tilespmem:s12+$0xB0]  }
0x153: {  	v5 =	vunpack.i.u.bf16.f32 v3;
	v3 =	vunpack.i.l.bf16.f32 v3  }
0x154: {  	v1 =	vadd.f32 v3, v1;
	v0 =	vadd.f32 v5, v0;
	v3 =	vld [tilespmem:s12+$0xC0]  }
0x155: {  	v5 =	vunpack.i.u.bf16.f32 v2;
	v2 =	vunpack.i.l.bf16.f32 v2  }
0x156: {  	v1 =	vadd.f32 v2, v1;
	v0 =	vadd.f32 v5, v0;
	v2 =	vld [tilespmem:s12+$0xD0]  }
0x157: {  	v5 =	vunpack.i.u.bf16.f32 v4;
	v4 =	vunpack.i.l.bf16.f32 v4  }
0x158: {  	v1 =	vadd.f32 v4, v1;
	v0 =	vadd.f32 v5, v0;
	v4 =	vld [tilespmem:s12+$0xE0]  }
0x159: {  	v5 =	vunpack.i.u.bf16.f32 v3;
	v3 =	vunpack.i.l.bf16.f32 v3  }
0x15a: {  	v1 =	vadd.f32 v3, v1;
	v0 =	vadd.f32 v5, v0;
	v3 =	vld [tilespmem:s12+$0xF0]  }
0x15b: {  	v5 =	vunpack.i.u.bf16.f32 v2;
	v2 =	vunpack.i.l.bf16.f32 v2  }
0x15c: {  	v1 =	vadd.f32 v2, v1;
	v0 =	vadd.f32 v5, v0;
	v2 =	vld [tilespmem:s12+$0x100]  }
0x15d: {  	v5 =	vunpack.i.u.bf16.f32 v4;
	v4 =	vunpack.i.l.bf16.f32 v4  }
0x15e: {  	v1 =	vadd.f32 v4, v1;
	v0 =	vadd.f32 v5, v0;
	v4 =	vld [tilespmem:s12+$0x110]  }
0x15f: {  	v5 =	vunpack.i.u.bf16.f32 v3;
	v3 =	vunpack.i.l.bf16.f32 v3  }
0x160: {  	v1 =	vadd.f32 v3, v1;
	v0 =	vadd.f32 v5, v0;
	v3 =	vld [tilespmem:s12+$0x120]  }
0x161: {  	v5 =	vunpack.i.u.bf16.f32 v2;
	v2 =	vunpack.i.l.bf16.f32 v2  }
0x162: {  	v1 =	vadd.f32 v2, v1;
	v0 =	vadd.f32 v5, v0;
	v2 =	vld [tilespmem:s12+$0x130]  }
0x163: {  	v5 =	vunpack.i.u.bf16.f32 v4;
	v4 =	vunpack.i.l.bf16.f32 v4  }
0x164: {  	v1 =	vadd.f32 v4, v1;
	v0 =	vadd.f32 v5, v0;
	v4 =	vld [tilespmem:s12+$0x140]  }
0x165: {  	v5 =	vunpack.i.u.bf16.f32 v3;
	v3 =	vunpack.i.l.bf16.f32 v3  }
0x166: {  	v1 =	vadd.f32 v3, v1;
	v0 =	vadd.f32 v5, v0;
	v3 =	vld [tilespmem:s12+$0x150]  }
0x167: {  	v5 =	vunpack.i.u.bf16.f32 v2;
	v2 =	vunpack.i.l.bf16.f32 v2  }
0x168: {  	v1 =	vadd.f32 v2, v1;
	v0 =	vadd.f32 v5, v0;
	v2 =	vld [tilespmem:s12+$0x160]  }
0x169: {  	v5 =	vunpack.i.u.bf16.f32 v4;
	v4 =	vunpack.i.l.bf16.f32 v4  }
0x16a: {  	v1 =	vadd.f32 v4, v1;
	v0 =	vadd.f32 v5, v0;
	v4 =	vld [tilespmem:s12+$0x170]  }
0x16b: {  	v5 =	vunpack.i.u.bf16.f32 v3;
	v3 =	vunpack.i.l.bf16.f32 v3  }
0x16c: {  	v1 =	vadd.f32 v3, v1;
	v0 =	vadd.f32 v5, v0;
	v3 =	vld [tilespmem:s12+$0x180]  }
0x16d: {  	v5 =	vunpack.i.u.bf16.f32 v2;
	v2 =	vunpack.i.l.bf16.f32 v2  }
0x16e: {  	v1 =	vadd.f32 v2, v1;
	v0 =	vadd.f32 v5, v0  }
0x16f: {  	v2 =	vunpack.i.u.bf16.f32 v4;
	v4 =	vunpack.i.l.bf16.f32 v4  }
0x170: {  	v1 =	vadd.f32 v4, v1;
	v0 =	vadd.f32 v2, v0  }
.Ltmp1:
0x171: {  	v2 =	vunpack.i.u.bf16.f32 v3;
	v3 =	vunpack.i.l.bf16.f32 v3;
	(pc) =	sbr.rel @p1 .LBB2_5-.Ltmp1, $3  }
0x172: {  	v1 =	vadd.f32 v3, v1;
	v2 =	vadd.f32 v2, v0;
	_ =	sdelay $0x1  }
0x173: {  	v0 =	vmul.f32 $1.999999960e-02, v1;
	v1 =	vmul.f32 $1.999999960e-02, v2  }
0x174: {  	s15 =	sshra.s32 s14, $0x2  }
0x175: {  	[tilespmem:s15+$0xD610] =	vst v1;
	s1 =	sshll.u32 s1, $0x7;
	p1 =	sne.s32 s11, $0x10  }
.Ltmp2:
0x176: {  	[tilespmem:s15+$0xD600] =	vst v0;
	s1 =	sadd.s32 s1, s7;
	(pc) =	sbr.rel @p1 .LBB2_2-.Ltmp2, $4  }
0x177: {  	[hbm4b:s1+s2] =	stream.linear.scatter [tilespmem:s31], [sflag:$0x3], $0x400, $0x38;
	[tilespmem:$0xDA00] =	vst v63  }
0x178: {  	_ =	swait.ge [sflag:s9], $0x400  }
0x179: {  	[sflag:s9] =	ssyncset.done $0x0  }
0x17a: {  	p0 =	por !p0, !p0;
	s1 =	smov.u32 s11;
	[sflag:s9] =	ssyncadd.s32 $0xFFFFFC00  }
0x17b: {  	s0 =	sadd.s32 $0x1, s0  }
0x17c: {  	p0 =	sne.s32 s0, s8  }
.Ltmp3:
0x17d: {  	_ = 	snop;
	(pc) =	sbr.rel @p0 .LBB2_1-.Ltmp3, $1  }
0x17e: {  	_ =	sdelay $0x3  }
0x17f: {  	_ =	sfence.sel $0x180000  }
0x180: {  	[bflag:$0x0] =	sbarrier.arrive $0xFFFF  }
0x181: {  	_ =	strace $0x9000004A  }
0x182: {  	s0 =	stileid.u32;
	[bflag:$0x2] =	sbarrier.arrive $0xFFFF  }
0x183: {  	p0 =	sne.s32 s0, $0x0;
	s0 =	rddreg [dreg:$0x2]  }
0x184: {  	s0 =	sadd.s32 @!p0 $0x100000, s0  }
0x185: {  	[sflag:s0] =	ssyncadd.tile.s32 @!p0 $0x1;
	_ =	shalt  }
.Lfunc_end2:
_tile_overlayer_lowered:
.L_overlay_start_2:
0x186: {  	(tag) =	ssettag $0x2  }
0x187: {  	s0 =	rddreg [dreg:$0x0];
	s2 =	stileid.u32  }
0x188: {  	s1 =	rddreg [dreg:$0x1];
	p0 =	sne.s32 s2, $0x0  }
0x189: {  	s3 =	rddreg [dreg:$0x2];
	[bflag:$0x3] =	sbarrier.arrive $0xFFFF;
	s2 =	simm.s32 @!p0 $0x1C03  }
0x18a: {  	[timem:s3], [sflag:s2] =	dma.local @!p0 [hbm:s0], s1  }
0x18b: {  	s0 =	simm.s32 @!p0 $0x3  }
0x18c: {  	_ =	swait.ge @!p0 [sflag:s0], s1  }
0x18d: {  	s1 =	ssub.s32 @!p0 $0x0, s1;
	[sflag:s0] =	ssyncset.done @!p0 $0x0  }
0x18e: {  	[sflag:s0] =	ssyncadd.s32 @!p0 s1  }
0x18f: {  	[bflag:$0x3] =	sbarrier.arrive $0xFFFF  }
0x190: {  	_ =	shalt  }

</sc_bundles>
